<compile_context>
chip_gen: v7x
topology: tpu7x:2x2x1
jax: 0.10.2.dev20260603
libtpu: 0.0.44.dev20260713+nightly
codegen_flags: <defaults>
</compile_context>

<pallas_src>
import functools

import jax
import jax.numpy as jnp
from jax import lax
from jax.experimental import pallas as pl
from jax.experimental.pallas import tpu as pltpu
from jax.experimental.pallas import tpu_sc as plsc

N = 10000
E = 320000
D = 128

NC = 2
NS = 16
NW = NC * NS
NP = 10240
ZR = NP // NS

_sc_mesh = plsc.VectorSubcoreMesh(
    core_axis_name="c", subcore_axis_name="s", num_cores=NC, num_subcores=NS)


AC = 80
ANCHUNK = 10000 // AC
AEPW = 10000


NBUF = 4


@functools.partial(
    pl.kernel,
    out_type=jax.ShapeDtypeStruct((NC, NP, D), jnp.float32),
    mesh=_sc_mesh,
    scratch_types=(
        [pltpu.VMEM((AC,), jnp.int32)] * NBUF
        + [pltpu.VMEM((AC,), jnp.int32)] * NBUF
        + [pltpu.VMEM((AC, D), jnp.float32)] * NBUF
        + [pltpu.VMEM_SHARED((NP, D), jnp.float32)]
        + [pltpu.SemaphoreType.DMA] * (2 * NBUF + 1)
    ),
)
def _sc_agg(h_hbm, src_hbm, dst_hbm, zero_hbm, out_hbm, *refs):
    sidx = refs[0:NBUF]
    didx = refs[NBUF:2 * NBUF]
    rows = refs[2 * NBUF:3 * NBUF]
    acc = refs[3 * NBUF]
    gsem = refs[3 * NBUF + 1:3 * NBUF + 1 + NBUF]
    isem = refs[3 * NBUF + 1 + NBUF:3 * NBUF + 1 + 2 * NBUF]
    zsem = refs[3 * NBUF + 1 + 2 * NBUF]
    cid = lax.axis_index("c")
    sid = lax.axis_index("s")
    wid = cid * NS + sid
    zcp = pltpu.async_copy(zero_hbm.at[pl.ds(sid * ZR, ZR)],
                           acc.at[pl.ds(sid * ZR, ZR)], zsem)

    def iload(j, m):
        e0 = wid * AEPW + j * AC
        pltpu.async_copy(src_hbm.at[pl.ds(e0, AC)], sidx[m], isem[m])
        pltpu.async_copy(dst_hbm.at[pl.ds(e0, AC)], didx[m], isem[m])

    def iwait(j, m):
        e0 = wid * AEPW + j * AC
        pltpu.make_async_copy(src_hbm.at[pl.ds(e0, AC)], sidx[m], isem[m]).wait()
        pltpu.make_async_copy(dst_hbm.at[pl.ds(e0, AC)], didx[m], isem[m]).wait()

    def gissue(m):
        pltpu.async_copy(h_hbm.at[sidx[m]], rows[m], gsem[m])

    def gwait(m):
        pltpu.make_async_copy(h_hbm.at[sidx[m]], rows[m], gsem[m]).wait()

    def scat(m):
        pltpu.sync_copy(rows[m], acc.at[didx[m]], add=True)

    for j in range(NBUF):
        iload(j, j)
    for j in range(NBUF - 1):
        iwait(j, j)
        gissue(j)
    zcp.wait()
    plsc.subcore_barrier()

    def quad(k, carry):
        j = 4 * k
        for m in range(4):
            gwait(m)
            scat(m)
            iload(j + m + NBUF, m)
            iwait(j + m + NBUF - 1, (m + NBUF - 1) % NBUF)
            gissue((m + NBUF - 1) % NBUF)
        return carry

    lax.fori_loop(0, (ANCHUNK - 5) // 4, quad, 0)
    gwait(0); scat(0)
    iload(124, 0)
    iwait(123, 3)
    gissue(3)
    gwait(1); scat(1)
    iwait(124, 0)
    gissue(0)
    gwait(2); scat(2)
    gwait(3); scat(3)
    gwait(0); scat(0)

    plsc.subcore_barrier()
    pltpu.sync_copy(acc.at[pl.ds(sid * ZR, ZR)],
                    out_hbm.at[cid, pl.ds(sid * ZR, ZR)])


@functools.partial(
    pl.kernel,
    out_type=(jax.ShapeDtypeStruct((NC, NP, D), jnp.float32),
              jax.ShapeDtypeStruct((NC, NP, D), jnp.float32)),
    mesh=_sc_mesh,
    scratch_types=(
        [pltpu.VMEM((AC,), jnp.int32)] * NBUF
        + [pltpu.VMEM((AC,), jnp.int32)] * NBUF
        + [pltpu.VMEM((AC, D), jnp.float32)] * NBUF
        + [pltpu.VMEM_SHARED((NP, D), jnp.float32)]
        + [pltpu.SemaphoreType.DMA] * (2 * NBUF + 1)
    ),
)
def _sc_agg_count(h_hbm, src_hbm, dst_hbm, zero_hbm, cnt_hbm, out_hbm, *refs):
    sidx = refs[0:NBUF]
    didx = refs[NBUF:2 * NBUF]
    rows = refs[2 * NBUF:3 * NBUF]
    acc = refs[3 * NBUF]
    gsem = refs[3 * NBUF + 1:3 * NBUF + 1 + NBUF]
    isem = refs[3 * NBUF + 1 + NBUF:3 * NBUF + 1 + 2 * NBUF]
    zsem = refs[3 * NBUF + 1 + 2 * NBUF]
    cid = lax.axis_index("c")
    sid = lax.axis_index("s")
    wid = cid * NS + sid

    zcp = pltpu.async_copy(zero_hbm.at[pl.ds(sid * ZR, ZR)],
                           acc.at[pl.ds(sid * ZR, ZR)], zsem)
    ones_v = rows[NBUF - 1]
    one = jnp.ones((16,), jnp.float32)

    def fill(i, carry):
        for c16 in range(D // 16):
            ones_v[i, pl.ds(c16 * 16, 16)] = one
        return carry

    lax.fori_loop(0, AC, fill, 0)

    def dload(j, m):
        e0 = wid * AEPW + j * AC
        pltpu.async_copy(dst_hbm.at[pl.ds(e0, AC)], didx[m], isem[m])

    def dwait(j, m):
        e0 = wid * AEPW + j * AC
        pltpu.make_async_copy(dst_hbm.at[pl.ds(e0, AC)], didx[m], isem[m]).wait()

    def scat1(m):
        pltpu.sync_copy(ones_v, acc.at[didx[m]], add=True)

    for j in range(NBUF):
        dload(j, j)
    zcp.wait()
    plsc.subcore_barrier()

    def cquad(k, carry):
        j = 4 * k
        for m in range(4):
            dwait(j + m, m)
            scat1(m)
            dload(j + m + NBUF, m)
        return carry

    lax.fori_loop(0, (ANCHUNK - 5) // 4, cquad, 0)
    dwait(120, 0); scat1(0); dload(124, 0)
    dwait(121, 1); scat1(1)
    dwait(122, 2); scat1(2)
    dwait(123, 3); scat1(3)
    dwait(124, 0); scat1(0)
    plsc.subcore_barrier()
    pltpu.sync_copy(acc.at[pl.ds(sid * ZR, ZR)],
                    cnt_hbm.at[cid, pl.ds(sid * ZR, ZR)])

    zcp2 = pltpu.async_copy(zero_hbm.at[pl.ds(sid * ZR, ZR)],
                            acc.at[pl.ds(sid * ZR, ZR)], zsem)

    def iload(j, m):
        e0 = wid * AEPW + j * AC
        pltpu.async_copy(src_hbm.at[pl.ds(e0, AC)], sidx[m], isem[m])
        pltpu.async_copy(dst_hbm.at[pl.ds(e0, AC)], didx[m], isem[m])

    def iwait(j, m):
        e0 = wid * AEPW + j * AC
        pltpu.make_async_copy(src_hbm.at[pl.ds(e0, AC)], sidx[m], isem[m]).wait()
        pltpu.make_async_copy(dst_hbm.at[pl.ds(e0, AC)], didx[m], isem[m]).wait()

    def gissue(m):
        pltpu.async_copy(h_hbm.at[sidx[m]], rows[m], gsem[m])

    def gwait(m):
        pltpu.make_async_copy(h_hbm.at[sidx[m]], rows[m], gsem[m]).wait()

    def scat(m):
        pltpu.sync_copy(rows[m], acc.at[didx[m]], add=True)

    for j in range(NBUF):
        iload(j, j)
    for j in range(NBUF - 1):
        iwait(j, j)
        gissue(j)
    zcp2.wait()
    plsc.subcore_barrier()

    def quad(k, carry):
        j = 4 * k
        for m in range(4):
            gwait(m)
            scat(m)
            iload(j + m + NBUF, m)
            iwait(j + m + NBUF - 1, (m + NBUF - 1) % NBUF)
            gissue((m + NBUF - 1) % NBUF)
        return carry

    lax.fori_loop(0, (ANCHUNK - 5) // 4, quad, 0)
    gwait(0); scat(0)
    iload(124, 0)
    iwait(123, 3)
    gissue(3)
    gwait(1); scat(1)
    iwait(124, 0)
    gissue(0)
    gwait(2); scat(2)
    gwait(3); scat(3)
    gwait(0); scat(0)

    plsc.subcore_barrier()
    pltpu.sync_copy(acc.at[pl.ds(sid * ZR, ZR)],
                    out_hbm.at[cid, pl.ds(sid * ZR, ZR)])


_RB = 5000


def _combine_body(has_bn, h, accp, cntp, w1, w2, b, g, be, out):
    s = accp[0] + accp[1]
    c = cntp[0, :, 0:1] + cntp[1, :, 0:1]
    hn = s * (1.0 / jnp.maximum(c, 1.0))
    h2 = (lax.dot_general(h[...], w1[...], (((1,), (1,)), ((), ())),
                          preferred_element_type=jnp.float32)
          + lax.dot_general(hn, w2[...], (((1,), (1,)), ((), ())),
                            preferred_element_type=jnp.float32)
          + b[...])
    nrm = jnp.maximum(jnp.sqrt(jnp.sum(h2 * h2, axis=1, keepdims=True)), 1e-12)
    y = h2 / nrm
    if has_bn:
        y = y * (g[...] / jnp.sqrt(1.0 + 1e-5)) + be[...]
        y = jnp.maximum(y, 0.0)
    out[...] = y


def _combine(h, acc, cnt, w1, w2, b, g, be, has_bn):
    mat = pl.BlockSpec((D, D), lambda i: (0, 0))
    vec = pl.BlockSpec((1, D), lambda i: (0, 0))
    return pl.pallas_call(
        functools.partial(_combine_body, has_bn),
        grid=(N // _RB,),
        in_specs=[
            pl.BlockSpec((_RB, D), lambda i: (i, 0)),
            pl.BlockSpec((NC, _RB, D), lambda i: (0, i, 0)),
            pl.BlockSpec((NC, _RB, 8), lambda i: (0, i, 0)),
            mat, mat, vec, vec, vec,
        ],
        out_specs=pl.BlockSpec((_RB, D), lambda i: (i, 0)),
        out_shape=jax.ShapeDtypeStruct((N, D), jnp.float32),
    )(h, acc, cnt, w1, w2, b[None, :], g[None, :], be[None, :])


def kernel(x, edge_index, W1_0, W2_0, b_0, W1_1, W2_1, b_1, W1_2, W2_2, b_2,
           g_0, be_0, g_1, be_1):
    ei = edge_index.astype(jnp.int32)
    src = ei[0]
    dst = ei[1]
    zero_nd = jnp.zeros((NP, D), jnp.float32)

    cnt_full, acc = _sc_agg_count(x, src, dst, zero_nd)
    cnt = cnt_full[:, :, :8]
    h = _combine(x, acc, cnt, W1_0, W2_0, b_0, g_0, be_0, True)
    for w1, w2, b, g, be, has_bn in [
        (W1_1, W2_1, b_1, g_1, be_1, True),
        (W1_2, W2_2, b_2, g_1, be_1, False),
    ]:
        acc = _sc_agg(h, src, dst, zero_nd)
        h = _combine(h, acc, cnt, w1, w2, b, g, be, has_bn)
    return h

# --- scband reference (transcript-rebuilt; emitter-appended) ---
"""Pipeline reference for scband-graphsage-51084341018874 (READ-ONLY COPY).

The authoritative reference and input builder live on the scoring server;
editing this copy changes nothing except your own understanding.
"""

import jax, jax.numpy as jnp
import numpy as np

N = 10000
E = 320000
D = 128


def setup_inputs(seed: int = 0) -> dict:
    key = jax.random.key(seed)
    ks = jax.random.split(key, 20)
    x = jax.random.normal(ks[0], (N, D), dtype=jnp.float32)
    edge_index = jax.random.randint(ks[1], (2, E), 0, N, dtype=jnp.int32).astype(jnp.int64)
    inp = {"x": x, "edge_index": edge_index}
    # SageConv layer params: W1 (linear_1, no bias), W2 + b (linear_2)
    for i in range(3):
        inp[f"W1_{i}"] = jax.random.normal(ks[2 + 5 * i], (D, D), dtype=jnp.float32) * 0.05
        inp[f"W2_{i}"] = jax.random.normal(ks[3 + 5 * i], (D, D), dtype=jnp.float32) * 0.05
        inp[f"b_{i}"] = jax.random.normal(ks[4 + 5 * i], (D,), dtype=jnp.float32) * 0.01
    # BatchNorm params for the first num_layers-1 = 2 layers (eval mode: running_mean=0, running_var=1)
    for i in range(2):
        inp[f"g_{i}"] = 1.0 + jax.random.normal(ks[12 + 2 * i], (D,), dtype=jnp.float32) * 0.01
        inp[f"be_{i}"] = jax.random.normal(ks[13 + 2 * i], (D,), dtype=jnp.float32) * 0.01
    return inp


def reference(x, edge_index, W1_0, W2_0, b_0, W1_1, W2_1, b_1, W1_2, W2_2, b_2, g_0, be_0, g_1, be_1):
    src = edge_index[0]
    dst = edge_index[1]

    def sage(h, W1, W2, b):
        # adj_t matmul with reduce='mean': mean of neighbor features per dst node
        msgs = jnp.take(h, src, axis=0)
        s = jax.ops.segment_sum(msgs, dst, num_segments=N)
        cnt = jax.ops.segment_sum(jnp.ones((E,), dtype=h.dtype), dst, num_segments=N)
        h_n = s / jnp.maximum(cnt, 1.0)[:, None]
        h2 = h @ W1.T + h_n @ W2.T + b
        nrm = jnp.maximum(jnp.linalg.norm(h2, axis=1, keepdims=True), 1e-12)
        return h2 / nrm

    def bn(h, g, be):
        # eval-mode BatchNorm1d: running_mean=0, running_var=1, eps=1e-5
        return h / jnp.sqrt(1.0 + 1e-5) * g + be

    h = x
    h = sage(h, W1_0, W2_0, b_0)
    h = bn(h, g_0, be_0)
    h = jax.nn.relu(h)
    # dropout is identity in eval mode
    h = sage(h, W1_1, W2_1, b_1)
    h = bn(h, g_1, be_1)
    h = jax.nn.relu(h)
    out = sage(h, W1_2, W2_2, b_2)
    return out

if __name__ == "__main__":
    import jax
    _d = setup_inputs()
    print(jax.jit(kernel)(*tuple(_d.values())))

</pallas_src>

<mosaic_0001>
#map = affine_map<(d0, d1) -> (0, 0)>
#map1 = affine_map<(d0, d1) -> (0)>
#map2 = affine_map<(d0, d1) -> (0, 0, 0)>
module attributes {stable_mosaic.version = 14 : i64} {
  func.func @_sc_agg_count(%arg0: i32, %arg1: i32, %arg2: memref<10000x128xf32, #tpu.memory_space<hbm>>, %arg3: memref<320000xi32, #tpu.memory_space<hbm>>, %arg4: memref<320000xi32, #tpu.memory_space<hbm>>, %arg5: memref<10240x128xf32, #tpu.memory_space<hbm>>, %arg6: memref<2x10240x128xf32, #tpu.memory_space<hbm>>, %arg7: memref<2x10240x128xf32, #tpu.memory_space<hbm>>, %arg8: memref<80xi32, #tpu.memory_space<vmem>>, %arg9: memref<80xi32, #tpu.memory_space<vmem>>, %arg10: memref<80xi32, #tpu.memory_space<vmem>>, %arg11: memref<80xi32, #tpu.memory_space<vmem>>, %arg12: memref<80xi32, #tpu.memory_space<vmem>>, %arg13: memref<80xi32, #tpu.memory_space<vmem>>, %arg14: memref<80xi32, #tpu.memory_space<vmem>>, %arg15: memref<80xi32, #tpu.memory_space<vmem>>, %arg16: memref<80x128xf32, #tpu.memory_space<vmem>>, %arg17: memref<80x128xf32, #tpu.memory_space<vmem>>, %arg18: memref<80x128xf32, #tpu.memory_space<vmem>>, %arg19: memref<80x128xf32, #tpu.memory_space<vmem>>, %arg20: memref<10240x128xf32, #tpu.memory_space<vmem_shared>>, %arg21: memref<!tpu.dma_semaphore, #tpu.memory_space<semaphore_mem>>, %arg22: memref<!tpu.dma_semaphore, #tpu.memory_space<semaphore_mem>>, %arg23: memref<!tpu.dma_semaphore, #tpu.memory_space<semaphore_mem>>, %arg24: memref<!tpu.dma_semaphore, #tpu.memory_space<semaphore_mem>>, %arg25: memref<!tpu.dma_semaphore, #tpu.memory_space<semaphore_mem>>, %arg26: memref<!tpu.dma_semaphore, #tpu.memory_space<semaphore_mem>>, %arg27: memref<!tpu.dma_semaphore, #tpu.memory_space<semaphore_mem>>, %arg28: memref<!tpu.dma_semaphore, #tpu.memory_space<semaphore_mem>>, %arg29: memref<!tpu.dma_semaphore, #tpu.memory_space<semaphore_mem>>) attributes {dimension_semantics = [#tpu.dimension_semantics<core_parallel>, #tpu.dimension_semantics<subcore_parallel>], iteration_bounds = array<i64: 2, 16>, scalar_prefetch = 0 : i64, scratch_operands = 22 : i64, tpu.core_type = #tpu.core_type<sc_vector_subcore>, window_params = [{transform_indices = #map}, {transform_indices = #map1}, {transform_indices = #map1}, {transform_indices = #map}, {transform_indices = #map2}, {transform_indices = #map2}]} {
    %mul3A = arith.constant 16 : i32
    %mul3A_0 = arith.muli %arg0, %mul3A : i32
    %add3A = arith.addi %mul3A_0, %arg1 : i32
    %mul3A_1 = arith.constant 640 : i32
    %mul3A_2 = arith.muli %arg1, %mul3A_1 : i32
    %mul3A_3 = arith.constant 640 : i32
    %mul3A_4 = arith.muli %arg1, %mul3A_3 : i32
    %dma_start3A = arith.constant 0 : i32
    %dma_start3A_5 = tpu.memref_slice %arg20[%mul3A_4, %dma_start3A] : memref<10240x128xf32, #tpu.memory_space<vmem_shared>> -> memref<640x128xf32, #tpu.memory_space<vmem_shared>>
    %dma_start3A_6 = arith.constant 0 : i32
    %dma_start3A_7 = tpu.memref_slice %arg5[%mul3A_2, %dma_start3A_6] : memref<10240x128xf32, #tpu.memory_space<hbm>> -> memref<640x128xf32, #tpu.memory_space<hbm>>
    tpu.enqueue_dma source(%dma_start3A_7 : memref<640x128xf32, #tpu.memory_space<hbm>>) target(%dma_start3A_5 : memref<640x128xf32, #tpu.memory_space<vmem_shared>>) target_semaphore(%arg29 : memref<!tpu.dma_semaphore, #tpu.memory_space<semaphore_mem>>)
    %broadcast_in_dim3A = arith.constant 1.000000e+00 : f32
    %broadcast_in_dim3A_8 = vector.broadcast %broadcast_in_dim3A : f32 to vector<16xf32>
    %scan3A = arith.constant 0 : i32
    %scan3A_9 = arith.constant 0 : i32
    %scan3A_10 = arith.constant 80 : i32
    %scan3A_11 = arith.addi %scan3A_9, %scan3A_10 : i32
    %scan3A_12 = arith.constant 1 : i32
    scf.for %scan3A_222 = %scan3A_9 to %scan3A_11 step %scan3A_12  : i32 {
      %swap3A = arith.index_cast %scan3A_222 : i32 to index
      %swap3A_223 = arith.constant 0 : index
      %swap3A_224 = tpu.vector_load %arg19[%swap3A, %swap3A_223] {strides = array<i32>} : memref<80x128xf32, #tpu.memory_space<vmem>>, vector<1x16xf32>,
      %swap3A_225 = vector.shape_cast %swap3A_224 : vector<1x16xf32> to vector<16xf32>
      %swap3A_226 = vector.shape_cast %broadcast_in_dim3A_8 : vector<16xf32> to vector<1x16xf32>
      tpu.vector_store %arg19[%swap3A, %swap3A_223], %swap3A_226 {strides = array<i32>} : memref<80x128xf32, #tpu.memory_space<vmem>>, vector<1x16xf32>,
      %swap3A_227 = arith.index_cast %scan3A_222 : i32 to index
      %swap3A_228 = arith.constant 16 : index
      %swap3A_229 = tpu.vector_load %arg19[%swap3A_227, %swap3A_228] {strides = array<i32>} : memref<80x128xf32, #tpu.memory_space<vmem>>, vector<1x16xf32>,
      %swap3A_230 = vector.shape_cast %swap3A_229 : vector<1x16xf32> to vector<16xf32>
      %swap3A_231 = vector.shape_cast %broadcast_in_dim3A_8 : vector<16xf32> to vector<1x16xf32>
      tpu.vector_store %arg19[%swap3A_227, %swap3A_228], %swap3A_231 {strides = array<i32>} : memref<80x128xf32, #tpu.memory_space<vmem>>, vector<1x16xf32>,
      %swap3A_232 = arith.index_cast %scan3A_222 : i32 to index
      %swap3A_233 = arith.constant 32 : index
      %swap3A_234 = tpu.vector_load %arg19[%swap3A_232, %swap3A_233] {strides = array<i32>} : memref<80x128xf32, #tpu.memory_space<vmem>>, vector<1x16xf32>,
      %swap3A_235 = vector.shape_cast %swap3A_234 : vector<1x16xf32> to vector<16xf32>
      %swap3A_236 = vector.shape_cast %broadcast_in_dim3A_8 : vector<16xf32> to vector<1x16xf32>
      tpu.vector_store %arg19[%swap3A_232, %swap3A_233], %swap3A_236 {strides = array<i32>} : memref<80x128xf32, #tpu.memory_space<vmem>>, vector<1x16xf32>,
      %swap3A_237 = arith.index_cast %scan3A_222 : i32 to index
      %swap3A_238 = arith.constant 48 : index
      %swap3A_239 = tpu.vector_load %arg19[%swap3A_237, %swap3A_238] {strides = array<i32>} : memref<80x128xf32, #tpu.memory_space<vmem>>, vector<1x16xf32>,
      %swap3A_240 = vector.shape_cast %swap3A_239 : vector<1x16xf32> to vector<16xf32>
      %swap3A_241 = vector.shape_cast %broadcast_in_dim3A_8 : vector<16xf32> to vector<1x16xf32>
      tpu.vector_store %arg19[%swap3A_237, %swap3A_238], %swap3A_241 {strides = array<i32>} : memref<80x128xf32, #tpu.memory_space<vmem>>, vector<1x16xf32>,
      %swap3A_242 = arith.index_cast %scan3A_222 : i32 to index
      %swap3A_243 = arith.constant 64 : index
      %swap3A_244 = tpu.vector_load %arg19[%swap3A_242, %swap3A_243] {strides = array<i32>} : memref<80x128xf32, #tpu.memory_space<vmem>>, vector<1x16xf32>,
      %swap3A_245 = vector.shape_cast %swap3A_244 : vector<1x16xf32> to vector<16xf32>
      %swap3A_246 = vector.shape_cast %broadcast_in_dim3A_8 : vector<16xf32> to vector<1x16xf32>
      tpu.vector_store %arg19[%swap3A_242, %swap3A_243], %swap3A_246 {strides = array<i32>} : memref<80x128xf32, #tpu.memory_space<vmem>>, vector<1x16xf32>,
      %swap3A_247 = arith.index_cast %scan3A_222 : i32 to index
      %swap3A_248 = arith.constant 80 : index
      %swap3A_249 = tpu.vector_load %arg19[%swap3A_247, %swap3A_248] {strides = array<i32>} : memref<80x128xf32, #tpu.memory_space<vmem>>, vector<1x16xf32>,
      %swap3A_250 = vector.shape_cast %swap3A_249 : vector<1x16xf32> to vector<16xf32>
      %swap3A_251 = vector.shape_cast %broadcast_in_dim3A_8 : vector<16xf32> to vector<1x16xf32>
      tpu.vector_store %arg19[%swap3A_247, %swap3A_248], %swap3A_251 {strides = array<i32>} : memref<80x128xf32, #tpu.memory_space<vmem>>, vector<1x16xf32>,
      %swap3A_252 = arith.index_cast %scan3A_222 : i32 to index
      %swap3A_253 = arith.constant 96 : index
      %swap3A_254 = tpu.vector_load %arg19[%swap3A_252, %swap3A_253] {strides = array<i32>} : memref<80x128xf32, #tpu.memory_space<vmem>>, vector<1x16xf32>,
      %swap3A_255 = vector.shape_cast %swap3A_254 : vector<1x16xf32> to vector<16xf32>
      %swap3A_256 = vector.shape_cast %broadcast_in_dim3A_8 : vector<16xf32> to vector<1x16xf32>
      tpu.vector_store %arg19[%swap3A_252, %swap3A_253], %swap3A_256 {strides = array<i32>} : memref<80x128xf32, #tpu.memory_space<vmem>>, vector<1x16xf32>,
      %swap3A_257 = arith.index_cast %scan3A_222 : i32 to index
      %swap3A_258 = arith.constant 112 : index
      %swap3A_259 = tpu.vector_load %arg19[%swap3A_257, %swap3A_258] {strides = array<i32>} : memref<80x128xf32, #tpu.memory_space<vmem>>, vector<1x16xf32>,
      %swap3A_260 = vector.shape_cast %swap3A_259 : vector<1x16xf32> to vector<16xf32>
      %swap3A_261 = vector.shape_cast %broadcast_in_dim3A_8 : vector<16xf32> to vector<1x16xf32>
      tpu.vector_store %arg19[%swap3A_257, %swap3A_258], %swap3A_261 {strides = array<i32>} : memref<80x128xf32, #tpu.memory_space<vmem>>, vector<1x16xf32>,
    }
    %scan3A_13 = arith.constant 80 : i32
    %mul3A_14 = arith.constant 10000 : i32
    %mul3A_15 = arith.muli %add3A, %mul3A_14 : i32
    %add3A_16 = arith.constant 0 : i32
    %add3A_17 = arith.addi %mul3A_15, %add3A_16 : i32
    %dma_start3A_18 = tpu.memref_slice %arg4[%add3A_17] : memref<320000xi32, #tpu.memory_space<hbm>> -> memref<80xi32, #tpu.memory_space<hbm>>
    %dma_start3A_19 = tpu.memref_slice %arg4[%add3A_17] : memref<320000xi32, #tpu.memory_space<hbm>> -> memref<80xi32, #tpu.memory_space<hbm>>
    tpu.enqueue_dma source(%dma_start3A_19 : memref<80xi32, #tpu.memory_space<hbm>>) target(%arg12 : memref<80xi32, #tpu.memory_space<vmem>>) target_semaphore(%arg25 : memref<!tpu.dma_semaphore, #tpu.memory_space<semaphore_mem>>)
    %mul3A_20 = arith.constant 10000 : i32
    %mul3A_21 = arith.muli %add3A, %mul3A_20 : i32
    %add3A_22 = arith.constant 80 : i32
    %add3A_23 = arith.addi %mul3A_21, %add3A_22 : i32
    %dma_start3A_24 = tpu.memref_slice %arg4[%add3A_23] : memref<320000xi32, #tpu.memory_space<hbm>> -> memref<80xi32, #tpu.memory_space<hbm>>
    %dma_start3A_25 = tpu.memref_slice %arg4[%add3A_23] : memref<320000xi32, #tpu.memory_space<hbm>> -> memref<80xi32, #tpu.memory_space<hbm>>
    tpu.enqueue_dma source(%dma_start3A_25 : memref<80xi32, #tpu.memory_space<hbm>>) target(%arg13 : memref<80xi32, #tpu.memory_space<vmem>>) target_semaphore(%arg26 : memref<!tpu.dma_semaphore, #tpu.memory_space<semaphore_mem>>)
    %mul3A_26 = arith.constant 10000 : i32
    %mul3A_27 = arith.muli %add3A, %mul3A_26 : i32
    %add3A_28 = arith.constant 160 : i32
    %add3A_29 = arith.addi %mul3A_27, %add3A_28 : i32
    %dma_start3A_30 = tpu.memref_slice %arg4[%add3A_29] : memref<320000xi32, #tpu.memory_space<hbm>> -> memref<80xi32, #tpu.memory_space<hbm>>
    %dma_start3A_31 = tpu.memref_slice %arg4[%add3A_29] : memref<320000xi32, #tpu.memory_space<hbm>> -> memref<80xi32, #tpu.memory_space<hbm>>
    tpu.enqueue_dma source(%dma_start3A_31 : memref<80xi32, #tpu.memory_space<hbm>>) target(%arg14 : memref<80xi32, #tpu.memory_space<vmem>>) target_semaphore(%arg27 : memref<!tpu.dma_semaphore, #tpu.memory_space<semaphore_mem>>)
    %mul3A_32 = arith.constant 10000 : i32
    %mul3A_33 = arith.muli %add3A, %mul3A_32 : i32
    %add3A_34 = arith.constant 240 : i32
    %add3A_35 = arith.addi %mul3A_33, %add3A_34 : i32
    %dma_start3A_36 = tpu.memref_slice %arg4[%add3A_35] : memref<320000xi32, #tpu.memory_space<hbm>> -> memref<80xi32, #tpu.memory_space<hbm>>
    %dma_start3A_37 = tpu.memref_slice %arg4[%add3A_35] : memref<320000xi32, #tpu.memory_space<hbm>> -> memref<80xi32, #tpu.memory_space<hbm>>
    tpu.enqueue_dma source(%dma_start3A_37 : memref<80xi32, #tpu.memory_space<hbm>>) target(%arg15 : memref<80xi32, #tpu.memory_space<vmem>>) target_semaphore(%arg28 : memref<!tpu.dma_semaphore, #tpu.memory_space<semaphore_mem>>)
    %dma_wait3A = arith.constant 0 : i32
    %dma_wait3A_38 = tpu.memref_slice %arg20[%mul3A_4, %dma_wait3A] : memref<10240x128xf32, #tpu.memory_space<vmem_shared>> -> memref<640x128xf32, #tpu.memory_space<vmem_shared>>
    %dma_wait3A_39 = arith.constant 0 : i32
    %dma_wait3A_40 = tpu.memref_slice %arg5[%mul3A_2, %dma_wait3A_39] : memref<10240x128xf32, #tpu.memory_space<hbm>> -> memref<640x128xf32, #tpu.memory_space<hbm>>
    tpu.wait_dma2 semaphore(%arg29 : memref<!tpu.dma_semaphore, #tpu.memory_space<semaphore_mem>>) src(%dma_wait3A_40 : memref<640x128xf32, #tpu.memory_space<hbm>>) dst(%dma_wait3A_38 : memref<640x128xf32, #tpu.memory_space<vmem_shared>>)
    %barrier3A = arith.constant 0 : index
    tpu.barrier barrier_id(%barrier3A)
    %scan3A_41 = arith.constant 0 : i32
    %scan3A_42 = arith.constant 0 : i32
    %scan3A_43 = arith.constant 30 : i32
    %scan3A_44 = arith.addi %scan3A_42, %scan3A_43 : i32
    %scan3A_45 = arith.constant 1 : i32
    scf.for %scan3A_222 = %scan3A_42 to %scan3A_44 step %scan3A_45  : i32 {
      %mul3A_223 = arith.constant 4 : i32
      %mul3A_224 = arith.muli %mul3A_223, %scan3A_222 : i32
      %add3A_225 = arith.constant 0 : i32
      %add3A_226 = arith.addi %mul3A_224, %add3A_225 : i32
      %mul3A_227 = arith.constant 10000 : i32
      %mul3A_228 = arith.muli %add3A, %mul3A_227 : i32
      %mul3A_229 = arith.constant 80 : i32
      %mul3A_230 = arith.muli %add3A_226, %mul3A_229 : i32
      %add3A_231 = arith.addi %mul3A_228, %mul3A_230 : i32
      %dma_wait3A_232 = tpu.memref_slice %arg4[%add3A_231] : memref<320000xi32, #tpu.memory_space<hbm>> -> memref<80xi32, #tpu.memory_space<hbm>>
      %dma_wait3A_233 = tpu.memref_slice %arg4[%add3A_231] : memref<320000xi32, #tpu.memory_space<hbm>> -> memref<80xi32, #tpu.memory_space<hbm>>
      tpu.wait_dma2 semaphore(%arg25 : memref<!tpu.dma_semaphore, #tpu.memory_space<semaphore_mem>>) src(%dma_wait3A_233 : memref<80xi32, #tpu.memory_space<hbm>>) dst(%arg12 : memref<80xi32, #tpu.memory_space<vmem>>)
      "tpu.region"() ({
        %run_scoped3A = tpu.sem_alloc : memref<!tpu.dma_semaphore, #tpu.memory_space<semaphore_mem>>
        %dma_start3A_305 = arith.constant 0 : i32
        %dma_start3A_306 = arith.constant 0 : i32
        %dma_start3A_307 = tpu.memref_slice %arg20[%dma_start3A_305, %dma_start3A_306] : memref<10240x128xf32, #tpu.memory_space<vmem_shared>> -> memref<10240x128xf32, #tpu.memory_space<vmem_shared>>
        tpu.enqueue_indirect_dma source(%arg19 : memref<80x128xf32, #tpu.memory_space<vmem>>) target(%dma_start3A_307 : memref<10240x128xf32, #tpu.memory_space<vmem_shared>>) offsets(%arg12 : memref<80xi32, #tpu.memory_space<vmem>>) semaphore(%run_scoped3A : memref<!tpu.dma_semaphore, #tpu.memory_space<semaphore_mem>>) {add = true}
        %dma_wait3A_308 = arith.constant 0 : i32
        %dma_wait3A_309 = arith.constant 0 : i32
        %dma_wait3A_310 = tpu.memref_slice %arg20[%dma_wait3A_308, %dma_wait3A_309] : memref<10240x128xf32, #tpu.memory_space<vmem_shared>> -> memref<10240x128xf32, #tpu.memory_space<vmem_shared>>
        tpu.wait_indirect_dma semaphore(%run_scoped3A : memref<!tpu.dma_semaphore, #tpu.memory_space<semaphore_mem>>) src(%arg19 : memref<80x128xf32, #tpu.memory_space<vmem>>) dst(%dma_wait3A_310 : memref<10240x128xf32, #tpu.memory_space<vmem_shared>>)
        tpu.yield
      }) : () -> ()
      %add3A_234 = arith.constant 0 : i32
      %add3A_235 = arith.addi %mul3A_224, %add3A_234 : i32
      %add3A_236 = arith.constant 4 : i32
      %add3A_237 = arith.addi %add3A_235, %add3A_236 : i32
      %mul3A_238 = arith.constant 10000 : i32
      %mul3A_239 = arith.muli %add3A, %mul3A_238 : i32
      %mul3A_240 = arith.constant 80 : i32
      %mul3A_241 = arith.muli %add3A_237, %mul3A_240 : i32
      %add3A_242 = arith.addi %mul3A_239, %mul3A_241 : i32
      %dma_start3A_243 = tpu.memref_slice %arg4[%add3A_242] : memref<320000xi32, #tpu.memory_space<hbm>> -> memref<80xi32, #tpu.memory_space<hbm>>
      %dma_start3A_244 = tpu.memref_slice %arg4[%add3A_242] : memref<320000xi32, #tpu.memory_space<hbm>> -> memref<80xi32, #tpu.memory_space<hbm>>
      tpu.enqueue_dma source(%dma_start3A_244 : memref<80xi32, #tpu.memory_space<hbm>>) target(%arg12 : memref<80xi32, #tpu.memory_space<vmem>>) target_semaphore(%arg25 : memref<!tpu.dma_semaphore, #tpu.memory_space<semaphore_mem>>)
      %add3A_245 = arith.constant 1 : i32
      %add3A_246 = arith.addi %mul3A_224, %add3A_245 : i32
      %mul3A_247 = arith.constant 10000 : i32
      %mul3A_248 = arith.muli %add3A, %mul3A_247 : i32
      %mul3A_249 = arith.constant 80 : i32
      %mul3A_250 = arith.muli %add3A_246, %mul3A_249 : i32
      %add3A_251 = arith.addi %mul3A_248, %mul3A_250 : i32
      %dma_wait3A_252 = tpu.memref_slice %arg4[%add3A_251] : memref<320000xi32, #tpu.memory_space<hbm>> -> memref<80xi32, #tpu.memory_space<hbm>>
      %dma_wait3A_253 = tpu.memref_slice %arg4[%add3A_251] : memref<320000xi32, #tpu.memory_space<hbm>> -> memref<80xi32, #tpu.memory_space<hbm>>
      tpu.wait_dma2 semaphore(%arg26 : memref<!tpu.dma_semaphore, #tpu.memory_space<semaphore_mem>>) src(%dma_wait3A_253 : memref<80xi32, #tpu.memory_space<hbm>>) dst(%arg13 : memref<80xi32, #tpu.memory_space<vmem>>)
      "tpu.region"() ({
        %run_scoped3A = tpu.sem_alloc : memref<!tpu.dma_semaphore, #tpu.memory_space<semaphore_mem>>
        %dma_start3A_305 = arith.constant 0 : i32
        %dma_start3A_306 = arith.constant 0 : i32
        %dma_start3A_307 = tpu.memref_slice %arg20[%dma_start3A_305, %dma_start3A_306] : memref<10240x128xf32, #tpu.memory_space<vmem_shared>> -> memref<10240x128xf32, #tpu.memory_space<vmem_shared>>
        tpu.enqueue_indirect_dma source(%arg19 : memref<80x128xf32, #tpu.memory_space<vmem>>) target(%dma_start3A_307 : memref<10240x128xf32, #tpu.memory_space<vmem_shared>>) offsets(%arg13 : memref<80xi32, #tpu.memory_space<vmem>>) semaphore(%run_scoped3A : memref<!tpu.dma_semaphore, #tpu.memory_space<semaphore_mem>>) {add = true}
        %dma_wait3A_308 = arith.constant 0 : i32
        %dma_wait3A_309 = arith.constant 0 : i32
        %dma_wait3A_310 = tpu.memref_slice %arg20[%dma_wait3A_308, %dma_wait3A_309] : memref<10240x128xf32, #tpu.memory_space<vmem_shared>> -> memref<10240x128xf32, #tpu.memory_space<vmem_shared>>
        tpu.wait_indirect_dma semaphore(%run_scoped3A : memref<!tpu.dma_semaphore, #tpu.memory_space<semaphore_mem>>) src(%arg19 : memref<80x128xf32, #tpu.memory_space<vmem>>) dst(%dma_wait3A_310 : memref<10240x128xf32, #tpu.memory_space<vmem_shared>>)
        tpu.yield
      }) : () -> ()
      %add3A_254 = arith.constant 1 : i32
      %add3A_255 = arith.addi %mul3A_224, %add3A_254 : i32
      %add3A_256 = arith.constant 4 : i32
      %add3A_257 = arith.addi %add3A_255, %add3A_256 : i32
      %mul3A_258 = arith.constant 10000 : i32
      %mul3A_259 = arith.muli %add3A, %mul3A_258 : i32
      %mul3A_260 = arith.constant 80 : i32
      %mul3A_261 = arith.muli %add3A_257, %mul3A_260 : i32
      %add3A_262 = arith.addi %mul3A_259, %mul3A_261 : i32
      %dma_start3A_263 = tpu.memref_slice %arg4[%add3A_262] : memref<320000xi32, #tpu.memory_space<hbm>> -> memref<80xi32, #tpu.memory_space<hbm>>
      %dma_start3A_264 = tpu.memref_slice %arg4[%add3A_262] : memref<320000xi32, #tpu.memory_space<hbm>> -> memref<80xi32, #tpu.memory_space<hbm>>
      tpu.enqueue_dma source(%dma_start3A_264 : memref<80xi32, #tpu.memory_space<hbm>>) target(%arg13 : memref<80xi32, #tpu.memory_space<vmem>>) target_semaphore(%arg26 : memref<!tpu.dma_semaphore, #tpu.memory_space<semaphore_mem>>)
      %add3A_265 = arith.constant 2 : i32
      %add3A_266 = arith.addi %mul3A_224, %add3A_265 : i32
      %mul3A_267 = arith.constant 10000 : i32
      %mul3A_268 = arith.muli %add3A, %mul3A_267 : i32
      %mul3A_269 = arith.constant 80 : i32
      %mul3A_270 = arith.muli %add3A_266, %mul3A_269 : i32
      %add3A_271 = arith.addi %mul3A_268, %mul3A_270 : i32
      %dma_wait3A_272 = tpu.memref_slice %arg4[%add3A_271] : memref<320000xi32, #tpu.memory_space<hbm>> -> memref<80xi32, #tpu.memory_space<hbm>>
      %dma_wait3A_273 = tpu.memref_slice %arg4[%add3A_271] : memref<320000xi32, #tpu.memory_space<hbm>> -> memref<80xi32, #tpu.memory_space<hbm>>
      tpu.wait_dma2 semaphore(%arg27 : memref<!tpu.dma_semaphore, #tpu.memory_space<semaphore_mem>>) src(%dma_wait3A_273 : memref<80xi32, #tpu.memory_space<hbm>>) dst(%arg14 : memref<80xi32, #tpu.memory_space<vmem>>)
      "tpu.region"() ({
        %run_scoped3A = tpu.sem_alloc : memref<!tpu.dma_semaphore, #tpu.memory_space<semaphore_mem>>
        %dma_start3A_305 = arith.constant 0 : i32
        %dma_start3A_306 = arith.constant 0 : i32
        %dma_start3A_307 = tpu.memref_slice %arg20[%dma_start3A_305, %dma_start3A_306] : memref<10240x128xf32, #tpu.memory_space<vmem_shared>> -> memref<10240x128xf32, #tpu.memory_space<vmem_shared>>
        tpu.enqueue_indirect_dma source(%arg19 : memref<80x128xf32, #tpu.memory_space<vmem>>) target(%dma_start3A_307 : memref<10240x128xf32, #tpu.memory_space<vmem_shared>>) offsets(%arg14 : memref<80xi32, #tpu.memory_space<vmem>>) semaphore(%run_scoped3A : memref<!tpu.dma_semaphore, #tpu.memory_space<semaphore_mem>>) {add = true}
        %dma_wait3A_308 = arith.constant 0 : i32
        %dma_wait3A_309 = arith.constant 0 : i32
        %dma_wait3A_310 = tpu.memref_slice %arg20[%dma_wait3A_308, %dma_wait3A_309] : memref<10240x128xf32, #tpu.memory_space<vmem_shared>> -> memref<10240x128xf32, #tpu.memory_space<vmem_shared>>
        tpu.wait_indirect_dma semaphore(%run_scoped3A : memref<!tpu.dma_semaphore, #tpu.memory_space<semaphore_mem>>) src(%arg19 : memref<80x128xf32, #tpu.memory_space<vmem>>) dst(%dma_wait3A_310 : memref<10240x128xf32, #tpu.memory_space<vmem_shared>>)
        tpu.yield
      }) : () -> ()
      %add3A_274 = arith.constant 2 : i32
      %add3A_275 = arith.addi %mul3A_224, %add3A_274 : i32
      %add3A_276 = arith.constant 4 : i32
      %add3A_277 = arith.addi %add3A_275, %add3A_276 : i32
      %mul3A_278 = arith.constant 10000 : i32
      %mul3A_279 = arith.muli %add3A, %mul3A_278 : i32
      %mul3A_280 = arith.constant 80 : i32
      %mul3A_281 = arith.muli %add3A_277, %mul3A_280 : i32
      %add3A_282 = arith.addi %mul3A_279, %mul3A_281 : i32
      %dma_start3A_283 = tpu.memref_slice %arg4[%add3A_282] : memref<320000xi32, #tpu.memory_space<hbm>> -> memref<80xi32, #tpu.memory_space<hbm>>
      %dma_start3A_284 = tpu.memref_slice %arg4[%add3A_282] : memref<320000xi32, #tpu.memory_space<hbm>> -> memref<80xi32, #tpu.memory_space<hbm>>
      tpu.enqueue_dma source(%dma_start3A_284 : memref<80xi32, #tpu.memory_space<hbm>>) target(%arg14 : memref<80xi32, #tpu.memory_space<vmem>>) target_semaphore(%arg27 : memref<!tpu.dma_semaphore, #tpu.memory_space<semaphore_mem>>)
      %add3A_285 = arith.constant 3 : i32
      %add3A_286 = arith.addi %mul3A_224, %add3A_285 : i32
      %mul3A_287 = arith.constant 10000 : i32
      %mul3A_288 = arith.muli %add3A, %mul3A_287 : i32
      %mul3A_289 = arith.constant 80 : i32
      %mul3A_290 = arith.muli %add3A_286, %mul3A_289 : i32
      %add3A_291 = arith.addi %mul3A_288, %mul3A_290 : i32
      %dma_wait3A_292 = tpu.memref_slice %arg4[%add3A_291] : memref<320000xi32, #tpu.memory_space<hbm>> -> memref<80xi32, #tpu.memory_space<hbm>>
      %dma_wait3A_293 = tpu.memref_slice %arg4[%add3A_291] : memref<320000xi32, #tpu.memory_space<hbm>> -> memref<80xi32, #tpu.memory_space<hbm>>
      tpu.wait_dma2 semaphore(%arg28 : memref<!tpu.dma_semaphore, #tpu.memory_space<semaphore_mem>>) src(%dma_wait3A_293 : memref<80xi32, #tpu.memory_space<hbm>>) dst(%arg15 : memref<80xi32, #tpu.memory_space<vmem>>)
      "tpu.region"() ({
        %run_scoped3A = tpu.sem_alloc : memref<!tpu.dma_semaphore, #tpu.memory_space<semaphore_mem>>
        %dma_start3A_305 = arith.constant 0 : i32
        %dma_start3A_306 = arith.constant 0 : i32
        %dma_start3A_307 = tpu.memref_slice %arg20[%dma_start3A_305, %dma_start3A_306] : memref<10240x128xf32, #tpu.memory_space<vmem_shared>> -> memref<10240x128xf32, #tpu.memory_space<vmem_shared>>
        tpu.enqueue_indirect_dma source(%arg19 : memref<80x128xf32, #tpu.memory_space<vmem>>) target(%dma_start3A_307 : memref<10240x128xf32, #tpu.memory_space<vmem_shared>>) offsets(%arg15 : memref<80xi32, #tpu.memory_space<vmem>>) semaphore(%run_scoped3A : memref<!tpu.dma_semaphore, #tpu.memory_space<semaphore_mem>>) {add = true}
        %dma_wait3A_308 = arith.constant 0 : i32
        %dma_wait3A_309 = arith.constant 0 : i32
        %dma_wait3A_310 = tpu.memref_slice %arg20[%dma_wait3A_308, %dma_wait3A_309] : memref<10240x128xf32, #tpu.memory_space<vmem_shared>> -> memref<10240x128xf32, #tpu.memory_space<vmem_shared>>
        tpu.wait_indirect_dma semaphore(%run_scoped3A : memref<!tpu.dma_semaphore, #tpu.memory_space<semaphore_mem>>) src(%arg19 : memref<80x128xf32, #tpu.memory_space<vmem>>) dst(%dma_wait3A_310 : memref<10240x128xf32, #tpu.memory_space<vmem_shared>>)
        tpu.yield
      }) : () -> ()
      %add3A_294 = arith.constant 3 : i32
      %add3A_295 = arith.addi %mul3A_224, %add3A_294 : i32
      %add3A_296 = arith.constant 4 : i32
      %add3A_297 = arith.addi %add3A_295, %add3A_296 : i32
      %mul3A_298 = arith.constant 10000 : i32
      %mul3A_299 = arith.muli %add3A, %mul3A_298 : i32
      %mul3A_300 = arith.constant 80 : i32
      %mul3A_301 = arith.muli %add3A_297, %mul3A_300 : i32
      %add3A_302 = arith.addi %mul3A_299, %mul3A_301 : i32
      %dma_start3A_303 = tpu.memref_slice %arg4[%add3A_302] : memref<320000xi32, #tpu.memory_space<hbm>> -> memref<80xi32, #tpu.memory_space<hbm>>
      %dma_start3A_304 = tpu.memref_slice %arg4[%add3A_302] : memref<320000xi32, #tpu.memory_space<hbm>> -> memref<80xi32, #tpu.memory_space<hbm>>
      tpu.enqueue_dma source(%dma_start3A_304 : memref<80xi32, #tpu.memory_space<hbm>>) target(%arg15 : memref<80xi32, #tpu.memory_space<vmem>>) target_semaphore(%arg28 : memref<!tpu.dma_semaphore, #tpu.memory_space<semaphore_mem>>)
    }
    %scan3A_46 = arith.constant 30 : i32
    %mul3A_47 = arith.constant 10000 : i32
    %mul3A_48 = arith.muli %add3A, %mul3A_47 : i32
    %add3A_49 = arith.constant 9600 : i32
    %add3A_50 = arith.addi %mul3A_48, %add3A_49 : i32
    %dma_wait3A_51 = tpu.memref_slice %arg4[%add3A_50] : memref<320000xi32, #tpu.memory_space<hbm>> -> memref<80xi32, #tpu.memory_space<hbm>>
    %dma_wait3A_52 = tpu.memref_slice %arg4[%add3A_50] : memref<320000xi32, #tpu.memory_space<hbm>> -> memref<80xi32, #tpu.memory_space<hbm>>
    tpu.wait_dma2 semaphore(%arg25 : memref<!tpu.dma_semaphore, #tpu.memory_space<semaphore_mem>>) src(%dma_wait3A_52 : memref<80xi32, #tpu.memory_space<hbm>>) dst(%arg12 : memref<80xi32, #tpu.memory_space<vmem>>)
    "tpu.region"() ({
      %run_scoped3A = tpu.sem_alloc : memref<!tpu.dma_semaphore, #tpu.memory_space<semaphore_mem>>
      %dma_start3A_222 = arith.constant 0 : i32
      %dma_start3A_223 = arith.constant 0 : i32
      %dma_start3A_224 = tpu.memref_slice %arg20[%dma_start3A_222, %dma_start3A_223] : memref<10240x128xf32, #tpu.memory_space<vmem_shared>> -> memref<10240x128xf32, #tpu.memory_space<vmem_shared>>
      tpu.enqueue_indirect_dma source(%arg19 : memref<80x128xf32, #tpu.memory_space<vmem>>) target(%dma_start3A_224 : memref<10240x128xf32, #tpu.memory_space<vmem_shared>>) offsets(%arg12 : memref<80xi32, #tpu.memory_space<vmem>>) semaphore(%run_scoped3A : memref<!tpu.dma_semaphore, #tpu.memory_space<semaphore_mem>>) {add = true}
      %dma_wait3A_225 = arith.constant 0 : i32
      %dma_wait3A_226 = arith.constant 0 : i32
      %dma_wait3A_227 = tpu.memref_slice %arg20[%dma_wait3A_225, %dma_wait3A_226] : memref<10240x128xf32, #tpu.memory_space<vmem_shared>> -> memref<10240x128xf32, #tpu.memory_space<vmem_shared>>
      tpu.wait_indirect_dma semaphore(%run_scoped3A : memref<!tpu.dma_semaphore, #tpu.memory_space<semaphore_mem>>) src(%arg19 : memref<80x128xf32, #tpu.memory_space<vmem>>) dst(%dma_wait3A_227 : memref<10240x128xf32, #tpu.memory_space<vmem_shared>>)
      tpu.yield
    }) : () -> ()
    %mul3A_53 = arith.constant 10000 : i32
    %mul3A_54 = arith.muli %add3A, %mul3A_53 : i32
    %add3A_55 = arith.constant 9920 : i32
    %add3A_56 = arith.addi %mul3A_54, %add3A_55 : i32
    %dma_start3A_57 = tpu.memref_slice %arg4[%add3A_56] : memref<320000xi32, #tpu.memory_space<hbm>> -> memref<80xi32, #tpu.memory_space<hbm>>
    %dma_start3A_58 = tpu.memref_slice %arg4[%add3A_56] : memref<320000xi32, #tpu.memory_space<hbm>> -> memref<80xi32, #tpu.memory_space<hbm>>
    tpu.enqueue_dma source(%dma_start3A_58 : memref<80xi32, #tpu.memory_space<hbm>>) target(%arg12 : memref<80xi32, #tpu.memory_space<vmem>>) target_semaphore(%arg25 : memref<!tpu.dma_semaphore, #tpu.memory_space<semaphore_mem>>)
    %mul3A_59 = arith.constant 10000 : i32
    %mul3A_60 = arith.muli %add3A, %mul3A_59 : i32
    %add3A_61 = arith.constant 9680 : i32
    %add3A_62 = arith.addi %mul3A_60, %add3A_61 : i32
    %dma_wait3A_63 = tpu.memref_slice %arg4[%add3A_62] : memref<320000xi32, #tpu.memory_space<hbm>> -> memref<80xi32, #tpu.memory_space<hbm>>
    %dma_wait3A_64 = tpu.memref_slice %arg4[%add3A_62] : memref<320000xi32, #tpu.memory_space<hbm>> -> memref<80xi32, #tpu.memory_space<hbm>>
    tpu.wait_dma2 semaphore(%arg26 : memref<!tpu.dma_semaphore, #tpu.memory_space<semaphore_mem>>) src(%dma_wait3A_64 : memref<80xi32, #tpu.memory_space<hbm>>) dst(%arg13 : memref<80xi32, #tpu.memory_space<vmem>>)
    "tpu.region"() ({
      %run_scoped3A = tpu.sem_alloc : memref<!tpu.dma_semaphore, #tpu.memory_space<semaphore_mem>>
      %dma_start3A_222 = arith.constant 0 : i32
      %dma_start3A_223 = arith.constant 0 : i32
      %dma_start3A_224 = tpu.memref_slice %arg20[%dma_start3A_222, %dma_start3A_223] : memref<10240x128xf32, #tpu.memory_space<vmem_shared>> -> memref<10240x128xf32, #tpu.memory_space<vmem_shared>>
      tpu.enqueue_indirect_dma source(%arg19 : memref<80x128xf32, #tpu.memory_space<vmem>>) target(%dma_start3A_224 : memref<10240x128xf32, #tpu.memory_space<vmem_shared>>) offsets(%arg13 : memref<80xi32, #tpu.memory_space<vmem>>) semaphore(%run_scoped3A : memref<!tpu.dma_semaphore, #tpu.memory_space<semaphore_mem>>) {add = true}
      %dma_wait3A_225 = arith.constant 0 : i32
      %dma_wait3A_226 = arith.constant 0 : i32
      %dma_wait3A_227 = tpu.memref_slice %arg20[%dma_wait3A_225, %dma_wait3A_226] : memref<10240x128xf32, #tpu.memory_space<vmem_shared>> -> memref<10240x128xf32, #tpu.memory_space<vmem_shared>>
      tpu.wait_indirect_dma semaphore(%run_scoped3A : memref<!tpu.dma_semaphore, #tpu.memory_space<semaphore_mem>>) src(%arg19 : memref<80x128xf32, #tpu.memory_space<vmem>>) dst(%dma_wait3A_227 : memref<10240x128xf32, #tpu.memory_space<vmem_shared>>)
      tpu.yield
    }) : () -> ()
    %mul3A_65 = arith.constant 10000 : i32
    %mul3A_66 = arith.muli %add3A, %mul3A_65 : i32
    %add3A_67 = arith.constant 9760 : i32
    %add3A_68 = arith.addi %mul3A_66, %add3A_67 : i32
    %dma_wait3A_69 = tpu.memref_slice %arg4[%add3A_68] : memref<320000xi32, #tpu.memory_space<hbm>> -> memref<80xi32, #tpu.memory_space<hbm>>
    %dma_wait3A_70 = tpu.memref_slice %arg4[%add3A_68] : memref<320000xi32, #tpu.memory_space<hbm>> -> memref<80xi32, #tpu.memory_space<hbm>>
    tpu.wait_dma2 semaphore(%arg27 : memref<!tpu.dma_semaphore, #tpu.memory_space<semaphore_mem>>) src(%dma_wait3A_70 : memref<80xi32, #tpu.memory_space<hbm>>) dst(%arg14 : memref<80xi32, #tpu.memory_space<vmem>>)
    "tpu.region"() ({
      %run_scoped3A = tpu.sem_alloc : memref<!tpu.dma_semaphore, #tpu.memory_space<semaphore_mem>>
      %dma_start3A_222 = arith.constant 0 : i32
      %dma_start3A_223 = arith.constant 0 : i32
      %dma_start3A_224 = tpu.memref_slice %arg20[%dma_start3A_222, %dma_start3A_223] : memref<10240x128xf32, #tpu.memory_space<vmem_shared>> -> memref<10240x128xf32, #tpu.memory_space<vmem_shared>>
      tpu.enqueue_indirect_dma source(%arg19 : memref<80x128xf32, #tpu.memory_space<vmem>>) target(%dma_start3A_224 : memref<10240x128xf32, #tpu.memory_space<vmem_shared>>) offsets(%arg14 : memref<80xi32, #tpu.memory_space<vmem>>) semaphore(%run_scoped3A : memref<!tpu.dma_semaphore, #tpu.memory_space<semaphore_mem>>) {add = true}
      %dma_wait3A_225 = arith.constant 0 : i32
      %dma_wait3A_226 = arith.constant 0 : i32
      %dma_wait3A_227 = tpu.memref_slice %arg20[%dma_wait3A_225, %dma_wait3A_226] : memref<10240x128xf32, #tpu.memory_space<vmem_shared>> -> memref<10240x128xf32, #tpu.memory_space<vmem_shared>>
      tpu.wait_indirect_dma semaphore(%run_scoped3A : memref<!tpu.dma_semaphore, #tpu.memory_space<semaphore_mem>>) src(%arg19 : memref<80x128xf32, #tpu.memory_space<vmem>>) dst(%dma_wait3A_227 : memref<10240x128xf32, #tpu.memory_space<vmem_shared>>)
      tpu.yield
    }) : () -> ()
    %mul3A_71 = arith.constant 10000 : i32
    %mul3A_72 = arith.muli %add3A, %mul3A_71 : i32
    %add3A_73 = arith.constant 9840 : i32
    %add3A_74 = arith.addi %mul3A_72, %add3A_73 : i32
    %dma_wait3A_75 = tpu.memref_slice %arg4[%add3A_74] : memref<320000xi32, #tpu.memory_space<hbm>> -> memref<80xi32, #tpu.memory_space<hbm>>
    %dma_wait3A_76 = tpu.memref_slice %arg4[%add3A_74] : memref<320000xi32, #tpu.memory_space<hbm>> -> memref<80xi32, #tpu.memory_space<hbm>>
    tpu.wait_dma2 semaphore(%arg28 : memref<!tpu.dma_semaphore, #tpu.memory_space<semaphore_mem>>) src(%dma_wait3A_76 : memref<80xi32, #tpu.memory_space<hbm>>) dst(%arg15 : memref<80xi32, #tpu.memory_space<vmem>>)
    "tpu.region"() ({
      %run_scoped3A = tpu.sem_alloc : memref<!tpu.dma_semaphore, #tpu.memory_space<semaphore_mem>>
      %dma_start3A_222 = arith.constant 0 : i32
      %dma_start3A_223 = arith.constant 0 : i32
      %dma_start3A_224 = tpu.memref_slice %arg20[%dma_start3A_222, %dma_start3A_223] : memref<10240x128xf32, #tpu.memory_space<vmem_shared>> -> memref<10240x128xf32, #tpu.memory_space<vmem_shared>>
      tpu.enqueue_indirect_dma source(%arg19 : memref<80x128xf32, #tpu.memory_space<vmem>>) target(%dma_start3A_224 : memref<10240x128xf32, #tpu.memory_space<vmem_shared>>) offsets(%arg15 : memref<80xi32, #tpu.memory_space<vmem>>) semaphore(%run_scoped3A : memref<!tpu.dma_semaphore, #tpu.memory_space<semaphore_mem>>) {add = true}
      %dma_wait3A_225 = arith.constant 0 : i32
      %dma_wait3A_226 = arith.constant 0 : i32
      %dma_wait3A_227 = tpu.memref_slice %arg20[%dma_wait3A_225, %dma_wait3A_226] : memref<10240x128xf32, #tpu.memory_space<vmem_shared>> -> memref<10240x128xf32, #tpu.memory_space<vmem_shared>>
      tpu.wait_indirect_dma semaphore(%run_scoped3A : memref<!tpu.dma_semaphore, #tpu.memory_space<semaphore_mem>>) src(%arg19 : memref<80x128xf32, #tpu.memory_space<vmem>>) dst(%dma_wait3A_227 : memref<10240x128xf32, #tpu.memory_space<vmem_shared>>)
      tpu.yield
    }) : () -> ()
    %mul3A_77 = arith.constant 10000 : i32
    %mul3A_78 = arith.muli %add3A, %mul3A_77 : i32
    %add3A_79 = arith.constant 9920 : i32
    %add3A_80 = arith.addi %mul3A_78, %add3A_79 : i32
    %dma_wait3A_81 = tpu.memref_slice %arg4[%add3A_80] : memref<320000xi32, #tpu.memory_space<hbm>> -> memref<80xi32, #tpu.memory_space<hbm>>
    %dma_wait3A_82 = tpu.memref_slice %arg4[%add3A_80] : memref<320000xi32, #tpu.memory_space<hbm>> -> memref<80xi32, #tpu.memory_space<hbm>>
    tpu.wait_dma2 semaphore(%arg25 : memref<!tpu.dma_semaphore, #tpu.memory_space<semaphore_mem>>) src(%dma_wait3A_82 : memref<80xi32, #tpu.memory_space<hbm>>) dst(%arg12 : memref<80xi32, #tpu.memory_space<vmem>>)
    "tpu.region"() ({
      %run_scoped3A = tpu.sem_alloc : memref<!tpu.dma_semaphore, #tpu.memory_space<semaphore_mem>>
      %dma_start3A_222 = arith.constant 0 : i32
      %dma_start3A_223 = arith.constant 0 : i32
      %dma_start3A_224 = tpu.memref_slice %arg20[%dma_start3A_222, %dma_start3A_223] : memref<10240x128xf32, #tpu.memory_space<vmem_shared>> -> memref<10240x128xf32, #tpu.memory_space<vmem_shared>>
      tpu.enqueue_indirect_dma source(%arg19 : memref<80x128xf32, #tpu.memory_space<vmem>>) target(%dma_start3A_224 : memref<10240x128xf32, #tpu.memory_space<vmem_shared>>) offsets(%arg12 : memref<80xi32, #tpu.memory_space<vmem>>) semaphore(%run_scoped3A : memref<!tpu.dma_semaphore, #tpu.memory_space<semaphore_mem>>) {add = true}
      %dma_wait3A_225 = arith.constant 0 : i32
      %dma_wait3A_226 = arith.constant 0 : i32
      %dma_wait3A_227 = tpu.memref_slice %arg20[%dma_wait3A_225, %dma_wait3A_226] : memref<10240x128xf32, #tpu.memory_space<vmem_shared>> -> memref<10240x128xf32, #tpu.memory_space<vmem_shared>>
      tpu.wait_indirect_dma semaphore(%run_scoped3A : memref<!tpu.dma_semaphore, #tpu.memory_space<semaphore_mem>>) src(%arg19 : memref<80x128xf32, #tpu.memory_space<vmem>>) dst(%dma_wait3A_227 : memref<10240x128xf32, #tpu.memory_space<vmem_shared>>)
      tpu.yield
    }) : () -> ()
    %barrier3A_83 = arith.constant 0 : index
    tpu.barrier barrier_id(%barrier3A_83)
    %mul3A_84 = arith.constant 640 : i32
    %mul3A_85 = arith.muli %arg1, %mul3A_84 : i32
    %mul3A_86 = arith.constant 640 : i32
    %mul3A_87 = arith.muli %arg1, %mul3A_86 : i32
    "tpu.region"() ({
      %run_scoped3A = tpu.sem_alloc : memref<!tpu.dma_semaphore, #tpu.memory_space<semaphore_mem>>
      %dma_start3A_222 = arith.constant 0 : i32
      %dma_start3A_223 = tpu.memref_slice %arg6[%arg0, %mul3A_87, %dma_start3A_222] : memref<2x10240x128xf32, #tpu.memory_space<hbm>> -> memref<1x640x128xf32, #tpu.memory_space<hbm>>
      %dma_start3A_224 = tpu.memref_squeeze %dma_start3A_223 : memref<1x640x128xf32, #tpu.memory_space<hbm>> -> memref<640x128xf32, #tpu.memory_space<hbm>>
      %dma_start3A_225 = arith.constant 0 : i32
      %dma_start3A_226 = tpu.memref_slice %arg20[%mul3A_85, %dma_start3A_225] : memref<10240x128xf32, #tpu.memory_space<vmem_shared>> -> memref<640x128xf32, #tpu.memory_space<vmem_shared>>
      tpu.enqueue_dma source(%dma_start3A_226 : memref<640x128xf32, #tpu.memory_space<vmem_shared>>) target(%dma_start3A_224 : memref<640x128xf32, #tpu.memory_space<hbm>>) target_semaphore(%run_scoped3A : memref<!tpu.dma_semaphore, #tpu.memory_space<semaphore_mem>>)
      %dma_wait3A_227 = arith.constant 0 : i32
      %dma_wait3A_228 = tpu.memref_slice %arg6[%arg0, %mul3A_87, %dma_wait3A_227] : memref<2x10240x128xf32, #tpu.memory_space<hbm>> -> memref<1x640x128xf32, #tpu.memory_space<hbm>>
      %dma_wait3A_229 = tpu.memref_squeeze %dma_wait3A_228 : memref<1x640x128xf32, #tpu.memory_space<hbm>> -> memref<640x128xf32, #tpu.memory_space<hbm>>
      %dma_wait3A_230 = arith.constant 0 : i32
      %dma_wait3A_231 = tpu.memref_slice %arg20[%mul3A_85, %dma_wait3A_230] : memref<10240x128xf32, #tpu.memory_space<vmem_shared>> -> memref<640x128xf32, #tpu.memory_space<vmem_shared>>
      tpu.wait_dma2 semaphore(%run_scoped3A : memref<!tpu.dma_semaphore, #tpu.memory_space<semaphore_mem>>) src(%dma_wait3A_231 : memref<640x128xf32, #tpu.memory_space<vmem_shared>>) dst(%dma_wait3A_229 : memref<640x128xf32, #tpu.memory_space<hbm>>)
      tpu.yield
    }) : () -> ()
    %mul3A_88 = arith.constant 640 : i32
    %mul3A_89 = arith.muli %arg1, %mul3A_88 : i32
    %mul3A_90 = arith.constant 640 : i32
    %mul3A_91 = arith.muli %arg1, %mul3A_90 : i32
    %dma_start3A_92 = arith.constant 0 : i32
    %dma_start3A_93 = tpu.memref_slice %arg20[%mul3A_91, %dma_start3A_92] : memref<10240x128xf32, #tpu.memory_space<vmem_shared>> -> memref<640x128xf32, #tpu.memory_space<vmem_shared>>
    %dma_start3A_94 = arith.constant 0 : i32
    %dma_start3A_95 = tpu.memref_slice %arg5[%mul3A_89, %dma_start3A_94] : memref<10240x128xf32, #tpu.memory_space<hbm>> -> memref<640x128xf32, #tpu.memory_space<hbm>>
    tpu.enqueue_dma source(%dma_start3A_95 : memref<640x128xf32, #tpu.memory_space<hbm>>) target(%dma_start3A_93 : memref<640x128xf32, #tpu.memory_space<vmem_shared>>) target_semaphore(%arg29 : memref<!tpu.dma_semaphore, #tpu.memory_space<semaphore_mem>>)
    %mul3A_96 = arith.constant 10000 : i32
    %mul3A_97 = arith.muli %add3A, %mul3A_96 : i32
    %add3A_98 = arith.constant 0 : i32
    %add3A_99 = arith.addi %mul3A_97, %add3A_98 : i32
    %dma_start3A_100 = tpu.memref_slice %arg3[%add3A_99] : memref<320000xi32, #tpu.memory_space<hbm>> -> memref<80xi32, #tpu.memory_space<hbm>>
    %dma_start3A_101 = tpu.memref_slice %arg3[%add3A_99] : memref<320000xi32, #tpu.memory_space<hbm>> -> memref<80xi32, #tpu.memory_space<hbm>>
    tpu.enqueue_dma source(%dma_start3A_101 : memref<80xi32, #tpu.memory_space<hbm>>) target(%arg8 : memref<80xi32, #tpu.memory_space<vmem>>) target_semaphore(%arg25 : memref<!tpu.dma_semaphore, #tpu.memory_space<semaphore_mem>>)
    %dma_start3A_102 = tpu.memref_slice %arg4[%add3A_99] : memref<320000xi32, #tpu.memory_space<hbm>> -> memref<80xi32, #tpu.memory_space<hbm>>
    %dma_start3A_103 = tpu.memref_slice %arg4[%add3A_99] : memref<320000xi32, #tpu.memory_space<hbm>> -> memref<80xi32, #tpu.memory_space<hbm>>
    tpu.enqueue_dma source(%dma_start3A_103 : memref<80xi32, #tpu.memory_space<hbm>>) target(%arg12 : memref<80xi32, #tpu.memory_space<vmem>>) target_semaphore(%arg25 : memref<!tpu.dma_semaphore, #tpu.memory_space<semaphore_mem>>)
    %mul3A_104 = arith.constant 10000 : i32
    %mul3A_105 = arith.muli %add3A, %mul3A_104 : i32
    %add3A_106 = arith.constant 80 : i32
    %add3A_107 = arith.addi %mul3A_105, %add3A_106 : i32
    %dma_start3A_108 = tpu.memref_slice %arg3[%add3A_107] : memref<320000xi32, #tpu.memory_space<hbm>> -> memref<80xi32, #tpu.memory_space<hbm>>
    %dma_start3A_109 = tpu.memref_slice %arg3[%add3A_107] : memref<320000xi32, #tpu.memory_space<hbm>> -> memref<80xi32, #tpu.memory_space<hbm>>
    tpu.enqueue_dma source(%dma_start3A_109 : memref<80xi32, #tpu.memory_space<hbm>>) target(%arg9 : memref<80xi32, #tpu.memory_space<vmem>>) target_semaphore(%arg26 : memref<!tpu.dma_semaphore, #tpu.memory_space<semaphore_mem>>)
    %dma_start3A_110 = tpu.memref_slice %arg4[%add3A_107] : memref<320000xi32, #tpu.memory_space<hbm>> -> memref<80xi32, #tpu.memory_space<hbm>>
    %dma_start3A_111 = tpu.memref_slice %arg4[%add3A_107] : memref<320000xi32, #tpu.memory_space<hbm>> -> memref<80xi32, #tpu.memory_space<hbm>>
    tpu.enqueue_dma source(%dma_start3A_111 : memref<80xi32, #tpu.memory_space<hbm>>) target(%arg13 : memref<80xi32, #tpu.memory_space<vmem>>) target_semaphore(%arg26 : memref<!tpu.dma_semaphore, #tpu.memory_space<semaphore_mem>>)
    %mul3A_112 = arith.constant 10000 : i32
    %mul3A_113 = arith.muli %add3A, %mul3A_112 : i32
    %add3A_114 = arith.constant 160 : i32
    %add3A_115 = arith.addi %mul3A_113, %add3A_114 : i32
    %dma_start3A_116 = tpu.memref_slice %arg3[%add3A_115] : memref<320000xi32, #tpu.memory_space<hbm>> -> memref<80xi32, #tpu.memory_space<hbm>>
    %dma_start3A_117 = tpu.memref_slice %arg3[%add3A_115] : memref<320000xi32, #tpu.memory_space<hbm>> -> memref<80xi32, #tpu.memory_space<hbm>>
    tpu.enqueue_dma source(%dma_start3A_117 : memref<80xi32, #tpu.memory_space<hbm>>) target(%arg10 : memref<80xi32, #tpu.memory_space<vmem>>) target_semaphore(%arg27 : memref<!tpu.dma_semaphore, #tpu.memory_space<semaphore_mem>>)
    %dma_start3A_118 = tpu.memref_slice %arg4[%add3A_115] : memref<320000xi32, #tpu.memory_space<hbm>> -> memref<80xi32, #tpu.memory_space<hbm>>
    %dma_start3A_119 = tpu.memref_slice %arg4[%add3A_115] : memref<320000xi32, #tpu.memory_space<hbm>> -> memref<80xi32, #tpu.memory_space<hbm>>
    tpu.enqueue_dma source(%dma_start3A_119 : memref<80xi32, #tpu.memory_space<hbm>>) target(%arg14 : memref<80xi32, #tpu.memory_space<vmem>>) target_semaphore(%arg27 : memref<!tpu.dma_semaphore, #tpu.memory_space<semaphore_mem>>)
    %mul3A_120 = arith.constant 10000 : i32
    %mul3A_121 = arith.muli %add3A, %mul3A_120 : i32
    %add3A_122 = arith.constant 240 : i32
    %add3A_123 = arith.addi %mul3A_121, %add3A_122 : i32
    %dma_start3A_124 = tpu.memref_slice %arg3[%add3A_123] : memref<320000xi32, #tpu.memory_space<hbm>> -> memref<80xi32, #tpu.memory_space<hbm>>
    %dma_start3A_125 = tpu.memref_slice %arg3[%add3A_123] : memref<320000xi32, #tpu.memory_space<hbm>> -> memref<80xi32, #tpu.memory_space<hbm>>
    tpu.enqueue_dma source(%dma_start3A_125 : memref<80xi32, #tpu.memory_space<hbm>>) target(%arg11 : memref<80xi32, #tpu.memory_space<vmem>>) target_semaphore(%arg28 : memref<!tpu.dma_semaphore, #tpu.memory_space<semaphore_mem>>)
    %dma_start3A_126 = tpu.memref_slice %arg4[%add3A_123] : memref<320000xi32, #tpu.memory_space<hbm>> -> memref<80xi32, #tpu.memory_space<hbm>>
    %dma_start3A_127 = tpu.memref_slice %arg4[%add3A_123] : memref<320000xi32, #tpu.memory_space<hbm>> -> memref<80xi32, #tpu.memory_space<hbm>>
    tpu.enqueue_dma source(%dma_start3A_127 : memref<80xi32, #tpu.memory_space<hbm>>) target(%arg15 : memref<80xi32, #tpu.memory_space<vmem>>) target_semaphore(%arg28 : memref<!tpu.dma_semaphore, #tpu.memory_space<semaphore_mem>>)
    %mul3A_128 = arith.constant 10000 : i32
    %mul3A_129 = arith.muli %add3A, %mul3A_128 : i32
    %add3A_130 = arith.constant 0 : i32
    %add3A_131 = arith.addi %mul3A_129, %add3A_130 : i32
    %dma_wait3A_132 = tpu.memref_slice %arg3[%add3A_131] : memref<320000xi32, #tpu.memory_space<hbm>> -> memref<80xi32, #tpu.memory_space<hbm>>
    %dma_wait3A_133 = tpu.memref_slice %arg3[%add3A_131] : memref<320000xi32, #tpu.memory_space<hbm>> -> memref<80xi32, #tpu.memory_space<hbm>>
    tpu.wait_dma2 semaphore(%arg25 : memref<!tpu.dma_semaphore, #tpu.memory_space<semaphore_mem>>) src(%dma_wait3A_133 : memref<80xi32, #tpu.memory_space<hbm>>) dst(%arg8 : memref<80xi32, #tpu.memory_space<vmem>>)
    %dma_wait3A_134 = tpu.memref_slice %arg4[%add3A_131] : memref<320000xi32, #tpu.memory_space<hbm>> -> memref<80xi32, #tpu.memory_space<hbm>>
    %dma_wait3A_135 = tpu.memref_slice %arg4[%add3A_131] : memref<320000xi32, #tpu.memory_space<hbm>> -> memref<80xi32, #tpu.memory_space<hbm>>
    tpu.wait_dma2 semaphore(%arg25 : memref<!tpu.dma_semaphore, #tpu.memory_space<semaphore_mem>>) src(%dma_wait3A_135 : memref<80xi32, #tpu.memory_space<hbm>>) dst(%arg12 : memref<80xi32, #tpu.memory_space<vmem>>)
    %dma_start3A_136 = arith.constant 0 : i32
    %dma_start3A_137 = arith.constant 0 : i32
    %dma_start3A_138 = tpu.memref_slice %arg2[%dma_start3A_136, %dma_start3A_137] : memref<10000x128xf32, #tpu.memory_space<hbm>> -> memref<10000x128xf32, #tpu.memory_space<hbm>>
    tpu.enqueue_indirect_dma source(%dma_start3A_138 : memref<10000x128xf32, #tpu.memory_space<hbm>>) target(%arg16 : memref<80x128xf32, #tpu.memory_space<vmem>>) offsets(%arg8 : memref<80xi32, #tpu.memory_space<vmem>>) semaphore(%arg21 : memref<!tpu.dma_semaphore, #tpu.memory_space<semaphore_mem>>)
    %mul3A_139 = arith.constant 10000 : i32
    %mul3A_140 = arith.muli %add3A, %mul3A_139 : i32
    %add3A_141 = arith.constant 80 : i32
    %add3A_142 = arith.addi %mul3A_140, %add3A_141 : i32
    %dma_wait3A_143 = tpu.memref_slice %arg3[%add3A_142] : memref<320000xi32, #tpu.memory_space<hbm>> -> memref<80xi32, #tpu.memory_space<hbm>>
    %dma_wait3A_144 = tpu.memref_slice %arg3[%add3A_142] : memref<320000xi32, #tpu.memory_space<hbm>> -> memref<80xi32, #tpu.memory_space<hbm>>
    tpu.wait_dma2 semaphore(%arg26 : memref<!tpu.dma_semaphore, #tpu.memory_space<semaphore_mem>>) src(%dma_wait3A_144 : memref<80xi32, #tpu.memory_space<hbm>>) dst(%arg9 : memref<80xi32, #tpu.memory_space<vmem>>)
    %dma_wait3A_145 = tpu.memref_slice %arg4[%add3A_142] : memref<320000xi32, #tpu.memory_space<hbm>> -> memref<80xi32, #tpu.memory_space<hbm>>
    %dma_wait3A_146 = tpu.memref_slice %arg4[%add3A_142] : memref<320000xi32, #tpu.memory_space<hbm>> -> memref<80xi32, #tpu.memory_space<hbm>>
    tpu.wait_dma2 semaphore(%arg26 : memref<!tpu.dma_semaphore, #tpu.memory_space<semaphore_mem>>) src(%dma_wait3A_146 : memref<80xi32, #tpu.memory_space<hbm>>) dst(%arg13 : memref<80xi32, #tpu.memory_space<vmem>>)
    %dma_start3A_147 = arith.constant 0 : i32
    %dma_start3A_148 = arith.constant 0 : i32
    %dma_start3A_149 = tpu.memref_slice %arg2[%dma_start3A_147, %dma_start3A_148] : memref<10000x128xf32, #tpu.memory_space<hbm>> -> memref<10000x128xf32, #tpu.memory_space<hbm>>
    tpu.enqueue_indirect_dma source(%dma_start3A_149 : memref<10000x128xf32, #tpu.memory_space<hbm>>) target(%arg17 : memref<80x128xf32, #tpu.memory_space<vmem>>) offsets(%arg9 : memref<80xi32, #tpu.memory_space<vmem>>) semaphore(%arg22 : memref<!tpu.dma_semaphore, #tpu.memory_space<semaphore_mem>>)
    %mul3A_150 = arith.constant 10000 : i32
    %mul3A_151 = arith.muli %add3A, %mul3A_150 : i32
    %add3A_152 = arith.constant 160 : i32
    %add3A_153 = arith.addi %mul3A_151, %add3A_152 : i32
    %dma_wait3A_154 = tpu.memref_slice %arg3[%add3A_153] : memref<320000xi32, #tpu.memory_space<hbm>> -> memref<80xi32, #tpu.memory_space<hbm>>
    %dma_wait3A_155 = tpu.memref_slice %arg3[%add3A_153] : memref<320000xi32, #tpu.memory_space<hbm>> -> memref<80xi32, #tpu.memory_space<hbm>>
    tpu.wait_dma2 semaphore(%arg27 : memref<!tpu.dma_semaphore, #tpu.memory_space<semaphore_mem>>) src(%dma_wait3A_155 : memref<80xi32, #tpu.memory_space<hbm>>) dst(%arg10 : memref<80xi32, #tpu.memory_space<vmem>>)
    %dma_wait3A_156 = tpu.memref_slice %arg4[%add3A_153] : memref<320000xi32, #tpu.memory_space<hbm>> -> memref<80xi32, #tpu.memory_space<hbm>>
    %dma_wait3A_157 = tpu.memref_slice %arg4[%add3A_153] : memref<320000xi32, #tpu.memory_space<hbm>> -> memref<80xi32, #tpu.memory_space<hbm>>
    tpu.wait_dma2 semaphore(%arg27 : memref<!tpu.dma_semaphore, #tpu.memory_space<semaphore_mem>>) src(%dma_wait3A_157 : memref<80xi32, #tpu.memory_space<hbm>>) dst(%arg14 : memref<80xi32, #tpu.memory_space<vmem>>)
    %dma_start3A_158 = arith.constant 0 : i32
    %dma_start3A_159 = arith.constant 0 : i32
    %dma_start3A_160 = tpu.memref_slice %arg2[%dma_start3A_158, %dma_start3A_159] : memref<10000x128xf32, #tpu.memory_space<hbm>> -> memref<10000x128xf32, #tpu.memory_space<hbm>>
    tpu.enqueue_indirect_dma source(%dma_start3A_160 : memref<10000x128xf32, #tpu.memory_space<hbm>>) target(%arg18 : memref<80x128xf32, #tpu.memory_space<vmem>>) offsets(%arg10 : memref<80xi32, #tpu.memory_space<vmem>>) semaphore(%arg23 : memref<!tpu.dma_semaphore, #tpu.memory_space<semaphore_mem>>)
    %dma_wait3A_161 = arith.constant 0 : i32
    %dma_wait3A_162 = tpu.memref_slice %arg20[%mul3A_91, %dma_wait3A_161] : memref<10240x128xf32, #tpu.memory_space<vmem_shared>> -> memref<640x128xf32, #tpu.memory_space<vmem_shared>>
    %dma_wait3A_163 = arith.constant 0 : i32
    %dma_wait3A_164 = tpu.memref_slice %arg5[%mul3A_89, %dma_wait3A_163] : memref<10240x128xf32, #tpu.memory_space<hbm>> -> memref<640x128xf32, #tpu.memory_space<hbm>>
    tpu.wait_dma2 semaphore(%arg29 : memref<!tpu.dma_semaphore, #tpu.memory_space<semaphore_mem>>) src(%dma_wait3A_164 : memref<640x128xf32, #tpu.memory_space<hbm>>) dst(%dma_wait3A_162 : memref<640x128xf32, #tpu.memory_space<vmem_shared>>)
    %barrier3A_165 = arith.constant 0 : index
    tpu.barrier barrier_id(%barrier3A_165)
    %scan3A_166 = arith.constant 0 : i32
    %scan3A_167 = arith.constant 0 : i32
    %scan3A_168 = arith.constant 30 : i32
    %scan3A_169 = arith.addi %scan3A_167, %scan3A_168 : i32
    %scan3A_170 = arith.constant 1 : i32
    scf.for %scan3A_222 = %scan3A_167 to %scan3A_169 step %scan3A_170  : i32 {
      %mul3A_223 = arith.constant 4 : i32
      %mul3A_224 = arith.muli %mul3A_223, %scan3A_222 : i32
      %dma_wait3A_225 = arith.constant 0 : i32
      %dma_wait3A_226 = arith.constant 0 : i32
      %dma_wait3A_227 = tpu.memref_slice %arg2[%dma_wait3A_225, %dma_wait3A_226] : memref<10000x128xf32, #tpu.memory_space<hbm>> -> memref<10000x128xf32, #tpu.memory_space<hbm>>
      tpu.wait_indirect_dma semaphore(%arg21 : memref<!tpu.dma_semaphore, #tpu.memory_space<semaphore_mem>>) src(%dma_wait3A_227 : memref<10000x128xf32, #tpu.memory_space<hbm>>) dst(%arg16 : memref<80x128xf32, #tpu.memory_space<vmem>>)
      "tpu.region"() ({
        %run_scoped3A = tpu.sem_alloc : memref<!tpu.dma_semaphore, #tpu.memory_space<semaphore_mem>>
        %dma_start3A_360 = arith.constant 0 : i32
        %dma_start3A_361 = arith.constant 0 : i32
        %dma_start3A_362 = tpu.memref_slice %arg20[%dma_start3A_360, %dma_start3A_361] : memref<10240x128xf32, #tpu.memory_space<vmem_shared>> -> memref<10240x128xf32, #tpu.memory_space<vmem_shared>>
        tpu.enqueue_indirect_dma source(%arg16 : memref<80x128xf32, #tpu.memory_space<vmem>>) target(%dma_start3A_362 : memref<10240x128xf32, #tpu.memory_space<vmem_shared>>) offsets(%arg12 : memref<80xi32, #tpu.memory_space<vmem>>) semaphore(%run_scoped3A : memref<!tpu.dma_semaphore, #tpu.memory_space<semaphore_mem>>) {add = true}
        %dma_wait3A_363 = arith.constant 0 : i32
        %dma_wait3A_364 = arith.constant 0 : i32
        %dma_wait3A_365 = tpu.memref_slice %arg20[%dma_wait3A_363, %dma_wait3A_364] : memref<10240x128xf32, #tpu.memory_space<vmem_shared>> -> memref<10240x128xf32, #tpu.memory_space<vmem_shared>>
        tpu.wait_indirect_dma semaphore(%run_scoped3A : memref<!tpu.dma_semaphore, #tpu.memory_space<semaphore_mem>>) src(%arg16 : memref<80x128xf32, #tpu.memory_space<vmem>>) dst(%dma_wait3A_365 : memref<10240x128xf32, #tpu.memory_space<vmem_shared>>)
        tpu.yield
      }) : () -> ()
      %add3A_228 = arith.constant 0 : i32
      %add3A_229 = arith.addi %mul3A_224, %add3A_228 : i32
      %add3A_230 = arith.constant 4 : i32
      %add3A_231 = arith.addi %add3A_229, %add3A_230 : i32
      %mul3A_232 = arith.constant 10000 : i32
      %mul3A_233 = arith.muli %add3A, %mul3A_232 : i32
      %mul3A_234 = arith.constant 80 : i32
      %mul3A_235 = arith.muli %add3A_231, %mul3A_234 : i32
      %add3A_236 = arith.addi %mul3A_233, %mul3A_235 : i32
      %dma_start3A_237 = tpu.memref_slice %arg3[%add3A_236] : memref<320000xi32, #tpu.memory_space<hbm>> -> memref<80xi32, #tpu.memory_space<hbm>>
      %dma_start3A_238 = tpu.memref_slice %arg3[%add3A_236] : memref<320000xi32, #tpu.memory_space<hbm>> -> memref<80xi32, #tpu.memory_space<hbm>>
      tpu.enqueue_dma source(%dma_start3A_238 : memref<80xi32, #tpu.memory_space<hbm>>) target(%arg8 : memref<80xi32, #tpu.memory_space<vmem>>) target_semaphore(%arg25 : memref<!tpu.dma_semaphore, #tpu.memory_space<semaphore_mem>>)
      %dma_start3A_239 = tpu.memref_slice %arg4[%add3A_236] : memref<320000xi32, #tpu.memory_space<hbm>> -> memref<80xi32, #tpu.memory_space<hbm>>
      %dma_start3A_240 = tpu.memref_slice %arg4[%add3A_236] : memref<320000xi32, #tpu.memory_space<hbm>> -> memref<80xi32, #tpu.memory_space<hbm>>
      tpu.enqueue_dma source(%dma_start3A_240 : memref<80xi32, #tpu.memory_space<hbm>>) target(%arg12 : memref<80xi32, #tpu.memory_space<vmem>>) target_semaphore(%arg25 : memref<!tpu.dma_semaphore, #tpu.memory_space<semaphore_mem>>)
      %add3A_241 = arith.constant 0 : i32
      %add3A_242 = arith.addi %mul3A_224, %add3A_241 : i32
      %add3A_243 = arith.constant 4 : i32
      %add3A_244 = arith.addi %add3A_242, %add3A_243 : i32
      %sub3A = arith.constant 1 : i32
      %sub3A_245 = arith.subi %add3A_244, %sub3A : i32
      %mul3A_246 = arith.constant 10000 : i32
      %mul3A_247 = arith.muli %add3A, %mul3A_246 : i32
      %mul3A_248 = arith.constant 80 : i32
      %mul3A_249 = arith.muli %sub3A_245, %mul3A_248 : i32
      %add3A_250 = arith.addi %mul3A_247, %mul3A_249 : i32
      %dma_wait3A_251 = tpu.memref_slice %arg3[%add3A_250] : memref<320000xi32, #tpu.memory_space<hbm>> -> memref<80xi32, #tpu.memory_space<hbm>>
      %dma_wait3A_252 = tpu.memref_slice %arg3[%add3A_250] : memref<320000xi32, #tpu.memory_space<hbm>> -> memref<80xi32, #tpu.memory_space<hbm>>
      tpu.wait_dma2 semaphore(%arg28 : memref<!tpu.dma_semaphore, #tpu.memory_space<semaphore_mem>>) src(%dma_wait3A_252 : memref<80xi32, #tpu.memory_space<hbm>>) dst(%arg11 : memref<80xi32, #tpu.memory_space<vmem>>)
      %dma_wait3A_253 = tpu.memref_slice %arg4[%add3A_250] : memref<320000xi32, #tpu.memory_space<hbm>> -> memref<80xi32, #tpu.memory_space<hbm>>
      %dma_wait3A_254 = tpu.memref_slice %arg4[%add3A_250] : memref<320000xi32, #tpu.memory_space<hbm>> -> memref<80xi32, #tpu.memory_space<hbm>>
      tpu.wait_dma2 semaphore(%arg28 : memref<!tpu.dma_semaphore, #tpu.memory_space<semaphore_mem>>) src(%dma_wait3A_254 : memref<80xi32, #tpu.memory_space<hbm>>) dst(%arg15 : memref<80xi32, #tpu.memory_space<vmem>>)
      %dma_start3A_255 = arith.constant 0 : i32
      %dma_start3A_256 = arith.constant 0 : i32
      %dma_start3A_257 = tpu.memref_slice %arg2[%dma_start3A_255, %dma_start3A_256] : memref<10000x128xf32, #tpu.memory_space<hbm>> -> memref<10000x128xf32, #tpu.memory_space<hbm>>
      tpu.enqueue_indirect_dma source(%dma_start3A_257 : memref<10000x128xf32, #tpu.memory_space<hbm>>) target(%arg19 : memref<80x128xf32, #tpu.memory_space<vmem>>) offsets(%arg11 : memref<80xi32, #tpu.memory_space<vmem>>) semaphore(%arg24 : memref<!tpu.dma_semaphore, #tpu.memory_space<semaphore_mem>>)
      %dma_wait3A_258 = arith.constant 0 : i32
      %dma_wait3A_259 = arith.constant 0 : i32
      %dma_wait3A_260 = tpu.memref_slice %arg2[%dma_wait3A_258, %dma_wait3A_259] : memref<10000x128xf32, #tpu.memory_space<hbm>> -> memref<10000x128xf32, #tpu.memory_space<hbm>>
      tpu.wait_indirect_dma semaphore(%arg22 : memref<!tpu.dma_semaphore, #tpu.memory_space<semaphore_mem>>) src(%dma_wait3A_260 : memref<10000x128xf32, #tpu.memory_space<hbm>>) dst(%arg17 : memref<80x128xf32, #tpu.memory_space<vmem>>)
      "tpu.region"() ({
        %run_scoped3A = tpu.sem_alloc : memref<!tpu.dma_semaphore, #tpu.memory_space<semaphore_mem>>
        %dma_start3A_360 = arith.constant 0 : i32
        %dma_start3A_361 = arith.constant 0 : i32
        %dma_start3A_362 = tpu.memref_slice %arg20[%dma_start3A_360, %dma_start3A_361] : memref<10240x128xf32, #tpu.memory_space<vmem_shared>> -> memref<10240x128xf32, #tpu.memory_space<vmem_shared>>
        tpu.enqueue_indirect_dma source(%arg17 : memref<80x128xf32, #tpu.memory_space<vmem>>) target(%dma_start3A_362 : memref<10240x128xf32, #tpu.memory_space<vmem_shared>>) offsets(%arg13 : memref<80xi32, #tpu.memory_space<vmem>>) semaphore(%run_scoped3A : memref<!tpu.dma_semaphore, #tpu.memory_space<semaphore_mem>>) {add = true}
        %dma_wait3A_363 = arith.constant 0 : i32
        %dma_wait3A_364 = arith.constant 0 : i32
        %dma_wait3A_365 = tpu.memref_slice %arg20[%dma_wait3A_363, %dma_wait3A_364] : memref<10240x128xf32, #tpu.memory_space<vmem_shared>> -> memref<10240x128xf32, #tpu.memory_space<vmem_shared>>
        tpu.wait_indirect_dma semaphore(%run_scoped3A : memref<!tpu.dma_semaphore, #tpu.memory_space<semaphore_mem>>) src(%arg17 : memref<80x128xf32, #tpu.memory_space<vmem>>) dst(%dma_wait3A_365 : memref<10240x128xf32, #tpu.memory_space<vmem_shared>>)
        tpu.yield
      }) : () -> ()
      %add3A_261 = arith.constant 1 : i32
      %add3A_262 = arith.addi %mul3A_224, %add3A_261 : i32
      %add3A_263 = arith.constant 4 : i32
      %add3A_264 = arith.addi %add3A_262, %add3A_263 : i32
      %mul3A_265 = arith.constant 10000 : i32
      %mul3A_266 = arith.muli %add3A, %mul3A_265 : i32
      %mul3A_267 = arith.constant 80 : i32
      %mul3A_268 = arith.muli %add3A_264, %mul3A_267 : i32
      %add3A_269 = arith.addi %mul3A_266, %mul3A_268 : i32
      %dma_start3A_270 = tpu.memref_slice %arg3[%add3A_269] : memref<320000xi32, #tpu.memory_space<hbm>> -> memref<80xi32, #tpu.memory_space<hbm>>
      %dma_start3A_271 = tpu.memref_slice %arg3[%add3A_269] : memref<320000xi32, #tpu.memory_space<hbm>> -> memref<80xi32, #tpu.memory_space<hbm>>
      tpu.enqueue_dma source(%dma_start3A_271 : memref<80xi32, #tpu.memory_space<hbm>>) target(%arg9 : memref<80xi32, #tpu.memory_space<vmem>>) target_semaphore(%arg26 : memref<!tpu.dma_semaphore, #tpu.memory_space<semaphore_mem>>)
      %dma_start3A_272 = tpu.memref_slice %arg4[%add3A_269] : memref<320000xi32, #tpu.memory_space<hbm>> -> memref<80xi32, #tpu.memory_space<hbm>>
      %dma_start3A_273 = tpu.memref_slice %arg4[%add3A_269] : memref<320000xi32, #tpu.memory_space<hbm>> -> memref<80xi32, #tpu.memory_space<hbm>>
      tpu.enqueue_dma source(%dma_start3A_273 : memref<80xi32, #tpu.memory_space<hbm>>) target(%arg13 : memref<80xi32, #tpu.memory_space<vmem>>) target_semaphore(%arg26 : memref<!tpu.dma_semaphore, #tpu.memory_space<semaphore_mem>>)
      %add3A_274 = arith.constant 1 : i32
      %add3A_275 = arith.addi %mul3A_224, %add3A_274 : i32
      %add3A_276 = arith.constant 4 : i32
      %add3A_277 = arith.addi %add3A_275, %add3A_276 : i32
      %sub3A_278 = arith.constant 1 : i32
      %sub3A_279 = arith.subi %add3A_277, %sub3A_278 : i32
      %mul3A_280 = arith.constant 10000 : i32
      %mul3A_281 = arith.muli %add3A, %mul3A_280 : i32
      %mul3A_282 = arith.constant 80 : i32
      %mul3A_283 = arith.muli %sub3A_279, %mul3A_282 : i32
      %add3A_284 = arith.addi %mul3A_281, %mul3A_283 : i32
      %dma_wait3A_285 = tpu.memref_slice %arg3[%add3A_284] : memref<320000xi32, #tpu.memory_space<hbm>> -> memref<80xi32, #tpu.memory_space<hbm>>
      %dma_wait3A_286 = tpu.memref_slice %arg3[%add3A_284] : memref<320000xi32, #tpu.memory_space<hbm>> -> memref<80xi32, #tpu.memory_space<hbm>>
      tpu.wait_dma2 semaphore(%arg25 : memref<!tpu.dma_semaphore, #tpu.memory_space<semaphore_mem>>) src(%dma_wait3A_286 : memref<80xi32, #tpu.memory_space<hbm>>) dst(%arg8 : memref<80xi32, #tpu.memory_space<vmem>>)
      %dma_wait3A_287 = tpu.memref_slice %arg4[%add3A_284] : memref<320000xi32, #tpu.memory_space<hbm>> -> memref<80xi32, #tpu.memory_space<hbm>>
      %dma_wait3A_288 = tpu.memref_slice %arg4[%add3A_284] : memref<320000xi32, #tpu.memory_space<hbm>> -> memref<80xi32, #tpu.memory_space<hbm>>
      tpu.wait_dma2 semaphore(%arg25 : memref<!tpu.dma_semaphore, #tpu.memory_space<semaphore_mem>>) src(%dma_wait3A_288 : memref<80xi32, #tpu.memory_space<hbm>>) dst(%arg12 : memref<80xi32, #tpu.memory_space<vmem>>)
      %dma_start3A_289 = arith.constant 0 : i32
      %dma_start3A_290 = arith.constant 0 : i32
      %dma_start3A_291 = tpu.memref_slice %arg2[%dma_start3A_289, %dma_start3A_290] : memref<10000x128xf32, #tpu.memory_space<hbm>> -> memref<10000x128xf32, #tpu.memory_space<hbm>>
      tpu.enqueue_indirect_dma source(%dma_start3A_291 : memref<10000x128xf32, #tpu.memory_space<hbm>>) target(%arg16 : memref<80x128xf32, #tpu.memory_space<vmem>>) offsets(%arg8 : memref<80xi32, #tpu.memory_space<vmem>>) semaphore(%arg21 : memref<!tpu.dma_semaphore, #tpu.memory_space<semaphore_mem>>)
      %dma_wait3A_292 = arith.constant 0 : i32
      %dma_wait3A_293 = arith.constant 0 : i32
      %dma_wait3A_294 = tpu.memref_slice %arg2[%dma_wait3A_292, %dma_wait3A_293] : memref<10000x128xf32, #tpu.memory_space<hbm>> -> memref<10000x128xf32, #tpu.memory_space<hbm>>
      tpu.wait_indirect_dma semaphore(%arg23 : memref<!tpu.dma_semaphore, #tpu.memory_space<semaphore_mem>>) src(%dma_wait3A_294 : memref<10000x128xf32, #tpu.memory_space<hbm>>) dst(%arg18 : memref<80x128xf32, #tpu.memory_space<vmem>>)
      "tpu.region"() ({
        %run_scoped3A = tpu.sem_alloc : memref<!tpu.dma_semaphore, #tpu.memory_space<semaphore_mem>>
        %dma_start3A_360 = arith.constant 0 : i32
        %dma_start3A_361 = arith.constant 0 : i32
        %dma_start3A_362 = tpu.memref_slice %arg20[%dma_start3A_360, %dma_start3A_361] : memref<10240x128xf32, #tpu.memory_space<vmem_shared>> -> memref<10240x128xf32, #tpu.memory_space<vmem_shared>>
        tpu.enqueue_indirect_dma source(%arg18 : memref<80x128xf32, #tpu.memory_space<vmem>>) target(%dma_start3A_362 : memref<10240x128xf32, #tpu.memory_space<vmem_shared>>) offsets(%arg14 : memref<80xi32, #tpu.memory_space<vmem>>) semaphore(%run_scoped3A : memref<!tpu.dma_semaphore, #tpu.memory_space<semaphore_mem>>) {add = true}
        %dma_wait3A_363 = arith.constant 0 : i32
        %dma_wait3A_364 = arith.constant 0 : i32
        %dma_wait3A_365 = tpu.memref_slice %arg20[%dma_wait3A_363, %dma_wait3A_364] : memref<10240x128xf32, #tpu.memory_space<vmem_shared>> -> memref<10240x128xf32, #tpu.memory_space<vmem_shared>>
        tpu.wait_indirect_dma semaphore(%run_scoped3A : memref<!tpu.dma_semaphore, #tpu.memory_space<semaphore_mem>>) src(%arg18 : memref<80x128xf32, #tpu.memory_space<vmem>>) dst(%dma_wait3A_365 : memref<10240x128xf32, #tpu.memory_space<vmem_shared>>)
        tpu.yield
      }) : () -> ()
      %add3A_295 = arith.constant 2 : i32
      %add3A_296 = arith.addi %mul3A_224, %add3A_295 : i32
      %add3A_297 = arith.constant 4 : i32
      %add3A_298 = arith.addi %add3A_296, %add3A_297 : i32
      %mul3A_299 = arith.constant 10000 : i32
      %mul3A_300 = arith.muli %add3A, %mul3A_299 : i32
      %mul3A_301 = arith.constant 80 : i32
      %mul3A_302 = arith.muli %add3A_298, %mul3A_301 : i32
      %add3A_303 = arith.addi %mul3A_300, %mul3A_302 : i32
      %dma_start3A_304 = tpu.memref_slice %arg3[%add3A_303] : memref<320000xi32, #tpu.memory_space<hbm>> -> memref<80xi32, #tpu.memory_space<hbm>>
      %dma_start3A_305 = tpu.memref_slice %arg3[%add3A_303] : memref<320000xi32, #tpu.memory_space<hbm>> -> memref<80xi32, #tpu.memory_space<hbm>>
      tpu.enqueue_dma source(%dma_start3A_305 : memref<80xi32, #tpu.memory_space<hbm>>) target(%arg10 : memref<80xi32, #tpu.memory_space<vmem>>) target_semaphore(%arg27 : memref<!tpu.dma_semaphore, #tpu.memory_space<semaphore_mem>>)
      %dma_start3A_306 = tpu.memref_slice %arg4[%add3A_303] : memref<320000xi32, #tpu.memory_space<hbm>> -> memref<80xi32, #tpu.memory_space<hbm>>
      %dma_start3A_307 = tpu.memref_slice %arg4[%add3A_303] : memref<320000xi32, #tpu.memory_space<hbm>> -> memref<80xi32, #tpu.memory_space<hbm>>
      tpu.enqueue_dma source(%dma_start3A_307 : memref<80xi32, #tpu.memory_space<hbm>>) target(%arg14 : memref<80xi32, #tpu.memory_space<vmem>>) target_semaphore(%arg27 : memref<!tpu.dma_semaphore, #tpu.memory_space<semaphore_mem>>)
      %add3A_308 = arith.constant 2 : i32
      %add3A_309 = arith.addi %mul3A_224, %add3A_308 : i32
      %add3A_310 = arith.constant 4 : i32
      %add3A_311 = arith.addi %add3A_309, %add3A_310 : i32
      %sub3A_312 = arith.constant 1 : i32
      %sub3A_313 = arith.subi %add3A_311, %sub3A_312 : i32
      %mul3A_314 = arith.constant 10000 : i32
      %mul3A_315 = arith.muli %add3A, %mul3A_314 : i32
      %mul3A_316 = arith.constant 80 : i32
      %mul3A_317 = arith.muli %sub3A_313, %mul3A_316 : i32
      %add3A_318 = arith.addi %mul3A_315, %mul3A_317 : i32
      %dma_wait3A_319 = tpu.memref_slice %arg3[%add3A_318] : memref<320000xi32, #tpu.memory_space<hbm>> -> memref<80xi32, #tpu.memory_space<hbm>>
      %dma_wait3A_320 = tpu.memref_slice %arg3[%add3A_318] : memref<320000xi32, #tpu.memory_space<hbm>> -> memref<80xi32, #tpu.memory_space<hbm>>
      tpu.wait_dma2 semaphore(%arg26 : memref<!tpu.dma_semaphore, #tpu.memory_space<semaphore_mem>>) src(%dma_wait3A_320 : memref<80xi32, #tpu.memory_space<hbm>>) dst(%arg9 : memref<80xi32, #tpu.memory_space<vmem>>)
      %dma_wait3A_321 = tpu.memref_slice %arg4[%add3A_318] : memref<320000xi32, #tpu.memory_space<hbm>> -> memref<80xi32, #tpu.memory_space<hbm>>
      %dma_wait3A_322 = tpu.memref_slice %arg4[%add3A_318] : memref<320000xi32, #tpu.memory_space<hbm>> -> memref<80xi32, #tpu.memory_space<hbm>>
      tpu.wait_dma2 semaphore(%arg26 : memref<!tpu.dma_semaphore, #tpu.memory_space<semaphore_mem>>) src(%dma_wait3A_322 : memref<80xi32, #tpu.memory_space<hbm>>) dst(%arg13 : memref<80xi32, #tpu.memory_space<vmem>>)
      %dma_start3A_323 = arith.constant 0 : i32
      %dma_start3A_324 = arith.constant 0 : i32
      %dma_start3A_325 = tpu.memref_slice %arg2[%dma_start3A_323, %dma_start3A_324] : memref<10000x128xf32, #tpu.memory_space<hbm>> -> memref<10000x128xf32, #tpu.memory_space<hbm>>
      tpu.enqueue_indirect_dma source(%dma_start3A_325 : memref<10000x128xf32, #tpu.memory_space<hbm>>) target(%arg17 : memref<80x128xf32, #tpu.memory_space<vmem>>) offsets(%arg9 : memref<80xi32, #tpu.memory_space<vmem>>) semaphore(%arg22 : memref<!tpu.dma_semaphore, #tpu.memory_space<semaphore_mem>>)
      %dma_wait3A_326 = arith.constant 0 : i32
      %dma_wait3A_327 = arith.constant 0 : i32
      %dma_wait3A_328 = tpu.memref_slice %arg2[%dma_wait3A_326, %dma_wait3A_327] : memref<10000x128xf32, #tpu.memory_space<hbm>> -> memref<10000x128xf32, #tpu.memory_space<hbm>>
      tpu.wait_indirect_dma semaphore(%arg24 : memref<!tpu.dma_semaphore, #tpu.memory_space<semaphore_mem>>) src(%dma_wait3A_328 : memref<10000x128xf32, #tpu.memory_space<hbm>>) dst(%arg19 : memref<80x128xf32, #tpu.memory_space<vmem>>)
      "tpu.region"() ({
        %run_scoped3A = tpu.sem_alloc : memref<!tpu.dma_semaphore, #tpu.memory_space<semaphore_mem>>
        %dma_start3A_360 = arith.constant 0 : i32
        %dma_start3A_361 = arith.constant 0 : i32
        %dma_start3A_362 = tpu.memref_slice %arg20[%dma_start3A_360, %dma_start3A_361] : memref<10240x128xf32, #tpu.memory_space<vmem_shared>> -> memref<10240x128xf32, #tpu.memory_space<vmem_shared>>
        tpu.enqueue_indirect_dma source(%arg19 : memref<80x128xf32, #tpu.memory_space<vmem>>) target(%dma_start3A_362 : memref<10240x128xf32, #tpu.memory_space<vmem_shared>>) offsets(%arg15 : memref<80xi32, #tpu.memory_space<vmem>>) semaphore(%run_scoped3A : memref<!tpu.dma_semaphore, #tpu.memory_space<semaphore_mem>>) {add = true}
        %dma_wait3A_363 = arith.constant 0 : i32
        %dma_wait3A_364 = arith.constant 0 : i32
        %dma_wait3A_365 = tpu.memref_slice %arg20[%dma_wait3A_363, %dma_wait3A_364] : memref<10240x128xf32, #tpu.memory_space<vmem_shared>> -> memref<10240x128xf32, #tpu.memory_space<vmem_shared>>
        tpu.wait_indirect_dma semaphore(%run_scoped3A : memref<!tpu.dma_semaphore, #tpu.memory_space<semaphore_mem>>) src(%arg19 : memref<80x128xf32, #tpu.memory_space<vmem>>) dst(%dma_wait3A_365 : memref<10240x128xf32, #tpu.memory_space<vmem_shared>>)
        tpu.yield
      }) : () -> ()
      %add3A_329 = arith.constant 3 : i32
      %add3A_330 = arith.addi %mul3A_224, %add3A_329 : i32
      %add3A_331 = arith.constant 4 : i32
      %add3A_332 = arith.addi %add3A_330, %add3A_331 : i32
      %mul3A_333 = arith.constant 10000 : i32
      %mul3A_334 = arith.muli %add3A, %mul3A_333 : i32
      %mul3A_335 = arith.constant 80 : i32
      %mul3A_336 = arith.muli %add3A_332, %mul3A_335 : i32
      %add3A_337 = arith.addi %mul3A_334, %mul3A_336 : i32
      %dma_start3A_338 = tpu.memref_slice %arg3[%add3A_337] : memref<320000xi32, #tpu.memory_space<hbm>> -> memref<80xi32, #tpu.memory_space<hbm>>
      %dma_start3A_339 = tpu.memref_slice %arg3[%add3A_337] : memref<320000xi32, #tpu.memory_space<hbm>> -> memref<80xi32, #tpu.memory_space<hbm>>
      tpu.enqueue_dma source(%dma_start3A_339 : memref<80xi32, #tpu.memory_space<hbm>>) target(%arg11 : memref<80xi32, #tpu.memory_space<vmem>>) target_semaphore(%arg28 : memref<!tpu.dma_semaphore, #tpu.memory_space<semaphore_mem>>)
      %dma_start3A_340 = tpu.memref_slice %arg4[%add3A_337] : memref<320000xi32, #tpu.memory_space<hbm>> -> memref<80xi32, #tpu.memory_space<hbm>>
      %dma_start3A_341 = tpu.memref_slice %arg4[%add3A_337] : memref<320000xi32, #tpu.memory_space<hbm>> -> memref<80xi32, #tpu.memory_space<hbm>>
      tpu.enqueue_dma source(%dma_start3A_341 : memref<80xi32, #tpu.memory_space<hbm>>) target(%arg15 : memref<80xi32, #tpu.memory_space<vmem>>) target_semaphore(%arg28 : memref<!tpu.dma_semaphore, #tpu.memory_space<semaphore_mem>>)
      %add3A_342 = arith.constant 3 : i32
      %add3A_343 = arith.addi %mul3A_224, %add3A_342 : i32
      %add3A_344 = arith.constant 4 : i32
      %add3A_345 = arith.addi %add3A_343, %add3A_344 : i32
      %sub3A_346 = arith.constant 1 : i32
      %sub3A_347 = arith.subi %add3A_345, %sub3A_346 : i32
      %mul3A_348 = arith.constant 10000 : i32
      %mul3A_349 = arith.muli %add3A, %mul3A_348 : i32
      %mul3A_350 = arith.constant 80 : i32
      %mul3A_351 = arith.muli %sub3A_347, %mul3A_350 : i32
      %add3A_352 = arith.addi %mul3A_349, %mul3A_351 : i32
      %dma_wait3A_353 = tpu.memref_slice %arg3[%add3A_352] : memref<320000xi32, #tpu.memory_space<hbm>> -> memref<80xi32, #tpu.memory_space<hbm>>
      %dma_wait3A_354 = tpu.memref_slice %arg3[%add3A_352] : memref<320000xi32, #tpu.memory_space<hbm>> -> memref<80xi32, #tpu.memory_space<hbm>>
      tpu.wait_dma2 semaphore(%arg27 : memref<!tpu.dma_semaphore, #tpu.memory_space<semaphore_mem>>) src(%dma_wait3A_354 : memref<80xi32, #tpu.memory_space<hbm>>) dst(%arg10 : memref<80xi32, #tpu.memory_space<vmem>>)
      %dma_wait3A_355 = tpu.memref_slice %arg4[%add3A_352] : memref<320000xi32, #tpu.memory_space<hbm>> -> memref<80xi32, #tpu.memory_space<hbm>>
      %dma_wait3A_356 = tpu.memref_slice %arg4[%add3A_352] : memref<320000xi32, #tpu.memory_space<hbm>> -> memref<80xi32, #tpu.memory_space<hbm>>
      tpu.wait_dma2 semaphore(%arg27 : memref<!tpu.dma_semaphore, #tpu.memory_space<semaphore_mem>>) src(%dma_wait3A_356 : memref<80xi32, #tpu.memory_space<hbm>>) dst(%arg14 : memref<80xi32, #tpu.memory_space<vmem>>)
      %dma_start3A_357 = arith.constant 0 : i32
      %dma_start3A_358 = arith.constant 0 : i32
      %dma_start3A_359 = tpu.memref_slice %arg2[%dma_start3A_357, %dma_start3A_358] : memref<10000x128xf32, #tpu.memory_space<hbm>> -> memref<10000x128xf32, #tpu.memory_space<hbm>>
      tpu.enqueue_indirect_dma source(%dma_start3A_359 : memref<10000x128xf32, #tpu.memory_space<hbm>>) target(%arg18 : memref<80x128xf32, #tpu.memory_space<vmem>>) offsets(%arg10 : memref<80xi32, #tpu.memory_space<vmem>>) semaphore(%arg23 : memref<!tpu.dma_semaphore, #tpu.memory_space<semaphore_mem>>)
    }
    %scan3A_171 = arith.constant 30 : i32
    %dma_wait3A_172 = arith.constant 0 : i32
    %dma_wait3A_173 = arith.constant 0 : i32
    %dma_wait3A_174 = tpu.memref_slice %arg2[%dma_wait3A_172, %dma_wait3A_173] : memref<10000x128xf32, #tpu.memory_space<hbm>> -> memref<10000x128xf32, #tpu.memory_space<hbm>>
    tpu.wait_indirect_dma semaphore(%arg21 : memref<!tpu.dma_semaphore, #tpu.memory_space<semaphore_mem>>) src(%dma_wait3A_174 : memref<10000x128xf32, #tpu.memory_space<hbm>>) dst(%arg16 : memref<80x128xf32, #tpu.memory_space<vmem>>)
    "tpu.region"() ({
      %run_scoped3A = tpu.sem_alloc : memref<!tpu.dma_semaphore, #tpu.memory_space<semaphore_mem>>
      %dma_start3A_222 = arith.constant 0 : i32
      %dma_start3A_223 = arith.constant 0 : i32
      %dma_start3A_224 = tpu.memref_slice %arg20[%dma_start3A_222, %dma_start3A_223] : memref<10240x128xf32, #tpu.memory_space<vmem_shared>> -> memref<10240x128xf32, #tpu.memory_space<vmem_shared>>
      tpu.enqueue_indirect_dma source(%arg16 : memref<80x128xf32, #tpu.memory_space<vmem>>) target(%dma_start3A_224 : memref<10240x128xf32, #tpu.memory_space<vmem_shared>>) offsets(%arg12 : memref<80xi32, #tpu.memory_space<vmem>>) semaphore(%run_scoped3A : memref<!tpu.dma_semaphore, #tpu.memory_space<semaphore_mem>>) {add = true}
      %dma_wait3A_225 = arith.constant 0 : i32
      %dma_wait3A_226 = arith.constant 0 : i32
      %dma_wait3A_227 = tpu.memref_slice %arg20[%dma_wait3A_225, %dma_wait3A_226] : memref<10240x128xf32, #tpu.memory_space<vmem_shared>> -> memref<10240x128xf32, #tpu.memory_space<vmem_shared>>
      tpu.wait_indirect_dma semaphore(%run_scoped3A : memref<!tpu.dma_semaphore, #tpu.memory_space<semaphore_mem>>) src(%arg16 : memref<80x128xf32, #tpu.memory_space<vmem>>) dst(%dma_wait3A_227 : memref<10240x128xf32, #tpu.memory_space<vmem_shared>>)
      tpu.yield
    }) : () -> ()
    %mul3A_175 = arith.constant 10000 : i32
    %mul3A_176 = arith.muli %add3A, %mul3A_175 : i32
    %add3A_177 = arith.constant 9920 : i32
    %add3A_178 = arith.addi %mul3A_176, %add3A_177 : i32
    %dma_start3A_179 = tpu.memref_slice %arg3[%add3A_178] : memref<320000xi32, #tpu.memory_space<hbm>> -> memref<80xi32, #tpu.memory_space<hbm>>
    %dma_start3A_180 = tpu.memref_slice %arg3[%add3A_178] : memref<320000xi32, #tpu.memory_space<hbm>> -> memref<80xi32, #tpu.memory_space<hbm>>
    tpu.enqueue_dma source(%dma_start3A_180 : memref<80xi32, #tpu.memory_space<hbm>>) target(%arg8 : memref<80xi32, #tpu.memory_space<vmem>>) target_semaphore(%arg25 : memref<!tpu.dma_semaphore, #tpu.memory_space<semaphore_mem>>)
    %dma_start3A_181 = tpu.memref_slice %arg4[%add3A_178] : memref<320000xi32, #tpu.memory_space<hbm>> -> memref<80xi32, #tpu.memory_space<hbm>>
    %dma_start3A_182 = tpu.memref_slice %arg4[%add3A_178] : memref<320000xi32, #tpu.memory_space<hbm>> -> memref<80xi32, #tpu.memory_space<hbm>>
    tpu.enqueue_dma source(%dma_start3A_182 : memref<80xi32, #tpu.memory_space<hbm>>) target(%arg12 : memref<80xi32, #tpu.memory_space<vmem>>) target_semaphore(%arg25 : memref<!tpu.dma_semaphore, #tpu.memory_space<semaphore_mem>>)
    %mul3A_183 = arith.constant 10000 : i32
    %mul3A_184 = arith.muli %add3A, %mul3A_183 : i32
    %add3A_185 = arith.constant 9840 : i32
    %add3A_186 = arith.addi %mul3A_184, %add3A_185 : i32
    %dma_wait3A_187 = tpu.memref_slice %arg3[%add3A_186] : memref<320000xi32, #tpu.memory_space<hbm>> -> memref<80xi32, #tpu.memory_space<hbm>>
    %dma_wait3A_188 = tpu.memref_slice %arg3[%add3A_186] : memref<320000xi32, #tpu.memory_space<hbm>> -> memref<80xi32, #tpu.memory_space<hbm>>
    tpu.wait_dma2 semaphore(%arg28 : memref<!tpu.dma_semaphore, #tpu.memory_space<semaphore_mem>>) src(%dma_wait3A_188 : memref<80xi32, #tpu.memory_space<hbm>>) dst(%arg11 : memref<80xi32, #tpu.memory_space<vmem>>)
    %dma_wait3A_189 = tpu.memref_slice %arg4[%add3A_186] : memref<320000xi32, #tpu.memory_space<hbm>> -> memref<80xi32, #tpu.memory_space<hbm>>
    %dma_wait3A_190 = tpu.memref_slice %arg4[%add3A_186] : memref<320000xi32, #tpu.memory_space<hbm>> -> memref<80xi32, #tpu.memory_space<hbm>>
    tpu.wait_dma2 semaphore(%arg28 : memref<!tpu.dma_semaphore, #tpu.memory_space<semaphore_mem>>) src(%dma_wait3A_190 : memref<80xi32, #tpu.memory_space<hbm>>) dst(%arg15 : memref<80xi32, #tpu.memory_space<vmem>>)
    %dma_start3A_191 = arith.constant 0 : i32
    %dma_start3A_192 = arith.constant 0 : i32
    %dma_start3A_193 = tpu.memref_slice %arg2[%dma_start3A_191, %dma_start3A_192] : memref<10000x128xf32, #tpu.memory_space<hbm>> -> memref<10000x128xf32, #tpu.memory_space<hbm>>
    tpu.enqueue_indirect_dma source(%dma_start3A_193 : memref<10000x128xf32, #tpu.memory_space<hbm>>) target(%arg19 : memref<80x128xf32, #tpu.memory_space<vmem>>) offsets(%arg11 : memref<80xi32, #tpu.memory_space<vmem>>) semaphore(%arg24 : memref<!tpu.dma_semaphore, #tpu.memory_space<semaphore_mem>>)
    %dma_wait3A_194 = arith.constant 0 : i32
    %dma_wait3A_195 = arith.constant 0 : i32
    %dma_wait3A_196 = tpu.memref_slice %arg2[%dma_wait3A_194, %dma_wait3A_195] : memref<10000x128xf32, #tpu.memory_space<hbm>> -> memref<10000x128xf32, #tpu.memory_space<hbm>>
    tpu.wait_indirect_dma semaphore(%arg22 : memref<!tpu.dma_semaphore, #tpu.memory_space<semaphore_mem>>) src(%dma_wait3A_196 : memref<10000x128xf32, #tpu.memory_space<hbm>>) dst(%arg17 : memref<80x128xf32, #tpu.memory_space<vmem>>)
    "tpu.region"() ({
      %run_scoped3A = tpu.sem_alloc : memref<!tpu.dma_semaphore, #tpu.memory_space<semaphore_mem>>
      %dma_start3A_222 = arith.constant 0 : i32
      %dma_start3A_223 = arith.constant 0 : i32
      %dma_start3A_224 = tpu.memref_slice %arg20[%dma_start3A_222, %dma_start3A_223] : memref<10240x128xf32, #tpu.memory_space<vmem_shared>> -> memref<10240x128xf32, #tpu.memory_space<vmem_shared>>
      tpu.enqueue_indirect_dma source(%arg17 : memref<80x128xf32, #tpu.memory_space<vmem>>) target(%dma_start3A_224 : memref<10240x128xf32, #tpu.memory_space<vmem_shared>>) offsets(%arg13 : memref<80xi32, #tpu.memory_space<vmem>>) semaphore(%run_scoped3A : memref<!tpu.dma_semaphore, #tpu.memory_space<semaphore_mem>>) {add = true}
      %dma_wait3A_225 = arith.constant 0 : i32
      %dma_wait3A_226 = arith.constant 0 : i32
      %dma_wait3A_227 = tpu.memref_slice %arg20[%dma_wait3A_225, %dma_wait3A_226] : memref<10240x128xf32, #tpu.memory_space<vmem_shared>> -> memref<10240x128xf32, #tpu.memory_space<vmem_shared>>
      tpu.wait_indirect_dma semaphore(%run_scoped3A : memref<!tpu.dma_semaphore, #tpu.memory_space<semaphore_mem>>) src(%arg17 : memref<80x128xf32, #tpu.memory_space<vmem>>) dst(%dma_wait3A_227 : memref<10240x128xf32, #tpu.memory_space<vmem_shared>>)
      tpu.yield
    }) : () -> ()
    %mul3A_197 = arith.constant 10000 : i32
    %mul3A_198 = arith.muli %add3A, %mul3A_197 : i32
    %add3A_199 = arith.constant 9920 : i32
    %add3A_200 = arith.addi %mul3A_198, %add3A_199 : i32
    %dma_wait3A_201 = tpu.memref_slice %arg3[%add3A_200] : memref<320000xi32, #tpu.memory_space<hbm>> -> memref<80xi32, #tpu.memory_space<hbm>>
    %dma_wait3A_202 = tpu.memref_slice %arg3[%add3A_200] : memref<320000xi32, #tpu.memory_space<hbm>> -> memref<80xi32, #tpu.memory_space<hbm>>
    tpu.wait_dma2 semaphore(%arg25 : memref<!tpu.dma_semaphore, #tpu.memory_space<semaphore_mem>>) src(%dma_wait3A_202 : memref<80xi32, #tpu.memory_space<hbm>>) dst(%arg8 : memref<80xi32, #tpu.memory_space<vmem>>)
    %dma_wait3A_203 = tpu.memref_slice %arg4[%add3A_200] : memref<320000xi32, #tpu.memory_space<hbm>> -> memref<80xi32, #tpu.memory_space<hbm>>
    %dma_wait3A_204 = tpu.memref_slice %arg4[%add3A_200] : memref<320000xi32, #tpu.memory_space<hbm>> -> memref<80xi32, #tpu.memory_space<hbm>>
    tpu.wait_dma2 semaphore(%arg25 : memref<!tpu.dma_semaphore, #tpu.memory_space<semaphore_mem>>) src(%dma_wait3A_204 : memref<80xi32, #tpu.memory_space<hbm>>) dst(%arg12 : memref<80xi32, #tpu.memory_space<vmem>>)
    %dma_start3A_205 = arith.constant 0 : i32
    %dma_start3A_206 = arith.constant 0 : i32
    %dma_start3A_207 = tpu.memref_slice %arg2[%dma_start3A_205, %dma_start3A_206] : memref<10000x128xf32, #tpu.memory_space<hbm>> -> memref<10000x128xf32, #tpu.memory_space<hbm>>
    tpu.enqueue_indirect_dma source(%dma_start3A_207 : memref<10000x128xf32, #tpu.memory_space<hbm>>) target(%arg16 : memref<80x128xf32, #tpu.memory_space<vmem>>) offsets(%arg8 : memref<80xi32, #tpu.memory_space<vmem>>) semaphore(%arg21 : memref<!tpu.dma_semaphore, #tpu.memory_space<semaphore_mem>>)
    %dma_wait3A_208 = arith.constant 0 : i32
    %dma_wait3A_209 = arith.constant 0 : i32
    %dma_wait3A_210 = tpu.memref_slice %arg2[%dma_wait3A_208, %dma_wait3A_209] : memref<10000x128xf32, #tpu.memory_space<hbm>> -> memref<10000x128xf32, #tpu.memory_space<hbm>>
    tpu.wait_indirect_dma semaphore(%arg23 : memref<!tpu.dma_semaphore, #tpu.memory_space<semaphore_mem>>) src(%dma_wait3A_210 : memref<10000x128xf32, #tpu.memory_space<hbm>>) dst(%arg18 : memref<80x128xf32, #tpu.memory_space<vmem>>)
    "tpu.region"() ({
      %run_scoped3A = tpu.sem_alloc : memref<!tpu.dma_semaphore, #tpu.memory_space<semaphore_mem>>
      %dma_start3A_222 = arith.constant 0 : i32
      %dma_start3A_223 = arith.constant 0 : i32
      %dma_start3A_224 = tpu.memref_slice %arg20[%dma_start3A_222, %dma_start3A_223] : memref<10240x128xf32, #tpu.memory_space<vmem_shared>> -> memref<10240x128xf32, #tpu.memory_space<vmem_shared>>
      tpu.enqueue_indirect_dma source(%arg18 : memref<80x128xf32, #tpu.memory_space<vmem>>) target(%dma_start3A_224 : memref<10240x128xf32, #tpu.memory_space<vmem_shared>>) offsets(%arg14 : memref<80xi32, #tpu.memory_space<vmem>>) semaphore(%run_scoped3A : memref<!tpu.dma_semaphore, #tpu.memory_space<semaphore_mem>>) {add = true}
      %dma_wait3A_225 = arith.constant 0 : i32
      %dma_wait3A_226 = arith.constant 0 : i32
      %dma_wait3A_227 = tpu.memref_slice %arg20[%dma_wait3A_225, %dma_wait3A_226] : memref<10240x128xf32, #tpu.memory_space<vmem_shared>> -> memref<10240x128xf32, #tpu.memory_space<vmem_shared>>
      tpu.wait_indirect_dma semaphore(%run_scoped3A : memref<!tpu.dma_semaphore, #tpu.memory_space<semaphore_mem>>) src(%arg18 : memref<80x128xf32, #tpu.memory_space<vmem>>) dst(%dma_wait3A_227 : memref<10240x128xf32, #tpu.memory_space<vmem_shared>>)
      tpu.yield
    }) : () -> ()
    %dma_wait3A_211 = arith.constant 0 : i32
    %dma_wait3A_212 = arith.constant 0 : i32
    %dma_wait3A_213 = tpu.memref_slice %arg2[%dma_wait3A_211, %dma_wait3A_212] : memref<10000x128xf32, #tpu.memory_space<hbm>> -> memref<10000x128xf32, #tpu.memory_space<hbm>>
    tpu.wait_indirect_dma semaphore(%arg24 : memref<!tpu.dma_semaphore, #tpu.memory_space<semaphore_mem>>) src(%dma_wait3A_213 : memref<10000x128xf32, #tpu.memory_space<hbm>>) dst(%arg19 : memref<80x128xf32, #tpu.memory_space<vmem>>)
    "tpu.region"() ({
      %run_scoped3A = tpu.sem_alloc : memref<!tpu.dma_semaphore, #tpu.memory_space<semaphore_mem>>
      %dma_start3A_222 = arith.constant 0 : i32
      %dma_start3A_223 = arith.constant 0 : i32
      %dma_start3A_224 = tpu.memref_slice %arg20[%dma_start3A_222, %dma_start3A_223] : memref<10240x128xf32, #tpu.memory_space<vmem_shared>> -> memref<10240x128xf32, #tpu.memory_space<vmem_shared>>
      tpu.enqueue_indirect_dma source(%arg19 : memref<80x128xf32, #tpu.memory_space<vmem>>) target(%dma_start3A_224 : memref<10240x128xf32, #tpu.memory_space<vmem_shared>>) offsets(%arg15 : memref<80xi32, #tpu.memory_space<vmem>>) semaphore(%run_scoped3A : memref<!tpu.dma_semaphore, #tpu.memory_space<semaphore_mem>>) {add = true}
      %dma_wait3A_225 = arith.constant 0 : i32
      %dma_wait3A_226 = arith.constant 0 : i32
      %dma_wait3A_227 = tpu.memref_slice %arg20[%dma_wait3A_225, %dma_wait3A_226] : memref<10240x128xf32, #tpu.memory_space<vmem_shared>> -> memref<10240x128xf32, #tpu.memory_space<vmem_shared>>
      tpu.wait_indirect_dma semaphore(%run_scoped3A : memref<!tpu.dma_semaphore, #tpu.memory_space<semaphore_mem>>) src(%arg19 : memref<80x128xf32, #tpu.memory_space<vmem>>) dst(%dma_wait3A_227 : memref<10240x128xf32, #tpu.memory_space<vmem_shared>>)
      tpu.yield
    }) : () -> ()
    %dma_wait3A_214 = arith.constant 0 : i32
    %dma_wait3A_215 = arith.constant 0 : i32
    %dma_wait3A_216 = tpu.memref_slice %arg2[%dma_wait3A_214, %dma_wait3A_215] : memref<10000x128xf32, #tpu.memory_space<hbm>> -> memref<10000x128xf32, #tpu.memory_space<hbm>>
    tpu.wait_indirect_dma semaphore(%arg21 : memref<!tpu.dma_semaphore, #tpu.memory_space<semaphore_mem>>) src(%dma_wait3A_216 : memref<10000x128xf32, #tpu.memory_space<hbm>>) dst(%arg16 : memref<80x128xf32, #tpu.memory_space<vmem>>)
    "tpu.region"() ({
      %run_scoped3A = tpu.sem_alloc : memref<!tpu.dma_semaphore, #tpu.memory_space<semaphore_mem>>
      %dma_start3A_222 = arith.constant 0 : i32
      %dma_start3A_223 = arith.constant 0 : i32
      %dma_start3A_224 = tpu.memref_slice %arg20[%dma_start3A_222, %dma_start3A_223] : memref<10240x128xf32, #tpu.memory_space<vmem_shared>> -> memref<10240x128xf32, #tpu.memory_space<vmem_shared>>
      tpu.enqueue_indirect_dma source(%arg16 : memref<80x128xf32, #tpu.memory_space<vmem>>) target(%dma_start3A_224 : memref<10240x128xf32, #tpu.memory_space<vmem_shared>>) offsets(%arg12 : memref<80xi32, #tpu.memory_space<vmem>>) semaphore(%run_scoped3A : memref<!tpu.dma_semaphore, #tpu.memory_space<semaphore_mem>>) {add = true}
      %dma_wait3A_225 = arith.constant 0 : i32
      %dma_wait3A_226 = arith.constant 0 : i32
      %dma_wait3A_227 = tpu.memref_slice %arg20[%dma_wait3A_225, %dma_wait3A_226] : memref<10240x128xf32, #tpu.memory_space<vmem_shared>> -> memref<10240x128xf32, #tpu.memory_space<vmem_shared>>
      tpu.wait_indirect_dma semaphore(%run_scoped3A : memref<!tpu.dma_semaphore, #tpu.memory_space<semaphore_mem>>) src(%arg16 : memref<80x128xf32, #tpu.memory_space<vmem>>) dst(%dma_wait3A_227 : memref<10240x128xf32, #tpu.memory_space<vmem_shared>>)
      tpu.yield
    }) : () -> ()
    %barrier3A_217 = arith.constant 0 : index
    tpu.barrier barrier_id(%barrier3A_217)
    %mul3A_218 = arith.constant 640 : i32
    %mul3A_219 = arith.muli %arg1, %mul3A_218 : i32
    %mul3A_220 = arith.constant 640 : i32
    %mul3A_221 = arith.muli %arg1, %mul3A_220 : i32
    "tpu.region"() ({
      %run_scoped3A = tpu.sem_alloc : memref<!tpu.dma_semaphore, #tpu.memory_space<semaphore_mem>>
      %dma_start3A_222 = arith.constant 0 : i32
      %dma_start3A_223 = tpu.memref_slice %arg7[%arg0, %mul3A_221, %dma_start3A_222] : memref<2x10240x128xf32, #tpu.memory_space<hbm>> -> memref<1x640x128xf32, #tpu.memory_space<hbm>>
      %dma_start3A_224 = tpu.memref_squeeze %dma_start3A_223 : memref<1x640x128xf32, #tpu.memory_space<hbm>> -> memref<640x128xf32, #tpu.memory_space<hbm>>
      %dma_start3A_225 = arith.constant 0 : i32
      %dma_start3A_226 = tpu.memref_slice %arg20[%mul3A_219, %dma_start3A_225] : memref<10240x128xf32, #tpu.memory_space<vmem_shared>> -> memref<640x128xf32, #tpu.memory_space<vmem_shared>>
      tpu.enqueue_dma source(%dma_start3A_226 : memref<640x128xf32, #tpu.memory_space<vmem_shared>>) target(%dma_start3A_224 : memref<640x128xf32, #tpu.memory_space<hbm>>) target_semaphore(%run_scoped3A : memref<!tpu.dma_semaphore, #tpu.memory_space<semaphore_mem>>)
      %dma_wait3A_227 = arith.constant 0 : i32
      %dma_wait3A_228 = tpu.memref_slice %arg7[%arg0, %mul3A_221, %dma_wait3A_227] : memref<2x10240x128xf32, #tpu.memory_space<hbm>> -> memref<1x640x128xf32, #tpu.memory_space<hbm>>
      %dma_wait3A_229 = tpu.memref_squeeze %dma_wait3A_228 : memref<1x640x128xf32, #tpu.memory_space<hbm>> -> memref<640x128xf32, #tpu.memory_space<hbm>>
      %dma_wait3A_230 = arith.constant 0 : i32
      %dma_wait3A_231 = tpu.memref_slice %arg20[%mul3A_219, %dma_wait3A_230] : memref<10240x128xf32, #tpu.memory_space<vmem_shared>> -> memref<640x128xf32, #tpu.memory_space<vmem_shared>>
      tpu.wait_dma2 semaphore(%run_scoped3A : memref<!tpu.dma_semaphore, #tpu.memory_space<semaphore_mem>>) src(%dma_wait3A_231 : memref<640x128xf32, #tpu.memory_space<vmem_shared>>) dst(%dma_wait3A_229 : memref<640x128xf32, #tpu.memory_space<hbm>>)
      tpu.yield
    }) : () -> ()
    return
  }
}

#map = affine_map<(d0, d1) -> (0, 0)>
#map1 = affine_map<(d0, d1) -> (0)>
#map2 = affine_map<(d0, d1) -> (0, 0, 0)>
module attributes {stable_mosaic.version = 14 : i64} {
  func.func @_sc_agg(%arg0: i32, %arg1: i32, %arg2: memref<10000x128xf32, #tpu.memory_space<hbm>>, %arg3: memref<320000xi32, #tpu.memory_space<hbm>>, %arg4: memref<320000xi32, #tpu.memory_space<hbm>>, %arg5: memref<10240x128xf32, #tpu.memory_space<hbm>>, %arg6: memref<2x10240x128xf32, #tpu.memory_space<hbm>>, %arg7: memref<80xi32, #tpu.memory_space<vmem>>, %arg8: memref<80xi32, #tpu.memory_space<vmem>>, %arg9: memref<80xi32, #tpu.memory_space<vmem>>, %arg10: memref<80xi32, #tpu.memory_space<vmem>>, %arg11: memref<80xi32, #tpu.memory_space<vmem>>, %arg12: memref<80xi32, #tpu.memory_space<vmem>>, %arg13: memref<80xi32, #tpu.memory_space<vmem>>, %arg14: memref<80xi32, #tpu.memory_space<vmem>>, %arg15: memref<80x128xf32, #tpu.memory_space<vmem>>, %arg16: memref<80x128xf32, #tpu.memory_space<vmem>>, %arg17: memref<80x128xf32, #tpu.memory_space<vmem>>, %arg18: memref<80x128xf32, #tpu.memory_space<vmem>>, %arg19: memref<10240x128xf32, #tpu.memory_space<vmem_shared>>, %arg20: memref<!tpu.dma_semaphore, #tpu.memory_space<semaphore_mem>>, %arg21: memref<!tpu.dma_semaphore, #tpu.memory_space<semaphore_mem>>, %arg22: memref<!tpu.dma_semaphore, #tpu.memory_space<semaphore_mem>>, %arg23: memref<!tpu.dma_semaphore, #tpu.memory_space<semaphore_mem>>, %arg24: memref<!tpu.dma_semaphore, #tpu.memory_space<semaphore_mem>>, %arg25: memref<!tpu.dma_semaphore, #tpu.memory_space<semaphore_mem>>, %arg26: memref<!tpu.dma_semaphore, #tpu.memory_space<semaphore_mem>>, %arg27: memref<!tpu.dma_semaphore, #tpu.memory_space<semaphore_mem>>, %arg28: memref<!tpu.dma_semaphore, #tpu.memory_space<semaphore_mem>>) attributes {dimension_semantics = [#tpu.dimension_semantics<core_parallel>, #tpu.dimension_semantics<subcore_parallel>], iteration_bounds = array<i64: 2, 16>, scalar_prefetch = 0 : i64, scratch_operands = 22 : i64, tpu.core_type = #tpu.core_type<sc_vector_subcore>, window_params = [{transform_indices = #map}, {transform_indices = #map1}, {transform_indices = #map1}, {transform_indices = #map}, {transform_indices = #map2}]} {
    %mul3A = arith.constant 16 : i32
    %mul3A_0 = arith.muli %arg0, %mul3A : i32
    %add3A = arith.addi %mul3A_0, %arg1 : i32
    %mul3A_1 = arith.constant 640 : i32
    %mul3A_2 = arith.muli %arg1, %mul3A_1 : i32
    %mul3A_3 = arith.constant 640 : i32
    %mul3A_4 = arith.muli %arg1, %mul3A_3 : i32
    %dma_start3A = arith.constant 0 : i32
    %dma_start3A_5 = tpu.memref_slice %arg19[%mul3A_4, %dma_start3A] : memref<10240x128xf32, #tpu.memory_space<vmem_shared>> -> memref<640x128xf32, #tpu.memory_space<vmem_shared>>
    %dma_start3A_6 = arith.constant 0 : i32
    %dma_start3A_7 = tpu.memref_slice %arg5[%mul3A_2, %dma_start3A_6] : memref<10240x128xf32, #tpu.memory_space<hbm>> -> memref<640x128xf32, #tpu.memory_space<hbm>>
    tpu.enqueue_dma source(%dma_start3A_7 : memref<640x128xf32, #tpu.memory_space<hbm>>) target(%dma_start3A_5 : memref<640x128xf32, #tpu.memory_space<vmem_shared>>) target_semaphore(%arg28 : memref<!tpu.dma_semaphore, #tpu.memory_space<semaphore_mem>>)
    %mul3A_8 = arith.constant 10000 : i32
    %mul3A_9 = arith.muli %add3A, %mul3A_8 : i32
    %add3A_10 = arith.constant 0 : i32
    %add3A_11 = arith.addi %mul3A_9, %add3A_10 : i32
    %dma_start3A_12 = tpu.memref_slice %arg3[%add3A_11] : memref<320000xi32, #tpu.memory_space<hbm>> -> memref<80xi32, #tpu.memory_space<hbm>>
    %dma_start3A_13 = tpu.memref_slice %arg3[%add3A_11] : memref<320000xi32, #tpu.memory_space<hbm>> -> memref<80xi32, #tpu.memory_space<hbm>>
    tpu.enqueue_dma source(%dma_start3A_13 : memref<80xi32, #tpu.memory_space<hbm>>) target(%arg7 : memref<80xi32, #tpu.memory_space<vmem>>) target_semaphore(%arg24 : memref<!tpu.dma_semaphore, #tpu.memory_space<semaphore_mem>>)
    %dma_start3A_14 = tpu.memref_slice %arg4[%add3A_11] : memref<320000xi32, #tpu.memory_space<hbm>> -> memref<80xi32, #tpu.memory_space<hbm>>
    %dma_start3A_15 = tpu.memref_slice %arg4[%add3A_11] : memref<320000xi32, #tpu.memory_space<hbm>> -> memref<80xi32, #tpu.memory_space<hbm>>
    tpu.enqueue_dma source(%dma_start3A_15 : memref<80xi32, #tpu.memory_space<hbm>>) target(%arg11 : memref<80xi32, #tpu.memory_space<vmem>>) target_semaphore(%arg24 : memref<!tpu.dma_semaphore, #tpu.memory_space<semaphore_mem>>)
    %mul3A_16 = arith.constant 10000 : i32
    %mul3A_17 = arith.muli %add3A, %mul3A_16 : i32
    %add3A_18 = arith.constant 80 : i32
    %add3A_19 = arith.addi %mul3A_17, %add3A_18 : i32
    %dma_start3A_20 = tpu.memref_slice %arg3[%add3A_19] : memref<320000xi32, #tpu.memory_space<hbm>> -> memref<80xi32, #tpu.memory_space<hbm>>
    %dma_start3A_21 = tpu.memref_slice %arg3[%add3A_19] : memref<320000xi32, #tpu.memory_space<hbm>> -> memref<80xi32, #tpu.memory_space<hbm>>
    tpu.enqueue_dma source(%dma_start3A_21 : memref<80xi32, #tpu.memory_space<hbm>>) target(%arg8 : memref<80xi32, #tpu.memory_space<vmem>>) target_semaphore(%arg25 : memref<!tpu.dma_semaphore, #tpu.memory_space<semaphore_mem>>)
    %dma_start3A_22 = tpu.memref_slice %arg4[%add3A_19] : memref<320000xi32, #tpu.memory_space<hbm>> -> memref<80xi32, #tpu.memory_space<hbm>>
    %dma_start3A_23 = tpu.memref_slice %arg4[%add3A_19] : memref<320000xi32, #tpu.memory_space<hbm>> -> memref<80xi32, #tpu.memory_space<hbm>>
    tpu.enqueue_dma source(%dma_start3A_23 : memref<80xi32, #tpu.memory_space<hbm>>) target(%arg12 : memref<80xi32, #tpu.memory_space<vmem>>) target_semaphore(%arg25 : memref<!tpu.dma_semaphore, #tpu.memory_space<semaphore_mem>>)
    %mul3A_24 = arith.constant 10000 : i32
    %mul3A_25 = arith.muli %add3A, %mul3A_24 : i32
    %add3A_26 = arith.constant 160 : i32
    %add3A_27 = arith.addi %mul3A_25, %add3A_26 : i32
    %dma_start3A_28 = tpu.memref_slice %arg3[%add3A_27] : memref<320000xi32, #tpu.memory_space<hbm>> -> memref<80xi32, #tpu.memory_space<hbm>>
    %dma_start3A_29 = tpu.memref_slice %arg3[%add3A_27] : memref<320000xi32, #tpu.memory_space<hbm>> -> memref<80xi32, #tpu.memory_space<hbm>>
    tpu.enqueue_dma source(%dma_start3A_29 : memref<80xi32, #tpu.memory_space<hbm>>) target(%arg9 : memref<80xi32, #tpu.memory_space<vmem>>) target_semaphore(%arg26 : memref<!tpu.dma_semaphore, #tpu.memory_space<semaphore_mem>>)
    %dma_start3A_30 = tpu.memref_slice %arg4[%add3A_27] : memref<320000xi32, #tpu.memory_space<hbm>> -> memref<80xi32, #tpu.memory_space<hbm>>
    %dma_start3A_31 = tpu.memref_slice %arg4[%add3A_27] : memref<320000xi32, #tpu.memory_space<hbm>> -> memref<80xi32, #tpu.memory_space<hbm>>
    tpu.enqueue_dma source(%dma_start3A_31 : memref<80xi32, #tpu.memory_space<hbm>>) target(%arg13 : memref<80xi32, #tpu.memory_space<vmem>>) target_semaphore(%arg26 : memref<!tpu.dma_semaphore, #tpu.memory_space<semaphore_mem>>)
    %mul3A_32 = arith.constant 10000 : i32
    %mul3A_33 = arith.muli %add3A, %mul3A_32 : i32
    %add3A_34 = arith.constant 240 : i32
    %add3A_35 = arith.addi %mul3A_33, %add3A_34 : i32
    %dma_start3A_36 = tpu.memref_slice %arg3[%add3A_35] : memref<320000xi32, #tpu.memory_space<hbm>> -> memref<80xi32, #tpu.memory_space<hbm>>
    %dma_start3A_37 = tpu.memref_slice %arg3[%add3A_35] : memref<320000xi32, #tpu.memory_space<hbm>> -> memref<80xi32, #tpu.memory_space<hbm>>
    tpu.enqueue_dma source(%dma_start3A_37 : memref<80xi32, #tpu.memory_space<hbm>>) target(%arg10 : memref<80xi32, #tpu.memory_space<vmem>>) target_semaphore(%arg27 : memref<!tpu.dma_semaphore, #tpu.memory_space<semaphore_mem>>)
    %dma_start3A_38 = tpu.memref_slice %arg4[%add3A_35] : memref<320000xi32, #tpu.memory_space<hbm>> -> memref<80xi32, #tpu.memory_space<hbm>>
    %dma_start3A_39 = tpu.memref_slice %arg4[%add3A_35] : memref<320000xi32, #tpu.memory_space<hbm>> -> memref<80xi32, #tpu.memory_space<hbm>>
    tpu.enqueue_dma source(%dma_start3A_39 : memref<80xi32, #tpu.memory_space<hbm>>) target(%arg14 : memref<80xi32, #tpu.memory_space<vmem>>) target_semaphore(%arg27 : memref<!tpu.dma_semaphore, #tpu.memory_space<semaphore_mem>>)
    %mul3A_40 = arith.constant 10000 : i32
    %mul3A_41 = arith.muli %add3A, %mul3A_40 : i32
    %add3A_42 = arith.constant 0 : i32
    %add3A_43 = arith.addi %mul3A_41, %add3A_42 : i32
    %dma_wait3A = tpu.memref_slice %arg3[%add3A_43] : memref<320000xi32, #tpu.memory_space<hbm>> -> memref<80xi32, #tpu.memory_space<hbm>>
    %dma_wait3A_44 = tpu.memref_slice %arg3[%add3A_43] : memref<320000xi32, #tpu.memory_space<hbm>> -> memref<80xi32, #tpu.memory_space<hbm>>
    tpu.wait_dma2 semaphore(%arg24 : memref<!tpu.dma_semaphore, #tpu.memory_space<semaphore_mem>>) src(%dma_wait3A_44 : memref<80xi32, #tpu.memory_space<hbm>>) dst(%arg7 : memref<80xi32, #tpu.memory_space<vmem>>)
    %dma_wait3A_45 = tpu.memref_slice %arg4[%add3A_43] : memref<320000xi32, #tpu.memory_space<hbm>> -> memref<80xi32, #tpu.memory_space<hbm>>
    %dma_wait3A_46 = tpu.memref_slice %arg4[%add3A_43] : memref<320000xi32, #tpu.memory_space<hbm>> -> memref<80xi32, #tpu.memory_space<hbm>>
    tpu.wait_dma2 semaphore(%arg24 : memref<!tpu.dma_semaphore, #tpu.memory_space<semaphore_mem>>) src(%dma_wait3A_46 : memref<80xi32, #tpu.memory_space<hbm>>) dst(%arg11 : memref<80xi32, #tpu.memory_space<vmem>>)
    %dma_start3A_47 = arith.constant 0 : i32
    %dma_start3A_48 = arith.constant 0 : i32
    %dma_start3A_49 = tpu.memref_slice %arg2[%dma_start3A_47, %dma_start3A_48] : memref<10000x128xf32, #tpu.memory_space<hbm>> -> memref<10000x128xf32, #tpu.memory_space<hbm>>
    tpu.enqueue_indirect_dma source(%dma_start3A_49 : memref<10000x128xf32, #tpu.memory_space<hbm>>) target(%arg15 : memref<80x128xf32, #tpu.memory_space<vmem>>) offsets(%arg7 : memref<80xi32, #tpu.memory_space<vmem>>) semaphore(%arg20 : memref<!tpu.dma_semaphore, #tpu.memory_space<semaphore_mem>>)
    %mul3A_50 = arith.constant 10000 : i32
    %mul3A_51 = arith.muli %add3A, %mul3A_50 : i32
    %add3A_52 = arith.constant 80 : i32
    %add3A_53 = arith.addi %mul3A_51, %add3A_52 : i32
    %dma_wait3A_54 = tpu.memref_slice %arg3[%add3A_53] : memref<320000xi32, #tpu.memory_space<hbm>> -> memref<80xi32, #tpu.memory_space<hbm>>
    %dma_wait3A_55 = tpu.memref_slice %arg3[%add3A_53] : memref<320000xi32, #tpu.memory_space<hbm>> -> memref<80xi32, #tpu.memory_space<hbm>>
    tpu.wait_dma2 semaphore(%arg25 : memref<!tpu.dma_semaphore, #tpu.memory_space<semaphore_mem>>) src(%dma_wait3A_55 : memref<80xi32, #tpu.memory_space<hbm>>) dst(%arg8 : memref<80xi32, #tpu.memory_space<vmem>>)
    %dma_wait3A_56 = tpu.memref_slice %arg4[%add3A_53] : memref<320000xi32, #tpu.memory_space<hbm>> -> memref<80xi32, #tpu.memory_space<hbm>>
    %dma_wait3A_57 = tpu.memref_slice %arg4[%add3A_53] : memref<320000xi32, #tpu.memory_space<hbm>> -> memref<80xi32, #tpu.memory_space<hbm>>
    tpu.wait_dma2 semaphore(%arg25 : memref<!tpu.dma_semaphore, #tpu.memory_space<semaphore_mem>>) src(%dma_wait3A_57 : memref<80xi32, #tpu.memory_space<hbm>>) dst(%arg12 : memref<80xi32, #tpu.memory_space<vmem>>)
    %dma_start3A_58 = arith.constant 0 : i32
    %dma_start3A_59 = arith.constant 0 : i32
    %dma_start3A_60 = tpu.memref_slice %arg2[%dma_start3A_58, %dma_start3A_59] : memref<10000x128xf32, #tpu.memory_space<hbm>> -> memref<10000x128xf32, #tpu.memory_space<hbm>>
    tpu.enqueue_indirect_dma source(%dma_start3A_60 : memref<10000x128xf32, #tpu.memory_space<hbm>>) target(%arg16 : memref<80x128xf32, #tpu.memory_space<vmem>>) offsets(%arg8 : memref<80xi32, #tpu.memory_space<vmem>>) semaphore(%arg21 : memref<!tpu.dma_semaphore, #tpu.memory_space<semaphore_mem>>)
    %mul3A_61 = arith.constant 10000 : i32
    %mul3A_62 = arith.muli %add3A, %mul3A_61 : i32
    %add3A_63 = arith.constant 160 : i32
    %add3A_64 = arith.addi %mul3A_62, %add3A_63 : i32
    %dma_wait3A_65 = tpu.memref_slice %arg3[%add3A_64] : memref<320000xi32, #tpu.memory_space<hbm>> -> memref<80xi32, #tpu.memory_space<hbm>>
    %dma_wait3A_66 = tpu.memref_slice %arg3[%add3A_64] : memref<320000xi32, #tpu.memory_space<hbm>> -> memref<80xi32, #tpu.memory_space<hbm>>
    tpu.wait_dma2 semaphore(%arg26 : memref<!tpu.dma_semaphore, #tpu.memory_space<semaphore_mem>>) src(%dma_wait3A_66 : memref<80xi32, #tpu.memory_space<hbm>>) dst(%arg9 : memref<80xi32, #tpu.memory_space<vmem>>)
    %dma_wait3A_67 = tpu.memref_slice %arg4[%add3A_64] : memref<320000xi32, #tpu.memory_space<hbm>> -> memref<80xi32, #tpu.memory_space<hbm>>
    %dma_wait3A_68 = tpu.memref_slice %arg4[%add3A_64] : memref<320000xi32, #tpu.memory_space<hbm>> -> memref<80xi32, #tpu.memory_space<hbm>>
    tpu.wait_dma2 semaphore(%arg26 : memref<!tpu.dma_semaphore, #tpu.memory_space<semaphore_mem>>) src(%dma_wait3A_68 : memref<80xi32, #tpu.memory_space<hbm>>) dst(%arg13 : memref<80xi32, #tpu.memory_space<vmem>>)
    %dma_start3A_69 = arith.constant 0 : i32
    %dma_start3A_70 = arith.constant 0 : i32
    %dma_start3A_71 = tpu.memref_slice %arg2[%dma_start3A_69, %dma_start3A_70] : memref<10000x128xf32, #tpu.memory_space<hbm>> -> memref<10000x128xf32, #tpu.memory_space<hbm>>
    tpu.enqueue_indirect_dma source(%dma_start3A_71 : memref<10000x128xf32, #tpu.memory_space<hbm>>) target(%arg17 : memref<80x128xf32, #tpu.memory_space<vmem>>) offsets(%arg9 : memref<80xi32, #tpu.memory_space<vmem>>) semaphore(%arg22 : memref<!tpu.dma_semaphore, #tpu.memory_space<semaphore_mem>>)
    %dma_wait3A_72 = arith.constant 0 : i32
    %dma_wait3A_73 = tpu.memref_slice %arg19[%mul3A_4, %dma_wait3A_72] : memref<10240x128xf32, #tpu.memory_space<vmem_shared>> -> memref<640x128xf32, #tpu.memory_space<vmem_shared>>
    %dma_wait3A_74 = arith.constant 0 : i32
    %dma_wait3A_75 = tpu.memref_slice %arg5[%mul3A_2, %dma_wait3A_74] : memref<10240x128xf32, #tpu.memory_space<hbm>> -> memref<640x128xf32, #tpu.memory_space<hbm>>
    tpu.wait_dma2 semaphore(%arg28 : memref<!tpu.dma_semaphore, #tpu.memory_space<semaphore_mem>>) src(%dma_wait3A_75 : memref<640x128xf32, #tpu.memory_space<hbm>>) dst(%dma_wait3A_73 : memref<640x128xf32, #tpu.memory_space<vmem_shared>>)
    %barrier3A = arith.constant 0 : index
    tpu.barrier barrier_id(%barrier3A)
    %scan3A = arith.constant 0 : i32
    %scan3A_76 = arith.constant 0 : i32
    %scan3A_77 = arith.constant 30 : i32
    %scan3A_78 = arith.addi %scan3A_76, %scan3A_77 : i32
    %scan3A_79 = arith.constant 1 : i32
    scf.for %scan3A_131 = %scan3A_76 to %scan3A_78 step %scan3A_79  : i32 {
      %mul3A_132 = arith.constant 4 : i32
      %mul3A_133 = arith.muli %mul3A_132, %scan3A_131 : i32
      %dma_wait3A_134 = arith.constant 0 : i32
      %dma_wait3A_135 = arith.constant 0 : i32
      %dma_wait3A_136 = tpu.memref_slice %arg2[%dma_wait3A_134, %dma_wait3A_135] : memref<10000x128xf32, #tpu.memory_space<hbm>> -> memref<10000x128xf32, #tpu.memory_space<hbm>>
      tpu.wait_indirect_dma semaphore(%arg20 : memref<!tpu.dma_semaphore, #tpu.memory_space<semaphore_mem>>) src(%dma_wait3A_136 : memref<10000x128xf32, #tpu.memory_space<hbm>>) dst(%arg15 : memref<80x128xf32, #tpu.memory_space<vmem>>)
      "tpu.region"() ({
        %run_scoped3A = tpu.sem_alloc : memref<!tpu.dma_semaphore, #tpu.memory_space<semaphore_mem>>
        %dma_start3A_269 = arith.constant 0 : i32
        %dma_start3A_270 = arith.constant 0 : i32
        %dma_start3A_271 = tpu.memref_slice %arg19[%dma_start3A_269, %dma_start3A_270] : memref<10240x128xf32, #tpu.memory_space<vmem_shared>> -> memref<10240x128xf32, #tpu.memory_space<vmem_shared>>
        tpu.enqueue_indirect_dma source(%arg15 : memref<80x128xf32, #tpu.memory_space<vmem>>) target(%dma_start3A_271 : memref<10240x128xf32, #tpu.memory_space<vmem_shared>>) offsets(%arg11 : memref<80xi32, #tpu.memory_space<vmem>>) semaphore(%run_scoped3A : memref<!tpu.dma_semaphore, #tpu.memory_space<semaphore_mem>>) {add = true}
        %dma_wait3A_272 = arith.constant 0 : i32
        %dma_wait3A_273 = arith.constant 0 : i32
        %dma_wait3A_274 = tpu.memref_slice %arg19[%dma_wait3A_272, %dma_wait3A_273] : memref<10240x128xf32, #tpu.memory_space<vmem_shared>> -> memref<10240x128xf32, #tpu.memory_space<vmem_shared>>
        tpu.wait_indirect_dma semaphore(%run_scoped3A : memref<!tpu.dma_semaphore, #tpu.memory_space<semaphore_mem>>) src(%arg15 : memref<80x128xf32, #tpu.memory_space<vmem>>) dst(%dma_wait3A_274 : memref<10240x128xf32, #tpu.memory_space<vmem_shared>>)
        tpu.yield
      }) : () -> ()
      %add3A_137 = arith.constant 0 : i32
      %add3A_138 = arith.addi %mul3A_133, %add3A_137 : i32
      %add3A_139 = arith.constant 4 : i32
      %add3A_140 = arith.addi %add3A_138, %add3A_139 : i32
      %mul3A_141 = arith.constant 10000 : i32
      %mul3A_142 = arith.muli %add3A, %mul3A_141 : i32
      %mul3A_143 = arith.constant 80 : i32
      %mul3A_144 = arith.muli %add3A_140, %mul3A_143 : i32
      %add3A_145 = arith.addi %mul3A_142, %mul3A_144 : i32
      %dma_start3A_146 = tpu.memref_slice %arg3[%add3A_145] : memref<320000xi32, #tpu.memory_space<hbm>> -> memref<80xi32, #tpu.memory_space<hbm>>
      %dma_start3A_147 = tpu.memref_slice %arg3[%add3A_145] : memref<320000xi32, #tpu.memory_space<hbm>> -> memref<80xi32, #tpu.memory_space<hbm>>
      tpu.enqueue_dma source(%dma_start3A_147 : memref<80xi32, #tpu.memory_space<hbm>>) target(%arg7 : memref<80xi32, #tpu.memory_space<vmem>>) target_semaphore(%arg24 : memref<!tpu.dma_semaphore, #tpu.memory_space<semaphore_mem>>)
      %dma_start3A_148 = tpu.memref_slice %arg4[%add3A_145] : memref<320000xi32, #tpu.memory_space<hbm>> -> memref<80xi32, #tpu.memory_space<hbm>>
      %dma_start3A_149 = tpu.memref_slice %arg4[%add3A_145] : memref<320000xi32, #tpu.memory_space<hbm>> -> memref<80xi32, #tpu.memory_space<hbm>>
      tpu.enqueue_dma source(%dma_start3A_149 : memref<80xi32, #tpu.memory_space<hbm>>) target(%arg11 : memref<80xi32, #tpu.memory_space<vmem>>) target_semaphore(%arg24 : memref<!tpu.dma_semaphore, #tpu.memory_space<semaphore_mem>>)
      %add3A_150 = arith.constant 0 : i32
      %add3A_151 = arith.addi %mul3A_133, %add3A_150 : i32
      %add3A_152 = arith.constant 4 : i32
      %add3A_153 = arith.addi %add3A_151, %add3A_152 : i32
      %sub3A = arith.constant 1 : i32
      %sub3A_154 = arith.subi %add3A_153, %sub3A : i32
      %mul3A_155 = arith.constant 10000 : i32
      %mul3A_156 = arith.muli %add3A, %mul3A_155 : i32
      %mul3A_157 = arith.constant 80 : i32
      %mul3A_158 = arith.muli %sub3A_154, %mul3A_157 : i32
      %add3A_159 = arith.addi %mul3A_156, %mul3A_158 : i32
      %dma_wait3A_160 = tpu.memref_slice %arg3[%add3A_159] : memref<320000xi32, #tpu.memory_space<hbm>> -> memref<80xi32, #tpu.memory_space<hbm>>
      %dma_wait3A_161 = tpu.memref_slice %arg3[%add3A_159] : memref<320000xi32, #tpu.memory_space<hbm>> -> memref<80xi32, #tpu.memory_space<hbm>>
      tpu.wait_dma2 semaphore(%arg27 : memref<!tpu.dma_semaphore, #tpu.memory_space<semaphore_mem>>) src(%dma_wait3A_161 : memref<80xi32, #tpu.memory_space<hbm>>) dst(%arg10 : memref<80xi32, #tpu.memory_space<vmem>>)
      %dma_wait3A_162 = tpu.memref_slice %arg4[%add3A_159] : memref<320000xi32, #tpu.memory_space<hbm>> -> memref<80xi32, #tpu.memory_space<hbm>>
      %dma_wait3A_163 = tpu.memref_slice %arg4[%add3A_159] : memref<320000xi32, #tpu.memory_space<hbm>> -> memref<80xi32, #tpu.memory_space<hbm>>
      tpu.wait_dma2 semaphore(%arg27 : memref<!tpu.dma_semaphore, #tpu.memory_space<semaphore_mem>>) src(%dma_wait3A_163 : memref<80xi32, #tpu.memory_space<hbm>>) dst(%arg14 : memref<80xi32, #tpu.memory_space<vmem>>)
      %dma_start3A_164 = arith.constant 0 : i32
      %dma_start3A_165 = arith.constant 0 : i32
      %dma_start3A_166 = tpu.memref_slice %arg2[%dma_start3A_164, %dma_start3A_165] : memref<10000x128xf32, #tpu.memory_space<hbm>> -> memref<10000x128xf32, #tpu.memory_space<hbm>>
      tpu.enqueue_indirect_dma source(%dma_start3A_166 : memref<10000x128xf32, #tpu.memory_space<hbm>>) target(%arg18 : memref<80x128xf32, #tpu.memory_space<vmem>>) offsets(%arg10 : memref<80xi32, #tpu.memory_space<vmem>>) semaphore(%arg23 : memref<!tpu.dma_semaphore, #tpu.memory_space<semaphore_mem>>)
      %dma_wait3A_167 = arith.constant 0 : i32
      %dma_wait3A_168 = arith.constant 0 : i32
      %dma_wait3A_169 = tpu.memref_slice %arg2[%dma_wait3A_167, %dma_wait3A_168] : memref<10000x128xf32, #tpu.memory_space<hbm>> -> memref<10000x128xf32, #tpu.memory_space<hbm>>
      tpu.wait_indirect_dma semaphore(%arg21 : memref<!tpu.dma_semaphore, #tpu.memory_space<semaphore_mem>>) src(%dma_wait3A_169 : memref<10000x128xf32, #tpu.memory_space<hbm>>) dst(%arg16 : memref<80x128xf32, #tpu.memory_space<vmem>>)
      "tpu.region"() ({
        %run_scoped3A = tpu.sem_alloc : memref<!tpu.dma_semaphore, #tpu.memory_space<semaphore_mem>>
        %dma_start3A_269 = arith.constant 0 : i32
        %dma_start3A_270 = arith.constant 0 : i32
        %dma_start3A_271 = tpu.memref_slice %arg19[%dma_start3A_269, %dma_start3A_270] : memref<10240x128xf32, #tpu.memory_space<vmem_shared>> -> memref<10240x128xf32, #tpu.memory_space<vmem_shared>>
        tpu.enqueue_indirect_dma source(%arg16 : memref<80x128xf32, #tpu.memory_space<vmem>>) target(%dma_start3A_271 : memref<10240x128xf32, #tpu.memory_space<vmem_shared>>) offsets(%arg12 : memref<80xi32, #tpu.memory_space<vmem>>) semaphore(%run_scoped3A : memref<!tpu.dma_semaphore, #tpu.memory_space<semaphore_mem>>) {add = true}
        %dma_wait3A_272 = arith.constant 0 : i32
        %dma_wait3A_273 = arith.constant 0 : i32
        %dma_wait3A_274 = tpu.memref_slice %arg19[%dma_wait3A_272, %dma_wait3A_273] : memref<10240x128xf32, #tpu.memory_space<vmem_shared>> -> memref<10240x128xf32, #tpu.memory_space<vmem_shared>>
        tpu.wait_indirect_dma semaphore(%run_scoped3A : memref<!tpu.dma_semaphore, #tpu.memory_space<semaphore_mem>>) src(%arg16 : memref<80x128xf32, #tpu.memory_space<vmem>>) dst(%dma_wait3A_274 : memref<10240x128xf32, #tpu.memory_space<vmem_shared>>)
        tpu.yield
      }) : () -> ()
      %add3A_170 = arith.constant 1 : i32
      %add3A_171 = arith.addi %mul3A_133, %add3A_170 : i32
      %add3A_172 = arith.constant 4 : i32
      %add3A_173 = arith.addi %add3A_171, %add3A_172 : i32
      %mul3A_174 = arith.constant 10000 : i32
      %mul3A_175 = arith.muli %add3A, %mul3A_174 : i32
      %mul3A_176 = arith.constant 80 : i32
      %mul3A_177 = arith.muli %add3A_173, %mul3A_176 : i32
      %add3A_178 = arith.addi %mul3A_175, %mul3A_177 : i32
      %dma_start3A_179 = tpu.memref_slice %arg3[%add3A_178] : memref<320000xi32, #tpu.memory_space<hbm>> -> memref<80xi32, #tpu.memory_space<hbm>>
      %dma_start3A_180 = tpu.memref_slice %arg3[%add3A_178] : memref<320000xi32, #tpu.memory_space<hbm>> -> memref<80xi32, #tpu.memory_space<hbm>>
      tpu.enqueue_dma source(%dma_start3A_180 : memref<80xi32, #tpu.memory_space<hbm>>) target(%arg8 : memref<80xi32, #tpu.memory_space<vmem>>) target_semaphore(%arg25 : memref<!tpu.dma_semaphore, #tpu.memory_space<semaphore_mem>>)
      %dma_start3A_181 = tpu.memref_slice %arg4[%add3A_178] : memref<320000xi32, #tpu.memory_space<hbm>> -> memref<80xi32, #tpu.memory_space<hbm>>
      %dma_start3A_182 = tpu.memref_slice %arg4[%add3A_178] : memref<320000xi32, #tpu.memory_space<hbm>> -> memref<80xi32, #tpu.memory_space<hbm>>
      tpu.enqueue_dma source(%dma_start3A_182 : memref<80xi32, #tpu.memory_space<hbm>>) target(%arg12 : memref<80xi32, #tpu.memory_space<vmem>>) target_semaphore(%arg25 : memref<!tpu.dma_semaphore, #tpu.memory_space<semaphore_mem>>)
      %add3A_183 = arith.constant 1 : i32
      %add3A_184 = arith.addi %mul3A_133, %add3A_183 : i32
      %add3A_185 = arith.constant 4 : i32
      %add3A_186 = arith.addi %add3A_184, %add3A_185 : i32
      %sub3A_187 = arith.constant 1 : i32
      %sub3A_188 = arith.subi %add3A_186, %sub3A_187 : i32
      %mul3A_189 = arith.constant 10000 : i32
      %mul3A_190 = arith.muli %add3A, %mul3A_189 : i32
      %mul3A_191 = arith.constant 80 : i32
      %mul3A_192 = arith.muli %sub3A_188, %mul3A_191 : i32
      %add3A_193 = arith.addi %mul3A_190, %mul3A_192 : i32
      %dma_wait3A_194 = tpu.memref_slice %arg3[%add3A_193] : memref<320000xi32, #tpu.memory_space<hbm>> -> memref<80xi32, #tpu.memory_space<hbm>>
      %dma_wait3A_195 = tpu.memref_slice %arg3[%add3A_193] : memref<320000xi32, #tpu.memory_space<hbm>> -> memref<80xi32, #tpu.memory_space<hbm>>
      tpu.wait_dma2 semaphore(%arg24 : memref<!tpu.dma_semaphore, #tpu.memory_space<semaphore_mem>>) src(%dma_wait3A_195 : memref<80xi32, #tpu.memory_space<hbm>>) dst(%arg7 : memref<80xi32, #tpu.memory_space<vmem>>)
      %dma_wait3A_196 = tpu.memref_slice %arg4[%add3A_193] : memref<320000xi32, #tpu.memory_space<hbm>> -> memref<80xi32, #tpu.memory_space<hbm>>
      %dma_wait3A_197 = tpu.memref_slice %arg4[%add3A_193] : memref<320000xi32, #tpu.memory_space<hbm>> -> memref<80xi32, #tpu.memory_space<hbm>>
      tpu.wait_dma2 semaphore(%arg24 : memref<!tpu.dma_semaphore, #tpu.memory_space<semaphore_mem>>) src(%dma_wait3A_197 : memref<80xi32, #tpu.memory_space<hbm>>) dst(%arg11 : memref<80xi32, #tpu.memory_space<vmem>>)
      %dma_start3A_198 = arith.constant 0 : i32
      %dma_start3A_199 = arith.constant 0 : i32
      %dma_start3A_200 = tpu.memref_slice %arg2[%dma_start3A_198, %dma_start3A_199] : memref<10000x128xf32, #tpu.memory_space<hbm>> -> memref<10000x128xf32, #tpu.memory_space<hbm>>
      tpu.enqueue_indirect_dma source(%dma_start3A_200 : memref<10000x128xf32, #tpu.memory_space<hbm>>) target(%arg15 : memref<80x128xf32, #tpu.memory_space<vmem>>) offsets(%arg7 : memref<80xi32, #tpu.memory_space<vmem>>) semaphore(%arg20 : memref<!tpu.dma_semaphore, #tpu.memory_space<semaphore_mem>>)
      %dma_wait3A_201 = arith.constant 0 : i32
      %dma_wait3A_202 = arith.constant 0 : i32
      %dma_wait3A_203 = tpu.memref_slice %arg2[%dma_wait3A_201, %dma_wait3A_202] : memref<10000x128xf32, #tpu.memory_space<hbm>> -> memref<10000x128xf32, #tpu.memory_space<hbm>>
      tpu.wait_indirect_dma semaphore(%arg22 : memref<!tpu.dma_semaphore, #tpu.memory_space<semaphore_mem>>) src(%dma_wait3A_203 : memref<10000x128xf32, #tpu.memory_space<hbm>>) dst(%arg17 : memref<80x128xf32, #tpu.memory_space<vmem>>)
      "tpu.region"() ({
        %run_scoped3A = tpu.sem_alloc : memref<!tpu.dma_semaphore, #tpu.memory_space<semaphore_mem>>
        %dma_start3A_269 = arith.constant 0 : i32
        %dma_start3A_270 = arith.constant 0 : i32
        %dma_start3A_271 = tpu.memref_slice %arg19[%dma_start3A_269, %dma_start3A_270] : memref<10240x128xf32, #tpu.memory_space<vmem_shared>> -> memref<10240x128xf32, #tpu.memory_space<vmem_shared>>
        tpu.enqueue_indirect_dma source(%arg17 : memref<80x128xf32, #tpu.memory_space<vmem>>) target(%dma_start3A_271 : memref<10240x128xf32, #tpu.memory_space<vmem_shared>>) offsets(%arg13 : memref<80xi32, #tpu.memory_space<vmem>>) semaphore(%run_scoped3A : memref<!tpu.dma_semaphore, #tpu.memory_space<semaphore_mem>>) {add = true}
        %dma_wait3A_272 = arith.constant 0 : i32
        %dma_wait3A_273 = arith.constant 0 : i32
        %dma_wait3A_274 = tpu.memref_slice %arg19[%dma_wait3A_272, %dma_wait3A_273] : memref<10240x128xf32, #tpu.memory_space<vmem_shared>> -> memref<10240x128xf32, #tpu.memory_space<vmem_shared>>
        tpu.wait_indirect_dma semaphore(%run_scoped3A : memref<!tpu.dma_semaphore, #tpu.memory_space<semaphore_mem>>) src(%arg17 : memref<80x128xf32, #tpu.memory_space<vmem>>) dst(%dma_wait3A_274 : memref<10240x128xf32, #tpu.memory_space<vmem_shared>>)
        tpu.yield
      }) : () -> ()
      %add3A_204 = arith.constant 2 : i32
      %add3A_205 = arith.addi %mul3A_133, %add3A_204 : i32
      %add3A_206 = arith.constant 4 : i32
      %add3A_207 = arith.addi %add3A_205, %add3A_206 : i32
      %mul3A_208 = arith.constant 10000 : i32
      %mul3A_209 = arith.muli %add3A, %mul3A_208 : i32
      %mul3A_210 = arith.constant 80 : i32
      %mul3A_211 = arith.muli %add3A_207, %mul3A_210 : i32
      %add3A_212 = arith.addi %mul3A_209, %mul3A_211 : i32
      %dma_start3A_213 = tpu.memref_slice %arg3[%add3A_212] : memref<320000xi32, #tpu.memory_space<hbm>> -> memref<80xi32, #tpu.memory_space<hbm>>
      %dma_start3A_214 = tpu.memref_slice %arg3[%add3A_212] : memref<320000xi32, #tpu.memory_space<hbm>> -> memref<80xi32, #tpu.memory_space<hbm>>
      tpu.enqueue_dma source(%dma_start3A_214 : memref<80xi32, #tpu.memory_space<hbm>>) target(%arg9 : memref<80xi32, #tpu.memory_space<vmem>>) target_semaphore(%arg26 : memref<!tpu.dma_semaphore, #tpu.memory_space<semaphore_mem>>)
      %dma_start3A_215 = tpu.memref_slice %arg4[%add3A_212] : memref<320000xi32, #tpu.memory_space<hbm>> -> memref<80xi32, #tpu.memory_space<hbm>>
      %dma_start3A_216 = tpu.memref_slice %arg4[%add3A_212] : memref<320000xi32, #tpu.memory_space<hbm>> -> memref<80xi32, #tpu.memory_space<hbm>>
      tpu.enqueue_dma source(%dma_start3A_216 : memref<80xi32, #tpu.memory_space<hbm>>) target(%arg13 : memref<80xi32, #tpu.memory_space<vmem>>) target_semaphore(%arg26 : memref<!tpu.dma_semaphore, #tpu.memory_space<semaphore_mem>>)
      %add3A_217 = arith.constant 2 : i32
      %add3A_218 = arith.addi %mul3A_133, %add3A_217 : i32
      %add3A_219 = arith.constant 4 : i32
      %add3A_220 = arith.addi %add3A_218, %add3A_219 : i32
      %sub3A_221 = arith.constant 1 : i32
      %sub3A_222 = arith.subi %add3A_220, %sub3A_221 : i32
      %mul3A_223 = arith.constant 10000 : i32
      %mul3A_224 = arith.muli %add3A, %mul3A_223 : i32
      %mul3A_225 = arith.constant 80 : i32
      %mul3A_226 = arith.muli %sub3A_222, %mul3A_225 : i32
      %add3A_227 = arith.addi %mul3A_224, %mul3A_226 : i32
      %dma_wait3A_228 = tpu.memref_slice %arg3[%add3A_227] : memref<320000xi32, #tpu.memory_space<hbm>> -> memref<80xi32, #tpu.memory_space<hbm>>
      %dma_wait3A_229 = tpu.memref_slice %arg3[%add3A_227] : memref<320000xi32, #tpu.memory_space<hbm>> -> memref<80xi32, #tpu.memory_space<hbm>>
      tpu.wait_dma2 semaphore(%arg25 : memref<!tpu.dma_semaphore, #tpu.memory_space<semaphore_mem>>) src(%dma_wait3A_229 : memref<80xi32, #tpu.memory_space<hbm>>) dst(%arg8 : memref<80xi32, #tpu.memory_space<vmem>>)
      %dma_wait3A_230 = tpu.memref_slice %arg4[%add3A_227] : memref<320000xi32, #tpu.memory_space<hbm>> -> memref<80xi32, #tpu.memory_space<hbm>>
      %dma_wait3A_231 = tpu.memref_slice %arg4[%add3A_227] : memref<320000xi32, #tpu.memory_space<hbm>> -> memref<80xi32, #tpu.memory_space<hbm>>
      tpu.wait_dma2 semaphore(%arg25 : memref<!tpu.dma_semaphore, #tpu.memory_space<semaphore_mem>>) src(%dma_wait3A_231 : memref<80xi32, #tpu.memory_space<hbm>>) dst(%arg12 : memref<80xi32, #tpu.memory_space<vmem>>)
      %dma_start3A_232 = arith.constant 0 : i32
      %dma_start3A_233 = arith.constant 0 : i32
      %dma_start3A_234 = tpu.memref_slice %arg2[%dma_start3A_232, %dma_start3A_233] : memref<10000x128xf32, #tpu.memory_space<hbm>> -> memref<10000x128xf32, #tpu.memory_space<hbm>>
      tpu.enqueue_indirect_dma source(%dma_start3A_234 : memref<10000x128xf32, #tpu.memory_space<hbm>>) target(%arg16 : memref<80x128xf32, #tpu.memory_space<vmem>>) offsets(%arg8 : memref<80xi32, #tpu.memory_space<vmem>>) semaphore(%arg21 : memref<!tpu.dma_semaphore, #tpu.memory_space<semaphore_mem>>)
      %dma_wait3A_235 = arith.constant 0 : i32
      %dma_wait3A_236 = arith.constant 0 : i32
      %dma_wait3A_237 = tpu.memref_slice %arg2[%dma_wait3A_235, %dma_wait3A_236] : memref<10000x128xf32, #tpu.memory_space<hbm>> -> memref<10000x128xf32, #tpu.memory_space<hbm>>
      tpu.wait_indirect_dma semaphore(%arg23 : memref<!tpu.dma_semaphore, #tpu.memory_space<semaphore_mem>>) src(%dma_wait3A_237 : memref<10000x128xf32, #tpu.memory_space<hbm>>) dst(%arg18 : memref<80x128xf32, #tpu.memory_space<vmem>>)
      "tpu.region"() ({
        %run_scoped3A = tpu.sem_alloc : memref<!tpu.dma_semaphore, #tpu.memory_space<semaphore_mem>>
        %dma_start3A_269 = arith.constant 0 : i32
        %dma_start3A_270 = arith.constant 0 : i32
        %dma_start3A_271 = tpu.memref_slice %arg19[%dma_start3A_269, %dma_start3A_270] : memref<10240x128xf32, #tpu.memory_space<vmem_shared>> -> memref<10240x128xf32, #tpu.memory_space<vmem_shared>>
        tpu.enqueue_indirect_dma source(%arg18 : memref<80x128xf32, #tpu.memory_space<vmem>>) target(%dma_start3A_271 : memref<10240x128xf32, #tpu.memory_space<vmem_shared>>) offsets(%arg14 : memref<80xi32, #tpu.memory_space<vmem>>) semaphore(%run_scoped3A : memref<!tpu.dma_semaphore, #tpu.memory_space<semaphore_mem>>) {add = true}
        %dma_wait3A_272 = arith.constant 0 : i32
        %dma_wait3A_273 = arith.constant 0 : i32
        %dma_wait3A_274 = tpu.memref_slice %arg19[%dma_wait3A_272, %dma_wait3A_273] : memref<10240x128xf32, #tpu.memory_space<vmem_shared>> -> memref<10240x128xf32, #tpu.memory_space<vmem_shared>>
        tpu.wait_indirect_dma semaphore(%run_scoped3A : memref<!tpu.dma_semaphore, #tpu.memory_space<semaphore_mem>>) src(%arg18 : memref<80x128xf32, #tpu.memory_space<vmem>>) dst(%dma_wait3A_274 : memref<10240x128xf32, #tpu.memory_space<vmem_shared>>)
        tpu.yield
      }) : () -> ()
      %add3A_238 = arith.constant 3 : i32
      %add3A_239 = arith.addi %mul3A_133, %add3A_238 : i32
      %add3A_240 = arith.constant 4 : i32
      %add3A_241 = arith.addi %add3A_239, %add3A_240 : i32
      %mul3A_242 = arith.constant 10000 : i32
      %mul3A_243 = arith.muli %add3A, %mul3A_242 : i32
      %mul3A_244 = arith.constant 80 : i32
      %mul3A_245 = arith.muli %add3A_241, %mul3A_244 : i32
      %add3A_246 = arith.addi %mul3A_243, %mul3A_245 : i32
      %dma_start3A_247 = tpu.memref_slice %arg3[%add3A_246] : memref<320000xi32, #tpu.memory_space<hbm>> -> memref<80xi32, #tpu.memory_space<hbm>>
      %dma_start3A_248 = tpu.memref_slice %arg3[%add3A_246] : memref<320000xi32, #tpu.memory_space<hbm>> -> memref<80xi32, #tpu.memory_space<hbm>>
      tpu.enqueue_dma source(%dma_start3A_248 : memref<80xi32, #tpu.memory_space<hbm>>) target(%arg10 : memref<80xi32, #tpu.memory_space<vmem>>) target_semaphore(%arg27 : memref<!tpu.dma_semaphore, #tpu.memory_space<semaphore_mem>>)
      %dma_start3A_249 = tpu.memref_slice %arg4[%add3A_246] : memref<320000xi32, #tpu.memory_space<hbm>> -> memref<80xi32, #tpu.memory_space<hbm>>
      %dma_start3A_250 = tpu.memref_slice %arg4[%add3A_246] : memref<320000xi32, #tpu.memory_space<hbm>> -> memref<80xi32, #tpu.memory_space<hbm>>
      tpu.enqueue_dma source(%dma_start3A_250 : memref<80xi32, #tpu.memory_space<hbm>>) target(%arg14 : memref<80xi32, #tpu.memory_space<vmem>>) target_semaphore(%arg27 : memref<!tpu.dma_semaphore, #tpu.memory_space<semaphore_mem>>)
      %add3A_251 = arith.constant 3 : i32
      %add3A_252 = arith.addi %mul3A_133, %add3A_251 : i32
      %add3A_253 = arith.constant 4 : i32
      %add3A_254 = arith.addi %add3A_252, %add3A_253 : i32
      %sub3A_255 = arith.constant 1 : i32
      %sub3A_256 = arith.subi %add3A_254, %sub3A_255 : i32
      %mul3A_257 = arith.constant 10000 : i32
      %mul3A_258 = arith.muli %add3A, %mul3A_257 : i32
      %mul3A_259 = arith.constant 80 : i32
      %mul3A_260 = arith.muli %sub3A_256, %mul3A_259 : i32
      %add3A_261 = arith.addi %mul3A_258, %mul3A_260 : i32
      %dma_wait3A_262 = tpu.memref_slice %arg3[%add3A_261] : memref<320000xi32, #tpu.memory_space<hbm>> -> memref<80xi32, #tpu.memory_space<hbm>>
      %dma_wait3A_263 = tpu.memref_slice %arg3[%add3A_261] : memref<320000xi32, #tpu.memory_space<hbm>> -> memref<80xi32, #tpu.memory_space<hbm>>
      tpu.wait_dma2 semaphore(%arg26 : memref<!tpu.dma_semaphore, #tpu.memory_space<semaphore_mem>>) src(%dma_wait3A_263 : memref<80xi32, #tpu.memory_space<hbm>>) dst(%arg9 : memref<80xi32, #tpu.memory_space<vmem>>)
      %dma_wait3A_264 = tpu.memref_slice %arg4[%add3A_261] : memref<320000xi32, #tpu.memory_space<hbm>> -> memref<80xi32, #tpu.memory_space<hbm>>
      %dma_wait3A_265 = tpu.memref_slice %arg4[%add3A_261] : memref<320000xi32, #tpu.memory_space<hbm>> -> memref<80xi32, #tpu.memory_space<hbm>>
      tpu.wait_dma2 semaphore(%arg26 : memref<!tpu.dma_semaphore, #tpu.memory_space<semaphore_mem>>) src(%dma_wait3A_265 : memref<80xi32, #tpu.memory_space<hbm>>) dst(%arg13 : memref<80xi32, #tpu.memory_space<vmem>>)
      %dma_start3A_266 = arith.constant 0 : i32
      %dma_start3A_267 = arith.constant 0 : i32
      %dma_start3A_268 = tpu.memref_slice %arg2[%dma_start3A_266, %dma_start3A_267] : memref<10000x128xf32, #tpu.memory_space<hbm>> -> memref<10000x128xf32, #tpu.memory_space<hbm>>
      tpu.enqueue_indirect_dma source(%dma_start3A_268 : memref<10000x128xf32, #tpu.memory_space<hbm>>) target(%arg17 : memref<80x128xf32, #tpu.memory_space<vmem>>) offsets(%arg9 : memref<80xi32, #tpu.memory_space<vmem>>) semaphore(%arg22 : memref<!tpu.dma_semaphore, #tpu.memory_space<semaphore_mem>>)
    }
    %scan3A_80 = arith.constant 30 : i32
    %dma_wait3A_81 = arith.constant 0 : i32
    %dma_wait3A_82 = arith.constant 0 : i32
    %dma_wait3A_83 = tpu.memref_slice %arg2[%dma_wait3A_81, %dma_wait3A_82] : memref<10000x128xf32, #tpu.memory_space<hbm>> -> memref<10000x128xf32, #tpu.memory_space<hbm>>
    tpu.wait_indirect_dma semaphore(%arg20 : memref<!tpu.dma_semaphore, #tpu.memory_space<semaphore_mem>>) src(%dma_wait3A_83 : memref<10000x128xf32, #tpu.memory_space<hbm>>) dst(%arg15 : memref<80x128xf32, #tpu.memory_space<vmem>>)
    "tpu.region"() ({
      %run_scoped3A = tpu.sem_alloc : memref<!tpu.dma_semaphore, #tpu.memory_space<semaphore_mem>>
      %dma_start3A_131 = arith.constant 0 : i32
      %dma_start3A_132 = arith.constant 0 : i32
      %dma_start3A_133 = tpu.memref_slice %arg19[%dma_start3A_131, %dma_start3A_132] : memref<10240x128xf32, #tpu.memory_space<vmem_shared>> -> memref<10240x128xf32, #tpu.memory_space<vmem_shared>>
      tpu.enqueue_indirect_dma source(%arg15 : memref<80x128xf32, #tpu.memory_space<vmem>>) target(%dma_start3A_133 : memref<10240x128xf32, #tpu.memory_space<vmem_shared>>) offsets(%arg11 : memref<80xi32, #tpu.memory_space<vmem>>) semaphore(%run_scoped3A : memref<!tpu.dma_semaphore, #tpu.memory_space<semaphore_mem>>) {add = true}
      %dma_wait3A_134 = arith.constant 0 : i32
      %dma_wait3A_135 = arith.constant 0 : i32
      %dma_wait3A_136 = tpu.memref_slice %arg19[%dma_wait3A_134, %dma_wait3A_135] : memref<10240x128xf32, #tpu.memory_space<vmem_shared>> -> memref<10240x128xf32, #tpu.memory_space<vmem_shared>>
      tpu.wait_indirect_dma semaphore(%run_scoped3A : memref<!tpu.dma_semaphore, #tpu.memory_space<semaphore_mem>>) src(%arg15 : memref<80x128xf32, #tpu.memory_space<vmem>>) dst(%dma_wait3A_136 : memref<10240x128xf32, #tpu.memory_space<vmem_shared>>)
      tpu.yield
    }) : () -> ()
    %mul3A_84 = arith.constant 10000 : i32
    %mul3A_85 = arith.muli %add3A, %mul3A_84 : i32
    %add3A_86 = arith.constant 9920 : i32
    %add3A_87 = arith.addi %mul3A_85, %add3A_86 : i32
    %dma_start3A_88 = tpu.memref_slice %arg3[%add3A_87] : memref<320000xi32, #tpu.memory_space<hbm>> -> memref<80xi32, #tpu.memory_space<hbm>>
    %dma_start3A_89 = tpu.memref_slice %arg3[%add3A_87] : memref<320000xi32, #tpu.memory_space<hbm>> -> memref<80xi32, #tpu.memory_space<hbm>>
    tpu.enqueue_dma source(%dma_start3A_89 : memref<80xi32, #tpu.memory_space<hbm>>) target(%arg7 : memref<80xi32, #tpu.memory_space<vmem>>) target_semaphore(%arg24 : memref<!tpu.dma_semaphore, #tpu.memory_space<semaphore_mem>>)
    %dma_start3A_90 = tpu.memref_slice %arg4[%add3A_87] : memref<320000xi32, #tpu.memory_space<hbm>> -> memref<80xi32, #tpu.memory_space<hbm>>
    %dma_start3A_91 = tpu.memref_slice %arg4[%add3A_87] : memref<320000xi32, #tpu.memory_space<hbm>> -> memref<80xi32, #tpu.memory_space<hbm>>
    tpu.enqueue_dma source(%dma_start3A_91 : memref<80xi32, #tpu.memory_space<hbm>>) target(%arg11 : memref<80xi32, #tpu.memory_space<vmem>>) target_semaphore(%arg24 : memref<!tpu.dma_semaphore, #tpu.memory_space<semaphore_mem>>)
    %mul3A_92 = arith.constant 10000 : i32
    %mul3A_93 = arith.muli %add3A, %mul3A_92 : i32
    %add3A_94 = arith.constant 9840 : i32
    %add3A_95 = arith.addi %mul3A_93, %add3A_94 : i32
    %dma_wait3A_96 = tpu.memref_slice %arg3[%add3A_95] : memref<320000xi32, #tpu.memory_space<hbm>> -> memref<80xi32, #tpu.memory_space<hbm>>
    %dma_wait3A_97 = tpu.memref_slice %arg3[%add3A_95] : memref<320000xi32, #tpu.memory_space<hbm>> -> memref<80xi32, #tpu.memory_space<hbm>>
    tpu.wait_dma2 semaphore(%arg27 : memref<!tpu.dma_semaphore, #tpu.memory_space<semaphore_mem>>) src(%dma_wait3A_97 : memref<80xi32, #tpu.memory_space<hbm>>) dst(%arg10 : memref<80xi32, #tpu.memory_space<vmem>>)
    %dma_wait3A_98 = tpu.memref_slice %arg4[%add3A_95] : memref<320000xi32, #tpu.memory_space<hbm>> -> memref<80xi32, #tpu.memory_space<hbm>>
    %dma_wait3A_99 = tpu.memref_slice %arg4[%add3A_95] : memref<320000xi32, #tpu.memory_space<hbm>> -> memref<80xi32, #tpu.memory_space<hbm>>
    tpu.wait_dma2 semaphore(%arg27 : memref<!tpu.dma_semaphore, #tpu.memory_space<semaphore_mem>>) src(%dma_wait3A_99 : memref<80xi32, #tpu.memory_space<hbm>>) dst(%arg14 : memref<80xi32, #tpu.memory_space<vmem>>)
    %dma_start3A_100 = arith.constant 0 : i32
    %dma_start3A_101 = arith.constant 0 : i32
    %dma_start3A_102 = tpu.memref_slice %arg2[%dma_start3A_100, %dma_start3A_101] : memref<10000x128xf32, #tpu.memory_space<hbm>> -> memref<10000x128xf32, #tpu.memory_space<hbm>>
    tpu.enqueue_indirect_dma source(%dma_start3A_102 : memref<10000x128xf32, #tpu.memory_space<hbm>>) target(%arg18 : memref<80x128xf32, #tpu.memory_space<vmem>>) offsets(%arg10 : memref<80xi32, #tpu.memory_space<vmem>>) semaphore(%arg23 : memref<!tpu.dma_semaphore, #tpu.memory_space<semaphore_mem>>)
    %dma_wait3A_103 = arith.constant 0 : i32
    %dma_wait3A_104 = arith.constant 0 : i32
    %dma_wait3A_105 = tpu.memref_slice %arg2[%dma_wait3A_103, %dma_wait3A_104] : memref<10000x128xf32, #tpu.memory_space<hbm>> -> memref<10000x128xf32, #tpu.memory_space<hbm>>
    tpu.wait_indirect_dma semaphore(%arg21 : memref<!tpu.dma_semaphore, #tpu.memory_space<semaphore_mem>>) src(%dma_wait3A_105 : memref<10000x128xf32, #tpu.memory_space<hbm>>) dst(%arg16 : memref<80x128xf32, #tpu.memory_space<vmem>>)
    "tpu.region"() ({
      %run_scoped3A = tpu.sem_alloc : memref<!tpu.dma_semaphore, #tpu.memory_space<semaphore_mem>>
      %dma_start3A_131 = arith.constant 0 : i32
      %dma_start3A_132 = arith.constant 0 : i32
      %dma_start3A_133 = tpu.memref_slice %arg19[%dma_start3A_131, %dma_start3A_132] : memref<10240x128xf32, #tpu.memory_space<vmem_shared>> -> memref<10240x128xf32, #tpu.memory_space<vmem_shared>>
      tpu.enqueue_indirect_dma source(%arg16 : memref<80x128xf32, #tpu.memory_space<vmem>>) target(%dma_start3A_133 : memref<10240x128xf32, #tpu.memory_space<vmem_shared>>) offsets(%arg12 : memref<80xi32, #tpu.memory_space<vmem>>) semaphore(%run_scoped3A : memref<!tpu.dma_semaphore, #tpu.memory_space<semaphore_mem>>) {add = true}
      %dma_wait3A_134 = arith.constant 0 : i32
      %dma_wait3A_135 = arith.constant 0 : i32
      %dma_wait3A_136 = tpu.memref_slice %arg19[%dma_wait3A_134, %dma_wait3A_135] : memref<10240x128xf32, #tpu.memory_space<vmem_shared>> -> memref<10240x128xf32, #tpu.memory_space<vmem_shared>>
      tpu.wait_indirect_dma semaphore(%run_scoped3A : memref<!tpu.dma_semaphore, #tpu.memory_space<semaphore_mem>>) src(%arg16 : memref<80x128xf32, #tpu.memory_space<vmem>>) dst(%dma_wait3A_136 : memref<10240x128xf32, #tpu.memory_space<vmem_shared>>)
      tpu.yield
    }) : () -> ()
    %mul3A_106 = arith.constant 10000 : i32
    %mul3A_107 = arith.muli %add3A, %mul3A_106 : i32
    %add3A_108 = arith.constant 9920 : i32
    %add3A_109 = arith.addi %mul3A_107, %add3A_108 : i32
    %dma_wait3A_110 = tpu.memref_slice %arg3[%add3A_109] : memref<320000xi32, #tpu.memory_space<hbm>> -> memref<80xi32, #tpu.memory_space<hbm>>
    %dma_wait3A_111 = tpu.memref_slice %arg3[%add3A_109] : memref<320000xi32, #tpu.memory_space<hbm>> -> memref<80xi32, #tpu.memory_space<hbm>>
    tpu.wait_dma2 semaphore(%arg24 : memref<!tpu.dma_semaphore, #tpu.memory_space<semaphore_mem>>) src(%dma_wait3A_111 : memref<80xi32, #tpu.memory_space<hbm>>) dst(%arg7 : memref<80xi32, #tpu.memory_space<vmem>>)
    %dma_wait3A_112 = tpu.memref_slice %arg4[%add3A_109] : memref<320000xi32, #tpu.memory_space<hbm>> -> memref<80xi32, #tpu.memory_space<hbm>>
    %dma_wait3A_113 = tpu.memref_slice %arg4[%add3A_109] : memref<320000xi32, #tpu.memory_space<hbm>> -> memref<80xi32, #tpu.memory_space<hbm>>
    tpu.wait_dma2 semaphore(%arg24 : memref<!tpu.dma_semaphore, #tpu.memory_space<semaphore_mem>>) src(%dma_wait3A_113 : memref<80xi32, #tpu.memory_space<hbm>>) dst(%arg11 : memref<80xi32, #tpu.memory_space<vmem>>)
    %dma_start3A_114 = arith.constant 0 : i32
    %dma_start3A_115 = arith.constant 0 : i32
    %dma_start3A_116 = tpu.memref_slice %arg2[%dma_start3A_114, %dma_start3A_115] : memref<10000x128xf32, #tpu.memory_space<hbm>> -> memref<10000x128xf32, #tpu.memory_space<hbm>>
    tpu.enqueue_indirect_dma source(%dma_start3A_116 : memref<10000x128xf32, #tpu.memory_space<hbm>>) target(%arg15 : memref<80x128xf32, #tpu.memory_space<vmem>>) offsets(%arg7 : memref<80xi32, #tpu.memory_space<vmem>>) semaphore(%arg20 : memref<!tpu.dma_semaphore, #tpu.memory_space<semaphore_mem>>)
    %dma_wait3A_117 = arith.constant 0 : i32
    %dma_wait3A_118 = arith.constant 0 : i32
    %dma_wait3A_119 = tpu.memref_slice %arg2[%dma_wait3A_117, %dma_wait3A_118] : memref<10000x128xf32, #tpu.memory_space<hbm>> -> memref<10000x128xf32, #tpu.memory_space<hbm>>
    tpu.wait_indirect_dma semaphore(%arg22 : memref<!tpu.dma_semaphore, #tpu.memory_space<semaphore_mem>>) src(%dma_wait3A_119 : memref<10000x128xf32, #tpu.memory_space<hbm>>) dst(%arg17 : memref<80x128xf32, #tpu.memory_space<vmem>>)
    "tpu.region"() ({
      %run_scoped3A = tpu.sem_alloc : memref<!tpu.dma_semaphore, #tpu.memory_space<semaphore_mem>>
      %dma_start3A_131 = arith.constant 0 : i32
      %dma_start3A_132 = arith.constant 0 : i32
      %dma_start3A_133 = tpu.memref_slice %arg19[%dma_start3A_131, %dma_start3A_132] : memref<10240x128xf32, #tpu.memory_space<vmem_shared>> -> memref<10240x128xf32, #tpu.memory_space<vmem_shared>>
      tpu.enqueue_indirect_dma source(%arg17 : memref<80x128xf32, #tpu.memory_space<vmem>>) target(%dma_start3A_133 : memref<10240x128xf32, #tpu.memory_space<vmem_shared>>) offsets(%arg13 : memref<80xi32, #tpu.memory_space<vmem>>) semaphore(%run_scoped3A : memref<!tpu.dma_semaphore, #tpu.memory_space<semaphore_mem>>) {add = true}
      %dma_wait3A_134 = arith.constant 0 : i32
      %dma_wait3A_135 = arith.constant 0 : i32
      %dma_wait3A_136 = tpu.memref_slice %arg19[%dma_wait3A_134, %dma_wait3A_135] : memref<10240x128xf32, #tpu.memory_space<vmem_shared>> -> memref<10240x128xf32, #tpu.memory_space<vmem_shared>>
      tpu.wait_indirect_dma semaphore(%run_scoped3A : memref<!tpu.dma_semaphore, #tpu.memory_space<semaphore_mem>>) src(%arg17 : memref<80x128xf32, #tpu.memory_space<vmem>>) dst(%dma_wait3A_136 : memref<10240x128xf32, #tpu.memory_space<vmem_shared>>)
      tpu.yield
    }) : () -> ()
    %dma_wait3A_120 = arith.constant 0 : i32
    %dma_wait3A_121 = arith.constant 0 : i32
    %dma_wait3A_122 = tpu.memref_slice %arg2[%dma_wait3A_120, %dma_wait3A_121] : memref<10000x128xf32, #tpu.memory_space<hbm>> -> memref<10000x128xf32, #tpu.memory_space<hbm>>
    tpu.wait_indirect_dma semaphore(%arg23 : memref<!tpu.dma_semaphore, #tpu.memory_space<semaphore_mem>>) src(%dma_wait3A_122 : memref<10000x128xf32, #tpu.memory_space<hbm>>) dst(%arg18 : memref<80x128xf32, #tpu.memory_space<vmem>>)
    "tpu.region"() ({
      %run_scoped3A = tpu.sem_alloc : memref<!tpu.dma_semaphore, #tpu.memory_space<semaphore_mem>>
      %dma_start3A_131 = arith.constant 0 : i32
      %dma_start3A_132 = arith.constant 0 : i32
      %dma_start3A_133 = tpu.memref_slice %arg19[%dma_start3A_131, %dma_start3A_132] : memref<10240x128xf32, #tpu.memory_space<vmem_shared>> -> memref<10240x128xf32, #tpu.memory_space<vmem_shared>>
      tpu.enqueue_indirect_dma source(%arg18 : memref<80x128xf32, #tpu.memory_space<vmem>>) target(%dma_start3A_133 : memref<10240x128xf32, #tpu.memory_space<vmem_shared>>) offsets(%arg14 : memref<80xi32, #tpu.memory_space<vmem>>) semaphore(%run_scoped3A : memref<!tpu.dma_semaphore, #tpu.memory_space<semaphore_mem>>) {add = true}
      %dma_wait3A_134 = arith.constant 0 : i32
      %dma_wait3A_135 = arith.constant 0 : i32
      %dma_wait3A_136 = tpu.memref_slice %arg19[%dma_wait3A_134, %dma_wait3A_135] : memref<10240x128xf32, #tpu.memory_space<vmem_shared>> -> memref<10240x128xf32, #tpu.memory_space<vmem_shared>>
      tpu.wait_indirect_dma semaphore(%run_scoped3A : memref<!tpu.dma_semaphore, #tpu.memory_space<semaphore_mem>>) src(%arg18 : memref<80x128xf32, #tpu.memory_space<vmem>>) dst(%dma_wait3A_136 : memref<10240x128xf32, #tpu.memory_space<vmem_shared>>)
      tpu.yield
    }) : () -> ()
    %dma_wait3A_123 = arith.constant 0 : i32
    %dma_wait3A_124 = arith.constant 0 : i32
    %dma_wait3A_125 = tpu.memref_slice %arg2[%dma_wait3A_123, %dma_wait3A_124] : memref<10000x128xf32, #tpu.memory_space<hbm>> -> memref<10000x128xf32, #tpu.memory_space<hbm>>
    tpu.wait_indirect_dma semaphore(%arg20 : memref<!tpu.dma_semaphore, #tpu.memory_space<semaphore_mem>>) src(%dma_wait3A_125 : memref<10000x128xf32, #tpu.memory_space<hbm>>) dst(%arg15 : memref<80x128xf32, #tpu.memory_space<vmem>>)
    "tpu.region"() ({
      %run_scoped3A = tpu.sem_alloc : memref<!tpu.dma_semaphore, #tpu.memory_space<semaphore_mem>>
      %dma_start3A_131 = arith.constant 0 : i32
      %dma_start3A_132 = arith.constant 0 : i32
      %dma_start3A_133 = tpu.memref_slice %arg19[%dma_start3A_131, %dma_start3A_132] : memref<10240x128xf32, #tpu.memory_space<vmem_shared>> -> memref<10240x128xf32, #tpu.memory_space<vmem_shared>>
      tpu.enqueue_indirect_dma source(%arg15 : memref<80x128xf32, #tpu.memory_space<vmem>>) target(%dma_start3A_133 : memref<10240x128xf32, #tpu.memory_space<vmem_shared>>) offsets(%arg11 : memref<80xi32, #tpu.memory_space<vmem>>) semaphore(%run_scoped3A : memref<!tpu.dma_semaphore, #tpu.memory_space<semaphore_mem>>) {add = true}
      %dma_wait3A_134 = arith.constant 0 : i32
      %dma_wait3A_135 = arith.constant 0 : i32
      %dma_wait3A_136 = tpu.memref_slice %arg19[%dma_wait3A_134, %dma_wait3A_135] : memref<10240x128xf32, #tpu.memory_space<vmem_shared>> -> memref<10240x128xf32, #tpu.memory_space<vmem_shared>>
      tpu.wait_indirect_dma semaphore(%run_scoped3A : memref<!tpu.dma_semaphore, #tpu.memory_space<semaphore_mem>>) src(%arg15 : memref<80x128xf32, #tpu.memory_space<vmem>>) dst(%dma_wait3A_136 : memref<10240x128xf32, #tpu.memory_space<vmem_shared>>)
      tpu.yield
    }) : () -> ()
    %barrier3A_126 = arith.constant 0 : index
    tpu.barrier barrier_id(%barrier3A_126)
    %mul3A_127 = arith.constant 640 : i32
    %mul3A_128 = arith.muli %arg1, %mul3A_127 : i32
    %mul3A_129 = arith.constant 640 : i32
    %mul3A_130 = arith.muli %arg1, %mul3A_129 : i32
    "tpu.region"() ({
      %run_scoped3A = tpu.sem_alloc : memref<!tpu.dma_semaphore, #tpu.memory_space<semaphore_mem>>
      %dma_start3A_131 = arith.constant 0 : i32
      %dma_start3A_132 = tpu.memref_slice %arg6[%arg0, %mul3A_130, %dma_start3A_131] : memref<2x10240x128xf32, #tpu.memory_space<hbm>> -> memref<1x640x128xf32, #tpu.memory_space<hbm>>
      %dma_start3A_133 = tpu.memref_squeeze %dma_start3A_132 : memref<1x640x128xf32, #tpu.memory_space<hbm>> -> memref<640x128xf32, #tpu.memory_space<hbm>>
      %dma_start3A_134 = arith.constant 0 : i32
      %dma_start3A_135 = tpu.memref_slice %arg19[%mul3A_128, %dma_start3A_134] : memref<10240x128xf32, #tpu.memory_space<vmem_shared>> -> memref<640x128xf32, #tpu.memory_space<vmem_shared>>
      tpu.enqueue_dma source(%dma_start3A_135 : memref<640x128xf32, #tpu.memory_space<vmem_shared>>) target(%dma_start3A_133 : memref<640x128xf32, #tpu.memory_space<hbm>>) target_semaphore(%run_scoped3A : memref<!tpu.dma_semaphore, #tpu.memory_space<semaphore_mem>>)
      %dma_wait3A_136 = arith.constant 0 : i32
      %dma_wait3A_137 = tpu.memref_slice %arg6[%arg0, %mul3A_130, %dma_wait3A_136] : memref<2x10240x128xf32, #tpu.memory_space<hbm>> -> memref<1x640x128xf32, #tpu.memory_space<hbm>>
      %dma_wait3A_138 = tpu.memref_squeeze %dma_wait3A_137 : memref<1x640x128xf32, #tpu.memory_space<hbm>> -> memref<640x128xf32, #tpu.memory_space<hbm>>
      %dma_wait3A_139 = arith.constant 0 : i32
      %dma_wait3A_140 = tpu.memref_slice %arg19[%mul3A_128, %dma_wait3A_139] : memref<10240x128xf32, #tpu.memory_space<vmem_shared>> -> memref<640x128xf32, #tpu.memory_space<vmem_shared>>
      tpu.wait_dma2 semaphore(%run_scoped3A : memref<!tpu.dma_semaphore, #tpu.memory_space<semaphore_mem>>) src(%dma_wait3A_140 : memref<640x128xf32, #tpu.memory_space<vmem_shared>>) dst(%dma_wait3A_138 : memref<640x128xf32, #tpu.memory_space<hbm>>)
      tpu.yield
    }) : () -> ()
    return
  }
}

#map = affine_map<(d0, d1) -> (0, 0)>
#map1 = affine_map<(d0, d1) -> (0)>
#map2 = affine_map<(d0, d1) -> (0, 0, 0)>
module attributes {stable_mosaic.version = 14 : i64} {
  func.func @_sc_agg(%arg0: i32, %arg1: i32, %arg2: memref<10000x128xf32, #tpu.memory_space<hbm>>, %arg3: memref<320000xi32, #tpu.memory_space<hbm>>, %arg4: memref<320000xi32, #tpu.memory_space<hbm>>, %arg5: memref<10240x128xf32, #tpu.memory_space<hbm>>, %arg6: memref<2x10240x128xf32, #tpu.memory_space<hbm>>, %arg7: memref<80xi32, #tpu.memory_space<vmem>>, %arg8: memref<80xi32, #tpu.memory_space<vmem>>, %arg9: memref<80xi32, #tpu.memory_space<vmem>>, %arg10: memref<80xi32, #tpu.memory_space<vmem>>, %arg11: memref<80xi32, #tpu.memory_space<vmem>>, %arg12: memref<80xi32, #tpu.memory_space<vmem>>, %arg13: memref<80xi32, #tpu.memory_space<vmem>>, %arg14: memref<80xi32, #tpu.memory_space<vmem>>, %arg15: memref<80x128xf32, #tpu.memory_space<vmem>>, %arg16: memref<80x128xf32, #tpu.memory_space<vmem>>, %arg17: memref<80x128xf32, #tpu.memory_space<vmem>>, %arg18: memref<80x128xf32, #tpu.memory_space<vmem>>, %arg19: memref<10240x128xf32, #tpu.memory_space<vmem_shared>>, %arg20: memref<!tpu.dma_semaphore, #tpu.memory_space<semaphore_mem>>, %arg21: memref<!tpu.dma_semaphore, #tpu.memory_space<semaphore_mem>>, %arg22: memref<!tpu.dma_semaphore, #tpu.memory_space<semaphore_mem>>, %arg23: memref<!tpu.dma_semaphore, #tpu.memory_space<semaphore_mem>>, %arg24: memref<!tpu.dma_semaphore, #tpu.memory_space<semaphore_mem>>, %arg25: memref<!tpu.dma_semaphore, #tpu.memory_space<semaphore_mem>>, %arg26: memref<!tpu.dma_semaphore, #tpu.memory_space<semaphore_mem>>, %arg27: memref<!tpu.dma_semaphore, #tpu.memory_space<semaphore_mem>>, %arg28: memref<!tpu.dma_semaphore, #tpu.memory_space<semaphore_mem>>) attributes {dimension_semantics = [#tpu.dimension_semantics<core_parallel>, #tpu.dimension_semantics<subcore_parallel>], iteration_bounds = array<i64: 2, 16>, scalar_prefetch = 0 : i64, scratch_operands = 22 : i64, tpu.core_type = #tpu.core_type<sc_vector_subcore>, window_params = [{transform_indices = #map}, {transform_indices = #map1}, {transform_indices = #map1}, {transform_indices = #map}, {transform_indices = #map2}]} {
    %mul3A = arith.constant 16 : i32
    %mul3A_0 = arith.muli %arg0, %mul3A : i32
    %add3A = arith.addi %mul3A_0, %arg1 : i32
    %mul3A_1 = arith.constant 640 : i32
    %mul3A_2 = arith.muli %arg1, %mul3A_1 : i32
    %mul3A_3 = arith.constant 640 : i32
    %mul3A_4 = arith.muli %arg1, %mul3A_3 : i32
    %dma_start3A = arith.constant 0 : i32
    %dma_start3A_5 = tpu.memref_slice %arg19[%mul3A_4, %dma_start3A] : memref<10240x128xf32, #tpu.memory_space<vmem_shared>> -> memref<640x128xf32, #tpu.memory_space<vmem_shared>>
    %dma_start3A_6 = arith.constant 0 : i32
    %dma_start3A_7 = tpu.memref_slice %arg5[%mul3A_2, %dma_start3A_6] : memref<10240x128xf32, #tpu.memory_space<hbm>> -> memref<640x128xf32, #tpu.memory_space<hbm>>
    tpu.enqueue_dma source(%dma_start3A_7 : memref<640x128xf32, #tpu.memory_space<hbm>>) target(%dma_start3A_5 : memref<640x128xf32, #tpu.memory_space<vmem_shared>>) target_semaphore(%arg28 : memref<!tpu.dma_semaphore, #tpu.memory_space<semaphore_mem>>)
    %mul3A_8 = arith.constant 10000 : i32
    %mul3A_9 = arith.muli %add3A, %mul3A_8 : i32
    %add3A_10 = arith.constant 0 : i32
    %add3A_11 = arith.addi %mul3A_9, %add3A_10 : i32
    %dma_start3A_12 = tpu.memref_slice %arg3[%add3A_11] : memref<320000xi32, #tpu.memory_space<hbm>> -> memref<80xi32, #tpu.memory_space<hbm>>
    %dma_start3A_13 = tpu.memref_slice %arg3[%add3A_11] : memref<320000xi32, #tpu.memory_space<hbm>> -> memref<80xi32, #tpu.memory_space<hbm>>
    tpu.enqueue_dma source(%dma_start3A_13 : memref<80xi32, #tpu.memory_space<hbm>>) target(%arg7 : memref<80xi32, #tpu.memory_space<vmem>>) target_semaphore(%arg24 : memref<!tpu.dma_semaphore, #tpu.memory_space<semaphore_mem>>)
    %dma_start3A_14 = tpu.memref_slice %arg4[%add3A_11] : memref<320000xi32, #tpu.memory_space<hbm>> -> memref<80xi32, #tpu.memory_space<hbm>>
    %dma_start3A_15 = tpu.memref_slice %arg4[%add3A_11] : memref<320000xi32, #tpu.memory_space<hbm>> -> memref<80xi32, #tpu.memory_space<hbm>>
    tpu.enqueue_dma source(%dma_start3A_15 : memref<80xi32, #tpu.memory_space<hbm>>) target(%arg11 : memref<80xi32, #tpu.memory_space<vmem>>) target_semaphore(%arg24 : memref<!tpu.dma_semaphore, #tpu.memory_space<semaphore_mem>>)
    %mul3A_16 = arith.constant 10000 : i32
    %mul3A_17 = arith.muli %add3A, %mul3A_16 : i32
    %add3A_18 = arith.constant 80 : i32
    %add3A_19 = arith.addi %mul3A_17, %add3A_18 : i32
    %dma_start3A_20 = tpu.memref_slice %arg3[%add3A_19] : memref<320000xi32, #tpu.memory_space<hbm>> -> memref<80xi32, #tpu.memory_space<hbm>>
    %dma_start3A_21 = tpu.memref_slice %arg3[%add3A_19] : memref<320000xi32, #tpu.memory_space<hbm>> -> memref<80xi32, #tpu.memory_space<hbm>>
    tpu.enqueue_dma source(%dma_start3A_21 : memref<80xi32, #tpu.memory_space<hbm>>) target(%arg8 : memref<80xi32, #tpu.memory_space<vmem>>) target_semaphore(%arg25 : memref<!tpu.dma_semaphore, #tpu.memory_space<semaphore_mem>>)
    %dma_start3A_22 = tpu.memref_slice %arg4[%add3A_19] : memref<320000xi32, #tpu.memory_space<hbm>> -> memref<80xi32, #tpu.memory_space<hbm>>
    %dma_start3A_23 = tpu.memref_slice %arg4[%add3A_19] : memref<320000xi32, #tpu.memory_space<hbm>> -> memref<80xi32, #tpu.memory_space<hbm>>
    tpu.enqueue_dma source(%dma_start3A_23 : memref<80xi32, #tpu.memory_space<hbm>>) target(%arg12 : memref<80xi32, #tpu.memory_space<vmem>>) target_semaphore(%arg25 : memref<!tpu.dma_semaphore, #tpu.memory_space<semaphore_mem>>)
    %mul3A_24 = arith.constant 10000 : i32
    %mul3A_25 = arith.muli %add3A, %mul3A_24 : i32
    %add3A_26 = arith.constant 160 : i32
    %add3A_27 = arith.addi %mul3A_25, %add3A_26 : i32
    %dma_start3A_28 = tpu.memref_slice %arg3[%add3A_27] : memref<320000xi32, #tpu.memory_space<hbm>> -> memref<80xi32, #tpu.memory_space<hbm>>
    %dma_start3A_29 = tpu.memref_slice %arg3[%add3A_27] : memref<320000xi32, #tpu.memory_space<hbm>> -> memref<80xi32, #tpu.memory_space<hbm>>
    tpu.enqueue_dma source(%dma_start3A_29 : memref<80xi32, #tpu.memory_space<hbm>>) target(%arg9 : memref<80xi32, #tpu.memory_space<vmem>>) target_semaphore(%arg26 : memref<!tpu.dma_semaphore, #tpu.memory_space<semaphore_mem>>)
    %dma_start3A_30 = tpu.memref_slice %arg4[%add3A_27] : memref<320000xi32, #tpu.memory_space<hbm>> -> memref<80xi32, #tpu.memory_space<hbm>>
    %dma_start3A_31 = tpu.memref_slice %arg4[%add3A_27] : memref<320000xi32, #tpu.memory_space<hbm>> -> memref<80xi32, #tpu.memory_space<hbm>>
    tpu.enqueue_dma source(%dma_start3A_31 : memref<80xi32, #tpu.memory_space<hbm>>) target(%arg13 : memref<80xi32, #tpu.memory_space<vmem>>) target_semaphore(%arg26 : memref<!tpu.dma_semaphore, #tpu.memory_space<semaphore_mem>>)
    %mul3A_32 = arith.constant 10000 : i32
    %mul3A_33 = arith.muli %add3A, %mul3A_32 : i32
    %add3A_34 = arith.constant 240 : i32
    %add3A_35 = arith.addi %mul3A_33, %add3A_34 : i32
    %dma_start3A_36 = tpu.memref_slice %arg3[%add3A_35] : memref<320000xi32, #tpu.memory_space<hbm>> -> memref<80xi32, #tpu.memory_space<hbm>>
    %dma_start3A_37 = tpu.memref_slice %arg3[%add3A_35] : memref<320000xi32, #tpu.memory_space<hbm>> -> memref<80xi32, #tpu.memory_space<hbm>>
    tpu.enqueue_dma source(%dma_start3A_37 : memref<80xi32, #tpu.memory_space<hbm>>) target(%arg10 : memref<80xi32, #tpu.memory_space<vmem>>) target_semaphore(%arg27 : memref<!tpu.dma_semaphore, #tpu.memory_space<semaphore_mem>>)
    %dma_start3A_38 = tpu.memref_slice %arg4[%add3A_35] : memref<320000xi32, #tpu.memory_space<hbm>> -> memref<80xi32, #tpu.memory_space<hbm>>
    %dma_start3A_39 = tpu.memref_slice %arg4[%add3A_35] : memref<320000xi32, #tpu.memory_space<hbm>> -> memref<80xi32, #tpu.memory_space<hbm>>
    tpu.enqueue_dma source(%dma_start3A_39 : memref<80xi32, #tpu.memory_space<hbm>>) target(%arg14 : memref<80xi32, #tpu.memory_space<vmem>>) target_semaphore(%arg27 : memref<!tpu.dma_semaphore, #tpu.memory_space<semaphore_mem>>)
    %mul3A_40 = arith.constant 10000 : i32
    %mul3A_41 = arith.muli %add3A, %mul3A_40 : i32
    %add3A_42 = arith.constant 0 : i32
    %add3A_43 = arith.addi %mul3A_41, %add3A_42 : i32
    %dma_wait3A = tpu.memref_slice %arg3[%add3A_43] : memref<320000xi32, #tpu.memory_space<hbm>> -> memref<80xi32, #tpu.memory_space<hbm>>
    %dma_wait3A_44 = tpu.memref_slice %arg3[%add3A_43] : memref<320000xi32, #tpu.memory_space<hbm>> -> memref<80xi32, #tpu.memory_space<hbm>>
    tpu.wait_dma2 semaphore(%arg24 : memref<!tpu.dma_semaphore, #tpu.memory_space<semaphore_mem>>) src(%dma_wait3A_44 : memref<80xi32, #tpu.memory_space<hbm>>) dst(%arg7 : memref<80xi32, #tpu.memory_space<vmem>>)
    %dma_wait3A_45 = tpu.memref_slice %arg4[%add3A_43] : memref<320000xi32, #tpu.memory_space<hbm>> -> memref<80xi32, #tpu.memory_space<hbm>>
    %dma_wait3A_46 = tpu.memref_slice %arg4[%add3A_43] : memref<320000xi32, #tpu.memory_space<hbm>> -> memref<80xi32, #tpu.memory_space<hbm>>
    tpu.wait_dma2 semaphore(%arg24 : memref<!tpu.dma_semaphore, #tpu.memory_space<semaphore_mem>>) src(%dma_wait3A_46 : memref<80xi32, #tpu.memory_space<hbm>>) dst(%arg11 : memref<80xi32, #tpu.memory_space<vmem>>)
    %dma_start3A_47 = arith.constant 0 : i32
    %dma_start3A_48 = arith.constant 0 : i32
    %dma_start3A_49 = tpu.memref_slice %arg2[%dma_start3A_47, %dma_start3A_48] : memref<10000x128xf32, #tpu.memory_space<hbm>> -> memref<10000x128xf32, #tpu.memory_space<hbm>>
    tpu.enqueue_indirect_dma source(%dma_start3A_49 : memref<10000x128xf32, #tpu.memory_space<hbm>>) target(%arg15 : memref<80x128xf32, #tpu.memory_space<vmem>>) offsets(%arg7 : memref<80xi32, #tpu.memory_space<vmem>>) semaphore(%arg20 : memref<!tpu.dma_semaphore, #tpu.memory_space<semaphore_mem>>)
    %mul3A_50 = arith.constant 10000 : i32
    %mul3A_51 = arith.muli %add3A, %mul3A_50 : i32
    %add3A_52 = arith.constant 80 : i32
    %add3A_53 = arith.addi %mul3A_51, %add3A_52 : i32
    %dma_wait3A_54 = tpu.memref_slice %arg3[%add3A_53] : memref<320000xi32, #tpu.memory_space<hbm>> -> memref<80xi32, #tpu.memory_space<hbm>>
    %dma_wait3A_55 = tpu.memref_slice %arg3[%add3A_53] : memref<320000xi32, #tpu.memory_space<hbm>> -> memref<80xi32, #tpu.memory_space<hbm>>
    tpu.wait_dma2 semaphore(%arg25 : memref<!tpu.dma_semaphore, #tpu.memory_space<semaphore_mem>>) src(%dma_wait3A_55 : memref<80xi32, #tpu.memory_space<hbm>>) dst(%arg8 : memref<80xi32, #tpu.memory_space<vmem>>)
    %dma_wait3A_56 = tpu.memref_slice %arg4[%add3A_53] : memref<320000xi32, #tpu.memory_space<hbm>> -> memref<80xi32, #tpu.memory_space<hbm>>
    %dma_wait3A_57 = tpu.memref_slice %arg4[%add3A_53] : memref<320000xi32, #tpu.memory_space<hbm>> -> memref<80xi32, #tpu.memory_space<hbm>>
    tpu.wait_dma2 semaphore(%arg25 : memref<!tpu.dma_semaphore, #tpu.memory_space<semaphore_mem>>) src(%dma_wait3A_57 : memref<80xi32, #tpu.memory_space<hbm>>) dst(%arg12 : memref<80xi32, #tpu.memory_space<vmem>>)
    %dma_start3A_58 = arith.constant 0 : i32
    %dma_start3A_59 = arith.constant 0 : i32
    %dma_start3A_60 = tpu.memref_slice %arg2[%dma_start3A_58, %dma_start3A_59] : memref<10000x128xf32, #tpu.memory_space<hbm>> -> memref<10000x128xf32, #tpu.memory_space<hbm>>
    tpu.enqueue_indirect_dma source(%dma_start3A_60 : memref<10000x128xf32, #tpu.memory_space<hbm>>) target(%arg16 : memref<80x128xf32, #tpu.memory_space<vmem>>) offsets(%arg8 : memref<80xi32, #tpu.memory_space<vmem>>) semaphore(%arg21 : memref<!tpu.dma_semaphore, #tpu.memory_space<semaphore_mem>>)
    %mul3A_61 = arith.constant 10000 : i32
    %mul3A_62 = arith.muli %add3A, %mul3A_61 : i32
    %add3A_63 = arith.constant 160 : i32
    %add3A_64 = arith.addi %mul3A_62, %add3A_63 : i32
    %dma_wait3A_65 = tpu.memref_slice %arg3[%add3A_64] : memref<320000xi32, #tpu.memory_space<hbm>> -> memref<80xi32, #tpu.memory_space<hbm>>
    %dma_wait3A_66 = tpu.memref_slice %arg3[%add3A_64] : memref<320000xi32, #tpu.memory_space<hbm>> -> memref<80xi32, #tpu.memory_space<hbm>>
    tpu.wait_dma2 semaphore(%arg26 : memref<!tpu.dma_semaphore, #tpu.memory_space<semaphore_mem>>) src(%dma_wait3A_66 : memref<80xi32, #tpu.memory_space<hbm>>) dst(%arg9 : memref<80xi32, #tpu.memory_space<vmem>>)
    %dma_wait3A_67 = tpu.memref_slice %arg4[%add3A_64] : memref<320000xi32, #tpu.memory_space<hbm>> -> memref<80xi32, #tpu.memory_space<hbm>>
    %dma_wait3A_68 = tpu.memref_slice %arg4[%add3A_64] : memref<320000xi32, #tpu.memory_space<hbm>> -> memref<80xi32, #tpu.memory_space<hbm>>
    tpu.wait_dma2 semaphore(%arg26 : memref<!tpu.dma_semaphore, #tpu.memory_space<semaphore_mem>>) src(%dma_wait3A_68 : memref<80xi32, #tpu.memory_space<hbm>>) dst(%arg13 : memref<80xi32, #tpu.memory_space<vmem>>)
    %dma_start3A_69 = arith.constant 0 : i32
    %dma_start3A_70 = arith.constant 0 : i32
    %dma_start3A_71 = tpu.memref_slice %arg2[%dma_start3A_69, %dma_start3A_70] : memref<10000x128xf32, #tpu.memory_space<hbm>> -> memref<10000x128xf32, #tpu.memory_space<hbm>>
    tpu.enqueue_indirect_dma source(%dma_start3A_71 : memref<10000x128xf32, #tpu.memory_space<hbm>>) target(%arg17 : memref<80x128xf32, #tpu.memory_space<vmem>>) offsets(%arg9 : memref<80xi32, #tpu.memory_space<vmem>>) semaphore(%arg22 : memref<!tpu.dma_semaphore, #tpu.memory_space<semaphore_mem>>)
    %dma_wait3A_72 = arith.constant 0 : i32
    %dma_wait3A_73 = tpu.memref_slice %arg19[%mul3A_4, %dma_wait3A_72] : memref<10240x128xf32, #tpu.memory_space<vmem_shared>> -> memref<640x128xf32, #tpu.memory_space<vmem_shared>>
    %dma_wait3A_74 = arith.constant 0 : i32
    %dma_wait3A_75 = tpu.memref_slice %arg5[%mul3A_2, %dma_wait3A_74] : memref<10240x128xf32, #tpu.memory_space<hbm>> -> memref<640x128xf32, #tpu.memory_space<hbm>>
    tpu.wait_dma2 semaphore(%arg28 : memref<!tpu.dma_semaphore, #tpu.memory_space<semaphore_mem>>) src(%dma_wait3A_75 : memref<640x128xf32, #tpu.memory_space<hbm>>) dst(%dma_wait3A_73 : memref<640x128xf32, #tpu.memory_space<vmem_shared>>)
    %barrier3A = arith.constant 0 : index
    tpu.barrier barrier_id(%barrier3A)
    %scan3A = arith.constant 0 : i32
    %scan3A_76 = arith.constant 0 : i32
    %scan3A_77 = arith.constant 30 : i32
    %scan3A_78 = arith.addi %scan3A_76, %scan3A_77 : i32
    %scan3A_79 = arith.constant 1 : i32
    scf.for %scan3A_131 = %scan3A_76 to %scan3A_78 step %scan3A_79  : i32 {
      %mul3A_132 = arith.constant 4 : i32
      %mul3A_133 = arith.muli %mul3A_132, %scan3A_131 : i32
      %dma_wait3A_134 = arith.constant 0 : i32
      %dma_wait3A_135 = arith.constant 0 : i32
      %dma_wait3A_136 = tpu.memref_slice %arg2[%dma_wait3A_134, %dma_wait3A_135] : memref<10000x128xf32, #tpu.memory_space<hbm>> -> memref<10000x128xf32, #tpu.memory_space<hbm>>
      tpu.wait_indirect_dma semaphore(%arg20 : memref<!tpu.dma_semaphore, #tpu.memory_space<semaphore_mem>>) src(%dma_wait3A_136 : memref<10000x128xf32, #tpu.memory_space<hbm>>) dst(%arg15 : memref<80x128xf32, #tpu.memory_space<vmem>>)
      "tpu.region"() ({
        %run_scoped3A = tpu.sem_alloc : memref<!tpu.dma_semaphore, #tpu.memory_space<semaphore_mem>>
        %dma_start3A_269 = arith.constant 0 : i32
        %dma_start3A_270 = arith.constant 0 : i32
        %dma_start3A_271 = tpu.memref_slice %arg19[%dma_start3A_269, %dma_start3A_270] : memref<10240x128xf32, #tpu.memory_space<vmem_shared>> -> memref<10240x128xf32, #tpu.memory_space<vmem_shared>>
        tpu.enqueue_indirect_dma source(%arg15 : memref<80x128xf32, #tpu.memory_space<vmem>>) target(%dma_start3A_271 : memref<10240x128xf32, #tpu.memory_space<vmem_shared>>) offsets(%arg11 : memref<80xi32, #tpu.memory_space<vmem>>) semaphore(%run_scoped3A : memref<!tpu.dma_semaphore, #tpu.memory_space<semaphore_mem>>) {add = true}
        %dma_wait3A_272 = arith.constant 0 : i32
        %dma_wait3A_273 = arith.constant 0 : i32
        %dma_wait3A_274 = tpu.memref_slice %arg19[%dma_wait3A_272, %dma_wait3A_273] : memref<10240x128xf32, #tpu.memory_space<vmem_shared>> -> memref<10240x128xf32, #tpu.memory_space<vmem_shared>>
        tpu.wait_indirect_dma semaphore(%run_scoped3A : memref<!tpu.dma_semaphore, #tpu.memory_space<semaphore_mem>>) src(%arg15 : memref<80x128xf32, #tpu.memory_space<vmem>>) dst(%dma_wait3A_274 : memref<10240x128xf32, #tpu.memory_space<vmem_shared>>)
        tpu.yield
      }) : () -> ()
      %add3A_137 = arith.constant 0 : i32
      %add3A_138 = arith.addi %mul3A_133, %add3A_137 : i32
      %add3A_139 = arith.constant 4 : i32
      %add3A_140 = arith.addi %add3A_138, %add3A_139 : i32
      %mul3A_141 = arith.constant 10000 : i32
      %mul3A_142 = arith.muli %add3A, %mul3A_141 : i32
      %mul3A_143 = arith.constant 80 : i32
      %mul3A_144 = arith.muli %add3A_140, %mul3A_143 : i32
      %add3A_145 = arith.addi %mul3A_142, %mul3A_144 : i32
      %dma_start3A_146 = tpu.memref_slice %arg3[%add3A_145] : memref<320000xi32, #tpu.memory_space<hbm>> -> memref<80xi32, #tpu.memory_space<hbm>>
      %dma_start3A_147 = tpu.memref_slice %arg3[%add3A_145] : memref<320000xi32, #tpu.memory_space<hbm>> -> memref<80xi32, #tpu.memory_space<hbm>>
      tpu.enqueue_dma source(%dma_start3A_147 : memref<80xi32, #tpu.memory_space<hbm>>) target(%arg7 : memref<80xi32, #tpu.memory_space<vmem>>) target_semaphore(%arg24 : memref<!tpu.dma_semaphore, #tpu.memory_space<semaphore_mem>>)
      %dma_start3A_148 = tpu.memref_slice %arg4[%add3A_145] : memref<320000xi32, #tpu.memory_space<hbm>> -> memref<80xi32, #tpu.memory_space<hbm>>
      %dma_start3A_149 = tpu.memref_slice %arg4[%add3A_145] : memref<320000xi32, #tpu.memory_space<hbm>> -> memref<80xi32, #tpu.memory_space<hbm>>
      tpu.enqueue_dma source(%dma_start3A_149 : memref<80xi32, #tpu.memory_space<hbm>>) target(%arg11 : memref<80xi32, #tpu.memory_space<vmem>>) target_semaphore(%arg24 : memref<!tpu.dma_semaphore, #tpu.memory_space<semaphore_mem>>)
      %add3A_150 = arith.constant 0 : i32
      %add3A_151 = arith.addi %mul3A_133, %add3A_150 : i32
      %add3A_152 = arith.constant 4 : i32
      %add3A_153 = arith.addi %add3A_151, %add3A_152 : i32
      %sub3A = arith.constant 1 : i32
      %sub3A_154 = arith.subi %add3A_153, %sub3A : i32
      %mul3A_155 = arith.constant 10000 : i32
      %mul3A_156 = arith.muli %add3A, %mul3A_155 : i32
      %mul3A_157 = arith.constant 80 : i32
      %mul3A_158 = arith.muli %sub3A_154, %mul3A_157 : i32
      %add3A_159 = arith.addi %mul3A_156, %mul3A_158 : i32
      %dma_wait3A_160 = tpu.memref_slice %arg3[%add3A_159] : memref<320000xi32, #tpu.memory_space<hbm>> -> memref<80xi32, #tpu.memory_space<hbm>>
      %dma_wait3A_161 = tpu.memref_slice %arg3[%add3A_159] : memref<320000xi32, #tpu.memory_space<hbm>> -> memref<80xi32, #tpu.memory_space<hbm>>
      tpu.wait_dma2 semaphore(%arg27 : memref<!tpu.dma_semaphore, #tpu.memory_space<semaphore_mem>>) src(%dma_wait3A_161 : memref<80xi32, #tpu.memory_space<hbm>>) dst(%arg10 : memref<80xi32, #tpu.memory_space<vmem>>)
      %dma_wait3A_162 = tpu.memref_slice %arg4[%add3A_159] : memref<320000xi32, #tpu.memory_space<hbm>> -> memref<80xi32, #tpu.memory_space<hbm>>
      %dma_wait3A_163 = tpu.memref_slice %arg4[%add3A_159] : memref<320000xi32, #tpu.memory_space<hbm>> -> memref<80xi32, #tpu.memory_space<hbm>>
      tpu.wait_dma2 semaphore(%arg27 : memref<!tpu.dma_semaphore, #tpu.memory_space<semaphore_mem>>) src(%dma_wait3A_163 : memref<80xi32, #tpu.memory_space<hbm>>) dst(%arg14 : memref<80xi32, #tpu.memory_space<vmem>>)
      %dma_start3A_164 = arith.constant 0 : i32
      %dma_start3A_165 = arith.constant 0 : i32
      %dma_start3A_166 = tpu.memref_slice %arg2[%dma_start3A_164, %dma_start3A_165] : memref<10000x128xf32, #tpu.memory_space<hbm>> -> memref<10000x128xf32, #tpu.memory_space<hbm>>
      tpu.enqueue_indirect_dma source(%dma_start3A_166 : memref<10000x128xf32, #tpu.memory_space<hbm>>) target(%arg18 : memref<80x128xf32, #tpu.memory_space<vmem>>) offsets(%arg10 : memref<80xi32, #tpu.memory_space<vmem>>) semaphore(%arg23 : memref<!tpu.dma_semaphore, #tpu.memory_space<semaphore_mem>>)
      %dma_wait3A_167 = arith.constant 0 : i32
      %dma_wait3A_168 = arith.constant 0 : i32
      %dma_wait3A_169 = tpu.memref_slice %arg2[%dma_wait3A_167, %dma_wait3A_168] : memref<10000x128xf32, #tpu.memory_space<hbm>> -> memref<10000x128xf32, #tpu.memory_space<hbm>>
      tpu.wait_indirect_dma semaphore(%arg21 : memref<!tpu.dma_semaphore, #tpu.memory_space<semaphore_mem>>) src(%dma_wait3A_169 : memref<10000x128xf32, #tpu.memory_space<hbm>>) dst(%arg16 : memref<80x128xf32, #tpu.memory_space<vmem>>)
      "tpu.region"() ({
        %run_scoped3A = tpu.sem_alloc : memref<!tpu.dma_semaphore, #tpu.memory_space<semaphore_mem>>
        %dma_start3A_269 = arith.constant 0 : i32
        %dma_start3A_270 = arith.constant 0 : i32
        %dma_start3A_271 = tpu.memref_slice %arg19[%dma_start3A_269, %dma_start3A_270] : memref<10240x128xf32, #tpu.memory_space<vmem_shared>> -> memref<10240x128xf32, #tpu.memory_space<vmem_shared>>
        tpu.enqueue_indirect_dma source(%arg16 : memref<80x128xf32, #tpu.memory_space<vmem>>) target(%dma_start3A_271 : memref<10240x128xf32, #tpu.memory_space<vmem_shared>>) offsets(%arg12 : memref<80xi32, #tpu.memory_space<vmem>>) semaphore(%run_scoped3A : memref<!tpu.dma_semaphore, #tpu.memory_space<semaphore_mem>>) {add = true}
        %dma_wait3A_272 = arith.constant 0 : i32
        %dma_wait3A_273 = arith.constant 0 : i32
        %dma_wait3A_274 = tpu.memref_slice %arg19[%dma_wait3A_272, %dma_wait3A_273] : memref<10240x128xf32, #tpu.memory_space<vmem_shared>> -> memref<10240x128xf32, #tpu.memory_space<vmem_shared>>
        tpu.wait_indirect_dma semaphore(%run_scoped3A : memref<!tpu.dma_semaphore, #tpu.memory_space<semaphore_mem>>) src(%arg16 : memref<80x128xf32, #tpu.memory_space<vmem>>) dst(%dma_wait3A_274 : memref<10240x128xf32, #tpu.memory_space<vmem_shared>>)
        tpu.yield
      }) : () -> ()
      %add3A_170 = arith.constant 1 : i32
      %add3A_171 = arith.addi %mul3A_133, %add3A_170 : i32
      %add3A_172 = arith.constant 4 : i32
      %add3A_173 = arith.addi %add3A_171, %add3A_172 : i32
      %mul3A_174 = arith.constant 10000 : i32
      %mul3A_175 = arith.muli %add3A, %mul3A_174 : i32
      %mul3A_176 = arith.constant 80 : i32
      %mul3A_177 = arith.muli %add3A_173, %mul3A_176 : i32
      %add3A_178 = arith.addi %mul3A_175, %mul3A_177 : i32
      %dma_start3A_179 = tpu.memref_slice %arg3[%add3A_178] : memref<320000xi32, #tpu.memory_space<hbm>> -> memref<80xi32, #tpu.memory_space<hbm>>
      %dma_start3A_180 = tpu.memref_slice %arg3[%add3A_178] : memref<320000xi32, #tpu.memory_space<hbm>> -> memref<80xi32, #tpu.memory_space<hbm>>
      tpu.enqueue_dma source(%dma_start3A_180 : memref<80xi32, #tpu.memory_space<hbm>>) target(%arg8 : memref<80xi32, #tpu.memory_space<vmem>>) target_semaphore(%arg25 : memref<!tpu.dma_semaphore, #tpu.memory_space<semaphore_mem>>)
      %dma_start3A_181 = tpu.memref_slice %arg4[%add3A_178] : memref<320000xi32, #tpu.memory_space<hbm>> -> memref<80xi32, #tpu.memory_space<hbm>>
      %dma_start3A_182 = tpu.memref_slice %arg4[%add3A_178] : memref<320000xi32, #tpu.memory_space<hbm>> -> memref<80xi32, #tpu.memory_space<hbm>>
      tpu.enqueue_dma source(%dma_start3A_182 : memref<80xi32, #tpu.memory_space<hbm>>) target(%arg12 : memref<80xi32, #tpu.memory_space<vmem>>) target_semaphore(%arg25 : memref<!tpu.dma_semaphore, #tpu.memory_space<semaphore_mem>>)
      %add3A_183 = arith.constant 1 : i32
      %add3A_184 = arith.addi %mul3A_133, %add3A_183 : i32
      %add3A_185 = arith.constant 4 : i32
      %add3A_186 = arith.addi %add3A_184, %add3A_185 : i32
      %sub3A_187 = arith.constant 1 : i32
      %sub3A_188 = arith.subi %add3A_186, %sub3A_187 : i32
      %mul3A_189 = arith.constant 10000 : i32
      %mul3A_190 = arith.muli %add3A, %mul3A_189 : i32
      %mul3A_191 = arith.constant 80 : i32
      %mul3A_192 = arith.muli %sub3A_188, %mul3A_191 : i32
      %add3A_193 = arith.addi %mul3A_190, %mul3A_192 : i32
      %dma_wait3A_194 = tpu.memref_slice %arg3[%add3A_193] : memref<320000xi32, #tpu.memory_space<hbm>> -> memref<80xi32, #tpu.memory_space<hbm>>
      %dma_wait3A_195 = tpu.memref_slice %arg3[%add3A_193] : memref<320000xi32, #tpu.memory_space<hbm>> -> memref<80xi32, #tpu.memory_space<hbm>>
      tpu.wait_dma2 semaphore(%arg24 : memref<!tpu.dma_semaphore, #tpu.memory_space<semaphore_mem>>) src(%dma_wait3A_195 : memref<80xi32, #tpu.memory_space<hbm>>) dst(%arg7 : memref<80xi32, #tpu.memory_space<vmem>>)
      %dma_wait3A_196 = tpu.memref_slice %arg4[%add3A_193] : memref<320000xi32, #tpu.memory_space<hbm>> -> memref<80xi32, #tpu.memory_space<hbm>>
      %dma_wait3A_197 = tpu.memref_slice %arg4[%add3A_193] : memref<320000xi32, #tpu.memory_space<hbm>> -> memref<80xi32, #tpu.memory_space<hbm>>
      tpu.wait_dma2 semaphore(%arg24 : memref<!tpu.dma_semaphore, #tpu.memory_space<semaphore_mem>>) src(%dma_wait3A_197 : memref<80xi32, #tpu.memory_space<hbm>>) dst(%arg11 : memref<80xi32, #tpu.memory_space<vmem>>)
      %dma_start3A_198 = arith.constant 0 : i32
      %dma_start3A_199 = arith.constant 0 : i32
      %dma_start3A_200 = tpu.memref_slice %arg2[%dma_start3A_198, %dma_start3A_199] : memref<10000x128xf32, #tpu.memory_space<hbm>> -> memref<10000x128xf32, #tpu.memory_space<hbm>>
      tpu.enqueue_indirect_dma source(%dma_start3A_200 : memref<10000x128xf32, #tpu.memory_space<hbm>>) target(%arg15 : memref<80x128xf32, #tpu.memory_space<vmem>>) offsets(%arg7 : memref<80xi32, #tpu.memory_space<vmem>>) semaphore(%arg20 : memref<!tpu.dma_semaphore, #tpu.memory_space<semaphore_mem>>)
      %dma_wait3A_201 = arith.constant 0 : i32
      %dma_wait3A_202 = arith.constant 0 : i32
      %dma_wait3A_203 = tpu.memref_slice %arg2[%dma_wait3A_201, %dma_wait3A_202] : memref<10000x128xf32, #tpu.memory_space<hbm>> -> memref<10000x128xf32, #tpu.memory_space<hbm>>
      tpu.wait_indirect_dma semaphore(%arg22 : memref<!tpu.dma_semaphore, #tpu.memory_space<semaphore_mem>>) src(%dma_wait3A_203 : memref<10000x128xf32, #tpu.memory_space<hbm>>) dst(%arg17 : memref<80x128xf32, #tpu.memory_space<vmem>>)
      "tpu.region"() ({
        %run_scoped3A = tpu.sem_alloc : memref<!tpu.dma_semaphore, #tpu.memory_space<semaphore_mem>>
        %dma_start3A_269 = arith.constant 0 : i32
        %dma_start3A_270 = arith.constant 0 : i32
        %dma_start3A_271 = tpu.memref_slice %arg19[%dma_start3A_269, %dma_start3A_270] : memref<10240x128xf32, #tpu.memory_space<vmem_shared>> -> memref<10240x128xf32, #tpu.memory_space<vmem_shared>>
        tpu.enqueue_indirect_dma source(%arg17 : memref<80x128xf32, #tpu.memory_space<vmem>>) target(%dma_start3A_271 : memref<10240x128xf32, #tpu.memory_space<vmem_shared>>) offsets(%arg13 : memref<80xi32, #tpu.memory_space<vmem>>) semaphore(%run_scoped3A : memref<!tpu.dma_semaphore, #tpu.memory_space<semaphore_mem>>) {add = true}
        %dma_wait3A_272 = arith.constant 0 : i32
        %dma_wait3A_273 = arith.constant 0 : i32
        %dma_wait3A_274 = tpu.memref_slice %arg19[%dma_wait3A_272, %dma_wait3A_273] : memref<10240x128xf32, #tpu.memory_space<vmem_shared>> -> memref<10240x128xf32, #tpu.memory_space<vmem_shared>>
        tpu.wait_indirect_dma semaphore(%run_scoped3A : memref<!tpu.dma_semaphore, #tpu.memory_space<semaphore_mem>>) src(%arg17 : memref<80x128xf32, #tpu.memory_space<vmem>>) dst(%dma_wait3A_274 : memref<10240x128xf32, #tpu.memory_space<vmem_shared>>)
        tpu.yield
      }) : () -> ()
      %add3A_204 = arith.constant 2 : i32
      %add3A_205 = arith.addi %mul3A_133, %add3A_204 : i32
      %add3A_206 = arith.constant 4 : i32
      %add3A_207 = arith.addi %add3A_205, %add3A_206 : i32
      %mul3A_208 = arith.constant 10000 : i32
      %mul3A_209 = arith.muli %add3A, %mul3A_208 : i32
      %mul3A_210 = arith.constant 80 : i32
      %mul3A_211 = arith.muli %add3A_207, %mul3A_210 : i32
      %add3A_212 = arith.addi %mul3A_209, %mul3A_211 : i32
      %dma_start3A_213 = tpu.memref_slice %arg3[%add3A_212] : memref<320000xi32, #tpu.memory_space<hbm>> -> memref<80xi32, #tpu.memory_space<hbm>>
      %dma_start3A_214 = tpu.memref_slice %arg3[%add3A_212] : memref<320000xi32, #tpu.memory_space<hbm>> -> memref<80xi32, #tpu.memory_space<hbm>>
      tpu.enqueue_dma source(%dma_start3A_214 : memref<80xi32, #tpu.memory_space<hbm>>) target(%arg9 : memref<80xi32, #tpu.memory_space<vmem>>) target_semaphore(%arg26 : memref<!tpu.dma_semaphore, #tpu.memory_space<semaphore_mem>>)
      %dma_start3A_215 = tpu.memref_slice %arg4[%add3A_212] : memref<320000xi32, #tpu.memory_space<hbm>> -> memref<80xi32, #tpu.memory_space<hbm>>
      %dma_start3A_216 = tpu.memref_slice %arg4[%add3A_212] : memref<320000xi32, #tpu.memory_space<hbm>> -> memref<80xi32, #tpu.memory_space<hbm>>
      tpu.enqueue_dma source(%dma_start3A_216 : memref<80xi32, #tpu.memory_space<hbm>>) target(%arg13 : memref<80xi32, #tpu.memory_space<vmem>>) target_semaphore(%arg26 : memref<!tpu.dma_semaphore, #tpu.memory_space<semaphore_mem>>)
      %add3A_217 = arith.constant 2 : i32
      %add3A_218 = arith.addi %mul3A_133, %add3A_217 : i32
      %add3A_219 = arith.constant 4 : i32
      %add3A_220 = arith.addi %add3A_218, %add3A_219 : i32
      %sub3A_221 = arith.constant 1 : i32
      %sub3A_222 = arith.subi %add3A_220, %sub3A_221 : i32
      %mul3A_223 = arith.constant 10000 : i32
      %mul3A_224 = arith.muli %add3A, %mul3A_223 : i32
      %mul3A_225 = arith.constant 80 : i32
      %mul3A_226 = arith.muli %sub3A_222, %mul3A_225 : i32
      %add3A_227 = arith.addi %mul3A_224, %mul3A_226 : i32
      %dma_wait3A_228 = tpu.memref_slice %arg3[%add3A_227] : memref<320000xi32, #tpu.memory_space<hbm>> -> memref<80xi32, #tpu.memory_space<hbm>>
      %dma_wait3A_229 = tpu.memref_slice %arg3[%add3A_227] : memref<320000xi32, #tpu.memory_space<hbm>> -> memref<80xi32, #tpu.memory_space<hbm>>
      tpu.wait_dma2 semaphore(%arg25 : memref<!tpu.dma_semaphore, #tpu.memory_space<semaphore_mem>>) src(%dma_wait3A_229 : memref<80xi32, #tpu.memory_space<hbm>>) dst(%arg8 : memref<80xi32, #tpu.memory_space<vmem>>)
      %dma_wait3A_230 = tpu.memref_slice %arg4[%add3A_227] : memref<320000xi32, #tpu.memory_space<hbm>> -> memref<80xi32, #tpu.memory_space<hbm>>
      %dma_wait3A_231 = tpu.memref_slice %arg4[%add3A_227] : memref<320000xi32, #tpu.memory_space<hbm>> -> memref<80xi32, #tpu.memory_space<hbm>>
      tpu.wait_dma2 semaphore(%arg25 : memref<!tpu.dma_semaphore, #tpu.memory_space<semaphore_mem>>) src(%dma_wait3A_231 : memref<80xi32, #tpu.memory_space<hbm>>) dst(%arg12 : memref<80xi32, #tpu.memory_space<vmem>>)
      %dma_start3A_232 = arith.constant 0 : i32
      %dma_start3A_233 = arith.constant 0 : i32
      %dma_start3A_234 = tpu.memref_slice %arg2[%dma_start3A_232, %dma_start3A_233] : memref<10000x128xf32, #tpu.memory_space<hbm>> -> memref<10000x128xf32, #tpu.memory_space<hbm>>
      tpu.enqueue_indirect_dma source(%dma_start3A_234 : memref<10000x128xf32, #tpu.memory_space<hbm>>) target(%arg16 : memref<80x128xf32, #tpu.memory_space<vmem>>) offsets(%arg8 : memref<80xi32, #tpu.memory_space<vmem>>) semaphore(%arg21 : memref<!tpu.dma_semaphore, #tpu.memory_space<semaphore_mem>>)
      %dma_wait3A_235 = arith.constant 0 : i32
      %dma_wait3A_236 = arith.constant 0 : i32
      %dma_wait3A_237 = tpu.memref_slice %arg2[%dma_wait3A_235, %dma_wait3A_236] : memref<10000x128xf32, #tpu.memory_space<hbm>> -> memref<10000x128xf32, #tpu.memory_space<hbm>>
      tpu.wait_indirect_dma semaphore(%arg23 : memref<!tpu.dma_semaphore, #tpu.memory_space<semaphore_mem>>) src(%dma_wait3A_237 : memref<10000x128xf32, #tpu.memory_space<hbm>>) dst(%arg18 : memref<80x128xf32, #tpu.memory_space<vmem>>)
      "tpu.region"() ({
        %run_scoped3A = tpu.sem_alloc : memref<!tpu.dma_semaphore, #tpu.memory_space<semaphore_mem>>
        %dma_start3A_269 = arith.constant 0 : i32
        %dma_start3A_270 = arith.constant 0 : i32
        %dma_start3A_271 = tpu.memref_slice %arg19[%dma_start3A_269, %dma_start3A_270] : memref<10240x128xf32, #tpu.memory_space<vmem_shared>> -> memref<10240x128xf32, #tpu.memory_space<vmem_shared>>
        tpu.enqueue_indirect_dma source(%arg18 : memref<80x128xf32, #tpu.memory_space<vmem>>) target(%dma_start3A_271 : memref<10240x128xf32, #tpu.memory_space<vmem_shared>>) offsets(%arg14 : memref<80xi32, #tpu.memory_space<vmem>>) semaphore(%run_scoped3A : memref<!tpu.dma_semaphore, #tpu.memory_space<semaphore_mem>>) {add = true}
        %dma_wait3A_272 = arith.constant 0 : i32
        %dma_wait3A_273 = arith.constant 0 : i32
        %dma_wait3A_274 = tpu.memref_slice %arg19[%dma_wait3A_272, %dma_wait3A_273] : memref<10240x128xf32, #tpu.memory_space<vmem_shared>> -> memref<10240x128xf32, #tpu.memory_space<vmem_shared>>
        tpu.wait_indirect_dma semaphore(%run_scoped3A : memref<!tpu.dma_semaphore, #tpu.memory_space<semaphore_mem>>) src(%arg18 : memref<80x128xf32, #tpu.memory_space<vmem>>) dst(%dma_wait3A_274 : memref<10240x128xf32, #tpu.memory_space<vmem_shared>>)
        tpu.yield
      }) : () -> ()
      %add3A_238 = arith.constant 3 : i32
      %add3A_239 = arith.addi %mul3A_133, %add3A_238 : i32
      %add3A_240 = arith.constant 4 : i32
      %add3A_241 = arith.addi %add3A_239, %add3A_240 : i32
      %mul3A_242 = arith.constant 10000 : i32
      %mul3A_243 = arith.muli %add3A, %mul3A_242 : i32
      %mul3A_244 = arith.constant 80 : i32
      %mul3A_245 = arith.muli %add3A_241, %mul3A_244 : i32
      %add3A_246 = arith.addi %mul3A_243, %mul3A_245 : i32
      %dma_start3A_247 = tpu.memref_slice %arg3[%add3A_246] : memref<320000xi32, #tpu.memory_space<hbm>> -> memref<80xi32, #tpu.memory_space<hbm>>
      %dma_start3A_248 = tpu.memref_slice %arg3[%add3A_246] : memref<320000xi32, #tpu.memory_space<hbm>> -> memref<80xi32, #tpu.memory_space<hbm>>
      tpu.enqueue_dma source(%dma_start3A_248 : memref<80xi32, #tpu.memory_space<hbm>>) target(%arg10 : memref<80xi32, #tpu.memory_space<vmem>>) target_semaphore(%arg27 : memref<!tpu.dma_semaphore, #tpu.memory_space<semaphore_mem>>)
      %dma_start3A_249 = tpu.memref_slice %arg4[%add3A_246] : memref<320000xi32, #tpu.memory_space<hbm>> -> memref<80xi32, #tpu.memory_space<hbm>>
      %dma_start3A_250 = tpu.memref_slice %arg4[%add3A_246] : memref<320000xi32, #tpu.memory_space<hbm>> -> memref<80xi32, #tpu.memory_space<hbm>>
      tpu.enqueue_dma source(%dma_start3A_250 : memref<80xi32, #tpu.memory_space<hbm>>) target(%arg14 : memref<80xi32, #tpu.memory_space<vmem>>) target_semaphore(%arg27 : memref<!tpu.dma_semaphore, #tpu.memory_space<semaphore_mem>>)
      %add3A_251 = arith.constant 3 : i32
      %add3A_252 = arith.addi %mul3A_133, %add3A_251 : i32
      %add3A_253 = arith.constant 4 : i32
      %add3A_254 = arith.addi %add3A_252, %add3A_253 : i32
      %sub3A_255 = arith.constant 1 : i32
      %sub3A_256 = arith.subi %add3A_254, %sub3A_255 : i32
      %mul3A_257 = arith.constant 10000 : i32
      %mul3A_258 = arith.muli %add3A, %mul3A_257 : i32
      %mul3A_259 = arith.constant 80 : i32
      %mul3A_260 = arith.muli %sub3A_256, %mul3A_259 : i32
      %add3A_261 = arith.addi %mul3A_258, %mul3A_260 : i32
      %dma_wait3A_262 = tpu.memref_slice %arg3[%add3A_261] : memref<320000xi32, #tpu.memory_space<hbm>> -> memref<80xi32, #tpu.memory_space<hbm>>
      %dma_wait3A_263 = tpu.memref_slice %arg3[%add3A_261] : memref<320000xi32, #tpu.memory_space<hbm>> -> memref<80xi32, #tpu.memory_space<hbm>>
      tpu.wait_dma2 semaphore(%arg26 : memref<!tpu.dma_semaphore, #tpu.memory_space<semaphore_mem>>) src(%dma_wait3A_263 : memref<80xi32, #tpu.memory_space<hbm>>) dst(%arg9 : memref<80xi32, #tpu.memory_space<vmem>>)
      %dma_wait3A_264 = tpu.memref_slice %arg4[%add3A_261] : memref<320000xi32, #tpu.memory_space<hbm>> -> memref<80xi32, #tpu.memory_space<hbm>>
      %dma_wait3A_265 = tpu.memref_slice %arg4[%add3A_261] : memref<320000xi32, #tpu.memory_space<hbm>> -> memref<80xi32, #tpu.memory_space<hbm>>
      tpu.wait_dma2 semaphore(%arg26 : memref<!tpu.dma_semaphore, #tpu.memory_space<semaphore_mem>>) src(%dma_wait3A_265 : memref<80xi32, #tpu.memory_space<hbm>>) dst(%arg13 : memref<80xi32, #tpu.memory_space<vmem>>)
      %dma_start3A_266 = arith.constant 0 : i32
      %dma_start3A_267 = arith.constant 0 : i32
      %dma_start3A_268 = tpu.memref_slice %arg2[%dma_start3A_266, %dma_start3A_267] : memref<10000x128xf32, #tpu.memory_space<hbm>> -> memref<10000x128xf32, #tpu.memory_space<hbm>>
      tpu.enqueue_indirect_dma source(%dma_start3A_268 : memref<10000x128xf32, #tpu.memory_space<hbm>>) target(%arg17 : memref<80x128xf32, #tpu.memory_space<vmem>>) offsets(%arg9 : memref<80xi32, #tpu.memory_space<vmem>>) semaphore(%arg22 : memref<!tpu.dma_semaphore, #tpu.memory_space<semaphore_mem>>)
    }
    %scan3A_80 = arith.constant 30 : i32
    %dma_wait3A_81 = arith.constant 0 : i32
    %dma_wait3A_82 = arith.constant 0 : i32
    %dma_wait3A_83 = tpu.memref_slice %arg2[%dma_wait3A_81, %dma_wait3A_82] : memref<10000x128xf32, #tpu.memory_space<hbm>> -> memref<10000x128xf32, #tpu.memory_space<hbm>>
    tpu.wait_indirect_dma semaphore(%arg20 : memref<!tpu.dma_semaphore, #tpu.memory_space<semaphore_mem>>) src(%dma_wait3A_83 : memref<10000x128xf32, #tpu.memory_space<hbm>>) dst(%arg15 : memref<80x128xf32, #tpu.memory_space<vmem>>)
    "tpu.region"() ({
      %run_scoped3A = tpu.sem_alloc : memref<!tpu.dma_semaphore, #tpu.memory_space<semaphore_mem>>
      %dma_start3A_131 = arith.constant 0 : i32
      %dma_start3A_132 = arith.constant 0 : i32
      %dma_start3A_133 = tpu.memref_slice %arg19[%dma_start3A_131, %dma_start3A_132] : memref<10240x128xf32, #tpu.memory_space<vmem_shared>> -> memref<10240x128xf32, #tpu.memory_space<vmem_shared>>
      tpu.enqueue_indirect_dma source(%arg15 : memref<80x128xf32, #tpu.memory_space<vmem>>) target(%dma_start3A_133 : memref<10240x128xf32, #tpu.memory_space<vmem_shared>>) offsets(%arg11 : memref<80xi32, #tpu.memory_space<vmem>>) semaphore(%run_scoped3A : memref<!tpu.dma_semaphore, #tpu.memory_space<semaphore_mem>>) {add = true}
      %dma_wait3A_134 = arith.constant 0 : i32
      %dma_wait3A_135 = arith.constant 0 : i32
      %dma_wait3A_136 = tpu.memref_slice %arg19[%dma_wait3A_134, %dma_wait3A_135] : memref<10240x128xf32, #tpu.memory_space<vmem_shared>> -> memref<10240x128xf32, #tpu.memory_space<vmem_shared>>
      tpu.wait_indirect_dma semaphore(%run_scoped3A : memref<!tpu.dma_semaphore, #tpu.memory_space<semaphore_mem>>) src(%arg15 : memref<80x128xf32, #tpu.memory_space<vmem>>) dst(%dma_wait3A_136 : memref<10240x128xf32, #tpu.memory_space<vmem_shared>>)
      tpu.yield
    }) : () -> ()
    %mul3A_84 = arith.constant 10000 : i32
    %mul3A_85 = arith.muli %add3A, %mul3A_84 : i32
    %add3A_86 = arith.constant 9920 : i32
    %add3A_87 = arith.addi %mul3A_85, %add3A_86 : i32
    %dma_start3A_88 = tpu.memref_slice %arg3[%add3A_87] : memref<320000xi32, #tpu.memory_space<hbm>> -> memref<80xi32, #tpu.memory_space<hbm>>
    %dma_start3A_89 = tpu.memref_slice %arg3[%add3A_87] : memref<320000xi32, #tpu.memory_space<hbm>> -> memref<80xi32, #tpu.memory_space<hbm>>
    tpu.enqueue_dma source(%dma_start3A_89 : memref<80xi32, #tpu.memory_space<hbm>>) target(%arg7 : memref<80xi32, #tpu.memory_space<vmem>>) target_semaphore(%arg24 : memref<!tpu.dma_semaphore, #tpu.memory_space<semaphore_mem>>)
    %dma_start3A_90 = tpu.memref_slice %arg4[%add3A_87] : memref<320000xi32, #tpu.memory_space<hbm>> -> memref<80xi32, #tpu.memory_space<hbm>>
    %dma_start3A_91 = tpu.memref_slice %arg4[%add3A_87] : memref<320000xi32, #tpu.memory_space<hbm>> -> memref<80xi32, #tpu.memory_space<hbm>>
    tpu.enqueue_dma source(%dma_start3A_91 : memref<80xi32, #tpu.memory_space<hbm>>) target(%arg11 : memref<80xi32, #tpu.memory_space<vmem>>) target_semaphore(%arg24 : memref<!tpu.dma_semaphore, #tpu.memory_space<semaphore_mem>>)
    %mul3A_92 = arith.constant 10000 : i32
    %mul3A_93 = arith.muli %add3A, %mul3A_92 : i32
    %add3A_94 = arith.constant 9840 : i32
    %add3A_95 = arith.addi %mul3A_93, %add3A_94 : i32
    %dma_wait3A_96 = tpu.memref_slice %arg3[%add3A_95] : memref<320000xi32, #tpu.memory_space<hbm>> -> memref<80xi32, #tpu.memory_space<hbm>>
    %dma_wait3A_97 = tpu.memref_slice %arg3[%add3A_95] : memref<320000xi32, #tpu.memory_space<hbm>> -> memref<80xi32, #tpu.memory_space<hbm>>
    tpu.wait_dma2 semaphore(%arg27 : memref<!tpu.dma_semaphore, #tpu.memory_space<semaphore_mem>>) src(%dma_wait3A_97 : memref<80xi32, #tpu.memory_space<hbm>>) dst(%arg10 : memref<80xi32, #tpu.memory_space<vmem>>)
    %dma_wait3A_98 = tpu.memref_slice %arg4[%add3A_95] : memref<320000xi32, #tpu.memory_space<hbm>> -> memref<80xi32, #tpu.memory_space<hbm>>
    %dma_wait3A_99 = tpu.memref_slice %arg4[%add3A_95] : memref<320000xi32, #tpu.memory_space<hbm>> -> memref<80xi32, #tpu.memory_space<hbm>>
    tpu.wait_dma2 semaphore(%arg27 : memref<!tpu.dma_semaphore, #tpu.memory_space<semaphore_mem>>) src(%dma_wait3A_99 : memref<80xi32, #tpu.memory_space<hbm>>) dst(%arg14 : memref<80xi32, #tpu.memory_space<vmem>>)
    %dma_start3A_100 = arith.constant 0 : i32
    %dma_start3A_101 = arith.constant 0 : i32
    %dma_start3A_102 = tpu.memref_slice %arg2[%dma_start3A_100, %dma_start3A_101] : memref<10000x128xf32, #tpu.memory_space<hbm>> -> memref<10000x128xf32, #tpu.memory_space<hbm>>
    tpu.enqueue_indirect_dma source(%dma_start3A_102 : memref<10000x128xf32, #tpu.memory_space<hbm>>) target(%arg18 : memref<80x128xf32, #tpu.memory_space<vmem>>) offsets(%arg10 : memref<80xi32, #tpu.memory_space<vmem>>) semaphore(%arg23 : memref<!tpu.dma_semaphore, #tpu.memory_space<semaphore_mem>>)
    %dma_wait3A_103 = arith.constant 0 : i32
    %dma_wait3A_104 = arith.constant 0 : i32
    %dma_wait3A_105 = tpu.memref_slice %arg2[%dma_wait3A_103, %dma_wait3A_104] : memref<10000x128xf32, #tpu.memory_space<hbm>> -> memref<10000x128xf32, #tpu.memory_space<hbm>>
    tpu.wait_indirect_dma semaphore(%arg21 : memref<!tpu.dma_semaphore, #tpu.memory_space<semaphore_mem>>) src(%dma_wait3A_105 : memref<10000x128xf32, #tpu.memory_space<hbm>>) dst(%arg16 : memref<80x128xf32, #tpu.memory_space<vmem>>)
    "tpu.region"() ({
      %run_scoped3A = tpu.sem_alloc : memref<!tpu.dma_semaphore, #tpu.memory_space<semaphore_mem>>
      %dma_start3A_131 = arith.constant 0 : i32
      %dma_start3A_132 = arith.constant 0 : i32
      %dma_start3A_133 = tpu.memref_slice %arg19[%dma_start3A_131, %dma_start3A_132] : memref<10240x128xf32, #tpu.memory_space<vmem_shared>> -> memref<10240x128xf32, #tpu.memory_space<vmem_shared>>
      tpu.enqueue_indirect_dma source(%arg16 : memref<80x128xf32, #tpu.memory_space<vmem>>) target(%dma_start3A_133 : memref<10240x128xf32, #tpu.memory_space<vmem_shared>>) offsets(%arg12 : memref<80xi32, #tpu.memory_space<vmem>>) semaphore(%run_scoped3A : memref<!tpu.dma_semaphore, #tpu.memory_space<semaphore_mem>>) {add = true}
      %dma_wait3A_134 = arith.constant 0 : i32
      %dma_wait3A_135 = arith.constant 0 : i32
      %dma_wait3A_136 = tpu.memref_slice %arg19[%dma_wait3A_134, %dma_wait3A_135] : memref<10240x128xf32, #tpu.memory_space<vmem_shared>> -> memref<10240x128xf32, #tpu.memory_space<vmem_shared>>
      tpu.wait_indirect_dma semaphore(%run_scoped3A : memref<!tpu.dma_semaphore, #tpu.memory_space<semaphore_mem>>) src(%arg16 : memref<80x128xf32, #tpu.memory_space<vmem>>) dst(%dma_wait3A_136 : memref<10240x128xf32, #tpu.memory_space<vmem_shared>>)
      tpu.yield
    }) : () -> ()
    %mul3A_106 = arith.constant 10000 : i32
    %mul3A_107 = arith.muli %add3A, %mul3A_106 : i32
    %add3A_108 = arith.constant 9920 : i32
    %add3A_109 = arith.addi %mul3A_107, %add3A_108 : i32
    %dma_wait3A_110 = tpu.memref_slice %arg3[%add3A_109] : memref<320000xi32, #tpu.memory_space<hbm>> -> memref<80xi32, #tpu.memory_space<hbm>>
    %dma_wait3A_111 = tpu.memref_slice %arg3[%add3A_109] : memref<320000xi32, #tpu.memory_space<hbm>> -> memref<80xi32, #tpu.memory_space<hbm>>
    tpu.wait_dma2 semaphore(%arg24 : memref<!tpu.dma_semaphore, #tpu.memory_space<semaphore_mem>>) src(%dma_wait3A_111 : memref<80xi32, #tpu.memory_space<hbm>>) dst(%arg7 : memref<80xi32, #tpu.memory_space<vmem>>)
    %dma_wait3A_112 = tpu.memref_slice %arg4[%add3A_109] : memref<320000xi32, #tpu.memory_space<hbm>> -> memref<80xi32, #tpu.memory_space<hbm>>
    %dma_wait3A_113 = tpu.memref_slice %arg4[%add3A_109] : memref<320000xi32, #tpu.memory_space<hbm>> -> memref<80xi32, #tpu.memory_space<hbm>>
    tpu.wait_dma2 semaphore(%arg24 : memref<!tpu.dma_semaphore, #tpu.memory_space<semaphore_mem>>) src(%dma_wait3A_113 : memref<80xi32, #tpu.memory_space<hbm>>) dst(%arg11 : memref<80xi32, #tpu.memory_space<vmem>>)
    %dma_start3A_114 = arith.constant 0 : i32
    %dma_start3A_115 = arith.constant 0 : i32
    %dma_start3A_116 = tpu.memref_slice %arg2[%dma_start3A_114, %dma_start3A_115] : memref<10000x128xf32, #tpu.memory_space<hbm>> -> memref<10000x128xf32, #tpu.memory_space<hbm>>
    tpu.enqueue_indirect_dma source(%dma_start3A_116 : memref<10000x128xf32, #tpu.memory_space<hbm>>) target(%arg15 : memref<80x128xf32, #tpu.memory_space<vmem>>) offsets(%arg7 : memref<80xi32, #tpu.memory_space<vmem>>) semaphore(%arg20 : memref<!tpu.dma_semaphore, #tpu.memory_space<semaphore_mem>>)
    %dma_wait3A_117 = arith.constant 0 : i32
    %dma_wait3A_118 = arith.constant 0 : i32
    %dma_wait3A_119 = tpu.memref_slice %arg2[%dma_wait3A_117, %dma_wait3A_118] : memref<10000x128xf32, #tpu.memory_space<hbm>> -> memref<10000x128xf32, #tpu.memory_space<hbm>>
    tpu.wait_indirect_dma semaphore(%arg22 : memref<!tpu.dma_semaphore, #tpu.memory_space<semaphore_mem>>) src(%dma_wait3A_119 : memref<10000x128xf32, #tpu.memory_space<hbm>>) dst(%arg17 : memref<80x128xf32, #tpu.memory_space<vmem>>)
    "tpu.region"() ({
      %run_scoped3A = tpu.sem_alloc : memref<!tpu.dma_semaphore, #tpu.memory_space<semaphore_mem>>
      %dma_start3A_131 = arith.constant 0 : i32
      %dma_start3A_132 = arith.constant 0 : i32
      %dma_start3A_133 = tpu.memref_slice %arg19[%dma_start3A_131, %dma_start3A_132] : memref<10240x128xf32, #tpu.memory_space<vmem_shared>> -> memref<10240x128xf32, #tpu.memory_space<vmem_shared>>
      tpu.enqueue_indirect_dma source(%arg17 : memref<80x128xf32, #tpu.memory_space<vmem>>) target(%dma_start3A_133 : memref<10240x128xf32, #tpu.memory_space<vmem_shared>>) offsets(%arg13 : memref<80xi32, #tpu.memory_space<vmem>>) semaphore(%run_scoped3A : memref<!tpu.dma_semaphore, #tpu.memory_space<semaphore_mem>>) {add = true}
      %dma_wait3A_134 = arith.constant 0 : i32
      %dma_wait3A_135 = arith.constant 0 : i32
      %dma_wait3A_136 = tpu.memref_slice %arg19[%dma_wait3A_134, %dma_wait3A_135] : memref<10240x128xf32, #tpu.memory_space<vmem_shared>> -> memref<10240x128xf32, #tpu.memory_space<vmem_shared>>
      tpu.wait_indirect_dma semaphore(%run_scoped3A : memref<!tpu.dma_semaphore, #tpu.memory_space<semaphore_mem>>) src(%arg17 : memref<80x128xf32, #tpu.memory_space<vmem>>) dst(%dma_wait3A_136 : memref<10240x128xf32, #tpu.memory_space<vmem_shared>>)
      tpu.yield
    }) : () -> ()
    %dma_wait3A_120 = arith.constant 0 : i32
    %dma_wait3A_121 = arith.constant 0 : i32
    %dma_wait3A_122 = tpu.memref_slice %arg2[%dma_wait3A_120, %dma_wait3A_121] : memref<10000x128xf32, #tpu.memory_space<hbm>> -> memref<10000x128xf32, #tpu.memory_space<hbm>>
    tpu.wait_indirect_dma semaphore(%arg23 : memref<!tpu.dma_semaphore, #tpu.memory_space<semaphore_mem>>) src(%dma_wait3A_122 : memref<10000x128xf32, #tpu.memory_space<hbm>>) dst(%arg18 : memref<80x128xf32, #tpu.memory_space<vmem>>)
    "tpu.region"() ({
      %run_scoped3A = tpu.sem_alloc : memref<!tpu.dma_semaphore, #tpu.memory_space<semaphore_mem>>
      %dma_start3A_131 = arith.constant 0 : i32
      %dma_start3A_132 = arith.constant 0 : i32
      %dma_start3A_133 = tpu.memref_slice %arg19[%dma_start3A_131, %dma_start3A_132] : memref<10240x128xf32, #tpu.memory_space<vmem_shared>> -> memref<10240x128xf32, #tpu.memory_space<vmem_shared>>
      tpu.enqueue_indirect_dma source(%arg18 : memref<80x128xf32, #tpu.memory_space<vmem>>) target(%dma_start3A_133 : memref<10240x128xf32, #tpu.memory_space<vmem_shared>>) offsets(%arg14 : memref<80xi32, #tpu.memory_space<vmem>>) semaphore(%run_scoped3A : memref<!tpu.dma_semaphore, #tpu.memory_space<semaphore_mem>>) {add = true}
      %dma_wait3A_134 = arith.constant 0 : i32
      %dma_wait3A_135 = arith.constant 0 : i32
      %dma_wait3A_136 = tpu.memref_slice %arg19[%dma_wait3A_134, %dma_wait3A_135] : memref<10240x128xf32, #tpu.memory_space<vmem_shared>> -> memref<10240x128xf32, #tpu.memory_space<vmem_shared>>
      tpu.wait_indirect_dma semaphore(%run_scoped3A : memref<!tpu.dma_semaphore, #tpu.memory_space<semaphore_mem>>) src(%arg18 : memref<80x128xf32, #tpu.memory_space<vmem>>) dst(%dma_wait3A_136 : memref<10240x128xf32, #tpu.memory_space<vmem_shared>>)
      tpu.yield
    }) : () -> ()
    %dma_wait3A_123 = arith.constant 0 : i32
    %dma_wait3A_124 = arith.constant 0 : i32
    %dma_wait3A_125 = tpu.memref_slice %arg2[%dma_wait3A_123, %dma_wait3A_124] : memref<10000x128xf32, #tpu.memory_space<hbm>> -> memref<10000x128xf32, #tpu.memory_space<hbm>>
    tpu.wait_indirect_dma semaphore(%arg20 : memref<!tpu.dma_semaphore, #tpu.memory_space<semaphore_mem>>) src(%dma_wait3A_125 : memref<10000x128xf32, #tpu.memory_space<hbm>>) dst(%arg15 : memref<80x128xf32, #tpu.memory_space<vmem>>)
    "tpu.region"() ({
      %run_scoped3A = tpu.sem_alloc : memref<!tpu.dma_semaphore, #tpu.memory_space<semaphore_mem>>
      %dma_start3A_131 = arith.constant 0 : i32
      %dma_start3A_132 = arith.constant 0 : i32
      %dma_start3A_133 = tpu.memref_slice %arg19[%dma_start3A_131, %dma_start3A_132] : memref<10240x128xf32, #tpu.memory_space<vmem_shared>> -> memref<10240x128xf32, #tpu.memory_space<vmem_shared>>
      tpu.enqueue_indirect_dma source(%arg15 : memref<80x128xf32, #tpu.memory_space<vmem>>) target(%dma_start3A_133 : memref<10240x128xf32, #tpu.memory_space<vmem_shared>>) offsets(%arg11 : memref<80xi32, #tpu.memory_space<vmem>>) semaphore(%run_scoped3A : memref<!tpu.dma_semaphore, #tpu.memory_space<semaphore_mem>>) {add = true}
      %dma_wait3A_134 = arith.constant 0 : i32
      %dma_wait3A_135 = arith.constant 0 : i32
      %dma_wait3A_136 = tpu.memref_slice %arg19[%dma_wait3A_134, %dma_wait3A_135] : memref<10240x128xf32, #tpu.memory_space<vmem_shared>> -> memref<10240x128xf32, #tpu.memory_space<vmem_shared>>
      tpu.wait_indirect_dma semaphore(%run_scoped3A : memref<!tpu.dma_semaphore, #tpu.memory_space<semaphore_mem>>) src(%arg15 : memref<80x128xf32, #tpu.memory_space<vmem>>) dst(%dma_wait3A_136 : memref<10240x128xf32, #tpu.memory_space<vmem_shared>>)
      tpu.yield
    }) : () -> ()
    %barrier3A_126 = arith.constant 0 : index
    tpu.barrier barrier_id(%barrier3A_126)
    %mul3A_127 = arith.constant 640 : i32
    %mul3A_128 = arith.muli %arg1, %mul3A_127 : i32
    %mul3A_129 = arith.constant 640 : i32
    %mul3A_130 = arith.muli %arg1, %mul3A_129 : i32
    "tpu.region"() ({
      %run_scoped3A = tpu.sem_alloc : memref<!tpu.dma_semaphore, #tpu.memory_space<semaphore_mem>>
      %dma_start3A_131 = arith.constant 0 : i32
      %dma_start3A_132 = tpu.memref_slice %arg6[%arg0, %mul3A_130, %dma_start3A_131] : memref<2x10240x128xf32, #tpu.memory_space<hbm>> -> memref<1x640x128xf32, #tpu.memory_space<hbm>>
      %dma_start3A_133 = tpu.memref_squeeze %dma_start3A_132 : memref<1x640x128xf32, #tpu.memory_space<hbm>> -> memref<640x128xf32, #tpu.memory_space<hbm>>
      %dma_start3A_134 = arith.constant 0 : i32
      %dma_start3A_135 = tpu.memref_slice %arg19[%mul3A_128, %dma_start3A_134] : memref<10240x128xf32, #tpu.memory_space<vmem_shared>> -> memref<640x128xf32, #tpu.memory_space<vmem_shared>>
      tpu.enqueue_dma source(%dma_start3A_135 : memref<640x128xf32, #tpu.memory_space<vmem_shared>>) target(%dma_start3A_133 : memref<640x128xf32, #tpu.memory_space<hbm>>) target_semaphore(%run_scoped3A : memref<!tpu.dma_semaphore, #tpu.memory_space<semaphore_mem>>)
      %dma_wait3A_136 = arith.constant 0 : i32
      %dma_wait3A_137 = tpu.memref_slice %arg6[%arg0, %mul3A_130, %dma_wait3A_136] : memref<2x10240x128xf32, #tpu.memory_space<hbm>> -> memref<1x640x128xf32, #tpu.memory_space<hbm>>
      %dma_wait3A_138 = tpu.memref_squeeze %dma_wait3A_137 : memref<1x640x128xf32, #tpu.memory_space<hbm>> -> memref<640x128xf32, #tpu.memory_space<hbm>>
      %dma_wait3A_139 = arith.constant 0 : i32
      %dma_wait3A_140 = tpu.memref_slice %arg19[%mul3A_128, %dma_wait3A_139] : memref<10240x128xf32, #tpu.memory_space<vmem_shared>> -> memref<640x128xf32, #tpu.memory_space<vmem_shared>>
      tpu.wait_dma2 semaphore(%run_scoped3A : memref<!tpu.dma_semaphore, #tpu.memory_space<semaphore_mem>>) src(%dma_wait3A_140 : memref<640x128xf32, #tpu.memory_space<vmem_shared>>) dst(%dma_wait3A_138 : memref<640x128xf32, #tpu.memory_space<hbm>>)
      tpu.yield
    }) : () -> ()
    return
  }
}

module attributes {stable_mosaic.version = 14 : i64} {
  func.func @_combine_body(%arg0: i32, %arg1: memref<5000x128xf32, #tpu.memory_space<vmem>>, %arg2: memref<2x5000x128xf32, #tpu.memory_space<vmem>>, %arg3: memref<2x5000x8xf32, #tpu.memory_space<vmem>>, %arg4: memref<128x128xf32, #tpu.memory_space<vmem>>, %arg5: memref<128x128xf32, #tpu.memory_space<vmem>>, %arg6: memref<1x128xf32, #tpu.memory_space<vmem>>, %arg7: memref<1x128xf32, #tpu.memory_space<vmem>>, %arg8: memref<1x128xf32, #tpu.memory_space<vmem>>, %arg9: memref<5000x128xf32, #tpu.memory_space<vmem>>) attributes {dimension_semantics = [#tpu.dimension_semantics<arbitrary>], iteration_bounds = array<i64: 2>, scalar_prefetch = 0 : i64, scratch_operands = 0 : i64, tpu.core_type = #tpu.core_type<tc>, window_params = [{transform_indices = @transform_0, window_bounds = array<i64: 5000, 128>}, {transform_indices = @transform_1, window_bounds = array<i64: 2, 5000, 128>}, {transform_indices = @transform_2, window_bounds = array<i64: 2, 5000, 8>}, {pipeline_mode = #tpu.pipeline_mode<synchronous>, transform_indices = @transform_3, window_bounds = array<i64: 128, 128>}, {pipeline_mode = #tpu.pipeline_mode<synchronous>, transform_indices = @transform_4, window_bounds = array<i64: 128, 128>}, {pipeline_mode = #tpu.pipeline_mode<synchronous>, transform_indices = @transform_5, window_bounds = array<i64: 1, 128>}, {pipeline_mode = #tpu.pipeline_mode<synchronous>, transform_indices = @transform_6, window_bounds = array<i64: 1, 128>}, {pipeline_mode = #tpu.pipeline_mode<synchronous>, transform_indices = @transform_7, window_bounds = array<i64: 1, 128>}, {transform_indices = @transform_8, window_bounds = array<i64: 5000, 128>}]} {
    %get3A = arith.constant 0 : index
    %get3A_0 = arith.constant 0 : index
    %get3A_1 = arith.constant 0 : index
    %get3A_2 = vector.load %arg2[%get3A, %get3A_0, %get3A_1] : memref<2x5000x128xf32, #tpu.memory_space<vmem>>, vector<1x5000x128xf32>
    %get3A_3 = vector.shape_cast %get3A_2 : vector<1x5000x128xf32> to vector<5000x128xf32>
    %get3A_4 = arith.constant 1 : index
    %get3A_5 = arith.constant 0 : index
    %get3A_6 = arith.constant 0 : index
    %get3A_7 = vector.load %arg2[%get3A_4, %get3A_5, %get3A_6] : memref<2x5000x128xf32, #tpu.memory_space<vmem>>, vector<1x5000x128xf32>
    %get3A_8 = vector.shape_cast %get3A_7 : vector<1x5000x128xf32> to vector<5000x128xf32>
    %add3A = arith.addf %get3A_3, %get3A_8 : vector<5000x128xf32>
    %get3A_9 = arith.constant 0 : index
    %get3A_10 = arith.constant 0 : index
    %get3A_11 = arith.constant 0 : index
    %get3A_12 = vector.load %arg3[%get3A_9, %get3A_10, %get3A_11] : memref<2x5000x8xf32, #tpu.memory_space<vmem>>, vector<1x5000x1xf32>
    %get3A_13 = vector.shape_cast %get3A_12 : vector<1x5000x1xf32> to vector<5000x1xf32>
    %get3A_14 = arith.constant 1 : index
    %get3A_15 = arith.constant 0 : index
    %get3A_16 = arith.constant 0 : index
    %get3A_17 = vector.load %arg3[%get3A_14, %get3A_15, %get3A_16] : memref<2x5000x8xf32, #tpu.memory_space<vmem>>, vector<1x5000x1xf32>
    %get3A_18 = vector.shape_cast %get3A_17 : vector<1x5000x1xf32> to vector<5000x1xf32>
    %add3A_19 = arith.addf %get3A_13, %get3A_18 : vector<5000x1xf32>
    %max3A = arith.constant 1.000000e+00 : f32
    %max3A_20 = vector.broadcast %max3A : f32 to vector<5000x1xf32>
    %max3A_21 = arith.maximumf %add3A_19, %max3A_20 : vector<5000x1xf32>
    %div3A = arith.constant 1.000000e+00 : f32
    %div3A_22 = vector.broadcast %div3A : f32 to vector<5000x1xf32>
    %div3A_23 = arith.divf %div3A_22, %max3A_21 : vector<5000x1xf32>
    %mul3A = vector.broadcast %div3A_23 : vector<5000x1xf32> to vector<5000x128xf32>
    %mul3A_24 = arith.mulf %add3A, %mul3A : vector<5000x128xf32>
    %get3A_25 = arith.constant 0 : index
    %get3A_26 = arith.constant 0 : index
    %get3A_27 = vector.load %arg1[%get3A_25, %get3A_26] : memref<5000x128xf32, #tpu.memory_space<vmem>>, vector<5000x128xf32>
    %get3A_28 = arith.constant 0 : index
    %get3A_29 = arith.constant 0 : index
    %get3A_30 = vector.load %arg4[%get3A_28, %get3A_29] : memref<128x128xf32, #tpu.memory_space<vmem>>, vector<128x128xf32>
    %dot_general3A = arith.constant dense<0.000000e+00> : vector<5000x128xf32>
    %dot_general3A_31 = tpu.matmul %get3A_27, %get3A_30, %dot_general3A {dimension_numbers = #tpu.dot_dimension_numbers<[1], [1], [0], [0], [0, 0, 1, 0], [], []>, transpose_lhs_hint = false} : vector<5000x128xf32>, vector<128x128xf32>, vector<5000x128xf32> -> vector<5000x128xf32>
    %get3A_32 = arith.constant 0 : index
    %get3A_33 = arith.constant 0 : index
    %get3A_34 = vector.load %arg5[%get3A_32, %get3A_33] : memref<128x128xf32, #tpu.memory_space<vmem>>, vector<128x128xf32>
    %dot_general3A_35 = arith.constant dense<0.000000e+00> : vector<5000x128xf32>
    %dot_general3A_36 = tpu.matmul %mul3A_24, %get3A_34, %dot_general3A_35 {dimension_numbers = #tpu.dot_dimension_numbers<[1], [1], [0], [0], [0, 0, 1, 0], [], []>, transpose_lhs_hint = false} : vector<5000x128xf32>, vector<128x128xf32>, vector<5000x128xf32> -> vector<5000x128xf32>
    %add3A_37 = arith.addf %dot_general3A_31, %dot_general3A_36 : vector<5000x128xf32>
    %get3A_38 = arith.constant 0 : index
    %get3A_39 = arith.constant 0 : index
    %get3A_40 = vector.load %arg6[%get3A_38, %get3A_39] : memref<1x128xf32, #tpu.memory_space<vmem>>, vector<1x128xf32>
    %add3A_41 = vector.broadcast %get3A_40 : vector<1x128xf32> to vector<5000x128xf32>
    %add3A_42 = arith.addf %add3A_37, %add3A_41 : vector<5000x128xf32>
    %mul3A_43 = arith.mulf %add3A_42, %add3A_42 : vector<5000x128xf32>
    %reduce_sum3A = arith.constant dense<0.000000e+00> : vector<5000xf32>
    %reduce_sum3A_44 = vector.multi_reduction <add>, %mul3A_43, %reduce_sum3A [1] : vector<5000x128xf32> to vector<5000xf32>
    %broadcast_in_dim3A = vector.shape_cast %reduce_sum3A_44 : vector<5000xf32> to vector<5000x1xf32>
    %sqrt3A = math.sqrt %broadcast_in_dim3A : vector<5000x1xf32>
    %max3A_45 = arith.constant 9.99999996E-13 : f32
    %max3A_46 = vector.broadcast %max3A_45 : f32 to vector<5000x1xf32>
    %max3A_47 = arith.maximumf %sqrt3A, %max3A_46 : vector<5000x1xf32>
    %div3A_48 = vector.broadcast %max3A_47 : vector<5000x1xf32> to vector<5000x128xf32>
    %div3A_49 = arith.divf %add3A_42, %div3A_48 : vector<5000x128xf32>
    %get3A_50 = arith.constant 0 : index
    %get3A_51 = arith.constant 0 : index
    %get3A_52 = vector.load %arg7[%get3A_50, %get3A_51] : memref<1x128xf32, #tpu.memory_space<vmem>>, vector<1x128xf32>
    %sqrt3A_53 = arith.constant 1.000010e+00 : f32
    %sqrt3A_54 = math.sqrt %sqrt3A_53 : f32
    %div3A_55 = vector.broadcast %sqrt3A_54 : f32 to vector<1x128xf32>
    %div3A_56 = arith.divf %get3A_52, %div3A_55 : vector<1x128xf32>
    %mul3A_57 = vector.broadcast %div3A_56 : vector<1x128xf32> to vector<5000x128xf32>
    %mul3A_58 = arith.mulf %div3A_49, %mul3A_57 : vector<5000x128xf32>
    %get3A_59 = arith.constant 0 : index
    %get3A_60 = arith.constant 0 : index
    %get3A_61 = vector.load %arg8[%get3A_59, %get3A_60] : memref<1x128xf32, #tpu.memory_space<vmem>>, vector<1x128xf32>
    %add3A_62 = vector.broadcast %get3A_61 : vector<1x128xf32> to vector<5000x128xf32>
    %add3A_63 = arith.addf %mul3A_58, %add3A_62 : vector<5000x128xf32>
    %max3A_64 = arith.constant 0.000000e+00 : f32
    %max3A_65 = vector.broadcast %max3A_64 : f32 to vector<5000x128xf32>
    %max3A_66 = arith.maximumf %add3A_63, %max3A_65 : vector<5000x128xf32>
    %swap3A = arith.constant 0 : index
    %swap3A_67 = arith.constant 0 : index
    %swap3A_68 = vector.load %arg9[%swap3A, %swap3A_67] : memref<5000x128xf32, #tpu.memory_space<vmem>>, vector<5000x128xf32>
    tpu.vector_store %arg9[%swap3A, %swap3A_67], %max3A_66 {strides = array<i32>} : memref<5000x128xf32, #tpu.memory_space<vmem>>, vector<5000x128xf32>,
    return
  }
  func.func @transform_0(%arg0: i32) -> (i32, i32) {
    %c0_i32 = arith.constant 0 : i32
    %c0_i32_0 = arith.constant 0 : i32
    return %arg0, %c0_i32 : i32, i32
  }
  func.func @transform_1(%arg0: i32) -> (i32, i32, i32) {
    %c0_i32 = arith.constant 0 : i32
    %c0_i32_0 = arith.constant 0 : i32
    %c0_i32_1 = arith.constant 0 : i32
    return %c0_i32, %arg0, %c0_i32_0 : i32, i32, i32
  }
  func.func @transform_2(%arg0: i32) -> (i32, i32, i32) {
    %c0_i32 = arith.constant 0 : i32
    %c0_i32_0 = arith.constant 0 : i32
    %c0_i32_1 = arith.constant 0 : i32
    return %c0_i32, %arg0, %c0_i32_0 : i32, i32, i32
  }
  func.func @transform_3(%arg0: i32) -> (i32, i32) {
    %c0_i32 = arith.constant 0 : i32
    %c0_i32_0 = arith.constant 0 : i32
    %c0_i32_1 = arith.constant 0 : i32
    return %c0_i32, %c0_i32_0 : i32, i32
  }
  func.func @transform_4(%arg0: i32) -> (i32, i32) {
    %c0_i32 = arith.constant 0 : i32
    %c0_i32_0 = arith.constant 0 : i32
    %c0_i32_1 = arith.constant 0 : i32
    return %c0_i32, %c0_i32_0 : i32, i32
  }
  func.func @transform_5(%arg0: i32) -> (i32, i32) {
    %c0_i32 = arith.constant 0 : i32
    %c0_i32_0 = arith.constant 0 : i32
    %c0_i32_1 = arith.constant 0 : i32
    return %c0_i32, %c0_i32_0 : i32, i32
  }
  func.func @transform_6(%arg0: i32) -> (i32, i32) {
    %c0_i32 = arith.constant 0 : i32
    %c0_i32_0 = arith.constant 0 : i32
    %c0_i32_1 = arith.constant 0 : i32
    return %c0_i32, %c0_i32_0 : i32, i32
  }
  func.func @transform_7(%arg0: i32) -> (i32, i32) {
    %c0_i32 = arith.constant 0 : i32
    %c0_i32_0 = arith.constant 0 : i32
    %c0_i32_1 = arith.constant 0 : i32
    return %c0_i32, %c0_i32_0 : i32, i32
  }
  func.func @transform_8(%arg0: i32) -> (i32, i32) {
    %c0_i32 = arith.constant 0 : i32
    %c0_i32_0 = arith.constant 0 : i32
    return %arg0, %c0_i32 : i32, i32
  }
}

module attributes {stable_mosaic.version = 14 : i64} {
  func.func @_combine_body(%arg0: i32, %arg1: memref<5000x128xf32, #tpu.memory_space<vmem>>, %arg2: memref<2x5000x128xf32, #tpu.memory_space<vmem>>, %arg3: memref<2x5000x8xf32, #tpu.memory_space<vmem>>, %arg4: memref<128x128xf32, #tpu.memory_space<vmem>>, %arg5: memref<128x128xf32, #tpu.memory_space<vmem>>, %arg6: memref<1x128xf32, #tpu.memory_space<vmem>>, %arg7: memref<1x128xf32, #tpu.memory_space<vmem>>, %arg8: memref<1x128xf32, #tpu.memory_space<vmem>>, %arg9: memref<5000x128xf32, #tpu.memory_space<vmem>>) attributes {dimension_semantics = [#tpu.dimension_semantics<arbitrary>], iteration_bounds = array<i64: 2>, scalar_prefetch = 0 : i64, scratch_operands = 0 : i64, tpu.core_type = #tpu.core_type<tc>, window_params = [{transform_indices = @transform_0, window_bounds = array<i64: 5000, 128>}, {transform_indices = @transform_1, window_bounds = array<i64: 2, 5000, 128>}, {transform_indices = @transform_2, window_bounds = array<i64: 2, 5000, 8>}, {pipeline_mode = #tpu.pipeline_mode<synchronous>, transform_indices = @transform_3, window_bounds = array<i64: 128, 128>}, {pipeline_mode = #tpu.pipeline_mode<synchronous>, transform_indices = @transform_4, window_bounds = array<i64: 128, 128>}, {pipeline_mode = #tpu.pipeline_mode<synchronous>, transform_indices = @transform_5, window_bounds = array<i64: 1, 128>}, {pipeline_mode = #tpu.pipeline_mode<synchronous>, transform_indices = @transform_6, window_bounds = array<i64: 1, 128>}, {pipeline_mode = #tpu.pipeline_mode<synchronous>, transform_indices = @transform_7, window_bounds = array<i64: 1, 128>}, {transform_indices = @transform_8, window_bounds = array<i64: 5000, 128>}]} {
    %get3A = arith.constant 0 : index
    %get3A_0 = arith.constant 0 : index
    %get3A_1 = arith.constant 0 : index
    %get3A_2 = vector.load %arg2[%get3A, %get3A_0, %get3A_1] : memref<2x5000x128xf32, #tpu.memory_space<vmem>>, vector<1x5000x128xf32>
    %get3A_3 = vector.shape_cast %get3A_2 : vector<1x5000x128xf32> to vector<5000x128xf32>
    %get3A_4 = arith.constant 1 : index
    %get3A_5 = arith.constant 0 : index
    %get3A_6 = arith.constant 0 : index
    %get3A_7 = vector.load %arg2[%get3A_4, %get3A_5, %get3A_6] : memref<2x5000x128xf32, #tpu.memory_space<vmem>>, vector<1x5000x128xf32>
    %get3A_8 = vector.shape_cast %get3A_7 : vector<1x5000x128xf32> to vector<5000x128xf32>
    %add3A = arith.addf %get3A_3, %get3A_8 : vector<5000x128xf32>
    %get3A_9 = arith.constant 0 : index
    %get3A_10 = arith.constant 0 : index
    %get3A_11 = arith.constant 0 : index
    %get3A_12 = vector.load %arg3[%get3A_9, %get3A_10, %get3A_11] : memref<2x5000x8xf32, #tpu.memory_space<vmem>>, vector<1x5000x1xf32>
    %get3A_13 = vector.shape_cast %get3A_12 : vector<1x5000x1xf32> to vector<5000x1xf32>
    %get3A_14 = arith.constant 1 : index
    %get3A_15 = arith.constant 0 : index
    %get3A_16 = arith.constant 0 : index
    %get3A_17 = vector.load %arg3[%get3A_14, %get3A_15, %get3A_16] : memref<2x5000x8xf32, #tpu.memory_space<vmem>>, vector<1x5000x1xf32>
    %get3A_18 = vector.shape_cast %get3A_17 : vector<1x5000x1xf32> to vector<5000x1xf32>
    %add3A_19 = arith.addf %get3A_13, %get3A_18 : vector<5000x1xf32>
    %max3A = arith.constant 1.000000e+00 : f32
    %max3A_20 = vector.broadcast %max3A : f32 to vector<5000x1xf32>
    %max3A_21 = arith.maximumf %add3A_19, %max3A_20 : vector<5000x1xf32>
    %div3A = arith.constant 1.000000e+00 : f32
    %div3A_22 = vector.broadcast %div3A : f32 to vector<5000x1xf32>
    %div3A_23 = arith.divf %div3A_22, %max3A_21 : vector<5000x1xf32>
    %mul3A = vector.broadcast %div3A_23 : vector<5000x1xf32> to vector<5000x128xf32>
    %mul3A_24 = arith.mulf %add3A, %mul3A : vector<5000x128xf32>
    %get3A_25 = arith.constant 0 : index
    %get3A_26 = arith.constant 0 : index
    %get3A_27 = vector.load %arg1[%get3A_25, %get3A_26] : memref<5000x128xf32, #tpu.memory_space<vmem>>, vector<5000x128xf32>
    %get3A_28 = arith.constant 0 : index
    %get3A_29 = arith.constant 0 : index
    %get3A_30 = vector.load %arg4[%get3A_28, %get3A_29] : memref<128x128xf32, #tpu.memory_space<vmem>>, vector<128x128xf32>
    %dot_general3A = arith.constant dense<0.000000e+00> : vector<5000x128xf32>
    %dot_general3A_31 = tpu.matmul %get3A_27, %get3A_30, %dot_general3A {dimension_numbers = #tpu.dot_dimension_numbers<[1], [1], [0], [0], [0, 0, 1, 0], [], []>, transpose_lhs_hint = false} : vector<5000x128xf32>, vector<128x128xf32>, vector<5000x128xf32> -> vector<5000x128xf32>
    %get3A_32 = arith.constant 0 : index
    %get3A_33 = arith.constant 0 : index
    %get3A_34 = vector.load %arg5[%get3A_32, %get3A_33] : memref<128x128xf32, #tpu.memory_space<vmem>>, vector<128x128xf32>
    %dot_general3A_35 = arith.constant dense<0.000000e+00> : vector<5000x128xf32>
    %dot_general3A_36 = tpu.matmul %mul3A_24, %get3A_34, %dot_general3A_35 {dimension_numbers = #tpu.dot_dimension_numbers<[1], [1], [0], [0], [0, 0, 1, 0], [], []>, transpose_lhs_hint = false} : vector<5000x128xf32>, vector<128x128xf32>, vector<5000x128xf32> -> vector<5000x128xf32>
    %add3A_37 = arith.addf %dot_general3A_31, %dot_general3A_36 : vector<5000x128xf32>
    %get3A_38 = arith.constant 0 : index
    %get3A_39 = arith.constant 0 : index
    %get3A_40 = vector.load %arg6[%get3A_38, %get3A_39] : memref<1x128xf32, #tpu.memory_space<vmem>>, vector<1x128xf32>
    %add3A_41 = vector.broadcast %get3A_40 : vector<1x128xf32> to vector<5000x128xf32>
    %add3A_42 = arith.addf %add3A_37, %add3A_41 : vector<5000x128xf32>
    %mul3A_43 = arith.mulf %add3A_42, %add3A_42 : vector<5000x128xf32>
    %reduce_sum3A = arith.constant dense<0.000000e+00> : vector<5000xf32>
    %reduce_sum3A_44 = vector.multi_reduction <add>, %mul3A_43, %reduce_sum3A [1] : vector<5000x128xf32> to vector<5000xf32>
    %broadcast_in_dim3A = vector.shape_cast %reduce_sum3A_44 : vector<5000xf32> to vector<5000x1xf32>
    %sqrt3A = math.sqrt %broadcast_in_dim3A : vector<5000x1xf32>
    %max3A_45 = arith.constant 9.99999996E-13 : f32
    %max3A_46 = vector.broadcast %max3A_45 : f32 to vector<5000x1xf32>
    %max3A_47 = arith.maximumf %sqrt3A, %max3A_46 : vector<5000x1xf32>
    %div3A_48 = vector.broadcast %max3A_47 : vector<5000x1xf32> to vector<5000x128xf32>
    %div3A_49 = arith.divf %add3A_42, %div3A_48 : vector<5000x128xf32>
    %swap3A = arith.constant 0 : index
    %swap3A_50 = arith.constant 0 : index
    %swap3A_51 = vector.load %arg9[%swap3A, %swap3A_50] : memref<5000x128xf32, #tpu.memory_space<vmem>>, vector<5000x128xf32>
    tpu.vector_store %arg9[%swap3A, %swap3A_50], %div3A_49 {strides = array<i32>} : memref<5000x128xf32, #tpu.memory_space<vmem>>, vector<5000x128xf32>,
    return
  }
  func.func @transform_0(%arg0: i32) -> (i32, i32) {
    %c0_i32 = arith.constant 0 : i32
    %c0_i32_0 = arith.constant 0 : i32
    return %arg0, %c0_i32 : i32, i32
  }
  func.func @transform_1(%arg0: i32) -> (i32, i32, i32) {
    %c0_i32 = arith.constant 0 : i32
    %c0_i32_0 = arith.constant 0 : i32
    %c0_i32_1 = arith.constant 0 : i32
    return %c0_i32, %arg0, %c0_i32_0 : i32, i32, i32
  }
  func.func @transform_2(%arg0: i32) -> (i32, i32, i32) {
    %c0_i32 = arith.constant 0 : i32
    %c0_i32_0 = arith.constant 0 : i32
    %c0_i32_1 = arith.constant 0 : i32
    return %c0_i32, %arg0, %c0_i32_0 : i32, i32, i32
  }
  func.func @transform_3(%arg0: i32) -> (i32, i32) {
    %c0_i32 = arith.constant 0 : i32
    %c0_i32_0 = arith.constant 0 : i32
    %c0_i32_1 = arith.constant 0 : i32
    return %c0_i32, %c0_i32_0 : i32, i32
  }
  func.func @transform_4(%arg0: i32) -> (i32, i32) {
    %c0_i32 = arith.constant 0 : i32
    %c0_i32_0 = arith.constant 0 : i32
    %c0_i32_1 = arith.constant 0 : i32
    return %c0_i32, %c0_i32_0 : i32, i32
  }
  func.func @transform_5(%arg0: i32) -> (i32, i32) {
    %c0_i32 = arith.constant 0 : i32
    %c0_i32_0 = arith.constant 0 : i32
    %c0_i32_1 = arith.constant 0 : i32
    return %c0_i32, %c0_i32_0 : i32, i32
  }
  func.func @transform_6(%arg0: i32) -> (i32, i32) {
    %c0_i32 = arith.constant 0 : i32
    %c0_i32_0 = arith.constant 0 : i32
    %c0_i32_1 = arith.constant 0 : i32
    return %c0_i32, %c0_i32_0 : i32, i32
  }
  func.func @transform_7(%arg0: i32) -> (i32, i32) {
    %c0_i32 = arith.constant 0 : i32
    %c0_i32_0 = arith.constant 0 : i32
    %c0_i32_1 = arith.constant 0 : i32
    return %c0_i32, %c0_i32_0 : i32, i32
  }
  func.func @transform_8(%arg0: i32) -> (i32, i32) {
    %c0_i32 = arith.constant 0 : i32
    %c0_i32_0 = arith.constant 0 : i32
    return %arg0, %c0_i32 : i32, i32
  }
}

</mosaic_0001>

<sc_bundles>
// kernel: kernel.11.cloned.1.call-start
scs
__scs_entry_jumppad:
0x0: {  	(pc) =	sbr.rel $0x88, $3  }
0x1: {  	(tag) =	ssettag $0x0;
	lr =	simm.s32 $0x1  }
0x2: {  	[smem:$0x3F92] =	sst lr;
	_ =	strace $0xD0000000  }
0x3: {  	_ = 	snop  }
0x4: {  	_ = 	snop  }
0x5: {  	_ = 	snop  }
0x6: {  	_ = 	snop  }
0x7: {  	_ = 	snop  }
__scs_overlays_trampoline_lowered:
0x8: {  	[smem:$0x3FA1] =	sst s0  }
0x9: {  	[smem:$0x3FA2] =	sst s1  }
0xa: {  	[smem:$0x3FA3] =	sst s2  }
0xb: {  	[smem:$0x3FA4] =	sst s3  }
0xc: {  	[smem:$0x3FA5] =	sst s4  }
0xd: {  	[smem:$0x3FA6] =	sst s5  }
0xe: {  	[smem:$0x3FA7] =	sst s6  }
0xf: {  	[smem:$0x3FA8] =	sst s7  }
0x10: {  	[smem:$0x3FA9] =	sst s8  }
0x11: {  	[smem:$0x3FAA] =	sst s9;
	s0 =	simm.s32 @!p0 $0x0  }
0x12: {  	s1 =	sld [smem:$0x3F90];
	s0 =	simm.s32 @p0 $0x1  }
0x13: {  	[smem:$0x3FAB] =	sst s0;
	s0 =	simm.s32 @!p1 $0x0  }
0x14: {  	s2 =	sld [smem:$0x3F8F];
	s0 =	simm.s32 @p1 $0x1  }
0x15: {  	[smem:$0x3FAC] =	sst s0;
	s0 =	simm.s32 @!p2 $0x0  }
0x16: {  	s3 =	sld [smem:$0x3FDB];
	s0 =	simm.s32 @p2 $0x1  }
0x17: {  	s4 =	simm.s32 $0x1BF5;
	[smem:$0x3FAE] =	sst s0  }
0x18: {  	s0 =	sld [smem:$0x3F91];
	_ =	swait.ge [sflag:s4], $0x0  }
0x19: {  	s7 =	sld [smem:$0x3F92]  }
0x1a: {  	s8 =	sadd.s32 $0xFFFFE003, lr  }
0x1b: {  	s9 =	sadd.s32 $0xFFFFFEF7, lr;
	s5 =	simm.s32 $0xFFFFFFFF;
	p2 =	slt.u32 s8, $0xFFFFF086  }
0x1c: {  	p1 =	slt.u32 s9, $0xF7A;
	s5 =	simm.s32 @!p2 $0x0  }
0x1d: {  	s5 =	simm.s32 @p1 $0x1;
	p0 =	seq.s32 s7, s2  }
0x1e: {  	s7 =	smul.u32 @!p0 $0xF7A, s2;
	p2 =	seq.s32 @!p0 s5, $0x0  }
0x1f: {  	s9 =	smul.u32 $0xF7A, s1;
	s8 =	simm.s32 @!p0 $0x1BF5;
	p2 =	por !p2, p0  }
0x20: {  	[sflag:s8] =	ssyncset.s32 @!p0 $0xFFFFF086;
	s6 =	sadd.s32 @!p0 s3, s7;
	s7 =	simm.s32 @!p0 $0x108  }
0x21: {  	s3 =	sadd.s32 s3, s9;
	s6 =	sadd.s32 @!p0 $0x88, s6;
	s7 =	simm.s32 @p2 $0x1082  }
0x22: {  	[simem:s7], [sflag:s8] =	dma.local @!p0 [hbm:s6], $0xF7A  }
0x23: {  	s9 =	sor.u32 $0xD0000000, s2;
	s6 =	simm.s32 $0x108;
	_ =	swait.ge @!p0 [sflag:s8], $0x0  }
0x24: {  	s3 =	sadd.s32 $0x88, s3;
	s6 =	simm.s32 @!p1 $0x1082;
	[sflag:s4] =	ssyncset.s32 $0xFFFFF086  }
0x25: {  	[simem:s6], [sflag:s4] =	dma.local [hbm:s3], $0xF7A  }
0x26: {  	[smem:$0x3F92] =	sst s1;
	(tag) =	ssettag s2;
	_ =	strace s9  }
0x27: {  	s1 =	sld [smem:$0x3FA2]  }
0x28: {  	s2 =	sld [smem:$0x3FA3]  }
0x29: {  	s4 =	sld [smem:$0x3FA5]  }
0x2a: {  	p0 =	seq.s32 s5, $0x0;
	s5 =	sld [smem:$0x3FA6]  }
0x2b: {  	s6 =	sld [smem:$0x3FA7]  }
0x2c: {  	s7 =	sld [smem:$0x3FA8]  }
0x2d: {  	s3 =	simm.s32 $0x108;
	s8 =	sld [smem:$0x3FA9]  }
0x2e: {  	s3 =	simm.s32 @!p0 $0x1082;
	s9 =	sld [smem:$0x3FAA]  }
0x2f: {  	lr =	sadd.s32 s0, s3;
	s0 =	sld [smem:$0x3FA1]  }
0x30: {  	s3 =	sld [smem:$0x3FA4]  }
0x31: {  	[smem:$0x3FAD] =	sst s10  }
0x32: {  	s10 =	sld [smem:$0x3FAB];
	_ =	sdelay $0x3  }
0x33: {  	p0 =	seq.s32 s10, $0x1;
	s10 =	sld [smem:$0x3FAD];
	_ =	sdelay $0x3  }
0x34: {  	[smem:$0x3FAD] =	sst s10  }
0x35: {  	s10 =	sld [smem:$0x3FAC];
	_ =	sdelay $0x3  }
0x36: {  	p1 =	seq.s32 s10, $0x1;
	s10 =	sld [smem:$0x3FAD];
	_ =	sdelay $0x3  }
0x37: {  	[smem:$0x3FAD] =	sst s10  }
0x38: {  	s10 =	sld [smem:$0x3FAE]  }
0x39: {  	_ = 	snop;
	(pc) =	sbr.ind lr, $3  }
0x3a: {  	_ = 	snop  }
0x3b: {  	_ = 	snop  }
0x3c: {  	p2 =	seq.s32 s10, $0x1;
	s10 =	sld [smem:$0x3FAD]  }
0x3d: {  	_ =	shalt  }
0x3e: {  	_ =	shalt  }
0x3f: {  	_ =	shalt  }
0x40: {  	_ =	shalt  }
0x41: {  	_ =	shalt  }
0x42: {  	_ =	shalt  }
0x43: {  	_ =	shalt  }
0x44: {  	_ =	shalt  }
0x45: {  	_ =	shalt  }
0x46: {  	_ =	shalt  }
0x47: {  	_ =	shalt  }
0x48: {  	_ =	shalt  }
0x49: {  	_ =	shalt  }
0x4a: {  	_ =	shalt  }
0x4b: {  	_ =	shalt  }
0x4c: {  	_ =	shalt  }
0x4d: {  	_ =	shalt  }
0x4e: {  	_ =	shalt  }
0x4f: {  	_ =	shalt  }
0x50: {  	_ =	shalt  }
0x51: {  	_ =	shalt  }
0x52: {  	_ =	shalt  }
0x53: {  	_ =	shalt  }
0x54: {  	_ =	shalt  }
0x55: {  	_ =	shalt  }
0x56: {  	_ =	shalt  }
0x57: {  	_ =	shalt  }
0x58: {  	_ =	shalt  }
0x59: {  	_ =	shalt  }
0x5a: {  	_ =	shalt  }
0x5b: {  	_ =	shalt  }
0x5c: {  	_ =	shalt  }
0x5d: {  	_ =	shalt  }
0x5e: {  	_ =	shalt  }
0x5f: {  	_ =	shalt  }
0x60: {  	_ =	shalt  }
0x61: {  	_ =	shalt  }
0x62: {  	_ =	shalt  }
0x63: {  	_ =	shalt  }
0x64: {  	_ =	shalt  }
0x65: {  	_ =	shalt  }
0x66: {  	_ =	shalt  }
0x67: {  	_ =	shalt  }
0x68: {  	_ =	shalt  }
0x69: {  	_ =	shalt  }
0x6a: {  	_ =	shalt  }
0x6b: {  	_ =	shalt  }
0x6c: {  	_ =	shalt  }
0x6d: {  	_ =	shalt  }
0x6e: {  	_ =	shalt  }
0x6f: {  	_ =	shalt  }
0x70: {  	_ =	shalt  }
0x71: {  	_ =	shalt  }
0x72: {  	_ =	shalt  }
0x73: {  	_ =	shalt  }
0x74: {  	_ =	shalt  }
0x75: {  	_ =	shalt  }
0x76: {  	_ =	shalt  }
0x77: {  	_ =	shalt  }
0x78: {  	_ =	shalt  }
0x79: {  	_ =	shalt  }
0x7a: {  	_ =	shalt  }
0x7b: {  	_ =	shalt  }
0x7c: {  	_ =	shalt  }
0x7d: {  	_ =	shalt  }
0x7e: {  	_ =	shalt  }
0x7f: {  	_ =	shalt  }
0x80: {  	_ =	shalt  }
0x81: {  	_ =	shalt  }
0x82: {  	_ =	shalt  }
0x83: {  	_ =	shalt  }
0x84: {  	_ =	shalt  }
0x85: {  	_ =	shalt  }
0x86: {  	_ =	shalt  }
0x87: {  	_ =	shalt  }
.Lfunc_end0:
.L_simem_size_0:
called_computation.1_lowered:
.L_overlay_start_0:
0x88: {  	s2 =	sld [smem:$0x3FD9]  }
0x89: {  	s3 =	sld [smem:$0x3FFE];
	_ =	sdelay $0x1  }
0x8a: {  	s1 =	srdreg.scid  }
0x8b: {  	s0 =	sand.u32 $0x1, s1  }
0x8c: {  	s17 =	sshll.u32 s0, $0xA;
	s2 =	sadd.s32 s3, s2  }
0x8d: {  	s2 =	sadd.s32 s2, s17  }
0x8e: {  	[smem:$0x3FB9] =	sst s2  }
0x8f: {  	_ = 	snop  }
0x90: {  	s2 =	sld [smem:$0x3FD0];
	(tm) =	ssettm $0x1  }
0x91: {  	s18 =	sld [smem:$0x3FFB];
	_ =	sdelay $0x3  }
0x92: {  	_ =	strace s18  }
0x93: {  	s3 =	sld [smem:$0x3FFC];
	_ =	sdelay $0x3  }
0x94: {  	_ =	strace s3  }
0x95: {  	s3 =	sld [smem:$0x3FFD];
	_ =	sdelay $0x3  }
0x96: {  	_ =	strace s3  }
0x97: {  	_ =	strace $0x8FFFFFFF  }
0x98: {  	s19 =	sld [smem:$0x3FDB];
	_ =	sdelay $0x1  }
0x99: {  	s4 =	simm.s32 $_scs_section_size  }
0x9a: {  	s5 =	simm.s32 $_size__tile_overlayer_lowered;
	s6 =	simm.s32 $_tile_overlayer_lowered  }
0x9b: {  	s22 =	simm.s32 $0x1BFF;
	s21 =	sshll.u32 s6, $0x1;
	s3 =	sadd.s32 s4, s19  }
0x9c: {  	s7 =	simm.s32 $0x0;
	s20 =	sshll.u32 s5, $0x1;
	s5 =	sadd.s32 s21, s3  }
0x9d: {  	[timem:s7], [sflag:s22] =	dma.local [hbm:s5], s20  }
0x9e: {  	_ =	swait.ge [sflag:s22], s20  }
0x9f: {  	s4 =	ssub.s32 $0x0, s20;
	[sflag:s22] =	ssyncset.done $0x0  }
0xa0: {  	[sflag:s22] =	ssyncadd.s32 s4;
	_ =	sdelay $0x1  }
0xa1: {  	s23 =	simm.s32 $0x1B8B  }
0xa2: {  	_ =	swait.ge [sflag:s23], $0x1  }
0xa3: {  	[sflag:s23] =	ssyncset.done $0x0  }
0xa4: {  	s25 =	simm.s32 $0x1B8E;
	s24 =	sld [smem:$0x3FFE];
	[sflag:s23] =	ssyncadd.s32 $0xFFFFFFFF  }
0xa5: {  	s26 =	simm.s32 $execute0_lowered;
	[smem:$0x3FD2] =	sst s25  }
0xa6: {  	s5 =	sshll.u32 s26, $0x1;
	_ =	strace $0x80000049;
	[dreg:$0x1] =	wrdreg $0xFFFFFFFF  }
0xa7: {  	s28 =	simm.s32 $_size_execute0_lowered;
	s3 =	sadd.s32 s3, s5;
	[dreg:$0x0] =	wrdreg $0x0  }
0xa8: {  	s5 =	sshll.u32 s28, $0x1;
	[dreg:$0x2] =	wrdreg s3  }
0xa9: {  	[dreg:$0x3] =	wrdreg s5  }
0xaa: {  	[dreg:$0x4] =	wrdreg $0xC0  }
0xab: {  	_ =	task [dreg:s7], $0x5FFFF  }
0xac: {  	[dreg:$0x1] =	wrdreg $0xFFFFFFFF  }
0xad: {  	[dreg:$0x0] =	wrdreg $0x60  }
0xae: {  	[dreg:$0x2] =	wrdreg s2  }
0xaf: {  	[dreg:$0x3] =	wrdreg s24  }
0xb0: {  	[dreg:$0x4] =	wrdreg $0xA4000  }
0xb1: {  	[dreg:$0x5] =	wrdreg $0x9  }
0xb2: {  	_ =	task.clear_ibuf [dreg:s7], $0x6FFFF;
	_ =	strace $0x90000049  }
0xb3: {  	s29 =	simm.s32 $0x9;
	_ =	strace $0x8000004B  }
0xb4: {  	_ =	swait.ge [sflag:s29], $0x1  }
0xb5: {  	[sflag:s29] =	ssyncadd.s32 $0xFFFFFFFF  }
0xb6: {  	_ =	strace $0x9000004B  }
0xb7: {  	_ =	sfence  }
0xb8: {  	s30 =	sld [smem:$0x0];
	_ =	sdelay $0x2  }
0xb9: {  	s31 =	sshll.u32 s1, $0xD;
	s1 =	sshrl.u32 s1, $0x2  }
0xba: {  	s3 =	sand.u32 $0x4000, s31;
	s1 =	sadd.s32 s1, s30  }
0xbb: {  	s0 =	sor.u32 s3, s0;
	s1 =	sshll.u32 s1, $0x11  }
0xbc: {  	s0 =	sor.u32 s1, s0  }
0xbd: {  	s0 =	sadd.s32 $0x8F2B, s0  }
0xbe: {  	[sflag:s0] =	ssyncadd.remote.s32 $0x1  }
0xbf: {  	_ =	sfence.sel $0xFFFF  }
0xc0: {  	[dreg:$0x0] =	wrdreg $0xFFFFFFFF;
	(pc) =	sbr.abs _section_cstart, $3  }
0xc1: {  	[dreg:$0x1] =	wrdreg $0xFFFFFFFF  }
0xc2: {  	_ =	task.clear_ibuf [dreg:s7], $0x2FFFF;
	_ =	strace $0x9FFFFFFF  }
0xc3: {  	(tm) =	ssettm $0x7FFFFFFF  }
tec
execute0_lowered:
.L_overlay_start_1:
0x0: {  	(tag) =	ssettag $0x1  }
0x1: {  	s2 =	rddreg [dreg:$0x0]  }
0x2: {  	s0 =	rddreg [dreg:$0x1]  }
0x3: {  	s3 =	rddreg [dreg:$0x2]  }
0x4: {  	s12 =	stileid.u32;
	s1 =	srdreg.scid;
	s4 =	simm.s32 $0x0  }
0x5: {  	s28 =	simm.s32 $0x100;
	s29 =	simm.s32 $0x300;
	s6 =	smul.u32 $0x14000, s12  }
0x6: {  	s30 =	simm.s32 $0x180;
	s31 =	simm.s32 $0x380;
	s10 =	smul.u32 $0x50000, s12  }
0x7: {  	s1 =	sand.u32 $0x1, s1;
	[smem:$0x7FF] =	sst s4;
	s22 =	smul.u32 $0x2710, s12  }
0x8: {  	s5 =	sadd.s32 $0xD600, s0;
	s18 =	sshll.u32 s12, $0x6;
	s7 =	smul.u32 $0x140000, s1  }
0x9: {  	_ =	strace $0x8000004A;
	s9 =	ssub.s32 $0x2, s1;
	s11 =	sshll.u32 s1, $0x4  }
0xa: {  	[dreg:$0xc] =	wrdreg s18;
	s1 =	smul.u32 $0x27100, s1;
	s8 =	sshrl.u32 s6, $0x3  }
0xb: {  	s15 =	sshrl.u32 s9, $0x1;
	s11 =	sor.u32 s12, s11;
	s16 =	sshrl.u32 s10, $0x2  }
0xc: {  	s7 =	sadd.s32 s6, s7;
	s6 =	sadd.s32 $0x3800, s0;
	s8 =	sadd.s32 s8, s0  }
0xd: {  	s17 =	smul.u32 $0x2710, s11;
	s1 =	sadd.s32 s22, s1;
	s11 =	simm.s32 $0x7  }
0xe: {  	s7 =	sshrl.u32 s7, $0x3;
	s8 =	sadd.s32 $0x17400, s8;
	s10 =	sadd.s32 $0x230, s1  }
0xf: {  	s0 =	sadd.s32 s7, s0;
	s7 =	ssub.s32 s9, s15;
	s9 =	sadd.s32 s16, s3  }
0x10: {  	[dreg:$0xb] =	wrdreg s8;
	s8 =	sor.u32 $0x1C09, s18;
	s19 =	sshrl.u32 s17, $0x3  }
0x11: {  	s15 =	sshrl.u32 s10, $0x3;
	s16 =	sadd.s32 $0x1E0, s1;
	[dreg:$0xa] =	wrdreg s9  }
0x12: {  	[dreg:$0xd] =	wrdreg s8;
	s20 =	sadd.s32 s5, s19;
	s21 =	sadd.s32 $0xA, s19  }
0x13: {  	s23 =	sadd.s32 s6, s19;
	s25 =	sadd.s32 $0x14, s19;
	[dreg:$0xe] =	wrdreg s20  }
0x14: {  	s13 =	sadd.s32 $0x1E, s19;
	s10 =	sadd.s32 s15, s6;
	[dreg:$0xf] =	wrdreg s23  }
0x15: {  	s8 =	sadd.s32 $0x4D8, s19;
	s0 =	sadd.s32 $0x3F400, s0;
	[dreg:$0x4] =	wrdreg s10  }
0x16: {  	s17 =	sshrl.u32 s16, $0x3;
	s24 =	sadd.s32 s5, s21;
	[dreg:$0x18] =	wrdreg s0  }
0x17: {  	s19 =	sadd.s32 $0x190, s1;
	s9 =	sadd.s32 s6, s21;
	[dreg:$0x10] =	wrdreg s24  }
0x18: {  	s16 =	simm.s32 $0x7C00;
	s26 =	sadd.s32 s5, s25;
	[dreg:$0x11] =	wrdreg s9  }
0x19: {  	s12 =	sadd.s32 s6, s25;
	s14 =	sadd.s32 s5, s13;
	[dreg:$0x12] =	wrdreg s26  }
0x1a: {  	s18 =	sadd.s32 s17, s6;
	s20 =	sadd.s32 s17, s5;
	[dreg:$0x13] =	wrdreg s12  }
0x1b: {  	s21 =	sshrl.u32 s19, $0x3;
	s22 =	sadd.s32 s5, s8;
	[dreg:$0x14] =	wrdreg s14  }
0x1c: {  	s8 =	sadd.s32 s6, s8;
	s25 =	smax.u32 s7, $0x1;
	[dreg:$0x6] =	wrdreg s18  }
0x1d: {  	s0 =	simm.s32 $0x5;
	s7 =	simm.s32 $0x400;
	[dreg:$0x16] =	wrdreg s22  }
0x1e: {  	s10 =	simm.s32 $0x2C00;
	s17 =	simm.s32 $0x2;
	[dreg:$0x7] =	wrdreg s20  }
0x1f: {  	s19 =	simm.s32 $0x4;
	s9 =	sadd.s32 s6, s13;
	[dreg:$0x17] =	wrdreg s8  }
0x20: {  	s23 =	sadd.s32 s21, s6;
	s24 =	sadd.s32 s21, s5;
	[dreg:$0x19] =	wrdreg s25  }
0x21: {  	s26 =	sadd.s32 $0x140, s1;
	s25 =	simm.s32 $0x80;
	s1 =	simm.s32 $0x50  }
0x22: {  	s8 =	simm.s32 $0x6;
	s12 =	simm.s32 $0x5400;
	[dreg:$0x15] =	wrdreg s9  }
0x23: {  	s14 =	simm.s32 $0x1;
	s18 =	simm.s32 $0x3;
	[dreg:$0x8] =	wrdreg s23  }
0x24: {  	s20 =	simm.s32 $0x0;
	s9 =	sadd.s32 s15, s5;
	[dreg:$0x9] =	wrdreg s24  }
0x25: {  	[dreg:$0x1a] =	wrdreg s26;
	s24 =	simm.s32 $0x200;
	s26 =	simm.s32 $0x280  }
0x26: {  	s15 =	simm.s32 $0xA;
	[dreg:$0x5] =	wrdreg s9;
	s9 =	simm.s32 $0x8  }
.LBB2_1:
0x27: {  	[dreg:$0x1b] =	wrdreg s20  }
0x28: {  	s13 =	rddreg [dreg:$0xa]  }
0x29: {  	s22 =	rddreg [dreg:$0xb]  }
0x2a: {  	s23 =	rddreg [dreg:$0xd];
	s21 =	sshrl.u32 s13, $0x3  }
0x2b: {  	[dreg:$0x1c] =	wrdreg s21  }
0x2c: {  	[spmem:s21], [sflag:s23] =	dma.local [hbm:s22], $0x2800  }
0x2d: {  	s13 =	rddreg [dreg:$0xe]  }
0x2e: {  	[tilespmem:s4], [sflag:$0x5] =	stream.linear.gather [hbm4b:s13+s4], $0x50, $0x38;
	[tilespmem:$0x1E400] =	vst v63  }
0x2f: {  	s21 =	rddreg [dreg:$0xf]  }
0x30: {  	[tilespmem:s24], [sflag:$0x5] =	stream.linear.gather [hbm4b:s21+s4], $0x50, $0x38;
	[tilespmem:$0x1E400] =	vst v63  }
0x31: {  	s22 =	rddreg [dreg:$0x10]  }
0x32: {  	[tilespmem:s25], [sflag:$0x6] =	stream.linear.gather [hbm4b:s22+s4], $0x50, $0x38;
	[tilespmem:$0x1E400] =	vst v63  }
0x33: {  	s23 =	rddreg [dreg:$0x11]  }
0x34: {  	[tilespmem:s26], [sflag:$0x6] =	stream.linear.gather [hbm4b:s23+s4], $0x50, $0x38;
	[tilespmem:$0x1E400] =	vst v63  }
0x35: {  	s20 =	rddreg [dreg:$0x12]  }
0x36: {  	[tilespmem:s28], [sflag:$0x7] =	stream.linear.gather [hbm4b:s20+s4], $0x50, $0x38;
	[tilespmem:$0x1E400] =	vst v63  }
0x37: {  	s21 =	rddreg [dreg:$0x13]  }
0x38: {  	[tilespmem:s29], [sflag:$0x7] =	stream.linear.gather [hbm4b:s21+s4], $0x50, $0x38;
	[tilespmem:$0x1E400] =	vst v63  }
0x39: {  	s22 =	rddreg [dreg:$0x14]  }
0x3a: {  	[tilespmem:s30], [sflag:$0x8] =	stream.linear.gather [hbm4b:s22+s4], $0x50, $0x38;
	[tilespmem:$0x1E400] =	vst v63  }
0x3b: {  	s23 =	rddreg [dreg:$0x15]  }
0x3c: {  	[tilespmem:s31], [sflag:$0x8] =	stream.linear.gather [hbm4b:s23+s4], $0x50, $0x38;
	[tilespmem:$0x1E400] =	vst v63  }
0x3d: {  	_ =	swait.ge [sflag:s0], $0x50  }
0x3e: {  	[sflag:s0] =	ssyncset.done $0x0  }
0x3f: {  	[sflag:s0] =	ssyncadd.s32 $0xFFFFFFB0  }
0x40: {  	_ =	swait.ge [sflag:s0], $0x50  }
0x41: {  	[sflag:s0] =	ssyncset.done $0x0  }
0x42: {  	[sflag:s0] =	ssyncadd.s32 $0xFFFFFFB0  }
0x43: {  	[tilespmem:s7], [sflag:$0x1] =	stream.indirect.gather [hbm4b:s2+s1], $0x80, s4, s1, $0xb8;
	[tilespmem:$0x1E400] =	vst v63  }
0x44: {  	_ =	swait.ge [sflag:s8], $0x50  }
0x45: {  	[sflag:s8] =	ssyncset.done $0x0  }
0x46: {  	[sflag:s8] =	ssyncadd.s32 $0xFFFFFFB0  }
0x47: {  	_ =	swait.ge [sflag:s8], $0x50  }
0x48: {  	[sflag:s8] =	ssyncset.done $0x0  }
0x49: {  	[sflag:s8] =	ssyncadd.s32 $0xFFFFFFB0  }
0x4a: {  	[tilespmem:s10], [sflag:$0x2] =	stream.indirect.gather [hbm4b:s2+s1], $0x80, s25, s1, $0xb8;
	[tilespmem:$0x1E400] =	vst v63  }
0x4b: {  	_ =	swait.ge [sflag:s11], $0x50  }
0x4c: {  	[sflag:s11] =	ssyncset.done $0x0  }
0x4d: {  	[sflag:s11] =	ssyncadd.s32 $0xFFFFFFB0  }
0x4e: {  	_ =	swait.ge [sflag:s11], $0x50  }
0x4f: {  	[sflag:s11] =	ssyncset.done $0x0  }
0x50: {  	s20 =	simm.s32 $0x9;
	[sflag:s11] =	ssyncadd.s32 $0xFFFFFFB0  }
0x51: {  	[tilespmem:s12], [sflag:$0x3] =	stream.indirect.gather [hbm4b:s2+s1], $0x80, s28, s1, $0xb8;
	[tilespmem:$0x1E400] =	vst v63  }
0x52: {  	_ =	swait.ge [sflag:s20], $0x2800  }
0x53: {  	[sflag:s20] =	ssyncset.done $0x0  }
0x54: {  	[sflag:s20] =	ssyncadd.s32 $0xFFFFD800  }
0x55: {  	[bflag:$0x0] =	sbarrier.arrive $0xFFFF  }
0x56: {  	_ =	swait.ge [sflag:s14], $0x2800  }
0x57: {  	[sflag:s14] =	ssyncset.done $0x0  }
0x58: {  	[sflag:s14] =	ssyncadd.s32 $0xFFFFD800  }
0x59: {  	[spmem:s3] =	stream.indirect.scatter.add.f32 [tilespmem:s7], [sflag:$0xA], $0x80, s24, s1, $0xb8;
	[tilespmem:$0x1E400] =	vst v63  }
0x5a: {  	_ =	swait.ge [sflag:s15], $0x2800  }
0x5b: {  	s20 =	rddreg [dreg:$0x1a]  }
0x5c: {  	[sflag:s15] =	ssyncset.done $0x0;
	s21 =	sshrl.u32 s20, $0x3  }
0x5d: {  	[sflag:s15] =	ssyncadd.s32 $0xFFFFD800;
	s22 =	sadd.s32 s5, s21  }
0x5e: {  	[tilespmem:s4], [sflag:$0x5] =	stream.linear.gather [hbm4b:s22+s4], $0x50, $0x38;
	[tilespmem:$0x1E400] =	vst v63  }
0x5f: {  	s13 =	sadd.s32 s6, s21  }
0x60: {  	[tilespmem:s24], [sflag:$0x5] =	stream.linear.gather [hbm4b:s13+s4], $0x50, $0x38;
	[tilespmem:$0x1E400] =	vst v63  }
0x61: {  	_ =	swait.ge [sflag:s9], $0x50  }
0x62: {  	[sflag:s9] =	ssyncset.done $0x0  }
0x63: {  	[sflag:s9] =	ssyncadd.s32 $0xFFFFFFB0  }
0x64: {  	_ =	swait.ge [sflag:s9], $0x50  }
0x65: {  	[sflag:s9] =	ssyncset.done $0x0  }
0x66: {  	[sflag:s9] =	ssyncadd.s32 $0xFFFFFFB0  }
0x67: {  	[tilespmem:s16], [sflag:$0x4] =	stream.indirect.gather [hbm4b:s2+s1], $0x80, s30, s1, $0xb8;
	[tilespmem:$0x1E400] =	vst v63  }
0x68: {  	_ =	swait.ge [sflag:s17], $0x2800  }
0x69: {  	[sflag:s17] =	ssyncset.done $0x0  }
0x6a: {  	[sflag:s17] =	ssyncadd.s32 $0xFFFFD800  }
0x6b: {  	[spmem:s3] =	stream.indirect.scatter.add.f32 [tilespmem:s10], [sflag:$0xA], $0x80, s26, s1, $0xb8;
	[tilespmem:$0x1E400] =	vst v63  }
0x6c: {  	_ =	swait.ge [sflag:s15], $0x2800  }
0x6d: {  	s23 =	rddreg [dreg:$0x9];
	[sflag:s15] =	ssyncset.done $0x0  }
0x6e: {  	s21 =	rddreg [dreg:$0x8];
	[sflag:s15] =	ssyncadd.s32 $0xFFFFD800;
	s13 =	sadd.s32 $0x0, s23  }
0x6f: {  	[tilespmem:s25], [sflag:$0x6] =	stream.linear.gather [hbm4b:s13+s4], $0x50, $0x38;
	[tilespmem:$0x1E400] =	vst v63  }
0x70: {  	s22 =	sadd.s32 $0x0, s21  }
0x71: {  	[tilespmem:s26], [sflag:$0x6] =	stream.linear.gather [hbm4b:s22+s4], $0x50, $0x38;
	[tilespmem:$0x1E400] =	vst v63  }
0x72: {  	_ =	swait.ge [sflag:s0], $0x50  }
0x73: {  	[sflag:s0] =	ssyncset.done $0x0  }
0x74: {  	[sflag:s0] =	ssyncadd.s32 $0xFFFFFFB0  }
0x75: {  	_ =	swait.ge [sflag:s0], $0x50  }
0x76: {  	[sflag:s0] =	ssyncset.done $0x0  }
0x77: {  	[sflag:s0] =	ssyncadd.s32 $0xFFFFFFB0  }
0x78: {  	[tilespmem:s7], [sflag:$0x1] =	stream.indirect.gather [hbm4b:s2+s1], $0x80, s4, s1, $0xb8;
	[tilespmem:$0x1E400] =	vst v63  }
0x79: {  	_ =	swait.ge [sflag:s18], $0x2800  }
0x7a: {  	[sflag:s18] =	ssyncset.done $0x0  }
0x7b: {  	[sflag:s18] =	ssyncadd.s32 $0xFFFFD800  }
0x7c: {  	[spmem:s3] =	stream.indirect.scatter.add.f32 [tilespmem:s12], [sflag:$0xA], $0x80, s29, s1, $0xb8;
	[tilespmem:$0x1E400] =	vst v63  }
0x7d: {  	_ =	swait.ge [sflag:s15], $0x2800  }
0x7e: {  	s23 =	rddreg [dreg:$0x7];
	[sflag:s15] =	ssyncset.done $0x0  }
0x7f: {  	s21 =	rddreg [dreg:$0x6];
	[sflag:s15] =	ssyncadd.s32 $0xFFFFD800;
	s13 =	sadd.s32 $0x0, s23  }
0x80: {  	[tilespmem:s28], [sflag:$0x7] =	stream.linear.gather [hbm4b:s13+s4], $0x50, $0x38;
	[tilespmem:$0x1E400] =	vst v63  }
0x81: {  	s22 =	sadd.s32 $0x0, s21  }
0x82: {  	[tilespmem:s29], [sflag:$0x7] =	stream.linear.gather [hbm4b:s22+s4], $0x50, $0x38;
	[tilespmem:$0x1E400] =	vst v63  }
0x83: {  	_ =	swait.ge [sflag:s8], $0x50  }
0x84: {  	[sflag:s8] =	ssyncset.done $0x0  }
0x85: {  	[sflag:s8] =	ssyncadd.s32 $0xFFFFFFB0  }
0x86: {  	_ =	swait.ge [sflag:s8], $0x50  }
0x87: {  	[sflag:s8] =	ssyncset.done $0x0  }
0x88: {  	[sflag:s8] =	ssyncadd.s32 $0xFFFFFFB0  }
0x89: {  	[tilespmem:s10], [sflag:$0x2] =	stream.indirect.gather [hbm4b:s2+s1], $0x80, s25, s1, $0xb8;
	[tilespmem:$0x1E400] =	vst v63  }
0x8a: {  	_ =	swait.ge [sflag:s19], $0x2800  }
0x8b: {  	[sflag:s19] =	ssyncset.done $0x0  }
0x8c: {  	[sflag:s19] =	ssyncadd.s32 $0xFFFFD800  }
0x8d: {  	[spmem:s3] =	stream.indirect.scatter.add.f32 [tilespmem:s16], [sflag:$0xA], $0x80, s31, s1, $0xb8;
	[tilespmem:$0x1E400] =	vst v63  }
0x8e: {  	_ =	swait.ge [sflag:s15], $0x2800  }
0x8f: {  	s23 =	rddreg [dreg:$0x5];
	[sflag:s15] =	ssyncset.done $0x0  }
0x90: {  	s21 =	rddreg [dreg:$0x4];
	[sflag:s15] =	ssyncadd.s32 $0xFFFFD800;
	s13 =	sadd.s32 $0x0, s23  }
0x91: {  	[tilespmem:s30], [sflag:$0x8] =	stream.linear.gather [hbm4b:s13+s4], $0x50, $0x38;
	[tilespmem:$0x1E400] =	vst v63  }
0x92: {  	s23 =	sadd.s32 $0x0, s21  }
0x93: {  	[tilespmem:s31], [sflag:$0x8] =	stream.linear.gather [hbm4b:s23+s4], $0x50, $0x38;
	[tilespmem:$0x1E400] =	vst v63  }
0x94: {  	_ =	swait.ge [sflag:s11], $0x50  }
0x95: {  	[sflag:s11] =	ssyncset.done $0x0  }
0x96: {  	[sflag:s11] =	ssyncadd.s32 $0xFFFFFFB0  }
0x97: {  	_ =	swait.ge [sflag:s11], $0x50  }
0x98: {  	[sflag:s11] =	ssyncset.done $0x0  }
0x99: {  	s22 =	simm.s32 $0x28;
	s13 =	sadd.s32 $0x140, s20;
	[sflag:s11] =	ssyncadd.s32 $0xFFFFFFB0  }
.LBB2_2:
0x9a: {  	[tilespmem:s12], [sflag:$0x3] =	stream.indirect.gather [hbm4b:s2+s1], $0x80, s28, s1, $0xb8;
	[tilespmem:$0x1E400] =	vst v63  }
0x9b: {  	_ =	swait.ge [sflag:s14], $0x2800  }
0x9c: {  	[sflag:s14] =	ssyncset.done $0x0  }
0x9d: {  	[sflag:s14] =	ssyncadd.s32 $0xFFFFD800  }
0x9e: {  	[spmem:s3] =	stream.indirect.scatter.add.f32 [tilespmem:s7], [sflag:$0xA], $0x80, s24, s1, $0xb8;
	[tilespmem:$0x1E400] =	vst v63  }
0x9f: {  	_ =	swait.ge [sflag:s15], $0x2800  }
0xa0: {  	s21 =	sshrl.u32 s13, $0x3;
	[sflag:s15] =	ssyncset.done $0x0  }
0xa1: {  	s20 =	sadd.s32 s5, s21;
	[sflag:s15] =	ssyncadd.s32 $0xFFFFD800  }
0xa2: {  	[tilespmem:s4], [sflag:$0x5] =	stream.linear.gather [hbm4b:s20+s4], $0x50, $0x38;
	[tilespmem:$0x1E400] =	vst v63  }
0xa3: {  	s21 =	sadd.s32 s6, s21  }
0xa4: {  	[tilespmem:s24], [sflag:$0x5] =	stream.linear.gather [hbm4b:s21+s4], $0x50, $0x38;
	[tilespmem:$0x1E400] =	vst v63  }
0xa5: {  	_ =	swait.ge [sflag:s9], $0x50  }
0xa6: {  	[sflag:s9] =	ssyncset.done $0x0  }
0xa7: {  	[sflag:s9] =	ssyncadd.s32 $0xFFFFFFB0  }
0xa8: {  	_ =	swait.ge [sflag:s9], $0x50  }
0xa9: {  	[sflag:s9] =	ssyncset.done $0x0  }
0xaa: {  	[sflag:s9] =	ssyncadd.s32 $0xFFFFFFB0  }
0xab: {  	[tilespmem:s16], [sflag:$0x4] =	stream.indirect.gather [hbm4b:s2+s1], $0x80, s30, s1, $0xb8;
	[tilespmem:$0x1E400] =	vst v63  }
0xac: {  	_ =	swait.ge [sflag:s17], $0x2800  }
0xad: {  	[sflag:s17] =	ssyncset.done $0x0  }
0xae: {  	[sflag:s17] =	ssyncadd.s32 $0xFFFFD800  }
0xaf: {  	[spmem:s3] =	stream.indirect.scatter.add.f32 [tilespmem:s10], [sflag:$0xA], $0x80, s26, s1, $0xb8;
	[tilespmem:$0x1E400] =	vst v63  }
0xb0: {  	_ =	swait.ge [sflag:s15], $0x2800  }
0xb1: {  	s23 =	smov.u32 s22;
	s20 =	rddreg [dreg:$0x9];
	[sflag:s15] =	ssyncset.done $0x0  }
0xb2: {  	s21 =	rddreg [dreg:$0x8];
	[sflag:s15] =	ssyncadd.s32 $0xFFFFD800;
	s20 =	sadd.s32 s23, s20  }
0xb3: {  	[tilespmem:s25], [sflag:$0x6] =	stream.linear.gather [hbm4b:s20+s4], $0x50, $0x38;
	[tilespmem:$0x1E400] =	vst v63  }
0xb4: {  	s21 =	sadd.s32 s23, s21  }
0xb5: {  	[tilespmem:s26], [sflag:$0x6] =	stream.linear.gather [hbm4b:s21+s4], $0x50, $0x38;
	[tilespmem:$0x1E400] =	vst v63  }
0xb6: {  	_ =	swait.ge [sflag:s0], $0x50  }
0xb7: {  	[sflag:s0] =	ssyncset.done $0x0  }
0xb8: {  	[sflag:s0] =	ssyncadd.s32 $0xFFFFFFB0  }
0xb9: {  	_ =	swait.ge [sflag:s0], $0x50  }
0xba: {  	[sflag:s0] =	ssyncset.done $0x0  }
0xbb: {  	[sflag:s0] =	ssyncadd.s32 $0xFFFFFFB0  }
0xbc: {  	[tilespmem:s7], [sflag:$0x1] =	stream.indirect.gather [hbm4b:s2+s1], $0x80, s4, s1, $0xb8;
	[tilespmem:$0x1E400] =	vst v63  }
0xbd: {  	_ =	swait.ge [sflag:s18], $0x2800  }
0xbe: {  	[sflag:s18] =	ssyncset.done $0x0  }
0xbf: {  	[sflag:s18] =	ssyncadd.s32 $0xFFFFD800  }
0xc0: {  	[spmem:s3] =	stream.indirect.scatter.add.f32 [tilespmem:s12], [sflag:$0xA], $0x80, s29, s1, $0xb8;
	[tilespmem:$0x1E400] =	vst v63  }
0xc1: {  	_ =	swait.ge [sflag:s15], $0x2800  }
0xc2: {  	s20 =	rddreg [dreg:$0x7];
	[sflag:s15] =	ssyncset.done $0x0  }
0xc3: {  	s21 =	rddreg [dreg:$0x6];
	[sflag:s15] =	ssyncadd.s32 $0xFFFFD800;
	s20 =	sadd.s32 s23, s20  }
0xc4: {  	[tilespmem:s28], [sflag:$0x7] =	stream.linear.gather [hbm4b:s20+s4], $0x50, $0x38;
	[tilespmem:$0x1E400] =	vst v63  }
0xc5: {  	s21 =	sadd.s32 s23, s21  }
0xc6: {  	[tilespmem:s29], [sflag:$0x7] =	stream.linear.gather [hbm4b:s21+s4], $0x50, $0x38;
	[tilespmem:$0x1E400] =	vst v63  }
0xc7: {  	_ =	swait.ge [sflag:s8], $0x50  }
0xc8: {  	[sflag:s8] =	ssyncset.done $0x0  }
0xc9: {  	[sflag:s8] =	ssyncadd.s32 $0xFFFFFFB0  }
0xca: {  	_ =	swait.ge [sflag:s8], $0x50  }
0xcb: {  	[sflag:s8] =	ssyncset.done $0x0  }
0xcc: {  	[sflag:s8] =	ssyncadd.s32 $0xFFFFFFB0  }
0xcd: {  	[tilespmem:s10], [sflag:$0x2] =	stream.indirect.gather [hbm4b:s2+s1], $0x80, s25, s1, $0xb8;
	[tilespmem:$0x1E400] =	vst v63  }
0xce: {  	_ =	swait.ge [sflag:s19], $0x2800  }
0xcf: {  	[sflag:s19] =	ssyncset.done $0x0  }
0xd0: {  	[sflag:s19] =	ssyncadd.s32 $0xFFFFD800  }
0xd1: {  	[spmem:s3] =	stream.indirect.scatter.add.f32 [tilespmem:s16], [sflag:$0xA], $0x80, s31, s1, $0xb8;
	[tilespmem:$0x1E400] =	vst v63  }
0xd2: {  	_ =	swait.ge [sflag:s15], $0x2800  }
0xd3: {  	s20 =	rddreg [dreg:$0x5];
	[sflag:s15] =	ssyncset.done $0x0  }
0xd4: {  	s21 =	rddreg [dreg:$0x4];
	[sflag:s15] =	ssyncadd.s32 $0xFFFFD800;
	s20 =	sadd.s32 s23, s20  }
0xd5: {  	[tilespmem:s30], [sflag:$0x8] =	stream.linear.gather [hbm4b:s20+s4], $0x50, $0x38;
	[tilespmem:$0x1E400] =	vst v63  }
0xd6: {  	s23 =	sadd.s32 s23, s21  }
0xd7: {  	[tilespmem:s31], [sflag:$0x8] =	stream.linear.gather [hbm4b:s23+s4], $0x50, $0x38;
	[tilespmem:$0x1E400] =	vst v63  }
0xd8: {  	p0 =	sne.s32 s22, $0x488;
	_ =	swait.ge [sflag:s11], $0x50  }
.Ltmp0:
0xd9: {  	[sflag:s11] =	ssyncset.done $0x0;
	(pc) =	sbr.rel @p0 .LBB2_2-.Ltmp0, $4  }
0xda: {  	[sflag:s11] =	ssyncadd.s32 $0xFFFFFFB0  }
0xdb: {  	_ =	swait.ge [sflag:s11], $0x50  }
0xdc: {  	[sflag:s11] =	ssyncset.done $0x0  }
0xdd: {  	s22 =	sadd.s32 $0x28, s22;
	s13 =	sadd.s32 $0x140, s13;
	[sflag:s11] =	ssyncadd.s32 $0xFFFFFFB0  }
0xde: {  	[tilespmem:s12], [sflag:$0x3] =	stream.indirect.gather [hbm4b:s2+s1], $0x80, s28, s1, $0xb8;
	[tilespmem:$0x1E400] =	vst v63  }
0xdf: {  	_ =	swait.ge [sflag:s14], $0x2800  }
0xe0: {  	[sflag:s14] =	ssyncset.done $0x0  }
0xe1: {  	[sflag:s14] =	ssyncadd.s32 $0xFFFFD800  }
0xe2: {  	[spmem:s3] =	stream.indirect.scatter.add.f32 [tilespmem:s7], [sflag:$0xA], $0x80, s24, s1, $0xb8;
	[tilespmem:$0x1E400] =	vst v63  }
0xe3: {  	_ =	swait.ge [sflag:s15], $0x2800  }
0xe4: {  	[sflag:s15] =	ssyncset.done $0x0  }
0xe5: {  	s13 =	rddreg [dreg:$0x16];
	[sflag:s15] =	ssyncadd.s32 $0xFFFFD800  }
0xe6: {  	[tilespmem:s4], [sflag:$0x5] =	stream.linear.gather [hbm4b:s13+s4], $0x50, $0x38;
	[tilespmem:$0x1E400] =	vst v63  }
0xe7: {  	s20 =	rddreg [dreg:$0x17]  }
0xe8: {  	[tilespmem:s24], [sflag:$0x5] =	stream.linear.gather [hbm4b:s20+s4], $0x50, $0x38;
	[tilespmem:$0x1E400] =	vst v63  }
0xe9: {  	_ =	swait.ge [sflag:s9], $0x50  }
0xea: {  	[sflag:s9] =	ssyncset.done $0x0  }
0xeb: {  	[sflag:s9] =	ssyncadd.s32 $0xFFFFFFB0  }
0xec: {  	_ =	swait.ge [sflag:s9], $0x50  }
0xed: {  	[sflag:s9] =	ssyncset.done $0x0  }
0xee: {  	[sflag:s9] =	ssyncadd.s32 $0xFFFFFFB0  }
0xef: {  	[tilespmem:s16], [sflag:$0x4] =	stream.indirect.gather [hbm4b:s2+s1], $0x80, s30, s1, $0xb8;
	[tilespmem:$0x1E400] =	vst v63  }
0xf0: {  	_ =	swait.ge [sflag:s17], $0x2800  }
0xf1: {  	[sflag:s17] =	ssyncset.done $0x0  }
0xf2: {  	[sflag:s17] =	ssyncadd.s32 $0xFFFFD800  }
0xf3: {  	[spmem:s3] =	stream.indirect.scatter.add.f32 [tilespmem:s10], [sflag:$0xA], $0x80, s26, s1, $0xb8;
	[tilespmem:$0x1E400] =	vst v63  }
0xf4: {  	_ =	swait.ge [sflag:s15], $0x2800  }
0xf5: {  	[sflag:s15] =	ssyncset.done $0x0  }
0xf6: {  	[sflag:s15] =	ssyncadd.s32 $0xFFFFD800  }
0xf7: {  	_ =	swait.ge [sflag:s0], $0x50  }
0xf8: {  	[sflag:s0] =	ssyncset.done $0x0  }
0xf9: {  	[sflag:s0] =	ssyncadd.s32 $0xFFFFFFB0  }
0xfa: {  	_ =	swait.ge [sflag:s0], $0x50  }
0xfb: {  	[sflag:s0] =	ssyncset.done $0x0  }
0xfc: {  	[sflag:s0] =	ssyncadd.s32 $0xFFFFFFB0  }
0xfd: {  	[tilespmem:s7], [sflag:$0x1] =	stream.indirect.gather [hbm4b:s2+s1], $0x80, s4, s1, $0xb8;
	[tilespmem:$0x1E400] =	vst v63  }
0xfe: {  	_ =	swait.ge [sflag:s18], $0x2800  }
0xff: {  	[sflag:s18] =	ssyncset.done $0x0  }
0x100: {  	[sflag:s18] =	ssyncadd.s32 $0xFFFFD800  }
0x101: {  	[spmem:s3] =	stream.indirect.scatter.add.f32 [tilespmem:s12], [sflag:$0xA], $0x80, s29, s1, $0xb8;
	[tilespmem:$0x1E400] =	vst v63  }
0x102: {  	_ =	swait.ge [sflag:s15], $0x2800  }
0x103: {  	[sflag:s15] =	ssyncset.done $0x0  }
0x104: {  	[sflag:s15] =	ssyncadd.s32 $0xFFFFD800  }
0x105: {  	_ =	swait.ge [sflag:s19], $0x2800  }
0x106: {  	[sflag:s19] =	ssyncset.done $0x0  }
0x107: {  	[sflag:s19] =	ssyncadd.s32 $0xFFFFD800  }
0x108: {  	[spmem:s3] =	stream.indirect.scatter.add.f32 [tilespmem:s16], [sflag:$0xA], $0x80, s31, s1, $0xb8;
	[tilespmem:$0x1E400] =	vst v63  }
0x109: {  	_ =	swait.ge [sflag:s15], $0x2800  }
0x10a: {  	[sflag:s15] =	ssyncset.done $0x0  }
0x10b: {  	[sflag:s15] =	ssyncadd.s32 $0xFFFFD800  }
0x10c: {  	_ =	swait.ge [sflag:s14], $0x2800  }
0x10d: {  	[sflag:s14] =	ssyncset.done $0x0  }
0x10e: {  	[sflag:s14] =	ssyncadd.s32 $0xFFFFD800  }
0x10f: {  	[spmem:s3] =	stream.indirect.scatter.add.f32 [tilespmem:s7], [sflag:$0xA], $0x80, s24, s1, $0xb8;
	[tilespmem:$0x1E400] =	vst v63  }
0x110: {  	_ =	swait.ge [sflag:s15], $0x2800  }
0x111: {  	[sflag:s15] =	ssyncset.done $0x0  }
0x112: {  	[sflag:s15] =	ssyncadd.s32 $0xFFFFD800  }
0x113: {  	[bflag:$0x0] =	sbarrier.arrive $0xFFFF  }
0x114: {  	s21 =	rddreg [dreg:$0xc]  }
0x115: {  	s20 =	rddreg [dreg:$0x18]  }
0x116: {  	s13 =	sor.u32 $0x1C0A, s21;
	s21 =	rddreg [dreg:$0x1c]  }
0x117: {  	[hbm:s20], [sflag:s13] =	dma.local [spmem:s21], $0x2800  }
0x118: {  	_ =	swait.ge [sflag:s15], $0x2800  }
0x119: {  	s22 =	rddreg [dreg:$0x1b]  }
0x11a: {  	s23 =	rddreg [dreg:$0x19];
	s20 =	sadd.s32 $0x1, s22  }
0x11b: {  	p0 =	sne.s32 s20, s23  }
.Ltmp1:
0x11c: {  	_ = 	snop;
	(pc) =	sbr.rel @p0 .LBB2_1-.Ltmp1, $3  }
0x11d: {  	_ =	sdelay $0x1  }
0x11e: {  	[sflag:s15] =	ssyncset.done $0x0  }
0x11f: {  	[sflag:s15] =	ssyncadd.s32 $0xFFFFD800  }
0x120: {  	_ =	sfence.sel $0x180000  }
0x121: {  	[bflag:$0x0] =	sbarrier.arrive $0xFFFF  }
0x122: {  	_ =	strace $0x9000004A  }
0x123: {  	s0 =	stileid.u32;
	[bflag:$0x2] =	sbarrier.arrive $0xFFFF  }
0x124: {  	p0 =	sne.s32 s0, $0x0;
	s0 =	rddreg [dreg:$0x3]  }
0x125: {  	s0 =	sadd.s32 @!p0 $0x100000, s0  }
0x126: {  	[sflag:s0] =	ssyncadd.tile.s32 @!p0 $0x1;
	_ =	shalt  }
.Lfunc_end2:
_tile_overlayer_lowered:
.L_overlay_start_2:
0x127: {  	(tag) =	ssettag $0x2  }
0x128: {  	s0 =	rddreg [dreg:$0x0];
	s2 =	stileid.u32  }
0x129: {  	s1 =	rddreg [dreg:$0x1];
	p0 =	sne.s32 s2, $0x0  }
0x12a: {  	s3 =	rddreg [dreg:$0x2];
	[bflag:$0x3] =	sbarrier.arrive $0xFFFF;
	s2 =	simm.s32 @!p0 $0x1C0A  }
0x12b: {  	[timem:s3], [sflag:s2] =	dma.local @!p0 [hbm:s0], s1  }
0x12c: {  	s0 =	simm.s32 @!p0 $0xA  }
0x12d: {  	_ =	swait.ge @!p0 [sflag:s0], s1  }
0x12e: {  	s1 =	ssub.s32 @!p0 $0x0, s1;
	[sflag:s0] =	ssyncset.done @!p0 $0x0  }
0x12f: {  	[sflag:s0] =	ssyncadd.s32 @!p0 s1  }
0x130: {  	[bflag:$0x3] =	sbarrier.arrive $0xFFFF  }
0x131: {  	_ =	shalt  }

// kernel: kernel.14.cloned.1.call-start
scs
__scs_entry_jumppad:
0x0: {  	(pc) =	sbr.rel $0x88, $3  }
0x1: {  	(tag) =	ssettag $0x0;
	lr =	simm.s32 $0x1  }
0x2: {  	[smem:$0x3F92] =	sst lr;
	_ =	strace $0xD0000000  }
0x3: {  	_ = 	snop  }
0x4: {  	_ = 	snop  }
0x5: {  	_ = 	snop  }
0x6: {  	_ = 	snop  }
0x7: {  	_ = 	snop  }
__scs_overlays_trampoline_lowered:
0x8: {  	[smem:$0x3FA1] =	sst s0  }
0x9: {  	[smem:$0x3FA2] =	sst s1  }
0xa: {  	[smem:$0x3FA3] =	sst s2  }
0xb: {  	[smem:$0x3FA4] =	sst s3  }
0xc: {  	[smem:$0x3FA5] =	sst s4  }
0xd: {  	[smem:$0x3FA6] =	sst s5  }
0xe: {  	[smem:$0x3FA7] =	sst s6  }
0xf: {  	[smem:$0x3FA8] =	sst s7  }
0x10: {  	[smem:$0x3FA9] =	sst s8  }
0x11: {  	[smem:$0x3FAA] =	sst s9;
	s0 =	simm.s32 @!p0 $0x0  }
0x12: {  	s1 =	sld [smem:$0x3F90];
	s0 =	simm.s32 @p0 $0x1  }
0x13: {  	[smem:$0x3FAB] =	sst s0;
	s0 =	simm.s32 @!p1 $0x0  }
0x14: {  	s2 =	sld [smem:$0x3F8F];
	s0 =	simm.s32 @p1 $0x1  }
0x15: {  	[smem:$0x3FAC] =	sst s0;
	s0 =	simm.s32 @!p2 $0x0  }
0x16: {  	s3 =	sld [smem:$0x3FDB];
	s0 =	simm.s32 @p2 $0x1  }
0x17: {  	s4 =	simm.s32 $0x1BF5;
	[smem:$0x3FAE] =	sst s0  }
0x18: {  	s0 =	sld [smem:$0x3F91];
	_ =	swait.ge [sflag:s4], $0x0  }
0x19: {  	s7 =	sld [smem:$0x3F92]  }
0x1a: {  	s8 =	sadd.s32 $0xFFFFE003, lr  }
0x1b: {  	s9 =	sadd.s32 $0xFFFFFEF7, lr;
	s5 =	simm.s32 $0xFFFFFFFF;
	p2 =	slt.u32 s8, $0xFFFFF086  }
0x1c: {  	p1 =	slt.u32 s9, $0xF7A;
	s5 =	simm.s32 @!p2 $0x0  }
0x1d: {  	s5 =	simm.s32 @p1 $0x1;
	p0 =	seq.s32 s7, s2  }
0x1e: {  	s7 =	smul.u32 @!p0 $0xF7A, s2;
	p2 =	seq.s32 @!p0 s5, $0x0  }
0x1f: {  	s9 =	smul.u32 $0xF7A, s1;
	s8 =	simm.s32 @!p0 $0x1BF5;
	p2 =	por !p2, p0  }
0x20: {  	[sflag:s8] =	ssyncset.s32 @!p0 $0xFFFFF086;
	s6 =	sadd.s32 @!p0 s3, s7;
	s7 =	simm.s32 @!p0 $0x108  }
0x21: {  	s3 =	sadd.s32 s3, s9;
	s6 =	sadd.s32 @!p0 $0x88, s6;
	s7 =	simm.s32 @p2 $0x1082  }
0x22: {  	[simem:s7], [sflag:s8] =	dma.local @!p0 [hbm:s6], $0xF7A  }
0x23: {  	s9 =	sor.u32 $0xD0000000, s2;
	s6 =	simm.s32 $0x108;
	_ =	swait.ge @!p0 [sflag:s8], $0x0  }
0x24: {  	s3 =	sadd.s32 $0x88, s3;
	s6 =	simm.s32 @!p1 $0x1082;
	[sflag:s4] =	ssyncset.s32 $0xFFFFF086  }
0x25: {  	[simem:s6], [sflag:s4] =	dma.local [hbm:s3], $0xF7A  }
0x26: {  	[smem:$0x3F92] =	sst s1;
	(tag) =	ssettag s2;
	_ =	strace s9  }
0x27: {  	s1 =	sld [smem:$0x3FA2]  }
0x28: {  	s2 =	sld [smem:$0x3FA3]  }
0x29: {  	s4 =	sld [smem:$0x3FA5]  }
0x2a: {  	p0 =	seq.s32 s5, $0x0;
	s5 =	sld [smem:$0x3FA6]  }
0x2b: {  	s6 =	sld [smem:$0x3FA7]  }
0x2c: {  	s7 =	sld [smem:$0x3FA8]  }
0x2d: {  	s3 =	simm.s32 $0x108;
	s8 =	sld [smem:$0x3FA9]  }
0x2e: {  	s3 =	simm.s32 @!p0 $0x1082;
	s9 =	sld [smem:$0x3FAA]  }
0x2f: {  	lr =	sadd.s32 s0, s3;
	s0 =	sld [smem:$0x3FA1]  }
0x30: {  	s3 =	sld [smem:$0x3FA4]  }
0x31: {  	[smem:$0x3FAD] =	sst s10  }
0x32: {  	s10 =	sld [smem:$0x3FAB];
	_ =	sdelay $0x3  }
0x33: {  	p0 =	seq.s32 s10, $0x1;
	s10 =	sld [smem:$0x3FAD];
	_ =	sdelay $0x3  }
0x34: {  	[smem:$0x3FAD] =	sst s10  }
0x35: {  	s10 =	sld [smem:$0x3FAC];
	_ =	sdelay $0x3  }
0x36: {  	p1 =	seq.s32 s10, $0x1;
	s10 =	sld [smem:$0x3FAD];
	_ =	sdelay $0x3  }
0x37: {  	[smem:$0x3FAD] =	sst s10  }
0x38: {  	s10 =	sld [smem:$0x3FAE]  }
0x39: {  	_ = 	snop;
	(pc) =	sbr.ind lr, $3  }
0x3a: {  	_ = 	snop  }
0x3b: {  	_ = 	snop  }
0x3c: {  	p2 =	seq.s32 s10, $0x1;
	s10 =	sld [smem:$0x3FAD]  }
0x3d: {  	_ =	shalt  }
0x3e: {  	_ =	shalt  }
0x3f: {  	_ =	shalt  }
0x40: {  	_ =	shalt  }
0x41: {  	_ =	shalt  }
0x42: {  	_ =	shalt  }
0x43: {  	_ =	shalt  }
0x44: {  	_ =	shalt  }
0x45: {  	_ =	shalt  }
0x46: {  	_ =	shalt  }
0x47: {  	_ =	shalt  }
0x48: {  	_ =	shalt  }
0x49: {  	_ =	shalt  }
0x4a: {  	_ =	shalt  }
0x4b: {  	_ =	shalt  }
0x4c: {  	_ =	shalt  }
0x4d: {  	_ =	shalt  }
0x4e: {  	_ =	shalt  }
0x4f: {  	_ =	shalt  }
0x50: {  	_ =	shalt  }
0x51: {  	_ =	shalt  }
0x52: {  	_ =	shalt  }
0x53: {  	_ =	shalt  }
0x54: {  	_ =	shalt  }
0x55: {  	_ =	shalt  }
0x56: {  	_ =	shalt  }
0x57: {  	_ =	shalt  }
0x58: {  	_ =	shalt  }
0x59: {  	_ =	shalt  }
0x5a: {  	_ =	shalt  }
0x5b: {  	_ =	shalt  }
0x5c: {  	_ =	shalt  }
0x5d: {  	_ =	shalt  }
0x5e: {  	_ =	shalt  }
0x5f: {  	_ =	shalt  }
0x60: {  	_ =	shalt  }
0x61: {  	_ =	shalt  }
0x62: {  	_ =	shalt  }
0x63: {  	_ =	shalt  }
0x64: {  	_ =	shalt  }
0x65: {  	_ =	shalt  }
0x66: {  	_ =	shalt  }
0x67: {  	_ =	shalt  }
0x68: {  	_ =	shalt  }
0x69: {  	_ =	shalt  }
0x6a: {  	_ =	shalt  }
0x6b: {  	_ =	shalt  }
0x6c: {  	_ =	shalt  }
0x6d: {  	_ =	shalt  }
0x6e: {  	_ =	shalt  }
0x6f: {  	_ =	shalt  }
0x70: {  	_ =	shalt  }
0x71: {  	_ =	shalt  }
0x72: {  	_ =	shalt  }
0x73: {  	_ =	shalt  }
0x74: {  	_ =	shalt  }
0x75: {  	_ =	shalt  }
0x76: {  	_ =	shalt  }
0x77: {  	_ =	shalt  }
0x78: {  	_ =	shalt  }
0x79: {  	_ =	shalt  }
0x7a: {  	_ =	shalt  }
0x7b: {  	_ =	shalt  }
0x7c: {  	_ =	shalt  }
0x7d: {  	_ =	shalt  }
0x7e: {  	_ =	shalt  }
0x7f: {  	_ =	shalt  }
0x80: {  	_ =	shalt  }
0x81: {  	_ =	shalt  }
0x82: {  	_ =	shalt  }
0x83: {  	_ =	shalt  }
0x84: {  	_ =	shalt  }
0x85: {  	_ =	shalt  }
0x86: {  	_ =	shalt  }
0x87: {  	_ =	shalt  }
.Lfunc_end0:
.L_simem_size_0:
called_computation.2_lowered:
.L_overlay_start_0:
0x88: {  	s2 =	sld [smem:$0x3FD9]  }
0x89: {  	s3 =	sld [smem:$0x3FFE];
	_ =	sdelay $0x1  }
0x8a: {  	s1 =	srdreg.scid  }
0x8b: {  	s0 =	sand.u32 $0x1, s1  }
0x8c: {  	s17 =	sshll.u32 s0, $0xA;
	s2 =	sadd.s32 s3, s2  }
0x8d: {  	s2 =	sadd.s32 s2, s17  }
0x8e: {  	[smem:$0x3FB9] =	sst s2  }
0x8f: {  	_ = 	snop  }
0x90: {  	s2 =	sld [smem:$0x3FD0];
	(tm) =	ssettm $0x1  }
0x91: {  	s18 =	sld [smem:$0x3FFB];
	_ =	sdelay $0x3  }
0x92: {  	_ =	strace s18  }
0x93: {  	s3 =	sld [smem:$0x3FFC];
	_ =	sdelay $0x3  }
0x94: {  	_ =	strace s3  }
0x95: {  	s3 =	sld [smem:$0x3FFD];
	_ =	sdelay $0x3  }
0x96: {  	_ =	strace s3  }
0x97: {  	_ =	strace $0x8FFFFFFF  }
0x98: {  	s19 =	sld [smem:$0x3FDB];
	_ =	sdelay $0x1  }
0x99: {  	s4 =	simm.s32 $_scs_section_size  }
0x9a: {  	s5 =	simm.s32 $_size__tile_overlayer_lowered;
	s6 =	simm.s32 $_tile_overlayer_lowered  }
0x9b: {  	s22 =	simm.s32 $0x1BFF;
	s21 =	sshll.u32 s6, $0x1;
	s3 =	sadd.s32 s4, s19  }
0x9c: {  	s7 =	simm.s32 $0x0;
	s20 =	sshll.u32 s5, $0x1;
	s5 =	sadd.s32 s21, s3  }
0x9d: {  	[timem:s7], [sflag:s22] =	dma.local [hbm:s5], s20  }
0x9e: {  	_ =	swait.ge [sflag:s22], s20  }
0x9f: {  	s4 =	ssub.s32 $0x0, s20;
	[sflag:s22] =	ssyncset.done $0x0  }
0xa0: {  	[sflag:s22] =	ssyncadd.s32 s4;
	_ =	sdelay $0x1  }
0xa1: {  	s23 =	simm.s32 $0x1B8B  }
0xa2: {  	_ =	swait.ge [sflag:s23], $0x1  }
0xa3: {  	[sflag:s23] =	ssyncset.done $0x0  }
0xa4: {  	s25 =	simm.s32 $0x1B8E;
	s24 =	sld [smem:$0x3FFE];
	[sflag:s23] =	ssyncadd.s32 $0xFFFFFFFF  }
0xa5: {  	s26 =	simm.s32 $execute0_lowered;
	[smem:$0x3FD2] =	sst s25  }
0xa6: {  	s5 =	sshll.u32 s26, $0x1;
	_ =	strace $0x8000004C;
	[dreg:$0x1] =	wrdreg $0xFFFFFFFF  }
0xa7: {  	s28 =	simm.s32 $_size_execute0_lowered;
	s3 =	sadd.s32 s3, s5;
	[dreg:$0x0] =	wrdreg $0x0  }
0xa8: {  	s5 =	sshll.u32 s28, $0x1;
	[dreg:$0x2] =	wrdreg s3  }
0xa9: {  	[dreg:$0x3] =	wrdreg s5  }
0xaa: {  	[dreg:$0x4] =	wrdreg $0xC0  }
0xab: {  	_ =	task [dreg:s7], $0x5FFFF  }
0xac: {  	[dreg:$0x1] =	wrdreg $0xFFFFFFFF  }
0xad: {  	[dreg:$0x0] =	wrdreg $0x60  }
0xae: {  	[dreg:$0x2] =	wrdreg s2  }
0xaf: {  	[dreg:$0x3] =	wrdreg s24  }
0xb0: {  	[dreg:$0x4] =	wrdreg $0xA4000  }
0xb1: {  	[dreg:$0x5] =	wrdreg $0x9  }
0xb2: {  	_ =	task.clear_ibuf [dreg:s7], $0x6FFFF;
	_ =	strace $0x9000004C  }
0xb3: {  	s29 =	simm.s32 $0x9;
	_ =	strace $0x8000004E  }
0xb4: {  	_ =	swait.ge [sflag:s29], $0x1  }
0xb5: {  	[sflag:s29] =	ssyncadd.s32 $0xFFFFFFFF  }
0xb6: {  	_ =	strace $0x9000004E  }
0xb7: {  	_ =	sfence  }
0xb8: {  	s30 =	sld [smem:$0x0];
	_ =	sdelay $0x2  }
0xb9: {  	s31 =	sshll.u32 s1, $0xD;
	s1 =	sshrl.u32 s1, $0x2  }
0xba: {  	s3 =	sand.u32 $0x4000, s31;
	s1 =	sadd.s32 s1, s30  }
0xbb: {  	s0 =	sor.u32 s3, s0;
	s1 =	sshll.u32 s1, $0x11  }
0xbc: {  	s0 =	sor.u32 s1, s0  }
0xbd: {  	s0 =	sadd.s32 $0x8F2B, s0  }
0xbe: {  	[sflag:s0] =	ssyncadd.remote.s32 $0x1  }
0xbf: {  	_ =	sfence.sel $0xFFFF  }
0xc0: {  	[dreg:$0x0] =	wrdreg $0xFFFFFFFF;
	(pc) =	sbr.abs _section_cstart, $3  }
0xc1: {  	[dreg:$0x1] =	wrdreg $0xFFFFFFFF  }
0xc2: {  	_ =	task.clear_ibuf [dreg:s7], $0x2FFFF;
	_ =	strace $0x9FFFFFFF  }
0xc3: {  	(tm) =	ssettm $0x7FFFFFFF  }
tec
execute0_lowered:
.L_overlay_start_1:
0x0: {  	(tag) =	ssettag $0x1  }
0x1: {  	s2 =	rddreg [dreg:$0x0]  }
0x2: {  	s0 =	rddreg [dreg:$0x1]  }
0x3: {  	s3 =	rddreg [dreg:$0x2]  }
0x4: {  	s12 =	stileid.u32;
	s1 =	srdreg.scid;
	s4 =	simm.s32 $0x0  }
0x5: {  	s28 =	simm.s32 $0x100;
	s29 =	simm.s32 $0x300;
	s6 =	smul.u32 $0x14000, s12  }
0x6: {  	s30 =	simm.s32 $0x180;
	s31 =	simm.s32 $0x380;
	s10 =	smul.u32 $0x50000, s12  }
0x7: {  	s1 =	sand.u32 $0x1, s1;
	[smem:$0x7FF] =	sst s4;
	s22 =	smul.u32 $0x2710, s12  }
0x8: {  	s5 =	sadd.s32 $0xD600, s0;
	s18 =	sshll.u32 s12, $0x6;
	s7 =	smul.u32 $0x140000, s1  }
0x9: {  	_ =	strace $0x8000004D;
	s9 =	ssub.s32 $0x2, s1;
	s11 =	sshll.u32 s1, $0x4  }
0xa: {  	[dreg:$0xc] =	wrdreg s18;
	s1 =	smul.u32 $0x27100, s1;
	s8 =	sshrl.u32 s6, $0x3  }
0xb: {  	s15 =	sshrl.u32 s9, $0x1;
	s11 =	sor.u32 s12, s11;
	s16 =	sshrl.u32 s10, $0x2  }
0xc: {  	s7 =	sadd.s32 s6, s7;
	s6 =	sadd.s32 $0x3800, s0;
	s8 =	sadd.s32 s8, s0  }
0xd: {  	s17 =	smul.u32 $0x2710, s11;
	s1 =	sadd.s32 s22, s1;
	s11 =	simm.s32 $0x7  }
0xe: {  	s7 =	sshrl.u32 s7, $0x3;
	s8 =	sadd.s32 $0x17400, s8;
	s10 =	sadd.s32 $0x230, s1  }
0xf: {  	s0 =	sadd.s32 s7, s0;
	s7 =	ssub.s32 s9, s15;
	s9 =	sadd.s32 s16, s3  }
0x10: {  	[dreg:$0xb] =	wrdreg s8;
	s8 =	sor.u32 $0x1C09, s18;
	s19 =	sshrl.u32 s17, $0x3  }
0x11: {  	s15 =	sshrl.u32 s10, $0x3;
	s16 =	sadd.s32 $0x1E0, s1;
	[dreg:$0xa] =	wrdreg s9  }
0x12: {  	[dreg:$0xd] =	wrdreg s8;
	s20 =	sadd.s32 s5, s19;
	s21 =	sadd.s32 $0xA, s19  }
0x13: {  	s23 =	sadd.s32 s6, s19;
	s25 =	sadd.s32 $0x14, s19;
	[dreg:$0xe] =	wrdreg s20  }
0x14: {  	s13 =	sadd.s32 $0x1E, s19;
	s10 =	sadd.s32 s15, s6;
	[dreg:$0xf] =	wrdreg s23  }
0x15: {  	s8 =	sadd.s32 $0x4D8, s19;
	s0 =	sadd.s32 $0x3F400, s0;
	[dreg:$0x4] =	wrdreg s10  }
0x16: {  	s17 =	sshrl.u32 s16, $0x3;
	s24 =	sadd.s32 s5, s21;
	[dreg:$0x18] =	wrdreg s0  }
0x17: {  	s19 =	sadd.s32 $0x190, s1;
	s9 =	sadd.s32 s6, s21;
	[dreg:$0x10] =	wrdreg s24  }
0x18: {  	s16 =	simm.s32 $0x7C00;
	s26 =	sadd.s32 s5, s25;
	[dreg:$0x11] =	wrdreg s9  }
0x19: {  	s12 =	sadd.s32 s6, s25;
	s14 =	sadd.s32 s5, s13;
	[dreg:$0x12] =	wrdreg s26  }
0x1a: {  	s18 =	sadd.s32 s17, s6;
	s20 =	sadd.s32 s17, s5;
	[dreg:$0x13] =	wrdreg s12  }
0x1b: {  	s21 =	sshrl.u32 s19, $0x3;
	s22 =	sadd.s32 s5, s8;
	[dreg:$0x14] =	wrdreg s14  }
0x1c: {  	s8 =	sadd.s32 s6, s8;
	s25 =	smax.u32 s7, $0x1;
	[dreg:$0x6] =	wrdreg s18  }
0x1d: {  	s0 =	simm.s32 $0x5;
	s7 =	simm.s32 $0x400;
	[dreg:$0x16] =	wrdreg s22  }
0x1e: {  	s10 =	simm.s32 $0x2C00;
	s17 =	simm.s32 $0x2;
	[dreg:$0x7] =	wrdreg s20  }
0x1f: {  	s19 =	simm.s32 $0x4;
	s9 =	sadd.s32 s6, s13;
	[dreg:$0x17] =	wrdreg s8  }
0x20: {  	s23 =	sadd.s32 s21, s6;
	s24 =	sadd.s32 s21, s5;
	[dreg:$0x19] =	wrdreg s25  }
0x21: {  	s26 =	sadd.s32 $0x140, s1;
	s25 =	simm.s32 $0x80;
	s1 =	simm.s32 $0x50  }
0x22: {  	s8 =	simm.s32 $0x6;
	s12 =	simm.s32 $0x5400;
	[dreg:$0x15] =	wrdreg s9  }
0x23: {  	s14 =	simm.s32 $0x1;
	s18 =	simm.s32 $0x3;
	[dreg:$0x8] =	wrdreg s23  }
0x24: {  	s20 =	simm.s32 $0x0;
	s9 =	sadd.s32 s15, s5;
	[dreg:$0x9] =	wrdreg s24  }
0x25: {  	[dreg:$0x1a] =	wrdreg s26;
	s24 =	simm.s32 $0x200;
	s26 =	simm.s32 $0x280  }
0x26: {  	s15 =	simm.s32 $0xA;
	[dreg:$0x5] =	wrdreg s9;
	s9 =	simm.s32 $0x8  }
.LBB2_1:
0x27: {  	[dreg:$0x1b] =	wrdreg s20  }
0x28: {  	s13 =	rddreg [dreg:$0xa]  }
0x29: {  	s22 =	rddreg [dreg:$0xb]  }
0x2a: {  	s23 =	rddreg [dreg:$0xd];
	s21 =	sshrl.u32 s13, $0x3  }
0x2b: {  	[dreg:$0x1c] =	wrdreg s21  }
0x2c: {  	[spmem:s21], [sflag:s23] =	dma.local [hbm:s22], $0x2800  }
0x2d: {  	s13 =	rddreg [dreg:$0xe]  }
0x2e: {  	[tilespmem:s4], [sflag:$0x5] =	stream.linear.gather [hbm4b:s13+s4], $0x50, $0x38;
	[tilespmem:$0x1E400] =	vst v63  }
0x2f: {  	s21 =	rddreg [dreg:$0xf]  }
0x30: {  	[tilespmem:s24], [sflag:$0x5] =	stream.linear.gather [hbm4b:s21+s4], $0x50, $0x38;
	[tilespmem:$0x1E400] =	vst v63  }
0x31: {  	s22 =	rddreg [dreg:$0x10]  }
0x32: {  	[tilespmem:s25], [sflag:$0x6] =	stream.linear.gather [hbm4b:s22+s4], $0x50, $0x38;
	[tilespmem:$0x1E400] =	vst v63  }
0x33: {  	s23 =	rddreg [dreg:$0x11]  }
0x34: {  	[tilespmem:s26], [sflag:$0x6] =	stream.linear.gather [hbm4b:s23+s4], $0x50, $0x38;
	[tilespmem:$0x1E400] =	vst v63  }
0x35: {  	s20 =	rddreg [dreg:$0x12]  }
0x36: {  	[tilespmem:s28], [sflag:$0x7] =	stream.linear.gather [hbm4b:s20+s4], $0x50, $0x38;
	[tilespmem:$0x1E400] =	vst v63  }
0x37: {  	s21 =	rddreg [dreg:$0x13]  }
0x38: {  	[tilespmem:s29], [sflag:$0x7] =	stream.linear.gather [hbm4b:s21+s4], $0x50, $0x38;
	[tilespmem:$0x1E400] =	vst v63  }
0x39: {  	s22 =	rddreg [dreg:$0x14]  }
0x3a: {  	[tilespmem:s30], [sflag:$0x8] =	stream.linear.gather [hbm4b:s22+s4], $0x50, $0x38;
	[tilespmem:$0x1E400] =	vst v63  }
0x3b: {  	s23 =	rddreg [dreg:$0x15]  }
0x3c: {  	[tilespmem:s31], [sflag:$0x8] =	stream.linear.gather [hbm4b:s23+s4], $0x50, $0x38;
	[tilespmem:$0x1E400] =	vst v63  }
0x3d: {  	_ =	swait.ge [sflag:s0], $0x50  }
0x3e: {  	[sflag:s0] =	ssyncset.done $0x0  }
0x3f: {  	[sflag:s0] =	ssyncadd.s32 $0xFFFFFFB0  }
0x40: {  	_ =	swait.ge [sflag:s0], $0x50  }
0x41: {  	[sflag:s0] =	ssyncset.done $0x0  }
0x42: {  	[sflag:s0] =	ssyncadd.s32 $0xFFFFFFB0  }
0x43: {  	[tilespmem:s7], [sflag:$0x1] =	stream.indirect.gather [hbm4b:s2+s1], $0x80, s4, s1, $0xb8;
	[tilespmem:$0x1E400] =	vst v63  }
0x44: {  	_ =	swait.ge [sflag:s8], $0x50  }
0x45: {  	[sflag:s8] =	ssyncset.done $0x0  }
0x46: {  	[sflag:s8] =	ssyncadd.s32 $0xFFFFFFB0  }
0x47: {  	_ =	swait.ge [sflag:s8], $0x50  }
0x48: {  	[sflag:s8] =	ssyncset.done $0x0  }
0x49: {  	[sflag:s8] =	ssyncadd.s32 $0xFFFFFFB0  }
0x4a: {  	[tilespmem:s10], [sflag:$0x2] =	stream.indirect.gather [hbm4b:s2+s1], $0x80, s25, s1, $0xb8;
	[tilespmem:$0x1E400] =	vst v63  }
0x4b: {  	_ =	swait.ge [sflag:s11], $0x50  }
0x4c: {  	[sflag:s11] =	ssyncset.done $0x0  }
0x4d: {  	[sflag:s11] =	ssyncadd.s32 $0xFFFFFFB0  }
0x4e: {  	_ =	swait.ge [sflag:s11], $0x50  }
0x4f: {  	[sflag:s11] =	ssyncset.done $0x0  }
0x50: {  	s20 =	simm.s32 $0x9;
	[sflag:s11] =	ssyncadd.s32 $0xFFFFFFB0  }
0x51: {  	[tilespmem:s12], [sflag:$0x3] =	stream.indirect.gather [hbm4b:s2+s1], $0x80, s28, s1, $0xb8;
	[tilespmem:$0x1E400] =	vst v63  }
0x52: {  	_ =	swait.ge [sflag:s20], $0x2800  }
0x53: {  	[sflag:s20] =	ssyncset.done $0x0  }
0x54: {  	[sflag:s20] =	ssyncadd.s32 $0xFFFFD800  }
0x55: {  	[bflag:$0x0] =	sbarrier.arrive $0xFFFF  }
0x56: {  	_ =	swait.ge [sflag:s14], $0x2800  }
0x57: {  	[sflag:s14] =	ssyncset.done $0x0  }
0x58: {  	[sflag:s14] =	ssyncadd.s32 $0xFFFFD800  }
0x59: {  	[spmem:s3] =	stream.indirect.scatter.add.f32 [tilespmem:s7], [sflag:$0xA], $0x80, s24, s1, $0xb8;
	[tilespmem:$0x1E400] =	vst v63  }
0x5a: {  	_ =	swait.ge [sflag:s15], $0x2800  }
0x5b: {  	s20 =	rddreg [dreg:$0x1a]  }
0x5c: {  	[sflag:s15] =	ssyncset.done $0x0;
	s21 =	sshrl.u32 s20, $0x3  }
0x5d: {  	[sflag:s15] =	ssyncadd.s32 $0xFFFFD800;
	s22 =	sadd.s32 s5, s21  }
0x5e: {  	[tilespmem:s4], [sflag:$0x5] =	stream.linear.gather [hbm4b:s22+s4], $0x50, $0x38;
	[tilespmem:$0x1E400] =	vst v63  }
0x5f: {  	s13 =	sadd.s32 s6, s21  }
0x60: {  	[tilespmem:s24], [sflag:$0x5] =	stream.linear.gather [hbm4b:s13+s4], $0x50, $0x38;
	[tilespmem:$0x1E400] =	vst v63  }
0x61: {  	_ =	swait.ge [sflag:s9], $0x50  }
0x62: {  	[sflag:s9] =	ssyncset.done $0x0  }
0x63: {  	[sflag:s9] =	ssyncadd.s32 $0xFFFFFFB0  }
0x64: {  	_ =	swait.ge [sflag:s9], $0x50  }
0x65: {  	[sflag:s9] =	ssyncset.done $0x0  }
0x66: {  	[sflag:s9] =	ssyncadd.s32 $0xFFFFFFB0  }
0x67: {  	[tilespmem:s16], [sflag:$0x4] =	stream.indirect.gather [hbm4b:s2+s1], $0x80, s30, s1, $0xb8;
	[tilespmem:$0x1E400] =	vst v63  }
0x68: {  	_ =	swait.ge [sflag:s17], $0x2800  }
0x69: {  	[sflag:s17] =	ssyncset.done $0x0  }
0x6a: {  	[sflag:s17] =	ssyncadd.s32 $0xFFFFD800  }
0x6b: {  	[spmem:s3] =	stream.indirect.scatter.add.f32 [tilespmem:s10], [sflag:$0xA], $0x80, s26, s1, $0xb8;
	[tilespmem:$0x1E400] =	vst v63  }
0x6c: {  	_ =	swait.ge [sflag:s15], $0x2800  }
0x6d: {  	s23 =	rddreg [dreg:$0x9];
	[sflag:s15] =	ssyncset.done $0x0  }
0x6e: {  	s21 =	rddreg [dreg:$0x8];
	[sflag:s15] =	ssyncadd.s32 $0xFFFFD800;
	s13 =	sadd.s32 $0x0, s23  }
0x6f: {  	[tilespmem:s25], [sflag:$0x6] =	stream.linear.gather [hbm4b:s13+s4], $0x50, $0x38;
	[tilespmem:$0x1E400] =	vst v63  }
0x70: {  	s22 =	sadd.s32 $0x0, s21  }
0x71: {  	[tilespmem:s26], [sflag:$0x6] =	stream.linear.gather [hbm4b:s22+s4], $0x50, $0x38;
	[tilespmem:$0x1E400] =	vst v63  }
0x72: {  	_ =	swait.ge [sflag:s0], $0x50  }
0x73: {  	[sflag:s0] =	ssyncset.done $0x0  }
0x74: {  	[sflag:s0] =	ssyncadd.s32 $0xFFFFFFB0  }
0x75: {  	_ =	swait.ge [sflag:s0], $0x50  }
0x76: {  	[sflag:s0] =	ssyncset.done $0x0  }
0x77: {  	[sflag:s0] =	ssyncadd.s32 $0xFFFFFFB0  }
0x78: {  	[tilespmem:s7], [sflag:$0x1] =	stream.indirect.gather [hbm4b:s2+s1], $0x80, s4, s1, $0xb8;
	[tilespmem:$0x1E400] =	vst v63  }
0x79: {  	_ =	swait.ge [sflag:s18], $0x2800  }
0x7a: {  	[sflag:s18] =	ssyncset.done $0x0  }
0x7b: {  	[sflag:s18] =	ssyncadd.s32 $0xFFFFD800  }
0x7c: {  	[spmem:s3] =	stream.indirect.scatter.add.f32 [tilespmem:s12], [sflag:$0xA], $0x80, s29, s1, $0xb8;
	[tilespmem:$0x1E400] =	vst v63  }
0x7d: {  	_ =	swait.ge [sflag:s15], $0x2800  }
0x7e: {  	s23 =	rddreg [dreg:$0x7];
	[sflag:s15] =	ssyncset.done $0x0  }
0x7f: {  	s21 =	rddreg [dreg:$0x6];
	[sflag:s15] =	ssyncadd.s32 $0xFFFFD800;
	s13 =	sadd.s32 $0x0, s23  }
0x80: {  	[tilespmem:s28], [sflag:$0x7] =	stream.linear.gather [hbm4b:s13+s4], $0x50, $0x38;
	[tilespmem:$0x1E400] =	vst v63  }
0x81: {  	s22 =	sadd.s32 $0x0, s21  }
0x82: {  	[tilespmem:s29], [sflag:$0x7] =	stream.linear.gather [hbm4b:s22+s4], $0x50, $0x38;
	[tilespmem:$0x1E400] =	vst v63  }
0x83: {  	_ =	swait.ge [sflag:s8], $0x50  }
0x84: {  	[sflag:s8] =	ssyncset.done $0x0  }
0x85: {  	[sflag:s8] =	ssyncadd.s32 $0xFFFFFFB0  }
0x86: {  	_ =	swait.ge [sflag:s8], $0x50  }
0x87: {  	[sflag:s8] =	ssyncset.done $0x0  }
0x88: {  	[sflag:s8] =	ssyncadd.s32 $0xFFFFFFB0  }
0x89: {  	[tilespmem:s10], [sflag:$0x2] =	stream.indirect.gather [hbm4b:s2+s1], $0x80, s25, s1, $0xb8;
	[tilespmem:$0x1E400] =	vst v63  }
0x8a: {  	_ =	swait.ge [sflag:s19], $0x2800  }
0x8b: {  	[sflag:s19] =	ssyncset.done $0x0  }
0x8c: {  	[sflag:s19] =	ssyncadd.s32 $0xFFFFD800  }
0x8d: {  	[spmem:s3] =	stream.indirect.scatter.add.f32 [tilespmem:s16], [sflag:$0xA], $0x80, s31, s1, $0xb8;
	[tilespmem:$0x1E400] =	vst v63  }
0x8e: {  	_ =	swait.ge [sflag:s15], $0x2800  }
0x8f: {  	s23 =	rddreg [dreg:$0x5];
	[sflag:s15] =	ssyncset.done $0x0  }
0x90: {  	s21 =	rddreg [dreg:$0x4];
	[sflag:s15] =	ssyncadd.s32 $0xFFFFD800;
	s13 =	sadd.s32 $0x0, s23  }
0x91: {  	[tilespmem:s30], [sflag:$0x8] =	stream.linear.gather [hbm4b:s13+s4], $0x50, $0x38;
	[tilespmem:$0x1E400] =	vst v63  }
0x92: {  	s23 =	sadd.s32 $0x0, s21  }
0x93: {  	[tilespmem:s31], [sflag:$0x8] =	stream.linear.gather [hbm4b:s23+s4], $0x50, $0x38;
	[tilespmem:$0x1E400] =	vst v63  }
0x94: {  	_ =	swait.ge [sflag:s11], $0x50  }
0x95: {  	[sflag:s11] =	ssyncset.done $0x0  }
0x96: {  	[sflag:s11] =	ssyncadd.s32 $0xFFFFFFB0  }
0x97: {  	_ =	swait.ge [sflag:s11], $0x50  }
0x98: {  	[sflag:s11] =	ssyncset.done $0x0  }
0x99: {  	s22 =	simm.s32 $0x28;
	s13 =	sadd.s32 $0x140, s20;
	[sflag:s11] =	ssyncadd.s32 $0xFFFFFFB0  }
.LBB2_2:
0x9a: {  	[tilespmem:s12], [sflag:$0x3] =	stream.indirect.gather [hbm4b:s2+s1], $0x80, s28, s1, $0xb8;
	[tilespmem:$0x1E400] =	vst v63  }
0x9b: {  	_ =	swait.ge [sflag:s14], $0x2800  }
0x9c: {  	[sflag:s14] =	ssyncset.done $0x0  }
0x9d: {  	[sflag:s14] =	ssyncadd.s32 $0xFFFFD800  }
0x9e: {  	[spmem:s3] =	stream.indirect.scatter.add.f32 [tilespmem:s7], [sflag:$0xA], $0x80, s24, s1, $0xb8;
	[tilespmem:$0x1E400] =	vst v63  }
0x9f: {  	_ =	swait.ge [sflag:s15], $0x2800  }
0xa0: {  	s21 =	sshrl.u32 s13, $0x3;
	[sflag:s15] =	ssyncset.done $0x0  }
0xa1: {  	s20 =	sadd.s32 s5, s21;
	[sflag:s15] =	ssyncadd.s32 $0xFFFFD800  }
0xa2: {  	[tilespmem:s4], [sflag:$0x5] =	stream.linear.gather [hbm4b:s20+s4], $0x50, $0x38;
	[tilespmem:$0x1E400] =	vst v63  }
0xa3: {  	s21 =	sadd.s32 s6, s21  }
0xa4: {  	[tilespmem:s24], [sflag:$0x5] =	stream.linear.gather [hbm4b:s21+s4], $0x50, $0x38;
	[tilespmem:$0x1E400] =	vst v63  }
0xa5: {  	_ =	swait.ge [sflag:s9], $0x50  }
0xa6: {  	[sflag:s9] =	ssyncset.done $0x0  }
0xa7: {  	[sflag:s9] =	ssyncadd.s32 $0xFFFFFFB0  }
0xa8: {  	_ =	swait.ge [sflag:s9], $0x50  }
0xa9: {  	[sflag:s9] =	ssyncset.done $0x0  }
0xaa: {  	[sflag:s9] =	ssyncadd.s32 $0xFFFFFFB0  }
0xab: {  	[tilespmem:s16], [sflag:$0x4] =	stream.indirect.gather [hbm4b:s2+s1], $0x80, s30, s1, $0xb8;
	[tilespmem:$0x1E400] =	vst v63  }
0xac: {  	_ =	swait.ge [sflag:s17], $0x2800  }
0xad: {  	[sflag:s17] =	ssyncset.done $0x0  }
0xae: {  	[sflag:s17] =	ssyncadd.s32 $0xFFFFD800  }
0xaf: {  	[spmem:s3] =	stream.indirect.scatter.add.f32 [tilespmem:s10], [sflag:$0xA], $0x80, s26, s1, $0xb8;
	[tilespmem:$0x1E400] =	vst v63  }
0xb0: {  	_ =	swait.ge [sflag:s15], $0x2800  }
0xb1: {  	s23 =	smov.u32 s22;
	s20 =	rddreg [dreg:$0x9];
	[sflag:s15] =	ssyncset.done $0x0  }
0xb2: {  	s21 =	rddreg [dreg:$0x8];
	[sflag:s15] =	ssyncadd.s32 $0xFFFFD800;
	s20 =	sadd.s32 s23, s20  }
0xb3: {  	[tilespmem:s25], [sflag:$0x6] =	stream.linear.gather [hbm4b:s20+s4], $0x50, $0x38;
	[tilespmem:$0x1E400] =	vst v63  }
0xb4: {  	s21 =	sadd.s32 s23, s21  }
0xb5: {  	[tilespmem:s26], [sflag:$0x6] =	stream.linear.gather [hbm4b:s21+s4], $0x50, $0x38;
	[tilespmem:$0x1E400] =	vst v63  }
0xb6: {  	_ =	swait.ge [sflag:s0], $0x50  }
0xb7: {  	[sflag:s0] =	ssyncset.done $0x0  }
0xb8: {  	[sflag:s0] =	ssyncadd.s32 $0xFFFFFFB0  }
0xb9: {  	_ =	swait.ge [sflag:s0], $0x50  }
0xba: {  	[sflag:s0] =	ssyncset.done $0x0  }
0xbb: {  	[sflag:s0] =	ssyncadd.s32 $0xFFFFFFB0  }
0xbc: {  	[tilespmem:s7], [sflag:$0x1] =	stream.indirect.gather [hbm4b:s2+s1], $0x80, s4, s1, $0xb8;
	[tilespmem:$0x1E400] =	vst v63  }
0xbd: {  	_ =	swait.ge [sflag:s18], $0x2800  }
0xbe: {  	[sflag:s18] =	ssyncset.done $0x0  }
0xbf: {  	[sflag:s18] =	ssyncadd.s32 $0xFFFFD800  }
0xc0: {  	[spmem:s3] =	stream.indirect.scatter.add.f32 [tilespmem:s12], [sflag:$0xA], $0x80, s29, s1, $0xb8;
	[tilespmem:$0x1E400] =	vst v63  }
0xc1: {  	_ =	swait.ge [sflag:s15], $0x2800  }
0xc2: {  	s20 =	rddreg [dreg:$0x7];
	[sflag:s15] =	ssyncset.done $0x0  }
0xc3: {  	s21 =	rddreg [dreg:$0x6];
	[sflag:s15] =	ssyncadd.s32 $0xFFFFD800;
	s20 =	sadd.s32 s23, s20  }
0xc4: {  	[tilespmem:s28], [sflag:$0x7] =	stream.linear.gather [hbm4b:s20+s4], $0x50, $0x38;
	[tilespmem:$0x1E400] =	vst v63  }
0xc5: {  	s21 =	sadd.s32 s23, s21  }
0xc6: {  	[tilespmem:s29], [sflag:$0x7] =	stream.linear.gather [hbm4b:s21+s4], $0x50, $0x38;
	[tilespmem:$0x1E400] =	vst v63  }
0xc7: {  	_ =	swait.ge [sflag:s8], $0x50  }
0xc8: {  	[sflag:s8] =	ssyncset.done $0x0  }
0xc9: {  	[sflag:s8] =	ssyncadd.s32 $0xFFFFFFB0  }
0xca: {  	_ =	swait.ge [sflag:s8], $0x50  }
0xcb: {  	[sflag:s8] =	ssyncset.done $0x0  }
0xcc: {  	[sflag:s8] =	ssyncadd.s32 $0xFFFFFFB0  }
0xcd: {  	[tilespmem:s10], [sflag:$0x2] =	stream.indirect.gather [hbm4b:s2+s1], $0x80, s25, s1, $0xb8;
	[tilespmem:$0x1E400] =	vst v63  }
0xce: {  	_ =	swait.ge [sflag:s19], $0x2800  }
0xcf: {  	[sflag:s19] =	ssyncset.done $0x0  }
0xd0: {  	[sflag:s19] =	ssyncadd.s32 $0xFFFFD800  }
0xd1: {  	[spmem:s3] =	stream.indirect.scatter.add.f32 [tilespmem:s16], [sflag:$0xA], $0x80, s31, s1, $0xb8;
	[tilespmem:$0x1E400] =	vst v63  }
0xd2: {  	_ =	swait.ge [sflag:s15], $0x2800  }
0xd3: {  	s20 =	rddreg [dreg:$0x5];
	[sflag:s15] =	ssyncset.done $0x0  }
0xd4: {  	s21 =	rddreg [dreg:$0x4];
	[sflag:s15] =	ssyncadd.s32 $0xFFFFD800;
	s20 =	sadd.s32 s23, s20  }
0xd5: {  	[tilespmem:s30], [sflag:$0x8] =	stream.linear.gather [hbm4b:s20+s4], $0x50, $0x38;
	[tilespmem:$0x1E400] =	vst v63  }
0xd6: {  	s23 =	sadd.s32 s23, s21  }
0xd7: {  	[tilespmem:s31], [sflag:$0x8] =	stream.linear.gather [hbm4b:s23+s4], $0x50, $0x38;
	[tilespmem:$0x1E400] =	vst v63  }
0xd8: {  	p0 =	sne.s32 s22, $0x488;
	_ =	swait.ge [sflag:s11], $0x50  }
.Ltmp0:
0xd9: {  	[sflag:s11] =	ssyncset.done $0x0;
	(pc) =	sbr.rel @p0 .LBB2_2-.Ltmp0, $4  }
0xda: {  	[sflag:s11] =	ssyncadd.s32 $0xFFFFFFB0  }
0xdb: {  	_ =	swait.ge [sflag:s11], $0x50  }
0xdc: {  	[sflag:s11] =	ssyncset.done $0x0  }
0xdd: {  	s22 =	sadd.s32 $0x28, s22;
	s13 =	sadd.s32 $0x140, s13;
	[sflag:s11] =	ssyncadd.s32 $0xFFFFFFB0  }
0xde: {  	[tilespmem:s12], [sflag:$0x3] =	stream.indirect.gather [hbm4b:s2+s1], $0x80, s28, s1, $0xb8;
	[tilespmem:$0x1E400] =	vst v63  }
0xdf: {  	_ =	swait.ge [sflag:s14], $0x2800  }
0xe0: {  	[sflag:s14] =	ssyncset.done $0x0  }
0xe1: {  	[sflag:s14] =	ssyncadd.s32 $0xFFFFD800  }
0xe2: {  	[spmem:s3] =	stream.indirect.scatter.add.f32 [tilespmem:s7], [sflag:$0xA], $0x80, s24, s1, $0xb8;
	[tilespmem:$0x1E400] =	vst v63  }
0xe3: {  	_ =	swait.ge [sflag:s15], $0x2800  }
0xe4: {  	[sflag:s15] =	ssyncset.done $0x0  }
0xe5: {  	s13 =	rddreg [dreg:$0x16];
	[sflag:s15] =	ssyncadd.s32 $0xFFFFD800  }
0xe6: {  	[tilespmem:s4], [sflag:$0x5] =	stream.linear.gather [hbm4b:s13+s4], $0x50, $0x38;
	[tilespmem:$0x1E400] =	vst v63  }
0xe7: {  	s20 =	rddreg [dreg:$0x17]  }
0xe8: {  	[tilespmem:s24], [sflag:$0x5] =	stream.linear.gather [hbm4b:s20+s4], $0x50, $0x38;
	[tilespmem:$0x1E400] =	vst v63  }
0xe9: {  	_ =	swait.ge [sflag:s9], $0x50  }
0xea: {  	[sflag:s9] =	ssyncset.done $0x0  }
0xeb: {  	[sflag:s9] =	ssyncadd.s32 $0xFFFFFFB0  }
0xec: {  	_ =	swait.ge [sflag:s9], $0x50  }
0xed: {  	[sflag:s9] =	ssyncset.done $0x0  }
0xee: {  	[sflag:s9] =	ssyncadd.s32 $0xFFFFFFB0  }
0xef: {  	[tilespmem:s16], [sflag:$0x4] =	stream.indirect.gather [hbm4b:s2+s1], $0x80, s30, s1, $0xb8;
	[tilespmem:$0x1E400] =	vst v63  }
0xf0: {  	_ =	swait.ge [sflag:s17], $0x2800  }
0xf1: {  	[sflag:s17] =	ssyncset.done $0x0  }
0xf2: {  	[sflag:s17] =	ssyncadd.s32 $0xFFFFD800  }
0xf3: {  	[spmem:s3] =	stream.indirect.scatter.add.f32 [tilespmem:s10], [sflag:$0xA], $0x80, s26, s1, $0xb8;
	[tilespmem:$0x1E400] =	vst v63  }
0xf4: {  	_ =	swait.ge [sflag:s15], $0x2800  }
0xf5: {  	[sflag:s15] =	ssyncset.done $0x0  }
0xf6: {  	[sflag:s15] =	ssyncadd.s32 $0xFFFFD800  }
0xf7: {  	_ =	swait.ge [sflag:s0], $0x50  }
0xf8: {  	[sflag:s0] =	ssyncset.done $0x0  }
0xf9: {  	[sflag:s0] =	ssyncadd.s32 $0xFFFFFFB0  }
0xfa: {  	_ =	swait.ge [sflag:s0], $0x50  }
0xfb: {  	[sflag:s0] =	ssyncset.done $0x0  }
0xfc: {  	[sflag:s0] =	ssyncadd.s32 $0xFFFFFFB0  }
0xfd: {  	[tilespmem:s7], [sflag:$0x1] =	stream.indirect.gather [hbm4b:s2+s1], $0x80, s4, s1, $0xb8;
	[tilespmem:$0x1E400] =	vst v63  }
0xfe: {  	_ =	swait.ge [sflag:s18], $0x2800  }
0xff: {  	[sflag:s18] =	ssyncset.done $0x0  }
0x100: {  	[sflag:s18] =	ssyncadd.s32 $0xFFFFD800  }
0x101: {  	[spmem:s3] =	stream.indirect.scatter.add.f32 [tilespmem:s12], [sflag:$0xA], $0x80, s29, s1, $0xb8;
	[tilespmem:$0x1E400] =	vst v63  }
0x102: {  	_ =	swait.ge [sflag:s15], $0x2800  }
0x103: {  	[sflag:s15] =	ssyncset.done $0x0  }
0x104: {  	[sflag:s15] =	ssyncadd.s32 $0xFFFFD800  }
0x105: {  	_ =	swait.ge [sflag:s19], $0x2800  }
0x106: {  	[sflag:s19] =	ssyncset.done $0x0  }
0x107: {  	[sflag:s19] =	ssyncadd.s32 $0xFFFFD800  }
0x108: {  	[spmem:s3] =	stream.indirect.scatter.add.f32 [tilespmem:s16], [sflag:$0xA], $0x80, s31, s1, $0xb8;
	[tilespmem:$0x1E400] =	vst v63  }
0x109: {  	_ =	swait.ge [sflag:s15], $0x2800  }
0x10a: {  	[sflag:s15] =	ssyncset.done $0x0  }
0x10b: {  	[sflag:s15] =	ssyncadd.s32 $0xFFFFD800  }
0x10c: {  	_ =	swait.ge [sflag:s14], $0x2800  }
0x10d: {  	[sflag:s14] =	ssyncset.done $0x0  }
0x10e: {  	[sflag:s14] =	ssyncadd.s32 $0xFFFFD800  }
0x10f: {  	[spmem:s3] =	stream.indirect.scatter.add.f32 [tilespmem:s7], [sflag:$0xA], $0x80, s24, s1, $0xb8;
	[tilespmem:$0x1E400] =	vst v63  }
0x110: {  	_ =	swait.ge [sflag:s15], $0x2800  }
0x111: {  	[sflag:s15] =	ssyncset.done $0x0  }
0x112: {  	[sflag:s15] =	ssyncadd.s32 $0xFFFFD800  }
0x113: {  	[bflag:$0x0] =	sbarrier.arrive $0xFFFF  }
0x114: {  	s21 =	rddreg [dreg:$0xc]  }
0x115: {  	s20 =	rddreg [dreg:$0x18]  }
0x116: {  	s13 =	sor.u32 $0x1C0A, s21;
	s21 =	rddreg [dreg:$0x1c]  }
0x117: {  	[hbm:s20], [sflag:s13] =	dma.local [spmem:s21], $0x2800  }
0x118: {  	_ =	swait.ge [sflag:s15], $0x2800  }
0x119: {  	s22 =	rddreg [dreg:$0x1b]  }
0x11a: {  	s23 =	rddreg [dreg:$0x19];
	s20 =	sadd.s32 $0x1, s22  }
0x11b: {  	p0 =	sne.s32 s20, s23  }
.Ltmp1:
0x11c: {  	_ = 	snop;
	(pc) =	sbr.rel @p0 .LBB2_1-.Ltmp1, $3  }
0x11d: {  	_ =	sdelay $0x1  }
0x11e: {  	[sflag:s15] =	ssyncset.done $0x0  }
0x11f: {  	[sflag:s15] =	ssyncadd.s32 $0xFFFFD800  }
0x120: {  	_ =	sfence.sel $0x180000  }
0x121: {  	[bflag:$0x0] =	sbarrier.arrive $0xFFFF  }
0x122: {  	_ =	strace $0x9000004D  }
0x123: {  	s0 =	stileid.u32;
	[bflag:$0x2] =	sbarrier.arrive $0xFFFF  }
0x124: {  	p0 =	sne.s32 s0, $0x0;
	s0 =	rddreg [dreg:$0x3]  }
0x125: {  	s0 =	sadd.s32 @!p0 $0x100000, s0  }
0x126: {  	[sflag:s0] =	ssyncadd.tile.s32 @!p0 $0x1;
	_ =	shalt  }
.Lfunc_end2:
_tile_overlayer_lowered:
.L_overlay_start_2:
0x127: {  	(tag) =	ssettag $0x2  }
0x128: {  	s0 =	rddreg [dreg:$0x0];
	s2 =	stileid.u32  }
0x129: {  	s1 =	rddreg [dreg:$0x1];
	p0 =	sne.s32 s2, $0x0  }
0x12a: {  	s3 =	rddreg [dreg:$0x2];
	[bflag:$0x3] =	sbarrier.arrive $0xFFFF;
	s2 =	simm.s32 @!p0 $0x1C0A  }
0x12b: {  	[timem:s3], [sflag:s2] =	dma.local @!p0 [hbm:s0], s1  }
0x12c: {  	s0 =	simm.s32 @!p0 $0xA  }
0x12d: {  	_ =	swait.ge @!p0 [sflag:s0], s1  }
0x12e: {  	s1 =	ssub.s32 @!p0 $0x0, s1;
	[sflag:s0] =	ssyncset.done @!p0 $0x0  }
0x12f: {  	[sflag:s0] =	ssyncadd.s32 @!p0 s1  }
0x130: {  	[bflag:$0x3] =	sbarrier.arrive $0xFFFF  }
0x131: {  	_ =	shalt  }

// kernel: kernel.8.cloned.1.call-start
scs
__scs_entry_jumppad:
0x0: {  	(pc) =	sbr.rel $0x88, $3  }
0x1: {  	(tag) =	ssettag $0x0;
	lr =	simm.s32 $0x1  }
0x2: {  	[smem:$0x3F92] =	sst lr;
	_ =	strace $0xD0000000  }
0x3: {  	_ = 	snop  }
0x4: {  	_ = 	snop  }
0x5: {  	_ = 	snop  }
0x6: {  	_ = 	snop  }
0x7: {  	_ = 	snop  }
__scs_overlays_trampoline_lowered:
0x8: {  	[smem:$0x3FA1] =	sst s0  }
0x9: {  	[smem:$0x3FA2] =	sst s1  }
0xa: {  	[smem:$0x3FA3] =	sst s2  }
0xb: {  	[smem:$0x3FA4] =	sst s3  }
0xc: {  	[smem:$0x3FA5] =	sst s4  }
0xd: {  	[smem:$0x3FA6] =	sst s5  }
0xe: {  	[smem:$0x3FA7] =	sst s6  }
0xf: {  	[smem:$0x3FA8] =	sst s7  }
0x10: {  	[smem:$0x3FA9] =	sst s8  }
0x11: {  	[smem:$0x3FAA] =	sst s9;
	s0 =	simm.s32 @!p0 $0x0  }
0x12: {  	s1 =	sld [smem:$0x3F90];
	s0 =	simm.s32 @p0 $0x1  }
0x13: {  	[smem:$0x3FAB] =	sst s0;
	s0 =	simm.s32 @!p1 $0x0  }
0x14: {  	s2 =	sld [smem:$0x3F8F];
	s0 =	simm.s32 @p1 $0x1  }
0x15: {  	[smem:$0x3FAC] =	sst s0;
	s0 =	simm.s32 @!p2 $0x0  }
0x16: {  	s3 =	sld [smem:$0x3FDB];
	s0 =	simm.s32 @p2 $0x1  }
0x17: {  	s4 =	simm.s32 $0x1BF5;
	[smem:$0x3FAE] =	sst s0  }
0x18: {  	s0 =	sld [smem:$0x3F91];
	_ =	swait.ge [sflag:s4], $0x0  }
0x19: {  	s7 =	sld [smem:$0x3F92]  }
0x1a: {  	s8 =	sadd.s32 $0xFFFFE003, lr  }
0x1b: {  	s9 =	sadd.s32 $0xFFFFFEF7, lr;
	s5 =	simm.s32 $0xFFFFFFFF;
	p2 =	slt.u32 s8, $0xFFFFF086  }
0x1c: {  	p1 =	slt.u32 s9, $0xF7A;
	s5 =	simm.s32 @!p2 $0x0  }
0x1d: {  	s5 =	simm.s32 @p1 $0x1;
	p0 =	seq.s32 s7, s2  }
0x1e: {  	s7 =	smul.u32 @!p0 $0xF7A, s2;
	p2 =	seq.s32 @!p0 s5, $0x0  }
0x1f: {  	s9 =	smul.u32 $0xF7A, s1;
	s8 =	simm.s32 @!p0 $0x1BF5;
	p2 =	por !p2, p0  }
0x20: {  	[sflag:s8] =	ssyncset.s32 @!p0 $0xFFFFF086;
	s6 =	sadd.s32 @!p0 s3, s7;
	s7 =	simm.s32 @!p0 $0x108  }
0x21: {  	s3 =	sadd.s32 s3, s9;
	s6 =	sadd.s32 @!p0 $0x88, s6;
	s7 =	simm.s32 @p2 $0x1082  }
0x22: {  	[simem:s7], [sflag:s8] =	dma.local @!p0 [hbm:s6], $0xF7A  }
0x23: {  	s9 =	sor.u32 $0xD0000000, s2;
	s6 =	simm.s32 $0x108;
	_ =	swait.ge @!p0 [sflag:s8], $0x0  }
0x24: {  	s3 =	sadd.s32 $0x88, s3;
	s6 =	simm.s32 @!p1 $0x1082;
	[sflag:s4] =	ssyncset.s32 $0xFFFFF086  }
0x25: {  	[simem:s6], [sflag:s4] =	dma.local [hbm:s3], $0xF7A  }
0x26: {  	[smem:$0x3F92] =	sst s1;
	(tag) =	ssettag s2;
	_ =	strace s9  }
0x27: {  	s1 =	sld [smem:$0x3FA2]  }
0x28: {  	s2 =	sld [smem:$0x3FA3]  }
0x29: {  	s4 =	sld [smem:$0x3FA5]  }
0x2a: {  	p0 =	seq.s32 s5, $0x0;
	s5 =	sld [smem:$0x3FA6]  }
0x2b: {  	s6 =	sld [smem:$0x3FA7]  }
0x2c: {  	s7 =	sld [smem:$0x3FA8]  }
0x2d: {  	s3 =	simm.s32 $0x108;
	s8 =	sld [smem:$0x3FA9]  }
0x2e: {  	s3 =	simm.s32 @!p0 $0x1082;
	s9 =	sld [smem:$0x3FAA]  }
0x2f: {  	lr =	sadd.s32 s0, s3;
	s0 =	sld [smem:$0x3FA1]  }
0x30: {  	s3 =	sld [smem:$0x3FA4]  }
0x31: {  	[smem:$0x3FAD] =	sst s10  }
0x32: {  	s10 =	sld [smem:$0x3FAB];
	_ =	sdelay $0x3  }
0x33: {  	p0 =	seq.s32 s10, $0x1;
	s10 =	sld [smem:$0x3FAD];
	_ =	sdelay $0x3  }
0x34: {  	[smem:$0x3FAD] =	sst s10  }
0x35: {  	s10 =	sld [smem:$0x3FAC];
	_ =	sdelay $0x3  }
0x36: {  	p1 =	seq.s32 s10, $0x1;
	s10 =	sld [smem:$0x3FAD];
	_ =	sdelay $0x3  }
0x37: {  	[smem:$0x3FAD] =	sst s10  }
0x38: {  	s10 =	sld [smem:$0x3FAE]  }
0x39: {  	_ = 	snop;
	(pc) =	sbr.ind lr, $3  }
0x3a: {  	_ = 	snop  }
0x3b: {  	_ = 	snop  }
0x3c: {  	p2 =	seq.s32 s10, $0x1;
	s10 =	sld [smem:$0x3FAD]  }
0x3d: {  	_ =	shalt  }
0x3e: {  	_ =	shalt  }
0x3f: {  	_ =	shalt  }
0x40: {  	_ =	shalt  }
0x41: {  	_ =	shalt  }
0x42: {  	_ =	shalt  }
0x43: {  	_ =	shalt  }
0x44: {  	_ =	shalt  }
0x45: {  	_ =	shalt  }
0x46: {  	_ =	shalt  }
0x47: {  	_ =	shalt  }
0x48: {  	_ =	shalt  }
0x49: {  	_ =	shalt  }
0x4a: {  	_ =	shalt  }
0x4b: {  	_ =	shalt  }
0x4c: {  	_ =	shalt  }
0x4d: {  	_ =	shalt  }
0x4e: {  	_ =	shalt  }
0x4f: {  	_ =	shalt  }
0x50: {  	_ =	shalt  }
0x51: {  	_ =	shalt  }
0x52: {  	_ =	shalt  }
0x53: {  	_ =	shalt  }
0x54: {  	_ =	shalt  }
0x55: {  	_ =	shalt  }
0x56: {  	_ =	shalt  }
0x57: {  	_ =	shalt  }
0x58: {  	_ =	shalt  }
0x59: {  	_ =	shalt  }
0x5a: {  	_ =	shalt  }
0x5b: {  	_ =	shalt  }
0x5c: {  	_ =	shalt  }
0x5d: {  	_ =	shalt  }
0x5e: {  	_ =	shalt  }
0x5f: {  	_ =	shalt  }
0x60: {  	_ =	shalt  }
0x61: {  	_ =	shalt  }
0x62: {  	_ =	shalt  }
0x63: {  	_ =	shalt  }
0x64: {  	_ =	shalt  }
0x65: {  	_ =	shalt  }
0x66: {  	_ =	shalt  }
0x67: {  	_ =	shalt  }
0x68: {  	_ =	shalt  }
0x69: {  	_ =	shalt  }
0x6a: {  	_ =	shalt  }
0x6b: {  	_ =	shalt  }
0x6c: {  	_ =	shalt  }
0x6d: {  	_ =	shalt  }
0x6e: {  	_ =	shalt  }
0x6f: {  	_ =	shalt  }
0x70: {  	_ =	shalt  }
0x71: {  	_ =	shalt  }
0x72: {  	_ =	shalt  }
0x73: {  	_ =	shalt  }
0x74: {  	_ =	shalt  }
0x75: {  	_ =	shalt  }
0x76: {  	_ =	shalt  }
0x77: {  	_ =	shalt  }
0x78: {  	_ =	shalt  }
0x79: {  	_ =	shalt  }
0x7a: {  	_ =	shalt  }
0x7b: {  	_ =	shalt  }
0x7c: {  	_ =	shalt  }
0x7d: {  	_ =	shalt  }
0x7e: {  	_ =	shalt  }
0x7f: {  	_ =	shalt  }
0x80: {  	_ =	shalt  }
0x81: {  	_ =	shalt  }
0x82: {  	_ =	shalt  }
0x83: {  	_ =	shalt  }
0x84: {  	_ =	shalt  }
0x85: {  	_ =	shalt  }
0x86: {  	_ =	shalt  }
0x87: {  	_ =	shalt  }
.Lfunc_end0:
.L_simem_size_0:
called_computation_lowered:
.L_overlay_start_0:
0x88: {  	s2 =	sld [smem:$0x3FD9]  }
0x89: {  	s3 =	sld [smem:$0x3FFE];
	_ =	sdelay $0x1  }
0x8a: {  	s1 =	srdreg.scid  }
0x8b: {  	s0 =	sand.u32 $0x1, s1  }
0x8c: {  	s17 =	sshll.u32 s0, $0xA;
	s2 =	sadd.s32 s3, s2  }
0x8d: {  	s2 =	sadd.s32 s2, s17  }
0x8e: {  	[smem:$0x3FB9] =	sst s2  }
0x8f: {  	_ = 	snop  }
0x90: {  	s2 =	sld [smem:$0x3FC9];
	(tm) =	ssettm $0x1  }
0x91: {  	s18 =	sld [smem:$0x3FFB];
	_ =	sdelay $0x3  }
0x92: {  	_ =	strace s18  }
0x93: {  	s3 =	sld [smem:$0x3FFC];
	_ =	sdelay $0x3  }
0x94: {  	_ =	strace s3  }
0x95: {  	s3 =	sld [smem:$0x3FFD];
	_ =	sdelay $0x3  }
0x96: {  	_ =	strace s3  }
0x97: {  	_ =	strace $0x8FFFFFFF  }
0x98: {  	s19 =	sld [smem:$0x3FDB];
	_ =	sdelay $0x1  }
0x99: {  	s4 =	simm.s32 $_scs_section_size  }
0x9a: {  	s5 =	simm.s32 $_size__tile_overlayer_lowered;
	s6 =	simm.s32 $_tile_overlayer_lowered  }
0x9b: {  	s22 =	simm.s32 $0x1BFF;
	s21 =	sshll.u32 s6, $0x1;
	s3 =	sadd.s32 s4, s19  }
0x9c: {  	s7 =	simm.s32 $0x0;
	s20 =	sshll.u32 s5, $0x1;
	s5 =	sadd.s32 s21, s3  }
0x9d: {  	[timem:s7], [sflag:s22] =	dma.local [hbm:s5], s20  }
0x9e: {  	_ =	swait.ge [sflag:s22], s20  }
0x9f: {  	s4 =	ssub.s32 $0x0, s20;
	[sflag:s22] =	ssyncset.done $0x0  }
0xa0: {  	[sflag:s22] =	ssyncadd.s32 s4;
	_ =	sdelay $0x1  }
0xa1: {  	s23 =	simm.s32 $0x1B8B  }
0xa2: {  	_ =	swait.ge [sflag:s23], $0x1  }
0xa3: {  	[sflag:s23] =	ssyncset.done $0x0  }
0xa4: {  	s25 =	simm.s32 $0x1B8E;
	s24 =	sld [smem:$0x3FFE];
	[sflag:s23] =	ssyncadd.s32 $0xFFFFFFFF  }
0xa5: {  	s26 =	simm.s32 $execute0_lowered;
	[smem:$0x3FD2] =	sst s25  }
0xa6: {  	s5 =	sshll.u32 s26, $0x1;
	_ =	strace $0x80000046;
	[dreg:$0x1] =	wrdreg $0xFFFFFFFF  }
0xa7: {  	s28 =	simm.s32 $_size_execute0_lowered;
	s3 =	sadd.s32 s3, s5;
	[dreg:$0x0] =	wrdreg $0x0  }
0xa8: {  	s5 =	sshll.u32 s28, $0x1;
	[dreg:$0x2] =	wrdreg s3  }
0xa9: {  	[dreg:$0x3] =	wrdreg s5  }
0xaa: {  	[dreg:$0x4] =	wrdreg $0xC0  }
0xab: {  	_ =	task [dreg:s7], $0x5FFFF  }
0xac: {  	[dreg:$0x1] =	wrdreg $0xFFFFFFFF  }
0xad: {  	[dreg:$0x0] =	wrdreg $0x60  }
0xae: {  	[dreg:$0x2] =	wrdreg s2  }
0xaf: {  	[dreg:$0x3] =	wrdreg s24  }
0xb0: {  	[dreg:$0x4] =	wrdreg $0xA4000  }
0xb1: {  	[dreg:$0x5] =	wrdreg $0x9  }
0xb2: {  	_ =	task.clear_ibuf [dreg:s7], $0x6FFFF;
	_ =	strace $0x90000046  }
0xb3: {  	s29 =	simm.s32 $0x9;
	_ =	strace $0x80000048  }
0xb4: {  	_ =	swait.ge [sflag:s29], $0x1  }
0xb5: {  	[sflag:s29] =	ssyncadd.s32 $0xFFFFFFFF  }
0xb6: {  	_ =	strace $0x90000048  }
0xb7: {  	_ =	sfence  }
0xb8: {  	s30 =	sld [smem:$0x0];
	_ =	sdelay $0x2  }
0xb9: {  	s31 =	sshll.u32 s1, $0xD;
	s1 =	sshrl.u32 s1, $0x2  }
0xba: {  	s3 =	sand.u32 $0x4000, s31;
	s1 =	sadd.s32 s1, s30  }
0xbb: {  	s0 =	sor.u32 s3, s0;
	s1 =	sshll.u32 s1, $0x11  }
0xbc: {  	s0 =	sor.u32 s1, s0  }
0xbd: {  	s0 =	sadd.s32 $0x8F2B, s0  }
0xbe: {  	[sflag:s0] =	ssyncadd.remote.s32 $0x1  }
0xbf: {  	_ =	sfence.sel $0xFFFF  }
0xc0: {  	[dreg:$0x0] =	wrdreg $0xFFFFFFFF;
	(pc) =	sbr.abs _section_cstart, $3  }
0xc1: {  	[dreg:$0x1] =	wrdreg $0xFFFFFFFF  }
0xc2: {  	_ =	task.clear_ibuf [dreg:s7], $0x2FFFF;
	_ =	strace $0x9FFFFFFF  }
0xc3: {  	(tm) =	ssettm $0x7FFFFFFF  }
tec
execute0_lowered:
.L_overlay_start_1:
0x0: {  	(tag) =	ssettag $0x1  }
0x1: {  	s6 =	rddreg [dreg:$0x0]  }
0x2: {  	s0 =	rddreg [dreg:$0x1]  }
0x3: {  	s3 =	rddreg [dreg:$0x2]  }
0x4: {  	s16 =	stileid.u32;
	s1 =	srdreg.scid  }
0x5: {  	s4 =	simm.s32 $0x0;
	s29 =	simm.s32 $0x200;
	s30 =	simm.s32 $0x280  }
0x6: {  	s31 =	simm.s32 $0x300;
	s28 =	simm.s32 $0x3;
	s5 =	smul.u32 $0x14000, s16  }
0x7: {  	s1 =	sand.u32 $0x1, s1;
	[smem:$0x7FF] =	sst s4;
	s10 =	smul.u32 $0x50000, s16  }
0x8: {  	s21 =	sadd.s32 $0xD600, s0;
	s2 =	sadd.s32 $0x3800, s0;
	s14 =	smul.u32 $0x2710, s16  }
0x9: {  	s7 =	smul.u32 $0x140000, s1;
	_ =	strace $0x80000047;
	s11 =	sshll.u32 s1, $0x4  }
0xa: {  	s9 =	ssub.s32 $0x2, s1;
	s1 =	smul.u32 $0x27100, s1;
	[dreg:$0x7] =	wrdreg s2  }
0xb: {  	s8 =	sshrl.u32 s5, $0x3;
	s12 =	sshrl.u32 s9, $0x1;
	s13 =	sshrl.u32 s10, $0x2  }
0xc: {  	s5 =	sadd.s32 s5, s7;
	s26 =	sadd.s32 s8, s0;
	s8 =	sor.u32 s16, s11  }
0xd: {  	s1 =	sadd.s32 s14, s1;
	s5 =	sshrl.u32 s5, $0x3;
	s26 =	sadd.s32 $0x17400, s26  }
0xe: {  	s11 =	sadd.s32 $0x230, s1;
	s0 =	sadd.s32 s5, s0;
	s5 =	ssub.s32 s9, s12  }
0xf: {  	s9 =	sadd.s32 s13, s3;
	s11 =	sshrl.u32 s11, $0x3;
	[dreg:$0x9] =	wrdreg s26  }
0x10: {  	s8 =	smul.u32 $0x2710, s8;
	[dreg:$0x8] =	wrdreg s9;
	s14 =	sadd.s32 s11, s21  }
0x11: {  	s13 =	sadd.s32 $0x190, s1;
	s25 =	sadd.s32 $0x8F400, s0;
	[dreg:$0x4] =	wrdreg s14  }
0x12: {  	s8 =	sshrl.u32 s8, $0x3;
	s0 =	sadd.s32 $0x3F400, s0;
	[dreg:$0xf] =	wrdreg s25  }
0x13: {  	s13 =	sshrl.u32 s13, $0x3;
	s15 =	sadd.s32 s2, s8;
	[dreg:$0x15] =	wrdreg s0  }
0x14: {  	s22 =	sadd.s32 $0x1E0, s1;
	s24 =	sadd.s32 s13, s21;
	[dreg:$0xa] =	wrdreg s15  }
0x15: {  	s7 =	sadd.s32 $0xA, s8;
	s25 =	sshll.u32 s16, $0x6;
	[dreg:$0x6] =	wrdreg s24  }
0x16: {  	s18 =	sadd.s32 $0x14, s8;
	s17 =	sadd.s32 s2, s7;
	[dreg:$0x18] =	wrdreg s25  }
0x17: {  	s20 =	sadd.s32 $0x1E, s8;
	s19 =	sadd.s32 s2, s18;
	[dreg:$0xb] =	wrdreg s17  }
0x18: {  	s16 =	simm.s32 $0xA;
	s12 =	sadd.s32 s2, s20;
	[dreg:$0xc] =	wrdreg s19  }
0x19: {  	s15 =	sadd.s32 $0x4D8, s8;
	s8 =	sadd.s32 s21, s8;
	[dreg:$0xd] =	wrdreg s12  }
0x1a: {  	s7 =	sadd.s32 s21, s7;
	s14 =	sadd.s32 s21, s18;
	[dreg:$0x10] =	wrdreg s8  }
0x1b: {  	s24 =	sadd.s32 s13, s2;
	s0 =	sor.u32 $0x1C09, s25;
	[dreg:$0x11] =	wrdreg s7  }
0x1c: {  	s12 =	sshrl.u32 s22, $0x3;
	s17 =	sadd.s32 s2, s15;
	[dreg:$0x12] =	wrdreg s14  }
0x1d: {  	s18 =	sadd.s32 s21, s15;
	s19 =	smax.u32 s5, $0x1;
	s22 =	sadd.s32 s11, s2  }
0x1e: {  	[dreg:$0x19] =	wrdreg s0;
	s0 =	simm.s32 $0x380;
	s7 =	simm.s32 $0x5  }
0x1f: {  	s14 =	simm.s32 $0x50;
	s15 =	simm.s32 $0x7C00;
	[dreg:$0xe] =	wrdreg s17  }
0x20: {  	s5 =	simm.s32 $0x0;
	s11 =	simm.s32 $0x2C00;
	[dreg:$0x14] =	wrdreg s18  }
0x21: {  	s23 =	sadd.s32 s12, s21;
	s17 =	sadd.s32 s21, s20;
	[dreg:$0x16] =	wrdreg s19  }
0x22: {  	s20 =	sadd.s32 $0x140, s1;
	s18 =	simm.s32 $0x7;
	[dreg:$0x5] =	wrdreg s23  }
0x23: {  	s19 =	simm.s32 $0x8;
	[dreg:$0x13] =	wrdreg s17;
	s23 =	sadd.s32 s12, s2  }
0x24: {  	v0 =	vimm.f32 $1.000000000e+00;
	[dreg:$0x17] =	wrdreg s20;
	s17 =	simm.s32 $0x6;
	s12 =	simm.s32 $0x5400  }
.LBB2_1:
0x25: {  	[dreg:$0x1a] =	wrdreg s5  }
0x26: {  	s1 =	rddreg [dreg:$0x8]  }
0x27: {  	s25 =	rddreg [dreg:$0x19]  }
0x28: {  	s5 =	simm.s32 $0x200;
	s8 =	sshrl.u32 s1, $0x3;
	s1 =	simm.s32 $0x0  }
0x29: {  	[spmem:s8], [sflag:s25] =	dma.local [hbm:s26], $0x2800  }
.LBB2_2:
0x2a: {  	p0 =	sne.s32 s5, $0x9E00;
	[tilespmem:s1+$0x7C70] =	vst v0  }
0x2b: {  	[tilespmem:s1+$0x7C00] =	vst v0  }
0x2c: {  	[tilespmem:s1+$0x7C10] =	vst v0  }
.Ltmp0:
0x2d: {  	[tilespmem:s1+$0x7C20] =	vst v0;
	(pc) =	sbr.rel @p0 .LBB2_2-.Ltmp0, $4  }
0x2e: {  	[tilespmem:s1+$0x7C30] =	vst v0  }
0x2f: {  	[tilespmem:s1+$0x7C40] =	vst v0  }
0x30: {  	[tilespmem:s1+$0x7C50] =	vst v0  }
0x31: {  	[tilespmem:s1+$0x7C60] =	vst v0;
	s1 =	sshra.s32 s5, $0x2;
	s5 =	sadd.s32 $0x200, s5  }
0x32: {  	[tilespmem:s1+$0x7C70] =	vst v0  }
0x33: {  	[tilespmem:s1+$0x7C00] =	vst v0  }
0x34: {  	[tilespmem:s1+$0x7C10] =	vst v0  }
0x35: {  	[tilespmem:s1+$0x7C20] =	vst v0  }
0x36: {  	[tilespmem:s1+$0x7C30] =	vst v0  }
0x37: {  	[tilespmem:s1+$0x7C40] =	vst v0  }
0x38: {  	[tilespmem:s1+$0x7C50] =	vst v0  }
0x39: {  	[tilespmem:s1+$0x7C60] =	vst v0;
	s10 =	simm.s32 $0x0;
	s5 =	rddreg [dreg:$0xa]  }
0x3a: {  	[tilespmem:s29], [sflag:$0x5] =	stream.linear.gather [hbm4b:s5+s10], $0x50, $0x38;
	[tilespmem:$0x1E400] =	vst v63  }
0x3b: {  	s13 =	rddreg [dreg:$0xb]  }
0x3c: {  	[tilespmem:s30], [sflag:$0x6] =	stream.linear.gather [hbm4b:s13+s10], $0x50, $0x38;
	[tilespmem:$0x1E400] =	vst v63  }
0x3d: {  	s20 =	rddreg [dreg:$0xc]  }
0x3e: {  	[tilespmem:s31], [sflag:$0x7] =	stream.linear.gather [hbm4b:s20+s10], $0x50, $0x38;
	[tilespmem:$0x1E400] =	vst v63  }
0x3f: {  	s25 =	rddreg [dreg:$0xd];
	s5 =	simm.s32 $0x9  }
0x40: {  	[tilespmem:s0], [sflag:$0x8] =	stream.linear.gather [hbm4b:s25+s10], $0x50, $0x38;
	[tilespmem:$0x1E400] =	vst v63  }
0x41: {  	_ =	swait.ge [sflag:s5], $0x2800  }
0x42: {  	[sflag:s5] =	ssyncset.done $0x0  }
0x43: {  	[sflag:s5] =	ssyncadd.s32 $0xFFFFD800  }
0x44: {  	[bflag:$0x0] =	sbarrier.arrive $0xFFFF  }
0x45: {  	_ =	swait.ge [sflag:s7], $0x50  }
0x46: {  	[sflag:s7] =	ssyncset.done $0x0  }
0x47: {  	[sflag:s7] =	ssyncadd.s32 $0xFFFFFFB0  }
0x48: {  	[spmem:s3] =	stream.indirect.scatter.add.f32 [tilespmem:s15], [sflag:$0xA], $0x80, s29, s14, $0xb8;
	[tilespmem:$0x1E400] =	vst v63  }
0x49: {  	_ =	swait.ge [sflag:s16], $0x2800  }
0x4a: {  	s20 =	rddreg [dreg:$0x17]  }
0x4b: {  	[sflag:s16] =	ssyncset.done $0x0;
	s10 =	sshrl.u32 s20, $0x3  }
0x4c: {  	[sflag:s16] =	ssyncadd.s32 $0xFFFFD800;
	s13 =	sadd.s32 s2, s10  }
0x4d: {  	[tilespmem:s29], [sflag:$0x5] =	stream.linear.gather [hbm4b:s13+s4], $0x50, $0x38;
	[tilespmem:$0x1E400] =	vst v63  }
0x4e: {  	_ =	swait.ge [sflag:s17], $0x50  }
0x4f: {  	[sflag:s17] =	ssyncset.done $0x0  }
0x50: {  	[sflag:s17] =	ssyncadd.s32 $0xFFFFFFB0  }
0x51: {  	[spmem:s3] =	stream.indirect.scatter.add.f32 [tilespmem:s15], [sflag:$0xA], $0x80, s30, s14, $0xb8;
	[tilespmem:$0x1E400] =	vst v63  }
0x52: {  	_ =	swait.ge [sflag:s16], $0x2800  }
0x53: {  	[sflag:s16] =	ssyncset.done $0x0  }
0x54: {  	s9 =	sadd.s32 $0x0, s24;
	[sflag:s16] =	ssyncadd.s32 $0xFFFFD800  }
0x55: {  	[tilespmem:s30], [sflag:$0x6] =	stream.linear.gather [hbm4b:s9+s4], $0x50, $0x38;
	[tilespmem:$0x1E400] =	vst v63  }
0x56: {  	_ =	swait.ge [sflag:s18], $0x50  }
0x57: {  	[sflag:s18] =	ssyncset.done $0x0  }
0x58: {  	[sflag:s18] =	ssyncadd.s32 $0xFFFFFFB0  }
0x59: {  	[spmem:s3] =	stream.indirect.scatter.add.f32 [tilespmem:s15], [sflag:$0xA], $0x80, s31, s14, $0xb8;
	[tilespmem:$0x1E400] =	vst v63  }
0x5a: {  	_ =	swait.ge [sflag:s16], $0x2800  }
0x5b: {  	[sflag:s16] =	ssyncset.done $0x0  }
0x5c: {  	s25 =	sadd.s32 $0x0, s23;
	[sflag:s16] =	ssyncadd.s32 $0xFFFFD800  }
0x5d: {  	[tilespmem:s31], [sflag:$0x7] =	stream.linear.gather [hbm4b:s25+s4], $0x50, $0x38;
	[tilespmem:$0x1E400] =	vst v63  }
0x5e: {  	_ =	swait.ge [sflag:s19], $0x50  }
0x5f: {  	[sflag:s19] =	ssyncset.done $0x0  }
0x60: {  	[sflag:s19] =	ssyncadd.s32 $0xFFFFFFB0  }
0x61: {  	[spmem:s3] =	stream.indirect.scatter.add.f32 [tilespmem:s15], [sflag:$0xA], $0x80, s0, s14, $0xb8;
	[tilespmem:$0x1E400] =	vst v63  }
0x62: {  	_ =	swait.ge [sflag:s16], $0x2800  }
0x63: {  	s5 =	simm.s32 $0x28;
	[sflag:s16] =	ssyncset.done $0x0  }
0x64: {  	s1 =	sadd.s32 $0x140, s20;
	s25 =	sadd.s32 $0x0, s22;
	[sflag:s16] =	ssyncadd.s32 $0xFFFFD800  }
.LBB2_4:
0x65: {  	[tilespmem:s0], [sflag:$0x8] =	stream.linear.gather [hbm4b:s25+s4], $0x50, $0x38;
	[tilespmem:$0x1E400] =	vst v63  }
0x66: {  	s25 =	smov.u32 s5  }
0x67: {  	p0 =	sne.s32 s5, $0x488;
	s5 =	sadd.s32 $0x28, s5;
	_ =	swait.ge [sflag:s7], $0x50  }
0x68: {  	[sflag:s7] =	ssyncset.done $0x0  }
0x69: {  	[sflag:s7] =	ssyncadd.s32 $0xFFFFFFB0  }
0x6a: {  	[spmem:s3] =	stream.indirect.scatter.add.f32 [tilespmem:s15], [sflag:$0xA], $0x80, s29, s14, $0xb8;
	[tilespmem:$0x1E400] =	vst v63  }
0x6b: {  	_ =	swait.ge [sflag:s16], $0x2800  }
0x6c: {  	s20 =	sshrl.u32 s1, $0x3;
	[sflag:s16] =	ssyncset.done $0x0  }
0x6d: {  	s20 =	sadd.s32 s2, s20;
	[sflag:s16] =	ssyncadd.s32 $0xFFFFD800  }
0x6e: {  	[tilespmem:s29], [sflag:$0x5] =	stream.linear.gather [hbm4b:s20+s4], $0x50, $0x38;
	[tilespmem:$0x1E400] =	vst v63  }
0x6f: {  	_ =	swait.ge [sflag:s17], $0x50  }
0x70: {  	[sflag:s17] =	ssyncset.done $0x0  }
0x71: {  	[sflag:s17] =	ssyncadd.s32 $0xFFFFFFB0  }
0x72: {  	[spmem:s3] =	stream.indirect.scatter.add.f32 [tilespmem:s15], [sflag:$0xA], $0x80, s30, s14, $0xb8;
	[tilespmem:$0x1E400] =	vst v63  }
0x73: {  	_ =	swait.ge [sflag:s16], $0x2800  }
0x74: {  	[sflag:s16] =	ssyncset.done $0x0  }
0x75: {  	s20 =	sadd.s32 s25, s24;
	[sflag:s16] =	ssyncadd.s32 $0xFFFFD800  }
0x76: {  	[tilespmem:s30], [sflag:$0x6] =	stream.linear.gather [hbm4b:s20+s4], $0x50, $0x38;
	[tilespmem:$0x1E400] =	vst v63  }
0x77: {  	_ =	swait.ge [sflag:s18], $0x50  }
0x78: {  	[sflag:s18] =	ssyncset.done $0x0  }
0x79: {  	[sflag:s18] =	ssyncadd.s32 $0xFFFFFFB0  }
0x7a: {  	[spmem:s3] =	stream.indirect.scatter.add.f32 [tilespmem:s15], [sflag:$0xA], $0x80, s31, s14, $0xb8;
	[tilespmem:$0x1E400] =	vst v63  }
0x7b: {  	_ =	swait.ge [sflag:s16], $0x2800  }
0x7c: {  	[sflag:s16] =	ssyncset.done $0x0  }
0x7d: {  	s20 =	sadd.s32 s25, s23;
	[sflag:s16] =	ssyncadd.s32 $0xFFFFD800  }
0x7e: {  	[tilespmem:s31], [sflag:$0x7] =	stream.linear.gather [hbm4b:s20+s4], $0x50, $0x38;
	[tilespmem:$0x1E400] =	vst v63  }
0x7f: {  	_ =	swait.ge [sflag:s19], $0x50  }
0x80: {  	[sflag:s19] =	ssyncset.done $0x0  }
.Ltmp1:
0x81: {  	[sflag:s19] =	ssyncadd.s32 $0xFFFFFFB0;
	(pc) =	sbr.rel @p0 .LBB2_4-.Ltmp1, $4  }
0x82: {  	[spmem:s3] =	stream.indirect.scatter.add.f32 [tilespmem:s15], [sflag:$0xA], $0x80, s0, s14, $0xb8;
	[tilespmem:$0x1E400] =	vst v63  }
0x83: {  	_ =	swait.ge [sflag:s16], $0x2800  }
0x84: {  	[sflag:s16] =	ssyncset.done $0x0  }
0x85: {  	s1 =	sadd.s32 $0x140, s1;
	s25 =	sadd.s32 s25, s22;
	[sflag:s16] =	ssyncadd.s32 $0xFFFFD800  }
0x86: {  	[tilespmem:s0], [sflag:$0x8] =	stream.linear.gather [hbm4b:s25+s4], $0x50, $0x38;
	[tilespmem:$0x1E400] =	vst v63  }
0x87: {  	_ =	swait.ge [sflag:s7], $0x50  }
0x88: {  	[sflag:s7] =	ssyncset.done $0x0  }
0x89: {  	[sflag:s7] =	ssyncadd.s32 $0xFFFFFFB0  }
0x8a: {  	[spmem:s3] =	stream.indirect.scatter.add.f32 [tilespmem:s15], [sflag:$0xA], $0x80, s29, s14, $0xb8;
	[tilespmem:$0x1E400] =	vst v63  }
0x8b: {  	_ =	swait.ge [sflag:s16], $0x2800  }
0x8c: {  	[sflag:s16] =	ssyncset.done $0x0  }
0x8d: {  	s1 =	simm.s32 $0x0;
	s5 =	rddreg [dreg:$0xe];
	[sflag:s16] =	ssyncadd.s32 $0xFFFFD800  }
0x8e: {  	[tilespmem:s29], [sflag:$0x5] =	stream.linear.gather [hbm4b:s5+s1], $0x50, $0x38;
	[tilespmem:$0x1E400] =	vst v63  }
0x8f: {  	_ =	swait.ge [sflag:s17], $0x50  }
0x90: {  	[sflag:s17] =	ssyncset.done $0x0  }
0x91: {  	[sflag:s17] =	ssyncadd.s32 $0xFFFFFFB0  }
0x92: {  	[spmem:s3] =	stream.indirect.scatter.add.f32 [tilespmem:s15], [sflag:$0xA], $0x80, s30, s14, $0xb8;
	[tilespmem:$0x1E400] =	vst v63  }
0x93: {  	_ =	swait.ge [sflag:s16], $0x2800  }
0x94: {  	[sflag:s16] =	ssyncset.done $0x0  }
0x95: {  	[sflag:s16] =	ssyncadd.s32 $0xFFFFD800  }
0x96: {  	_ =	swait.ge [sflag:s18], $0x50  }
0x97: {  	[sflag:s18] =	ssyncset.done $0x0  }
0x98: {  	[sflag:s18] =	ssyncadd.s32 $0xFFFFFFB0  }
0x99: {  	[spmem:s3] =	stream.indirect.scatter.add.f32 [tilespmem:s15], [sflag:$0xA], $0x80, s31, s14, $0xb8;
	[tilespmem:$0x1E400] =	vst v63  }
0x9a: {  	_ =	swait.ge [sflag:s16], $0x2800  }
0x9b: {  	[sflag:s16] =	ssyncset.done $0x0  }
0x9c: {  	[sflag:s16] =	ssyncadd.s32 $0xFFFFD800  }
0x9d: {  	_ =	swait.ge [sflag:s19], $0x50  }
0x9e: {  	[sflag:s19] =	ssyncset.done $0x0  }
0x9f: {  	[sflag:s19] =	ssyncadd.s32 $0xFFFFFFB0  }
0xa0: {  	[spmem:s3] =	stream.indirect.scatter.add.f32 [tilespmem:s15], [sflag:$0xA], $0x80, s0, s14, $0xb8;
	[tilespmem:$0x1E400] =	vst v63  }
0xa1: {  	_ =	swait.ge [sflag:s16], $0x2800  }
0xa2: {  	[sflag:s16] =	ssyncset.done $0x0  }
0xa3: {  	[sflag:s16] =	ssyncadd.s32 $0xFFFFD800  }
0xa4: {  	_ =	swait.ge [sflag:s7], $0x50  }
0xa5: {  	[sflag:s7] =	ssyncset.done $0x0  }
0xa6: {  	[sflag:s7] =	ssyncadd.s32 $0xFFFFFFB0  }
0xa7: {  	[spmem:s3] =	stream.indirect.scatter.add.f32 [tilespmem:s15], [sflag:$0xA], $0x80, s29, s14, $0xb8;
	[tilespmem:$0x1E400] =	vst v63  }
0xa8: {  	_ =	swait.ge [sflag:s16], $0x2800  }
0xa9: {  	[sflag:s16] =	ssyncset.done $0x0  }
0xaa: {  	[sflag:s16] =	ssyncadd.s32 $0xFFFFD800  }
0xab: {  	[bflag:$0x0] =	sbarrier.arrive $0xFFFF  }
0xac: {  	s25 =	rddreg [dreg:$0x18]  }
0xad: {  	s2 =	rddreg [dreg:$0xf];
	s9 =	sor.u32 $0x1C0A, s25  }
0xae: {  	[dreg:$0x1c] =	wrdreg s9  }
0xaf: {  	[hbm:s2], [sflag:s9] =	dma.local [spmem:s8], $0x2800  }
0xb0: {  	_ =	swait.ge [sflag:s16], $0x2800  }
0xb1: {  	[dreg:$0x1b] =	wrdreg s8;
	[sflag:s16] =	ssyncset.done $0x0  }
0xb2: {  	s20 =	rddreg [dreg:$0x19];
	[sflag:s16] =	ssyncadd.s32 $0xFFFFD800  }
0xb3: {  	[spmem:s8], [sflag:s20] =	dma.local [hbm:s26], $0x2800  }
0xb4: {  	s5 =	rddreg [dreg:$0x10]  }
0xb5: {  	[tilespmem:s1], [sflag:$0x5] =	stream.linear.gather [hbm4b:s5+s1], $0x50, $0x38;
	[tilespmem:$0x1E400] =	vst v63  }
0xb6: {  	s25 =	rddreg [dreg:$0xa]  }
0xb7: {  	[tilespmem:s29], [sflag:$0x5] =	stream.linear.gather [hbm4b:s25+s1], $0x50, $0x38;
	[tilespmem:$0x1E400] =	vst v63  }
0xb8: {  	s8 =	simm.s32 $0x80;
	s26 =	rddreg [dreg:$0x11]  }
0xb9: {  	[tilespmem:s8], [sflag:$0x6] =	stream.linear.gather [hbm4b:s26+s1], $0x50, $0x38;
	[tilespmem:$0x1E400] =	vst v63  }
0xba: {  	s2 =	rddreg [dreg:$0xb]  }
0xbb: {  	[tilespmem:s30], [sflag:$0x6] =	stream.linear.gather [hbm4b:s2+s1], $0x50, $0x38;
	[tilespmem:$0x1E400] =	vst v63  }
0xbc: {  	s9 =	rddreg [dreg:$0x12];
	s26 =	simm.s32 $0x100  }
0xbd: {  	[tilespmem:s26], [sflag:$0x7] =	stream.linear.gather [hbm4b:s9+s1], $0x50, $0x38;
	[tilespmem:$0x1E400] =	vst v63  }
0xbe: {  	s20 =	rddreg [dreg:$0xc]  }
0xbf: {  	[tilespmem:s31], [sflag:$0x7] =	stream.linear.gather [hbm4b:s20+s1], $0x50, $0x38;
	[tilespmem:$0x1E400] =	vst v63  }
0xc0: {  	s25 =	rddreg [dreg:$0x13];
	s9 =	simm.s32 $0x180  }
0xc1: {  	[tilespmem:s9], [sflag:$0x8] =	stream.linear.gather [hbm4b:s25+s1], $0x50, $0x38;
	[tilespmem:$0x1E400] =	vst v63  }
0xc2: {  	s2 =	rddreg [dreg:$0xd]  }
0xc3: {  	[tilespmem:s0], [sflag:$0x8] =	stream.linear.gather [hbm4b:s2+s1], $0x50, $0x38;
	[tilespmem:$0x1E400] =	vst v63  }
0xc4: {  	_ =	swait.ge [sflag:s7], $0x50  }
0xc5: {  	[sflag:s7] =	ssyncset.done $0x0  }
0xc6: {  	[sflag:s7] =	ssyncadd.s32 $0xFFFFFFB0  }
0xc7: {  	_ =	swait.ge [sflag:s7], $0x50  }
0xc8: {  	[sflag:s7] =	ssyncset.done $0x0  }
0xc9: {  	s2 =	simm.s32 $0x400;
	[sflag:s7] =	ssyncadd.s32 $0xFFFFFFB0  }
0xca: {  	[tilespmem:s2], [sflag:$0x1] =	stream.indirect.gather [hbm4b:s6+s14], $0x80, s1, s14, $0xb8;
	[tilespmem:$0x1E400] =	vst v63  }
0xcb: {  	_ =	swait.ge [sflag:s17], $0x50  }
0xcc: {  	[sflag:s17] =	ssyncset.done $0x0  }
0xcd: {  	[sflag:s17] =	ssyncadd.s32 $0xFFFFFFB0  }
0xce: {  	_ =	swait.ge [sflag:s17], $0x50  }
0xcf: {  	[sflag:s17] =	ssyncset.done $0x0  }
0xd0: {  	[sflag:s17] =	ssyncadd.s32 $0xFFFFFFB0  }
0xd1: {  	[tilespmem:s11], [sflag:$0x2] =	stream.indirect.gather [hbm4b:s6+s14], $0x80, s8, s14, $0xb8;
	[tilespmem:$0x1E400] =	vst v63  }
0xd2: {  	_ =	swait.ge [sflag:s18], $0x50  }
0xd3: {  	[sflag:s18] =	ssyncset.done $0x0  }
0xd4: {  	[sflag:s18] =	ssyncadd.s32 $0xFFFFFFB0  }
0xd5: {  	_ =	swait.ge [sflag:s18], $0x50  }
0xd6: {  	[sflag:s18] =	ssyncset.done $0x0  }
0xd7: {  	s20 =	simm.s32 $0x9;
	[sflag:s18] =	ssyncadd.s32 $0xFFFFFFB0  }
0xd8: {  	[tilespmem:s12], [sflag:$0x3] =	stream.indirect.gather [hbm4b:s6+s14], $0x80, s26, s14, $0xb8;
	[tilespmem:$0x1E400] =	vst v63  }
0xd9: {  	_ =	swait.ge [sflag:s20], $0x2800  }
0xda: {  	[sflag:s20] =	ssyncset.done $0x0  }
0xdb: {  	[sflag:s20] =	ssyncadd.s32 $0xFFFFD800  }
0xdc: {  	s20 =	simm.s32 $0x1;
	[bflag:$0x0] =	sbarrier.arrive $0xFFFF  }
0xdd: {  	_ =	swait.ge [sflag:s20], $0x2800  }
0xde: {  	[sflag:s20] =	ssyncset.done $0x0  }
0xdf: {  	[sflag:s20] =	ssyncadd.s32 $0xFFFFD800  }
0xe0: {  	[spmem:s3] =	stream.indirect.scatter.add.f32 [tilespmem:s2], [sflag:$0xA], $0x80, s29, s14, $0xb8;
	[tilespmem:$0x1E400] =	vst v63  }
0xe1: {  	_ =	swait.ge [sflag:s16], $0x2800  }
0xe2: {  	[sflag:s16] =	ssyncset.done $0x0  }
0xe3: {  	s25 =	sadd.s32 s21, s10;
	[sflag:s16] =	ssyncadd.s32 $0xFFFFD800  }
0xe4: {  	[tilespmem:s4], [sflag:$0x5] =	stream.linear.gather [hbm4b:s25+s4], $0x50, $0x38;
	[tilespmem:$0x1E400] =	vst v63  }
0xe5: {  	_ = 	snop  }
0xe6: {  	[tilespmem:s29], [sflag:$0x5] =	stream.linear.gather [hbm4b:s13+s4], $0x50, $0x38;
	[tilespmem:$0x1E400] =	vst v63  }
0xe7: {  	_ =	swait.ge [sflag:s19], $0x50  }
0xe8: {  	[sflag:s19] =	ssyncset.done $0x0  }
0xe9: {  	[sflag:s19] =	ssyncadd.s32 $0xFFFFFFB0  }
0xea: {  	_ =	swait.ge [sflag:s19], $0x50  }
0xeb: {  	[sflag:s19] =	ssyncset.done $0x0  }
0xec: {  	s13 =	simm.s32 $0x2;
	[sflag:s19] =	ssyncadd.s32 $0xFFFFFFB0  }
0xed: {  	[tilespmem:s15], [sflag:$0x4] =	stream.indirect.gather [hbm4b:s6+s14], $0x80, s9, s14, $0xb8;
	[tilespmem:$0x1E400] =	vst v63  }
0xee: {  	_ =	swait.ge [sflag:s13], $0x2800  }
0xef: {  	[sflag:s13] =	ssyncset.done $0x0  }
0xf0: {  	[sflag:s13] =	ssyncadd.s32 $0xFFFFD800  }
0xf1: {  	[spmem:s3] =	stream.indirect.scatter.add.f32 [tilespmem:s11], [sflag:$0xA], $0x80, s30, s14, $0xb8;
	[tilespmem:$0x1E400] =	vst v63  }
0xf2: {  	_ =	swait.ge [sflag:s16], $0x2800  }
0xf3: {  	s5 =	rddreg [dreg:$0x6];
	[sflag:s16] =	ssyncset.done $0x0  }
0xf4: {  	[sflag:s16] =	ssyncadd.s32 $0xFFFFD800;
	s1 =	sadd.s32 $0x0, s5  }
0xf5: {  	[tilespmem:s8], [sflag:$0x6] =	stream.linear.gather [hbm4b:s1+s4], $0x50, $0x38;
	[tilespmem:$0x1E400] =	vst v63  }
0xf6: {  	s10 =	sadd.s32 $0x0, s24  }
0xf7: {  	[tilespmem:s30], [sflag:$0x6] =	stream.linear.gather [hbm4b:s10+s4], $0x50, $0x38;
	[tilespmem:$0x1E400] =	vst v63  }
0xf8: {  	_ =	swait.ge [sflag:s7], $0x50  }
0xf9: {  	[sflag:s7] =	ssyncset.done $0x0  }
0xfa: {  	[sflag:s7] =	ssyncadd.s32 $0xFFFFFFB0  }
0xfb: {  	_ =	swait.ge [sflag:s7], $0x50  }
0xfc: {  	[sflag:s7] =	ssyncset.done $0x0  }
0xfd: {  	[sflag:s7] =	ssyncadd.s32 $0xFFFFFFB0  }
0xfe: {  	[tilespmem:s2], [sflag:$0x1] =	stream.indirect.gather [hbm4b:s6+s14], $0x80, s4, s14, $0xb8;
	[tilespmem:$0x1E400] =	vst v63  }
0xff: {  	_ =	swait.ge [sflag:s28], $0x2800  }
0x100: {  	[sflag:s28] =	ssyncset.done $0x0  }
0x101: {  	[sflag:s28] =	ssyncadd.s32 $0xFFFFD800  }
0x102: {  	[spmem:s3] =	stream.indirect.scatter.add.f32 [tilespmem:s12], [sflag:$0xA], $0x80, s31, s14, $0xb8;
	[tilespmem:$0x1E400] =	vst v63  }
0x103: {  	_ =	swait.ge [sflag:s16], $0x2800  }
0x104: {  	s25 =	rddreg [dreg:$0x5];
	[sflag:s16] =	ssyncset.done $0x0  }
0x105: {  	[sflag:s16] =	ssyncadd.s32 $0xFFFFD800;
	s1 =	sadd.s32 $0x0, s25  }
0x106: {  	[tilespmem:s26], [sflag:$0x7] =	stream.linear.gather [hbm4b:s1+s4], $0x50, $0x38;
	[tilespmem:$0x1E400] =	vst v63  }
0x107: {  	s2 =	sadd.s32 $0x0, s23  }
0x108: {  	[tilespmem:s31], [sflag:$0x7] =	stream.linear.gather [hbm4b:s2+s4], $0x50, $0x38;
	[tilespmem:$0x1E400] =	vst v63  }
0x109: {  	_ =	swait.ge [sflag:s17], $0x50  }
0x10a: {  	[sflag:s17] =	ssyncset.done $0x0  }
0x10b: {  	[sflag:s17] =	ssyncadd.s32 $0xFFFFFFB0  }
0x10c: {  	_ =	swait.ge [sflag:s17], $0x50  }
0x10d: {  	[sflag:s17] =	ssyncset.done $0x0  }
0x10e: {  	s10 =	simm.s32 $0x4;
	[sflag:s17] =	ssyncadd.s32 $0xFFFFFFB0  }
0x10f: {  	[tilespmem:s11], [sflag:$0x2] =	stream.indirect.gather [hbm4b:s6+s14], $0x80, s8, s14, $0xb8;
	[tilespmem:$0x1E400] =	vst v63  }
0x110: {  	_ =	swait.ge [sflag:s10], $0x2800  }
0x111: {  	[sflag:s10] =	ssyncset.done $0x0  }
0x112: {  	[sflag:s10] =	ssyncadd.s32 $0xFFFFD800  }
0x113: {  	[spmem:s3] =	stream.indirect.scatter.add.f32 [tilespmem:s15], [sflag:$0xA], $0x80, s0, s14, $0xb8;
	[tilespmem:$0x1E400] =	vst v63  }
0x114: {  	_ =	swait.ge [sflag:s16], $0x2800  }
0x115: {  	s5 =	rddreg [dreg:$0x4];
	[sflag:s16] =	ssyncset.done $0x0  }
0x116: {  	[sflag:s16] =	ssyncadd.s32 $0xFFFFD800;
	s1 =	sadd.s32 $0x0, s5  }
0x117: {  	[tilespmem:s9], [sflag:$0x8] =	stream.linear.gather [hbm4b:s1+s4], $0x50, $0x38;
	[tilespmem:$0x1E400] =	vst v63  }
0x118: {  	s9 =	sadd.s32 $0x0, s22  }
0x119: {  	[tilespmem:s0], [sflag:$0x8] =	stream.linear.gather [hbm4b:s9+s4], $0x50, $0x38;
	[tilespmem:$0x1E400] =	vst v63  }
0x11a: {  	_ =	swait.ge [sflag:s18], $0x50  }
0x11b: {  	[sflag:s18] =	ssyncset.done $0x0  }
0x11c: {  	[sflag:s18] =	ssyncadd.s32 $0xFFFFFFB0  }
0x11d: {  	_ =	swait.ge [sflag:s18], $0x50  }
0x11e: {  	[sflag:s18] =	ssyncset.done $0x0;
	s25 =	rddreg [dreg:$0x17]  }
0x11f: {  	s1 =	simm.s32 $0x28;
	[sflag:s18] =	ssyncadd.s32 $0xFFFFFFB0;
	s25 =	sadd.s32 $0x140, s25  }
.LBB2_6:
0x120: {  	[tilespmem:s12], [sflag:$0x3] =	stream.indirect.gather [hbm4b:s6+s14], $0x80, s26, s14, $0xb8;
	[tilespmem:$0x1E400] =	vst v63  }
0x121: {  	_ =	swait.ge [sflag:s20], $0x2800  }
0x122: {  	[sflag:s20] =	ssyncset.done $0x0  }
0x123: {  	s2 =	simm.s32 $0x400;
	[sflag:s20] =	ssyncadd.s32 $0xFFFFD800  }
0x124: {  	[spmem:s3] =	stream.indirect.scatter.add.f32 [tilespmem:s2], [sflag:$0xA], $0x80, s29, s14, $0xb8;
	[tilespmem:$0x1E400] =	vst v63  }
0x125: {  	_ =	swait.ge [sflag:s16], $0x2800  }
0x126: {  	s20 =	sshrl.u32 s25, $0x3;
	[sflag:s16] =	ssyncset.done $0x0  }
0x127: {  	s9 =	sadd.s32 s21, s20;
	[sflag:s16] =	ssyncadd.s32 $0xFFFFD800  }
0x128: {  	[tilespmem:s4], [sflag:$0x5] =	stream.linear.gather [hbm4b:s9+s4], $0x50, $0x38;
	[tilespmem:$0x1E400] =	vst v63  }
0x129: {  	s9 =	rddreg [dreg:$0x7]  }
0x12a: {  	s20 =	sadd.s32 s9, s20  }
0x12b: {  	[tilespmem:s29], [sflag:$0x5] =	stream.linear.gather [hbm4b:s20+s4], $0x50, $0x38;
	[tilespmem:$0x1E400] =	vst v63  }
0x12c: {  	_ =	swait.ge [sflag:s19], $0x50  }
0x12d: {  	[sflag:s19] =	ssyncset.done $0x0  }
0x12e: {  	[sflag:s19] =	ssyncadd.s32 $0xFFFFFFB0  }
0x12f: {  	_ =	swait.ge [sflag:s19], $0x50  }
0x130: {  	[sflag:s19] =	ssyncset.done $0x0  }
0x131: {  	s9 =	simm.s32 $0x180;
	[sflag:s19] =	ssyncadd.s32 $0xFFFFFFB0  }
0x132: {  	[tilespmem:s15], [sflag:$0x4] =	stream.indirect.gather [hbm4b:s6+s14], $0x80, s9, s14, $0xb8;
	[tilespmem:$0x1E400] =	vst v63  }
0x133: {  	_ =	swait.ge [sflag:s13], $0x2800  }
0x134: {  	[sflag:s13] =	ssyncset.done $0x0  }
0x135: {  	[sflag:s13] =	ssyncadd.s32 $0xFFFFD800  }
0x136: {  	[spmem:s3] =	stream.indirect.scatter.add.f32 [tilespmem:s11], [sflag:$0xA], $0x80, s30, s14, $0xb8;
	[tilespmem:$0x1E400] =	vst v63  }
0x137: {  	_ =	swait.ge [sflag:s16], $0x2800  }
0x138: {  	s5 =	smov.u32 s1;
	s20 =	rddreg [dreg:$0x6];
	[sflag:s16] =	ssyncset.done $0x0  }
0x139: {  	[sflag:s16] =	ssyncadd.s32 $0xFFFFD800;
	s20 =	sadd.s32 s5, s20  }
0x13a: {  	[tilespmem:s8], [sflag:$0x6] =	stream.linear.gather [hbm4b:s20+s4], $0x50, $0x38;
	[tilespmem:$0x1E400] =	vst v63  }
0x13b: {  	s20 =	sadd.s32 s5, s24  }
0x13c: {  	[tilespmem:s30], [sflag:$0x6] =	stream.linear.gather [hbm4b:s20+s4], $0x50, $0x38;
	[tilespmem:$0x1E400] =	vst v63  }
0x13d: {  	_ =	swait.ge [sflag:s7], $0x50  }
0x13e: {  	[sflag:s7] =	ssyncset.done $0x0  }
0x13f: {  	[sflag:s7] =	ssyncadd.s32 $0xFFFFFFB0  }
0x140: {  	_ =	swait.ge [sflag:s7], $0x50  }
0x141: {  	[sflag:s7] =	ssyncset.done $0x0  }
0x142: {  	[sflag:s7] =	ssyncadd.s32 $0xFFFFFFB0  }
0x143: {  	[tilespmem:s2], [sflag:$0x1] =	stream.indirect.gather [hbm4b:s6+s14], $0x80, s4, s14, $0xb8;
	[tilespmem:$0x1E400] =	vst v63  }
0x144: {  	_ =	swait.ge [sflag:s28], $0x2800  }
0x145: {  	[sflag:s28] =	ssyncset.done $0x0  }
0x146: {  	[sflag:s28] =	ssyncadd.s32 $0xFFFFD800  }
0x147: {  	[spmem:s3] =	stream.indirect.scatter.add.f32 [tilespmem:s12], [sflag:$0xA], $0x80, s31, s14, $0xb8;
	[tilespmem:$0x1E400] =	vst v63  }
0x148: {  	_ =	swait.ge [sflag:s16], $0x2800  }
0x149: {  	s2 =	rddreg [dreg:$0x5];
	[sflag:s16] =	ssyncset.done $0x0  }
0x14a: {  	s26 =	simm.s32 $0x100;
	[sflag:s16] =	ssyncadd.s32 $0xFFFFD800;
	s20 =	sadd.s32 s5, s2  }
0x14b: {  	[tilespmem:s26], [sflag:$0x7] =	stream.linear.gather [hbm4b:s20+s4], $0x50, $0x38;
	[tilespmem:$0x1E400] =	vst v63  }
0x14c: {  	s2 =	sadd.s32 s5, s23  }
0x14d: {  	[tilespmem:s31], [sflag:$0x7] =	stream.linear.gather [hbm4b:s2+s4], $0x50, $0x38;
	[tilespmem:$0x1E400] =	vst v63  }
0x14e: {  	_ =	swait.ge [sflag:s17], $0x50  }
0x14f: {  	[sflag:s17] =	ssyncset.done $0x0  }
0x150: {  	[sflag:s17] =	ssyncadd.s32 $0xFFFFFFB0  }
0x151: {  	_ =	swait.ge [sflag:s17], $0x50  }
0x152: {  	[sflag:s17] =	ssyncset.done $0x0  }
0x153: {  	[sflag:s17] =	ssyncadd.s32 $0xFFFFFFB0  }
0x154: {  	[tilespmem:s11], [sflag:$0x2] =	stream.indirect.gather [hbm4b:s6+s14], $0x80, s8, s14, $0xb8;
	[tilespmem:$0x1E400] =	vst v63  }
0x155: {  	_ =	swait.ge [sflag:s10], $0x2800  }
0x156: {  	[sflag:s10] =	ssyncset.done $0x0  }
0x157: {  	[sflag:s10] =	ssyncadd.s32 $0xFFFFD800  }
0x158: {  	[spmem:s3] =	stream.indirect.scatter.add.f32 [tilespmem:s15], [sflag:$0xA], $0x80, s0, s14, $0xb8;
	[tilespmem:$0x1E400] =	vst v63  }
0x159: {  	_ =	swait.ge [sflag:s16], $0x2800  }
0x15a: {  	s2 =	rddreg [dreg:$0x4];
	[sflag:s16] =	ssyncset.done $0x0  }
0x15b: {  	[sflag:s16] =	ssyncadd.s32 $0xFFFFD800;
	s20 =	sadd.s32 s5, s2  }
0x15c: {  	[tilespmem:s9], [sflag:$0x8] =	stream.linear.gather [hbm4b:s20+s4], $0x50, $0x38;
	[tilespmem:$0x1E400] =	vst v63  }
0x15d: {  	s5 =	sadd.s32 s5, s22  }
0x15e: {  	[tilespmem:s0], [sflag:$0x8] =	stream.linear.gather [hbm4b:s5+s4], $0x50, $0x38;
	[tilespmem:$0x1E400] =	vst v63  }
0x15f: {  	p0 =	sne.s32 s1, $0x488;
	_ =	swait.ge [sflag:s18], $0x50  }
.Ltmp2:
0x160: {  	[sflag:s18] =	ssyncset.done $0x0;
	(pc) =	sbr.rel @p0 .LBB2_6-.Ltmp2, $4  }
0x161: {  	[sflag:s18] =	ssyncadd.s32 $0xFFFFFFB0  }
0x162: {  	_ =	swait.ge [sflag:s18], $0x50  }
0x163: {  	s1 =	sadd.s32 $0x28, s1;
	s25 =	sadd.s32 $0x140, s25;
	[sflag:s18] =	ssyncset.done $0x0  }
0x164: {  	s2 =	simm.s32 $0x180;
	s20 =	simm.s32 $0x1;
	[sflag:s18] =	ssyncadd.s32 $0xFFFFFFB0  }
0x165: {  	[tilespmem:s12], [sflag:$0x3] =	stream.indirect.gather [hbm4b:s6+s14], $0x80, s26, s14, $0xb8;
	[tilespmem:$0x1E400] =	vst v63  }
0x166: {  	_ =	swait.ge [sflag:s20], $0x2800  }
0x167: {  	[sflag:s20] =	ssyncset.done $0x0  }
0x168: {  	s5 =	simm.s32 $0x400;
	[sflag:s20] =	ssyncadd.s32 $0xFFFFD800  }
0x169: {  	[spmem:s3] =	stream.indirect.scatter.add.f32 [tilespmem:s5], [sflag:$0xA], $0x80, s29, s14, $0xb8;
	[tilespmem:$0x1E400] =	vst v63  }
0x16a: {  	_ =	swait.ge [sflag:s16], $0x2800  }
0x16b: {  	[sflag:s16] =	ssyncset.done $0x0  }
0x16c: {  	s1 =	rddreg [dreg:$0x14];
	[sflag:s16] =	ssyncadd.s32 $0xFFFFD800  }
0x16d: {  	[tilespmem:s4], [sflag:$0x5] =	stream.linear.gather [hbm4b:s1+s4], $0x50, $0x38;
	[tilespmem:$0x1E400] =	vst v63  }
0x16e: {  	s9 =	rddreg [dreg:$0xe]  }
0x16f: {  	[tilespmem:s29], [sflag:$0x5] =	stream.linear.gather [hbm4b:s9+s4], $0x50, $0x38;
	[tilespmem:$0x1E400] =	vst v63  }
0x170: {  	_ =	swait.ge [sflag:s19], $0x50  }
0x171: {  	[sflag:s19] =	ssyncset.done $0x0  }
0x172: {  	[sflag:s19] =	ssyncadd.s32 $0xFFFFFFB0  }
0x173: {  	_ =	swait.ge [sflag:s19], $0x50  }
0x174: {  	[sflag:s19] =	ssyncset.done $0x0  }
0x175: {  	[sflag:s19] =	ssyncadd.s32 $0xFFFFFFB0  }
0x176: {  	[tilespmem:s15], [sflag:$0x4] =	stream.indirect.gather [hbm4b:s6+s14], $0x80, s2, s14, $0xb8;
	[tilespmem:$0x1E400] =	vst v63  }
0x177: {  	_ =	swait.ge [sflag:s13], $0x2800  }
0x178: {  	[sflag:s13] =	ssyncset.done $0x0  }
0x179: {  	[sflag:s13] =	ssyncadd.s32 $0xFFFFD800  }
0x17a: {  	[spmem:s3] =	stream.indirect.scatter.add.f32 [tilespmem:s11], [sflag:$0xA], $0x80, s30, s14, $0xb8;
	[tilespmem:$0x1E400] =	vst v63  }
0x17b: {  	_ =	swait.ge [sflag:s16], $0x2800  }
0x17c: {  	[sflag:s16] =	ssyncset.done $0x0  }
0x17d: {  	[sflag:s16] =	ssyncadd.s32 $0xFFFFD800  }
0x17e: {  	_ =	swait.ge [sflag:s7], $0x50  }
0x17f: {  	[sflag:s7] =	ssyncset.done $0x0  }
0x180: {  	[sflag:s7] =	ssyncadd.s32 $0xFFFFFFB0  }
0x181: {  	_ =	swait.ge [sflag:s7], $0x50  }
0x182: {  	[sflag:s7] =	ssyncset.done $0x0  }
0x183: {  	[sflag:s7] =	ssyncadd.s32 $0xFFFFFFB0  }
0x184: {  	[tilespmem:s5], [sflag:$0x1] =	stream.indirect.gather [hbm4b:s6+s14], $0x80, s4, s14, $0xb8;
	[tilespmem:$0x1E400] =	vst v63  }
0x185: {  	_ =	swait.ge [sflag:s28], $0x2800  }
0x186: {  	[sflag:s28] =	ssyncset.done $0x0  }
0x187: {  	[sflag:s28] =	ssyncadd.s32 $0xFFFFD800  }
0x188: {  	[spmem:s3] =	stream.indirect.scatter.add.f32 [tilespmem:s12], [sflag:$0xA], $0x80, s31, s14, $0xb8;
	[tilespmem:$0x1E400] =	vst v63  }
0x189: {  	_ =	swait.ge [sflag:s16], $0x2800  }
0x18a: {  	[sflag:s16] =	ssyncset.done $0x0  }
0x18b: {  	[sflag:s16] =	ssyncadd.s32 $0xFFFFD800  }
0x18c: {  	_ =	swait.ge [sflag:s10], $0x2800  }
0x18d: {  	[sflag:s10] =	ssyncset.done $0x0  }
0x18e: {  	[sflag:s10] =	ssyncadd.s32 $0xFFFFD800  }
0x18f: {  	[spmem:s3] =	stream.indirect.scatter.add.f32 [tilespmem:s15], [sflag:$0xA], $0x80, s0, s14, $0xb8;
	[tilespmem:$0x1E400] =	vst v63  }
0x190: {  	_ =	swait.ge [sflag:s16], $0x2800  }
0x191: {  	[sflag:s16] =	ssyncset.done $0x0  }
0x192: {  	[sflag:s16] =	ssyncadd.s32 $0xFFFFD800  }
0x193: {  	_ =	swait.ge [sflag:s20], $0x2800  }
0x194: {  	[sflag:s20] =	ssyncset.done $0x0  }
0x195: {  	[sflag:s20] =	ssyncadd.s32 $0xFFFFD800  }
0x196: {  	[spmem:s3] =	stream.indirect.scatter.add.f32 [tilespmem:s5], [sflag:$0xA], $0x80, s29, s14, $0xb8;
	[tilespmem:$0x1E400] =	vst v63  }
0x197: {  	_ =	swait.ge [sflag:s16], $0x2800  }
0x198: {  	[sflag:s16] =	ssyncset.done $0x0  }
0x199: {  	[sflag:s16] =	ssyncadd.s32 $0xFFFFD800  }
0x19a: {  	[bflag:$0x0] =	sbarrier.arrive $0xFFFF  }
0x19b: {  	s13 =	rddreg [dreg:$0x15]  }
0x19c: {  	s20 =	rddreg [dreg:$0x1b]  }
0x19d: {  	s8 =	rddreg [dreg:$0x1c]  }
0x19e: {  	[hbm:s13], [sflag:s8] =	dma.local [spmem:s20], $0x2800  }
0x19f: {  	_ =	swait.ge [sflag:s16], $0x2800  }
0x1a0: {  	s25 =	rddreg [dreg:$0x1a]  }
0x1a1: {  	s26 =	rddreg [dreg:$0x16];
	s5 =	sadd.s32 $0x1, s25  }
0x1a2: {  	p0 =	sne.s32 s5, s26  }
.Ltmp3:
0x1a3: {  	_ = 	snop;
	(pc) =	sbr.rel @p0 .LBB2_1-.Ltmp3, $3  }
0x1a4: {  	_ =	sdelay $0x1  }
0x1a5: {  	[sflag:s16] =	ssyncset.done $0x0;
	s2 =	rddreg [dreg:$0x7]  }
0x1a6: {  	[sflag:s16] =	ssyncadd.s32 $0xFFFFD800;
	s26 =	rddreg [dreg:$0x9]  }
0x1a7: {  	_ =	sfence.sel $0x180000  }
0x1a8: {  	[bflag:$0x0] =	sbarrier.arrive $0xFFFF  }
0x1a9: {  	_ =	strace $0x90000047  }
0x1aa: {  	s0 =	stileid.u32;
	[bflag:$0x2] =	sbarrier.arrive $0xFFFF  }
0x1ab: {  	p0 =	sne.s32 s0, $0x0;
	s0 =	rddreg [dreg:$0x3]  }
0x1ac: {  	s0 =	sadd.s32 @!p0 $0x100000, s0  }
0x1ad: {  	[sflag:s0] =	ssyncadd.tile.s32 @!p0 $0x1;
	_ =	shalt  }
.Lfunc_end2:
_tile_overlayer_lowered:
.L_overlay_start_2:
0x1ae: {  	(tag) =	ssettag $0x2  }
0x1af: {  	s0 =	rddreg [dreg:$0x0];
	s2 =	stileid.u32  }
0x1b0: {  	s1 =	rddreg [dreg:$0x1];
	p0 =	sne.s32 s2, $0x0  }
0x1b1: {  	s3 =	rddreg [dreg:$0x2];
	[bflag:$0x3] =	sbarrier.arrive $0xFFFF;
	s2 =	simm.s32 @!p0 $0x1C0A  }
0x1b2: {  	[timem:s3], [sflag:s2] =	dma.local @!p0 [hbm:s0], s1  }
0x1b3: {  	s0 =	simm.s32 @!p0 $0xA  }
0x1b4: {  	_ =	swait.ge @!p0 [sflag:s0], s1  }
0x1b5: {  	s1 =	ssub.s32 @!p0 $0x0, s1;
	[sflag:s0] =	ssyncset.done @!p0 $0x0  }
0x1b6: {  	[sflag:s0] =	ssyncadd.s32 @!p0 s1  }
0x1b7: {  	[bflag:$0x3] =	sbarrier.arrive $0xFFFF  }
0x1b8: {  	_ =	shalt  }

</sc_bundles>
